<compile_context>
chip_gen: v7x
topology: tpu7x:2x2x1
jax: 0.10.2.dev20260603
libtpu: 0.0.44.dev20260713+nightly
codegen_flags: <defaults>
</compile_context>

<pallas_src>
import functools

import jax
import jax.numpy as jnp
from jax import lax
from jax.experimental import pallas as pl
from jax.experimental.pallas import tpu as pltpu
from jax.experimental.pallas import tpu_sc as plsc

VOCAB = 1000000
DIM = 32
BATCH = 16384
SEQ = 20
N_CTX = 16
OUT_SEQ = 1 + N_CTX + (SEQ - 1)

NC = 2
NS = 16
NW = NC * NS
LANES_W = BATCH // NW
CB = 256
NLC = LANES_W // CB
Q_ROWS = VOCAB // 4

QS = 253952
QB = 8192
NQB = QS // QB


def _pack_body(t0_ref, t1_ref, t2_ref, t3_ref, out_ref):
    out_ref[...] = jnp.concatenate(
        [jnp.swapaxes(r[...], 0, 1) for r in (t0_ref, t1_ref, t2_ref, t3_ref)],
        axis=1,
    )


_pack_table = pl.pallas_call(
    _pack_body,
    out_shape=jax.ShapeDtypeStruct((QS, 128), jnp.float32),
    grid=(NQB,),
    in_specs=[
        pl.BlockSpec(
            (DIM, QB),
            lambda j, a=a: (0, jnp.minimum(a * NQB + j, VOCAB // QB)),
        )
        for a in range(4)
    ],
    out_specs=pl.BlockSpec((QB, 128), lambda j: (j, 0)),
)


_mesh = plsc.VectorSubcoreMesh(
    core_axis_name="c", subcore_axis_name="s", num_cores=NC, num_subcores=NS
)


@functools.partial(
    pl.kernel,
    out_type=jax.ShapeDtypeStruct((OUT_SEQ, DIM, BATCH), jnp.float32),
    mesh=_mesh,
    compiler_params=pltpu.CompilerParams(needs_layout_passes=False),
    scratch_types=[
        pltpu.VMEM((SEQ, CB), jnp.int32),
        pltpu.VMEM((SEQ * CB,), jnp.int32),
        pltpu.VMEM((SEQ, CB), jnp.int32),
        pltpu.VMEM((CB, 128), jnp.float32),
        pltpu.VMEM((CB, 128), jnp.float32),
        pltpu.VMEM((DIM, CB), jnp.float32),
        pltpu.VMEM((DIM, CB), jnp.float32),
        pltpu.VMEM((DIM, CB), jnp.float32),
        pltpu.VMEM((N_CTX, DIM), jnp.float32),
        pltpu.SemaphoreType.DMA,
        pltpu.SemaphoreType.DMA,
        pltpu.SemaphoreType.DMA,
        pltpu.SemaphoreType.DMA,
    ],
)
def _sc_prompt_kernel(
    idx_hbm,
    t4_hbm,
    ctx_hbm,
    out_hbm,
    idx_v,
    q_v,
    subcol_v,
    gbuf_a,
    gbuf_b,
    pbuf_a,
    pbuf_b,
    cbuf,
    ctx_v,
    sem_g0,
    sem_g1,
    sem_w0,
    sem_w1,
):
    wid = lax.axis_index("s") * NC + lax.axis_index("c")
    b0w = wid * LANES_W
    iota16 = lax.iota(jnp.int32, 16)

    gbuf = (gbuf_a, gbuf_b)
    pbuf = (pbuf_a, pbuf_b)
    sem_g = (sem_g0, sem_g1)
    sem_w = (sem_w0, sem_w1)

    pltpu.sync_copy(ctx_hbm, ctx_v)

    def ctx_planes():
        def ctx_plane(j, carry):
            def fill(kb, carry2):
                k0 = kb * 16
                jvec = jnp.full((16,), 0, jnp.int32) + j
                for d in range(DIM):
                    v = plsc.load_gather(
                        ctx_v, [jvec, jnp.full((16,), d, jnp.int32)]
                    )
                    cbuf[d, pl.ds(k0, 16)] = v
                return carry2

            lax.fori_loop(0, CB // 16, fill, 0)
            cps = [
                pltpu.make_async_copy(
                    cbuf,
                    out_hbm.at[1 + j, :, pl.ds(b0w + mm * CB, CB)],
                    sem_w0,
                )
                for mm in range(NLC)
            ]
            for cp in cps:
                cp.start()
            for cp in cps:
                cp.wait()
            return carry

        lax.fori_loop(0, N_CTX, ctx_plane, 0)

    def gather_cp(s, slot):
        qoff = pl.multiple_of(s * CB, 128)
        return pltpu.make_async_copy(
            t4_hbm.at[q_v.at[pl.ds(qoff, CB)]], gbuf[slot], sem_g[slot]
        )

    def write_cp(s, slot, b0):
        pos = jnp.where(s == 0, 0, N_CTX + s)
        return pltpu.make_async_copy(
            pbuf[slot], out_hbm.at[pos, :, pl.ds(b0, CB)], sem_w[slot]
        )

    def extract_to(s, slot):
        def extract(kb, carry2):
            k0 = kb * 16
            rows = iota16 + k0
            subc = subcol_v[s, pl.ds(k0, 16)]
            for d in range(DIM):
                val = plsc.load_gather(gbuf[slot], [rows, subc + d])
                pbuf[slot][d, pl.ds(k0, 16)] = val
            return carry2

        lax.fori_loop(0, CB // 16, extract, 0)

    for m in range(NLC):
        b0 = b0w + m * CB
        pltpu.sync_copy(idx_hbm.at[:, pl.ds(b0, CB)], idx_v)

        def qcalc(t, carry):
            r = t // (CB // 16)
            c0 = (t % (CB // 16)) * 16
            v = idx_v[r, pl.ds(c0, 16)]
            a = v // QS
            q_v[pl.ds(t * 16, 16)] = v - a * QS
            subcol_v[r, pl.ds(c0, 16)] = jnp.left_shift(a, 5)
            return carry

        lax.fori_loop(0, SEQ * (CB // 16), qcalc, 0)

        gather_cp(0, 0).start()
        if m == 0:
            ctx_planes()

        def pair(s2, carry):
            s0 = 2 * s2
            s1 = s0 + 1
            gather_cp(s0, 0).wait()
            gather_cp(s1, 1).start()

            @pl.when(s2 > 0)
            def _():
                write_cp(s0 - 2, 0, b0).wait()

            extract_to(s0, 0)
            write_cp(s0, 0, b0).start()

            gather_cp(s1, 1).wait()

            @pl.when(s2 < SEQ // 2 - 1)
            def _():
                gather_cp(s0 + 2, 0).start()

            @pl.when(s2 > 0)
            def _():
                write_cp(s1 - 2, 1, b0).wait()

            extract_to(s1, 1)
            write_cp(s1, 1, b0).start()
            return carry

        lax.fori_loop(0, SEQ // 2, pair, 0)
        write_cp(SEQ - 2, 0, b0).wait()
        write_cp(SEQ - 1, 1, b0).wait()


def kernel(indices, table, ctx):
    idx_t = indices.T
    tt = table.T
    t4 = _pack_table(tt, tt, tt, tt)
    out_t = _sc_prompt_kernel(idx_t, t4, ctx)
    return out_t.transpose(2, 0, 1)

# --- scband reference (transcript-rebuilt; emitter-appended) ---
"""Pipeline reference for scband-vlprompt-learner-64647847739531 (READ-ONLY COPY).

The authoritative reference and input builder live on the scoring server;
editing this copy changes nothing except your own understanding.
"""

import jax, jax.numpy as jnp
import numpy as np

VOCAB = 1000000
DIM = 32
BATCH = 16384
SEQ = 20
N_CTX = 16


def setup_inputs(seed: int = 0) -> dict:
    key = jax.random.key(seed)
    k1, k2, k3 = jax.random.split(key, 3)
    indices = jax.random.randint(k1, (BATCH, SEQ), 0, VOCAB, dtype=jnp.int32)
    table = jax.random.normal(k2, (VOCAB, DIM), dtype=jnp.float32) * 0.02
    ctx = jax.random.normal(k3, (N_CTX, DIM), dtype=jnp.float32) * 0.02
    return {"indices": indices, "table": table, "ctx": ctx}


def reference(indices, table, ctx):
    # VLPromptLearner-style prompt construction:
    # 1) token embedding lookup (gather from large table) -- memory bound
    emb = jnp.take(table, indices, axis=0)  # [B, SEQ, DIM]
    # 2) split into SOS prefix and class-token suffix
    prefix = emb[:, :1, :]   # [B, 1, DIM]
    suffix = emb[:, 1:, :]   # [B, SEQ-1, DIM]
    # 3) broadcast shared learned context vectors across all prompts
    b = indices.shape[0]
    ctx_b = jnp.broadcast_to(ctx[None, :, :], (b, N_CTX, DIM))
    # 4) assemble prompts = [prefix, ctx, suffix]
    prompts = jnp.concatenate([prefix, ctx_b, suffix], axis=1)  # [B, 1+N_CTX+SEQ-1, DIM]
    return prompts

if __name__ == "__main__":
    import jax
    _d = setup_inputs()
    print(jax.jit(kernel)(*tuple(_d.values())))

</pallas_src>

<mosaic_0001>
#map = affine_map<(d0, d1) -> (0, 0)>
#map1 = affine_map<(d0, d1) -> (0, 0, 0)>
module attributes {stable_mosaic.version = 14 : i64} {
  func.func @_sc_prompt_kernel(%arg0: i32, %arg1: i32, %arg2: memref<20x16384xi32, #tpu.memory_space<hbm>>, %arg3: memref<253952x128xf32, #tpu.memory_space<hbm>>, %arg4: memref<16x32xf32, #tpu.memory_space<hbm>>, %arg5: memref<36x32x16384xf32, #tpu.memory_space<hbm>>, %arg6: memref<20x256xi32, #tpu.memory_space<vmem>>, %arg7: memref<5120xi32, #tpu.memory_space<vmem>>, %arg8: memref<20x256xi32, #tpu.memory_space<vmem>>, %arg9: memref<256x128xf32, #tpu.memory_space<vmem>>, %arg10: memref<256x128xf32, #tpu.memory_space<vmem>>, %arg11: memref<32x256xf32, #tpu.memory_space<vmem>>, %arg12: memref<32x256xf32, #tpu.memory_space<vmem>>, %arg13: memref<32x256xf32, #tpu.memory_space<vmem>>, %arg14: memref<16x32xf32, #tpu.memory_space<vmem>>, %arg15: memref<!tpu.dma_semaphore, #tpu.memory_space<semaphore_mem>>, %arg16: memref<!tpu.dma_semaphore, #tpu.memory_space<semaphore_mem>>, %arg17: memref<!tpu.dma_semaphore, #tpu.memory_space<semaphore_mem>>, %arg18: memref<!tpu.dma_semaphore, #tpu.memory_space<semaphore_mem>>) attributes {dimension_semantics = [#tpu.dimension_semantics<core_parallel>, #tpu.dimension_semantics<subcore_parallel>], iteration_bounds = array<i64: 2, 16>, scalar_prefetch = 0 : i64, scratch_operands = 13 : i64, tpu.core_type = #tpu.core_type<sc_vector_subcore>, window_params = [{transform_indices = #map}, {transform_indices = #map}, {transform_indices = #map}, {transform_indices = #map1}]} {
    %mul3A = arith.constant 2 : i32
    %mul3A_0 = arith.muli %arg1, %mul3A : i32
    %add3A = arith.addi %mul3A_0, %arg0 : i32
    %mul3A_1 = arith.constant 512 : i32
    %mul3A_2 = arith.muli %add3A, %mul3A_1 : i32
    %iota3A = tpu.iota {dimensions = array<i32: 0>} : vector<16xi32>
    "tpu.region"() ({
      %run_scoped3A = tpu.sem_alloc : memref<!tpu.dma_semaphore, #tpu.memory_space<semaphore_mem>>
      tpu.enqueue_dma source(%arg4 : memref<16x32xf32, #tpu.memory_space<hbm>>) target(%arg14 : memref<16x32xf32, #tpu.memory_space<vmem>>) target_semaphore(%run_scoped3A : memref<!tpu.dma_semaphore, #tpu.memory_space<semaphore_mem>>)
      tpu.wait_dma2 semaphore(%run_scoped3A : memref<!tpu.dma_semaphore, #tpu.memory_space<semaphore_mem>>) src(%arg4 : memref<16x32xf32, #tpu.memory_space<hbm>>) dst(%arg14 : memref<16x32xf32, #tpu.memory_space<vmem>>)
      tpu.yield
    }) : () -> ()
    %add3A_3 = arith.constant 0 : i32
    %add3A_4 = arith.addi %mul3A_2, %add3A_3 : i32
    "tpu.region"() ({
      %run_scoped3A = tpu.sem_alloc : memref<!tpu.dma_semaphore, #tpu.memory_space<semaphore_mem>>
      %dma_start3A_83 = arith.constant 0 : i32
      %dma_start3A_84 = tpu.memref_slice %arg2[%dma_start3A_83, %add3A_4] : memref<20x16384xi32, #tpu.memory_space<hbm>> -> memref<20x256xi32, #tpu.memory_space<hbm>>
      %dma_start3A_85 = arith.constant 0 : i32
      %dma_start3A_86 = tpu.memref_slice %arg2[%dma_start3A_85, %add3A_4] : memref<20x16384xi32, #tpu.memory_space<hbm>> -> memref<20x256xi32, #tpu.memory_space<hbm>>
      tpu.enqueue_dma source(%dma_start3A_86 : memref<20x256xi32, #tpu.memory_space<hbm>>) target(%arg6 : memref<20x256xi32, #tpu.memory_space<vmem>>) target_semaphore(%run_scoped3A : memref<!tpu.dma_semaphore, #tpu.memory_space<semaphore_mem>>)
      %dma_wait3A_87 = arith.constant 0 : i32
      %dma_wait3A_88 = tpu.memref_slice %arg2[%dma_wait3A_87, %add3A_4] : memref<20x16384xi32, #tpu.memory_space<hbm>> -> memref<20x256xi32, #tpu.memory_space<hbm>>
      %dma_wait3A_89 = arith.constant 0 : i32
      %dma_wait3A_90 = tpu.memref_slice %arg2[%dma_wait3A_89, %add3A_4] : memref<20x16384xi32, #tpu.memory_space<hbm>> -> memref<20x256xi32, #tpu.memory_space<hbm>>
      tpu.wait_dma2 semaphore(%run_scoped3A : memref<!tpu.dma_semaphore, #tpu.memory_space<semaphore_mem>>) src(%dma_wait3A_90 : memref<20x256xi32, #tpu.memory_space<hbm>>) dst(%arg6 : memref<20x256xi32, #tpu.memory_space<vmem>>)
      tpu.yield
    }) : () -> ()
    %scan3A = arith.constant 0 : i32
    %scan3A_5 = arith.constant 0 : i32
    %scan3A_6 = arith.constant 320 : i32
    %scan3A_7 = arith.addi %scan3A_5, %scan3A_6 : i32
    %scan3A_8 = arith.constant 1 : i32
    scf.for %scan3A_83 = %scan3A_5 to %scan3A_7 step %scan3A_8  : i32 {
      %jit3A_84 = arith.constant 16 : i32
      %div3A = arith.divsi %scan3A_83, %jit3A_84 : i32
      %sign3A = arith.constant 0 : i32
      %sign3A_85 = arith.cmpi sgt, %scan3A_83, %sign3A : i32
      %sign3A_86 = arith.extui %sign3A_85 : i1 to i32
      %sign3A_87 = arith.constant 0 : i32
      %sign3A_88 = arith.cmpi slt, %scan3A_83, %sign3A_87 : i32
      %sign3A_89 = arith.extui %sign3A_88 : i1 to i32
      %sign3A_90 = arith.subi %sign3A_86, %sign3A_89 : i32
      %sign3A_91 = arith.constant 0 : i32
      %sign3A_92 = arith.cmpi sgt, %jit3A_84, %sign3A_91 : i32
      %sign3A_93 = arith.extui %sign3A_92 : i1 to i32
      %sign3A_94 = arith.constant 0 : i32
      %sign3A_95 = arith.cmpi slt, %jit3A_84, %sign3A_94 : i32
      %sign3A_96 = arith.extui %sign3A_95 : i1 to i32
      %sign3A_97 = arith.subi %sign3A_93, %sign3A_96 : i32
      %ne3A = arith.cmpi ne, %sign3A_90, %sign3A_97 : i32
      %rem3A = arith.remsi %scan3A_83, %jit3A_84 : i32
      %ne3A_98 = arith.constant 0 : i32
      %ne3A_99 = arith.cmpi ne, %rem3A, %ne3A_98 : i32
      %and3A = arith.andi %ne3A, %ne3A_99 : i1
      %sub3A = arith.constant 1 : i32
      %sub3A_100 = arith.subi %div3A, %sub3A : i32
      %select_n3A_101 = arith.select %and3A, %sub3A_100, %div3A : i32
      %jit3A_102 = arith.constant 16 : i32
      %eq3A = arith.constant 0 : i32
      %eq3A_103 = arith.cmpi eq, %jit3A_102, %eq3A : i32
      %jit3A_104 = arith.constant 1 : i32
      %select_n3A_105 = arith.select %eq3A_103, %jit3A_104, %jit3A_102 : i32
      %rem3A_106 = arith.remsi %scan3A_83, %select_n3A_105 : i32
      %ne3A_107 = arith.constant 0 : i32
      %ne3A_108 = arith.cmpi ne, %rem3A_106, %ne3A_107 : i32
      %lt3A = arith.constant 0 : i32
      %lt3A_109 = arith.cmpi slt, %rem3A_106, %lt3A : i32
      %lt3A_110 = arith.constant 0 : i32
      %lt3A_111 = arith.cmpi slt, %select_n3A_105, %lt3A_110 : i32
      %ne3A_112 = arith.xori %lt3A_109, %lt3A_111 : i1
      %and3A_113 = arith.andi %ne3A_112, %ne3A_108 : i1
      %add3A_114 = arith.addi %rem3A_106, %select_n3A_105 : i32
      %select_n3A_115 = arith.select %and3A_113, %add3A_114, %rem3A_106 : i32
      %mul3A_116 = arith.constant 16 : i32
      %mul3A_117 = arith.muli %select_n3A_115, %mul3A_116 : i32
      %get3A = arith.index_cast %select_n3A_101 : i32 to index
      %get3A_118 = arith.index_cast %mul3A_117 : i32 to index
      %get3A_119 = tpu.vector_load %arg6[%get3A, %get3A_118] {strides = array<i32>} : memref<20x256xi32, #tpu.memory_space<vmem>>, vector<16xi32>,
      %jit3A_120 = arith.constant 253952 : i32
      %div3A_121 = vector.broadcast %jit3A_120 : i32 to vector<16xi32>
      %div3A_122 = arith.divsi %get3A_119, %div3A_121 : vector<16xi32>
      %sign3A_123 = arith.constant 0 : i32
      %sign3A_124 = vector.broadcast %sign3A_123 : i32 to vector<16xi32>
      %sign3A_125 = arith.cmpi sgt, %get3A_119, %sign3A_124 : vector<16xi32>
      %sign3A_126 = arith.extui %sign3A_125 : vector<16xi1> to vector<16xi32>
      %sign3A_127 = arith.constant 0 : i32
      %sign3A_128 = vector.broadcast %sign3A_127 : i32 to vector<16xi32>
      %sign3A_129 = arith.cmpi slt, %get3A_119, %sign3A_128 : vector<16xi32>
      %sign3A_130 = arith.extui %sign3A_129 : vector<16xi1> to vector<16xi32>
      %sign3A_131 = arith.subi %sign3A_126, %sign3A_130 : vector<16xi32>
      %sign3A_132 = arith.constant 0 : i32
      %sign3A_133 = arith.cmpi sgt, %jit3A_120, %sign3A_132 : i32
      %sign3A_134 = arith.extui %sign3A_133 : i1 to i32
      %sign3A_135 = arith.constant 0 : i32
      %sign3A_136 = arith.cmpi slt, %jit3A_120, %sign3A_135 : i32
      %sign3A_137 = arith.extui %sign3A_136 : i1 to i32
      %sign3A_138 = arith.subi %sign3A_134, %sign3A_137 : i32
      %ne3A_139 = vector.broadcast %sign3A_138 : i32 to vector<16xi32>
      %ne3A_140 = arith.cmpi ne, %sign3A_131, %ne3A_139 : vector<16xi32>
      %rem3A_141 = vector.broadcast %jit3A_120 : i32 to vector<16xi32>
      %rem3A_142 = arith.remsi %get3A_119, %rem3A_141 : vector<16xi32>
      %ne3A_143 = arith.constant 0 : i32
      %ne3A_144 = vector.broadcast %ne3A_143 : i32 to vector<16xi32>
      %ne3A_145 = arith.cmpi ne, %rem3A_142, %ne3A_144 : vector<16xi32>
      %and3A_146 = arith.andi %ne3A_140, %ne3A_145 : vector<16xi1>
      %sub3A_147 = arith.constant 1 : i32
      %sub3A_148 = vector.broadcast %sub3A_147 : i32 to vector<16xi32>
      %sub3A_149 = arith.subi %div3A_122, %sub3A_148 : vector<16xi32>
      %select_n3A_150 = arith.select %and3A_146, %sub3A_149, %div3A_122 : vector<16xi1>, vector<16xi32>
      %mul3A_151 = arith.constant 253952 : i32
      %mul3A_152 = vector.broadcast %mul3A_151 : i32 to vector<16xi32>
      %mul3A_153 = arith.muli %select_n3A_150, %mul3A_152 : vector<16xi32>
      %sub3A_154 = arith.subi %get3A_119, %mul3A_153 : vector<16xi32>
      %mul3A_155 = arith.constant 16 : i32
      %mul3A_156 = arith.muli %scan3A_83, %mul3A_155 : i32
      %swap3A = arith.index_cast %mul3A_156 : i32 to index
      %swap3A_157 = tpu.vector_load %arg7[%swap3A] {strides = array<i32>} : memref<5120xi32, #tpu.memory_space<vmem>>, vector<16xi32>,
      tpu.vector_store %arg7[%swap3A], %sub3A_154 {strides = array<i32>} : memref<5120xi32, #tpu.memory_space<vmem>>, vector<16xi32>,
      %shift_left3A = arith.constant 5 : i32
      %shift_left3A_158 = vector.broadcast %shift_left3A : i32 to vector<16xi32>
      %shift_left3A_159 = arith.shli %select_n3A_150, %shift_left3A_158 : vector<16xi32>
      %swap3A_160 = arith.index_cast %select_n3A_101 : i32 to index
      %swap3A_161 = arith.index_cast %mul3A_117 : i32 to index
      %swap3A_162 = tpu.vector_load %arg8[%swap3A_160, %swap3A_161] {strides = array<i32>} : memref<20x256xi32, #tpu.memory_space<vmem>>, vector<16xi32>,
      tpu.vector_store %arg8[%swap3A_160, %swap3A_161], %shift_left3A_159 {strides = array<i32>} : memref<20x256xi32, #tpu.memory_space<vmem>>, vector<16xi32>,
    }
    %scan3A_9 = arith.constant 320 : i32
    %multiple_of3A = arith.constant 0 : i32
    %multiple_of3A_10 = tpu.assume_multiple %multiple_of3A, 128 : i32
    %dma_start3A = tpu.memref_slice %arg7[%multiple_of3A_10] : memref<5120xi32, #tpu.memory_space<vmem>> -> memref<256xi32, #tpu.memory_space<vmem>>
    %dma_start3A_11 = arith.constant 0 : i32
    %dma_start3A_12 = arith.constant 0 : i32
    %dma_start3A_13 = tpu.memref_slice %arg3[%dma_start3A_11, %dma_start3A_12] : memref<253952x128xf32, #tpu.memory_space<hbm>> -> memref<253952x128xf32, #tpu.memory_space<hbm>>
    tpu.enqueue_indirect_dma source(%dma_start3A_13 : memref<253952x128xf32, #tpu.memory_space<hbm>>) target(%arg9 : memref<256x128xf32, #tpu.memory_space<vmem>>) offsets(%dma_start3A : memref<256xi32, #tpu.memory_space<vmem>>) semaphore(%arg15 : memref<!tpu.dma_semaphore, #tpu.memory_space<semaphore_mem>>)
    %scan3A_14 = arith.constant 0 : i32
    %scan3A_15 = arith.constant 0 : i32
    %scan3A_16 = arith.constant 16 : i32
    %scan3A_17 = arith.addi %scan3A_15, %scan3A_16 : i32
    %scan3A_18 = arith.constant 1 : i32
    scf.for %scan3A_83 = %scan3A_15 to %scan3A_17 step %scan3A_18  : i32 {
      %scan3A_84 = arith.constant 0 : i32
      %scan3A_85 = arith.constant 0 : i32
      %scan3A_86 = arith.constant 16 : i32
      %scan3A_87 = arith.addi %scan3A_85, %scan3A_86 : i32
      %scan3A_88 = arith.constant 1 : i32
      scf.for %scan3A_122 = %scan3A_85 to %scan3A_87 step %scan3A_88  : i32 {
        %mul3A_123 = arith.constant 16 : i32
        %mul3A_124 = arith.muli %scan3A_122, %mul3A_123 : i32
        %broadcast_in_dim3A = arith.constant 0 : i32
        %broadcast_in_dim3A_125 = vector.broadcast %broadcast_in_dim3A : i32 to vector<16xi32>
        %add3A_126 = vector.broadcast %scan3A_83 : i32 to vector<16xi32>
        %add3A_127 = arith.addi %broadcast_in_dim3A_125, %add3A_126 : vector<16xi32>
        %broadcast_in_dim3A_128 = arith.constant 0 : i32
        %broadcast_in_dim3A_129 = vector.broadcast %broadcast_in_dim3A_128 : i32 to vector<16xi32>
        %gather3A = tpu.vector_load_idx %arg14[%add3A_127, %broadcast_in_dim3A_129] : memref<16x32xf32, #tpu.memory_space<vmem>>[vector<16xi32>, vector<16xi32>], vector<16xf32>,
        %swap3A = arith.constant 0 : i32
        %swap3A_130 = arith.index_cast %swap3A : i32 to index
        %swap3A_131 = arith.index_cast %mul3A_124 : i32 to index
        %swap3A_132 = tpu.vector_load %arg13[%swap3A_130, %swap3A_131] {strides = array<i32>} : memref<32x256xf32, #tpu.memory_space<vmem>>, vector<16xf32>,
        tpu.vector_store %arg13[%swap3A_130, %swap3A_131], %gather3A {strides = array<i32>} : memref<32x256xf32, #tpu.memory_space<vmem>>, vector<16xf32>,
        %broadcast_in_dim3A_133 = arith.constant 1 : i32
        %broadcast_in_dim3A_134 = vector.broadcast %broadcast_in_dim3A_133 : i32 to vector<16xi32>
        %gather3A_135 = tpu.vector_load_idx %arg14[%add3A_127, %broadcast_in_dim3A_134] : memref<16x32xf32, #tpu.memory_space<vmem>>[vector<16xi32>, vector<16xi32>], vector<16xf32>,
        %swap3A_136 = arith.constant 1 : i32
        %swap3A_137 = arith.index_cast %swap3A_136 : i32 to index
        %swap3A_138 = arith.index_cast %mul3A_124 : i32 to index
        %swap3A_139 = tpu.vector_load %arg13[%swap3A_137, %swap3A_138] {strides = array<i32>} : memref<32x256xf32, #tpu.memory_space<vmem>>, vector<16xf32>,
        tpu.vector_store %arg13[%swap3A_137, %swap3A_138], %gather3A_135 {strides = array<i32>} : memref<32x256xf32, #tpu.memory_space<vmem>>, vector<16xf32>,
        %broadcast_in_dim3A_140 = arith.constant 2 : i32
        %broadcast_in_dim3A_141 = vector.broadcast %broadcast_in_dim3A_140 : i32 to vector<16xi32>
        %gather3A_142 = tpu.vector_load_idx %arg14[%add3A_127, %broadcast_in_dim3A_141] : memref<16x32xf32, #tpu.memory_space<vmem>>[vector<16xi32>, vector<16xi32>], vector<16xf32>,
        %swap3A_143 = arith.constant 2 : i32
        %swap3A_144 = arith.index_cast %swap3A_143 : i32 to index
        %swap3A_145 = arith.index_cast %mul3A_124 : i32 to index
        %swap3A_146 = tpu.vector_load %arg13[%swap3A_144, %swap3A_145] {strides = array<i32>} : memref<32x256xf32, #tpu.memory_space<vmem>>, vector<16xf32>,
        tpu.vector_store %arg13[%swap3A_144, %swap3A_145], %gather3A_142 {strides = array<i32>} : memref<32x256xf32, #tpu.memory_space<vmem>>, vector<16xf32>,
        %broadcast_in_dim3A_147 = arith.constant 3 : i32
        %broadcast_in_dim3A_148 = vector.broadcast %broadcast_in_dim3A_147 : i32 to vector<16xi32>
        %gather3A_149 = tpu.vector_load_idx %arg14[%add3A_127, %broadcast_in_dim3A_148] : memref<16x32xf32, #tpu.memory_space<vmem>>[vector<16xi32>, vector<16xi32>], vector<16xf32>,
        %swap3A_150 = arith.constant 3 : i32
        %swap3A_151 = arith.index_cast %swap3A_150 : i32 to index
        %swap3A_152 = arith.index_cast %mul3A_124 : i32 to index
        %swap3A_153 = tpu.vector_load %arg13[%swap3A_151, %swap3A_152] {strides = array<i32>} : memref<32x256xf32, #tpu.memory_space<vmem>>, vector<16xf32>,
        tpu.vector_store %arg13[%swap3A_151, %swap3A_152], %gather3A_149 {strides = array<i32>} : memref<32x256xf32, #tpu.memory_space<vmem>>, vector<16xf32>,
        %broadcast_in_dim3A_154 = arith.constant 4 : i32
        %broadcast_in_dim3A_155 = vector.broadcast %broadcast_in_dim3A_154 : i32 to vector<16xi32>
        %gather3A_156 = tpu.vector_load_idx %arg14[%add3A_127, %broadcast_in_dim3A_155] : memref<16x32xf32, #tpu.memory_space<vmem>>[vector<16xi32>, vector<16xi32>], vector<16xf32>,
        %swap3A_157 = arith.constant 4 : i32
        %swap3A_158 = arith.index_cast %swap3A_157 : i32 to index
        %swap3A_159 = arith.index_cast %mul3A_124 : i32 to index
        %swap3A_160 = tpu.vector_load %arg13[%swap3A_158, %swap3A_159] {strides = array<i32>} : memref<32x256xf32, #tpu.memory_space<vmem>>, vector<16xf32>,
        tpu.vector_store %arg13[%swap3A_158, %swap3A_159], %gather3A_156 {strides = array<i32>} : memref<32x256xf32, #tpu.memory_space<vmem>>, vector<16xf32>,
        %broadcast_in_dim3A_161 = arith.constant 5 : i32
        %broadcast_in_dim3A_162 = vector.broadcast %broadcast_in_dim3A_161 : i32 to vector<16xi32>
        %gather3A_163 = tpu.vector_load_idx %arg14[%add3A_127, %broadcast_in_dim3A_162] : memref<16x32xf32, #tpu.memory_space<vmem>>[vector<16xi32>, vector<16xi32>], vector<16xf32>,
        %swap3A_164 = arith.constant 5 : i32
        %swap3A_165 = arith.index_cast %swap3A_164 : i32 to index
        %swap3A_166 = arith.index_cast %mul3A_124 : i32 to index
        %swap3A_167 = tpu.vector_load %arg13[%swap3A_165, %swap3A_166] {strides = array<i32>} : memref<32x256xf32, #tpu.memory_space<vmem>>, vector<16xf32>,
        tpu.vector_store %arg13[%swap3A_165, %swap3A_166], %gather3A_163 {strides = array<i32>} : memref<32x256xf32, #tpu.memory_space<vmem>>, vector<16xf32>,
        %broadcast_in_dim3A_168 = arith.constant 6 : i32
        %broadcast_in_dim3A_169 = vector.broadcast %broadcast_in_dim3A_168 : i32 to vector<16xi32>
        %gather3A_170 = tpu.vector_load_idx %arg14[%add3A_127, %broadcast_in_dim3A_169] : memref<16x32xf32, #tpu.memory_space<vmem>>[vector<16xi32>, vector<16xi32>], vector<16xf32>,
        %swap3A_171 = arith.constant 6 : i32
        %swap3A_172 = arith.index_cast %swap3A_171 : i32 to index
        %swap3A_173 = arith.index_cast %mul3A_124 : i32 to index
        %swap3A_174 = tpu.vector_load %arg13[%swap3A_172, %swap3A_173] {strides = array<i32>} : memref<32x256xf32, #tpu.memory_space<vmem>>, vector<16xf32>,
        tpu.vector_store %arg13[%swap3A_172, %swap3A_173], %gather3A_170 {strides = array<i32>} : memref<32x256xf32, #tpu.memory_space<vmem>>, vector<16xf32>,
        %broadcast_in_dim3A_175 = arith.constant 7 : i32
        %broadcast_in_dim3A_176 = vector.broadcast %broadcast_in_dim3A_175 : i32 to vector<16xi32>
        %gather3A_177 = tpu.vector_load_idx %arg14[%add3A_127, %broadcast_in_dim3A_176] : memref<16x32xf32, #tpu.memory_space<vmem>>[vector<16xi32>, vector<16xi32>], vector<16xf32>,
        %swap3A_178 = arith.constant 7 : i32
        %swap3A_179 = arith.index_cast %swap3A_178 : i32 to index
        %swap3A_180 = arith.index_cast %mul3A_124 : i32 to index
        %swap3A_181 = tpu.vector_load %arg13[%swap3A_179, %swap3A_180] {strides = array<i32>} : memref<32x256xf32, #tpu.memory_space<vmem>>, vector<16xf32>,
        tpu.vector_store %arg13[%swap3A_179, %swap3A_180], %gather3A_177 {strides = array<i32>} : memref<32x256xf32, #tpu.memory_space<vmem>>, vector<16xf32>,
        %broadcast_in_dim3A_182 = arith.constant 8 : i32
        %broadcast_in_dim3A_183 = vector.broadcast %broadcast_in_dim3A_182 : i32 to vector<16xi32>
        %gather3A_184 = tpu.vector_load_idx %arg14[%add3A_127, %broadcast_in_dim3A_183] : memref<16x32xf32, #tpu.memory_space<vmem>>[vector<16xi32>, vector<16xi32>], vector<16xf32>,
        %swap3A_185 = arith.constant 8 : i32
        %swap3A_186 = arith.index_cast %swap3A_185 : i32 to index
        %swap3A_187 = arith.index_cast %mul3A_124 : i32 to index
        %swap3A_188 = tpu.vector_load %arg13[%swap3A_186, %swap3A_187] {strides = array<i32>} : memref<32x256xf32, #tpu.memory_space<vmem>>, vector<16xf32>,
        tpu.vector_store %arg13[%swap3A_186, %swap3A_187], %gather3A_184 {strides = array<i32>} : memref<32x256xf32, #tpu.memory_space<vmem>>, vector<16xf32>,
        %broadcast_in_dim3A_189 = arith.constant 9 : i32
        %broadcast_in_dim3A_190 = vector.broadcast %broadcast_in_dim3A_189 : i32 to vector<16xi32>
        %gather3A_191 = tpu.vector_load_idx %arg14[%add3A_127, %broadcast_in_dim3A_190] : memref<16x32xf32, #tpu.memory_space<vmem>>[vector<16xi32>, vector<16xi32>], vector<16xf32>,
        %swap3A_192 = arith.constant 9 : i32
        %swap3A_193 = arith.index_cast %swap3A_192 : i32 to index
        %swap3A_194 = arith.index_cast %mul3A_124 : i32 to index
        %swap3A_195 = tpu.vector_load %arg13[%swap3A_193, %swap3A_194] {strides = array<i32>} : memref<32x256xf32, #tpu.memory_space<vmem>>, vector<16xf32>,
        tpu.vector_store %arg13[%swap3A_193, %swap3A_194], %gather3A_191 {strides = array<i32>} : memref<32x256xf32, #tpu.memory_space<vmem>>, vector<16xf32>,
        %broadcast_in_dim3A_196 = arith.constant 10 : i32
        %broadcast_in_dim3A_197 = vector.broadcast %broadcast_in_dim3A_196 : i32 to vector<16xi32>
        %gather3A_198 = tpu.vector_load_idx %arg14[%add3A_127, %broadcast_in_dim3A_197] : memref<16x32xf32, #tpu.memory_space<vmem>>[vector<16xi32>, vector<16xi32>], vector<16xf32>,
        %swap3A_199 = arith.constant 10 : i32
        %swap3A_200 = arith.index_cast %swap3A_199 : i32 to index
        %swap3A_201 = arith.index_cast %mul3A_124 : i32 to index
        %swap3A_202 = tpu.vector_load %arg13[%swap3A_200, %swap3A_201] {strides = array<i32>} : memref<32x256xf32, #tpu.memory_space<vmem>>, vector<16xf32>,
        tpu.vector_store %arg13[%swap3A_200, %swap3A_201], %gather3A_198 {strides = array<i32>} : memref<32x256xf32, #tpu.memory_space<vmem>>, vector<16xf32>,
        %broadcast_in_dim3A_203 = arith.constant 11 : i32
        %broadcast_in_dim3A_204 = vector.broadcast %broadcast_in_dim3A_203 : i32 to vector<16xi32>
        %gather3A_205 = tpu.vector_load_idx %arg14[%add3A_127, %broadcast_in_dim3A_204] : memref<16x32xf32, #tpu.memory_space<vmem>>[vector<16xi32>, vector<16xi32>], vector<16xf32>,
        %swap3A_206 = arith.constant 11 : i32
        %swap3A_207 = arith.index_cast %swap3A_206 : i32 to index
        %swap3A_208 = arith.index_cast %mul3A_124 : i32 to index
        %swap3A_209 = tpu.vector_load %arg13[%swap3A_207, %swap3A_208] {strides = array<i32>} : memref<32x256xf32, #tpu.memory_space<vmem>>, vector<16xf32>,
        tpu.vector_store %arg13[%swap3A_207, %swap3A_208], %gather3A_205 {strides = array<i32>} : memref<32x256xf32, #tpu.memory_space<vmem>>, vector<16xf32>,
        %broadcast_in_dim3A_210 = arith.constant 12 : i32
        %broadcast_in_dim3A_211 = vector.broadcast %broadcast_in_dim3A_210 : i32 to vector<16xi32>
        %gather3A_212 = tpu.vector_load_idx %arg14[%add3A_127, %broadcast_in_dim3A_211] : memref<16x32xf32, #tpu.memory_space<vmem>>[vector<16xi32>, vector<16xi32>], vector<16xf32>,
        %swap3A_213 = arith.constant 12 : i32
        %swap3A_214 = arith.index_cast %swap3A_213 : i32 to index
        %swap3A_215 = arith.index_cast %mul3A_124 : i32 to index
        %swap3A_216 = tpu.vector_load %arg13[%swap3A_214, %swap3A_215] {strides = array<i32>} : memref<32x256xf32, #tpu.memory_space<vmem>>, vector<16xf32>,
        tpu.vector_store %arg13[%swap3A_214, %swap3A_215], %gather3A_212 {strides = array<i32>} : memref<32x256xf32, #tpu.memory_space<vmem>>, vector<16xf32>,
        %broadcast_in_dim3A_217 = arith.constant 13 : i32
        %broadcast_in_dim3A_218 = vector.broadcast %broadcast_in_dim3A_217 : i32 to vector<16xi32>
        %gather3A_219 = tpu.vector_load_idx %arg14[%add3A_127, %broadcast_in_dim3A_218] : memref<16x32xf32, #tpu.memory_space<vmem>>[vector<16xi32>, vector<16xi32>], vector<16xf32>,
        %swap3A_220 = arith.constant 13 : i32
        %swap3A_221 = arith.index_cast %swap3A_220 : i32 to index
        %swap3A_222 = arith.index_cast %mul3A_124 : i32 to index
        %swap3A_223 = tpu.vector_load %arg13[%swap3A_221, %swap3A_222] {strides = array<i32>} : memref<32x256xf32, #tpu.memory_space<vmem>>, vector<16xf32>,
        tpu.vector_store %arg13[%swap3A_221, %swap3A_222], %gather3A_219 {strides = array<i32>} : memref<32x256xf32, #tpu.memory_space<vmem>>, vector<16xf32>,
        %broadcast_in_dim3A_224 = arith.constant 14 : i32
        %broadcast_in_dim3A_225 = vector.broadcast %broadcast_in_dim3A_224 : i32 to vector<16xi32>
        %gather3A_226 = tpu.vector_load_idx %arg14[%add3A_127, %broadcast_in_dim3A_225] : memref<16x32xf32, #tpu.memory_space<vmem>>[vector<16xi32>, vector<16xi32>], vector<16xf32>,
        %swap3A_227 = arith.constant 14 : i32
        %swap3A_228 = arith.index_cast %swap3A_227 : i32 to index
        %swap3A_229 = arith.index_cast %mul3A_124 : i32 to index
        %swap3A_230 = tpu.vector_load %arg13[%swap3A_228, %swap3A_229] {strides = array<i32>} : memref<32x256xf32, #tpu.memory_space<vmem>>, vector<16xf32>,
        tpu.vector_store %arg13[%swap3A_228, %swap3A_229], %gather3A_226 {strides = array<i32>} : memref<32x256xf32, #tpu.memory_space<vmem>>, vector<16xf32>,
        %broadcast_in_dim3A_231 = arith.constant 15 : i32
        %broadcast_in_dim3A_232 = vector.broadcast %broadcast_in_dim3A_231 : i32 to vector<16xi32>
        %gather3A_233 = tpu.vector_load_idx %arg14[%add3A_127, %broadcast_in_dim3A_232] : memref<16x32xf32, #tpu.memory_space<vmem>>[vector<16xi32>, vector<16xi32>], vector<16xf32>,
        %swap3A_234 = arith.constant 15 : i32
        %swap3A_235 = arith.index_cast %swap3A_234 : i32 to index
        %swap3A_236 = arith.index_cast %mul3A_124 : i32 to index
        %swap3A_237 = tpu.vector_load %arg13[%swap3A_235, %swap3A_236] {strides = array<i32>} : memref<32x256xf32, #tpu.memory_space<vmem>>, vector<16xf32>,
        tpu.vector_store %arg13[%swap3A_235, %swap3A_236], %gather3A_233 {strides = array<i32>} : memref<32x256xf32, #tpu.memory_space<vmem>>, vector<16xf32>,
        %broadcast_in_dim3A_238 = arith.constant 16 : i32
        %broadcast_in_dim3A_239 = vector.broadcast %broadcast_in_dim3A_238 : i32 to vector<16xi32>
        %gather3A_240 = tpu.vector_load_idx %arg14[%add3A_127, %broadcast_in_dim3A_239] : memref<16x32xf32, #tpu.memory_space<vmem>>[vector<16xi32>, vector<16xi32>], vector<16xf32>,
        %swap3A_241 = arith.constant 16 : i32
        %swap3A_242 = arith.index_cast %swap3A_241 : i32 to index
        %swap3A_243 = arith.index_cast %mul3A_124 : i32 to index
        %swap3A_244 = tpu.vector_load %arg13[%swap3A_242, %swap3A_243] {strides = array<i32>} : memref<32x256xf32, #tpu.memory_space<vmem>>, vector<16xf32>,
        tpu.vector_store %arg13[%swap3A_242, %swap3A_243], %gather3A_240 {strides = array<i32>} : memref<32x256xf32, #tpu.memory_space<vmem>>, vector<16xf32>,
        %broadcast_in_dim3A_245 = arith.constant 17 : i32
        %broadcast_in_dim3A_246 = vector.broadcast %broadcast_in_dim3A_245 : i32 to vector<16xi32>
        %gather3A_247 = tpu.vector_load_idx %arg14[%add3A_127, %broadcast_in_dim3A_246] : memref<16x32xf32, #tpu.memory_space<vmem>>[vector<16xi32>, vector<16xi32>], vector<16xf32>,
        %swap3A_248 = arith.constant 17 : i32
        %swap3A_249 = arith.index_cast %swap3A_248 : i32 to index
        %swap3A_250 = arith.index_cast %mul3A_124 : i32 to index
        %swap3A_251 = tpu.vector_load %arg13[%swap3A_249, %swap3A_250] {strides = array<i32>} : memref<32x256xf32, #tpu.memory_space<vmem>>, vector<16xf32>,
        tpu.vector_store %arg13[%swap3A_249, %swap3A_250], %gather3A_247 {strides = array<i32>} : memref<32x256xf32, #tpu.memory_space<vmem>>, vector<16xf32>,
        %broadcast_in_dim3A_252 = arith.constant 18 : i32
        %broadcast_in_dim3A_253 = vector.broadcast %broadcast_in_dim3A_252 : i32 to vector<16xi32>
        %gather3A_254 = tpu.vector_load_idx %arg14[%add3A_127, %broadcast_in_dim3A_253] : memref<16x32xf32, #tpu.memory_space<vmem>>[vector<16xi32>, vector<16xi32>], vector<16xf32>,
        %swap3A_255 = arith.constant 18 : i32
        %swap3A_256 = arith.index_cast %swap3A_255 : i32 to index
        %swap3A_257 = arith.index_cast %mul3A_124 : i32 to index
        %swap3A_258 = tpu.vector_load %arg13[%swap3A_256, %swap3A_257] {strides = array<i32>} : memref<32x256xf32, #tpu.memory_space<vmem>>, vector<16xf32>,
        tpu.vector_store %arg13[%swap3A_256, %swap3A_257], %gather3A_254 {strides = array<i32>} : memref<32x256xf32, #tpu.memory_space<vmem>>, vector<16xf32>,
        %broadcast_in_dim3A_259 = arith.constant 19 : i32
        %broadcast_in_dim3A_260 = vector.broadcast %broadcast_in_dim3A_259 : i32 to vector<16xi32>
        %gather3A_261 = tpu.vector_load_idx %arg14[%add3A_127, %broadcast_in_dim3A_260] : memref<16x32xf32, #tpu.memory_space<vmem>>[vector<16xi32>, vector<16xi32>], vector<16xf32>,
        %swap3A_262 = arith.constant 19 : i32
        %swap3A_263 = arith.index_cast %swap3A_262 : i32 to index
        %swap3A_264 = arith.index_cast %mul3A_124 : i32 to index
        %swap3A_265 = tpu.vector_load %arg13[%swap3A_263, %swap3A_264] {strides = array<i32>} : memref<32x256xf32, #tpu.memory_space<vmem>>, vector<16xf32>,
        tpu.vector_store %arg13[%swap3A_263, %swap3A_264], %gather3A_261 {strides = array<i32>} : memref<32x256xf32, #tpu.memory_space<vmem>>, vector<16xf32>,
        %broadcast_in_dim3A_266 = arith.constant 20 : i32
        %broadcast_in_dim3A_267 = vector.broadcast %broadcast_in_dim3A_266 : i32 to vector<16xi32>
        %gather3A_268 = tpu.vector_load_idx %arg14[%add3A_127, %broadcast_in_dim3A_267] : memref<16x32xf32, #tpu.memory_space<vmem>>[vector<16xi32>, vector<16xi32>], vector<16xf32>,
        %swap3A_269 = arith.constant 20 : i32
        %swap3A_270 = arith.index_cast %swap3A_269 : i32 to index
        %swap3A_271 = arith.index_cast %mul3A_124 : i32 to index
        %swap3A_272 = tpu.vector_load %arg13[%swap3A_270, %swap3A_271] {strides = array<i32>} : memref<32x256xf32, #tpu.memory_space<vmem>>, vector<16xf32>,
        tpu.vector_store %arg13[%swap3A_270, %swap3A_271], %gather3A_268 {strides = array<i32>} : memref<32x256xf32, #tpu.memory_space<vmem>>, vector<16xf32>,
        %broadcast_in_dim3A_273 = arith.constant 21 : i32
        %broadcast_in_dim3A_274 = vector.broadcast %broadcast_in_dim3A_273 : i32 to vector<16xi32>
        %gather3A_275 = tpu.vector_load_idx %arg14[%add3A_127, %broadcast_in_dim3A_274] : memref<16x32xf32, #tpu.memory_space<vmem>>[vector<16xi32>, vector<16xi32>], vector<16xf32>,
        %swap3A_276 = arith.constant 21 : i32
        %swap3A_277 = arith.index_cast %swap3A_276 : i32 to index
        %swap3A_278 = arith.index_cast %mul3A_124 : i32 to index
        %swap3A_279 = tpu.vector_load %arg13[%swap3A_277, %swap3A_278] {strides = array<i32>} : memref<32x256xf32, #tpu.memory_space<vmem>>, vector<16xf32>,
        tpu.vector_store %arg13[%swap3A_277, %swap3A_278], %gather3A_275 {strides = array<i32>} : memref<32x256xf32, #tpu.memory_space<vmem>>, vector<16xf32>,
        %broadcast_in_dim3A_280 = arith.constant 22 : i32
        %broadcast_in_dim3A_281 = vector.broadcast %broadcast_in_dim3A_280 : i32 to vector<16xi32>
        %gather3A_282 = tpu.vector_load_idx %arg14[%add3A_127, %broadcast_in_dim3A_281] : memref<16x32xf32, #tpu.memory_space<vmem>>[vector<16xi32>, vector<16xi32>], vector<16xf32>,
        %swap3A_283 = arith.constant 22 : i32
        %swap3A_284 = arith.index_cast %swap3A_283 : i32 to index
        %swap3A_285 = arith.index_cast %mul3A_124 : i32 to index
        %swap3A_286 = tpu.vector_load %arg13[%swap3A_284, %swap3A_285] {strides = array<i32>} : memref<32x256xf32, #tpu.memory_space<vmem>>, vector<16xf32>,
        tpu.vector_store %arg13[%swap3A_284, %swap3A_285], %gather3A_282 {strides = array<i32>} : memref<32x256xf32, #tpu.memory_space<vmem>>, vector<16xf32>,
        %broadcast_in_dim3A_287 = arith.constant 23 : i32
        %broadcast_in_dim3A_288 = vector.broadcast %broadcast_in_dim3A_287 : i32 to vector<16xi32>
        %gather3A_289 = tpu.vector_load_idx %arg14[%add3A_127, %broadcast_in_dim3A_288] : memref<16x32xf32, #tpu.memory_space<vmem>>[vector<16xi32>, vector<16xi32>], vector<16xf32>,
        %swap3A_290 = arith.constant 23 : i32
        %swap3A_291 = arith.index_cast %swap3A_290 : i32 to index
        %swap3A_292 = arith.index_cast %mul3A_124 : i32 to index
        %swap3A_293 = tpu.vector_load %arg13[%swap3A_291, %swap3A_292] {strides = array<i32>} : memref<32x256xf32, #tpu.memory_space<vmem>>, vector<16xf32>,
        tpu.vector_store %arg13[%swap3A_291, %swap3A_292], %gather3A_289 {strides = array<i32>} : memref<32x256xf32, #tpu.memory_space<vmem>>, vector<16xf32>,
        %broadcast_in_dim3A_294 = arith.constant 24 : i32
        %broadcast_in_dim3A_295 = vector.broadcast %broadcast_in_dim3A_294 : i32 to vector<16xi32>
        %gather3A_296 = tpu.vector_load_idx %arg14[%add3A_127, %broadcast_in_dim3A_295] : memref<16x32xf32, #tpu.memory_space<vmem>>[vector<16xi32>, vector<16xi32>], vector<16xf32>,
        %swap3A_297 = arith.constant 24 : i32
        %swap3A_298 = arith.index_cast %swap3A_297 : i32 to index
        %swap3A_299 = arith.index_cast %mul3A_124 : i32 to index
        %swap3A_300 = tpu.vector_load %arg13[%swap3A_298, %swap3A_299] {strides = array<i32>} : memref<32x256xf32, #tpu.memory_space<vmem>>, vector<16xf32>,
        tpu.vector_store %arg13[%swap3A_298, %swap3A_299], %gather3A_296 {strides = array<i32>} : memref<32x256xf32, #tpu.memory_space<vmem>>, vector<16xf32>,
        %broadcast_in_dim3A_301 = arith.constant 25 : i32
        %broadcast_in_dim3A_302 = vector.broadcast %broadcast_in_dim3A_301 : i32 to vector<16xi32>
        %gather3A_303 = tpu.vector_load_idx %arg14[%add3A_127, %broadcast_in_dim3A_302] : memref<16x32xf32, #tpu.memory_space<vmem>>[vector<16xi32>, vector<16xi32>], vector<16xf32>,
        %swap3A_304 = arith.constant 25 : i32
        %swap3A_305 = arith.index_cast %swap3A_304 : i32 to index
        %swap3A_306 = arith.index_cast %mul3A_124 : i32 to index
        %swap3A_307 = tpu.vector_load %arg13[%swap3A_305, %swap3A_306] {strides = array<i32>} : memref<32x256xf32, #tpu.memory_space<vmem>>, vector<16xf32>,
        tpu.vector_store %arg13[%swap3A_305, %swap3A_306], %gather3A_303 {strides = array<i32>} : memref<32x256xf32, #tpu.memory_space<vmem>>, vector<16xf32>,
        %broadcast_in_dim3A_308 = arith.constant 26 : i32
        %broadcast_in_dim3A_309 = vector.broadcast %broadcast_in_dim3A_308 : i32 to vector<16xi32>
        %gather3A_310 = tpu.vector_load_idx %arg14[%add3A_127, %broadcast_in_dim3A_309] : memref<16x32xf32, #tpu.memory_space<vmem>>[vector<16xi32>, vector<16xi32>], vector<16xf32>,
        %swap3A_311 = arith.constant 26 : i32
        %swap3A_312 = arith.index_cast %swap3A_311 : i32 to index
        %swap3A_313 = arith.index_cast %mul3A_124 : i32 to index
        %swap3A_314 = tpu.vector_load %arg13[%swap3A_312, %swap3A_313] {strides = array<i32>} : memref<32x256xf32, #tpu.memory_space<vmem>>, vector<16xf32>,
        tpu.vector_store %arg13[%swap3A_312, %swap3A_313], %gather3A_310 {strides = array<i32>} : memref<32x256xf32, #tpu.memory_space<vmem>>, vector<16xf32>,
        %broadcast_in_dim3A_315 = arith.constant 27 : i32
        %broadcast_in_dim3A_316 = vector.broadcast %broadcast_in_dim3A_315 : i32 to vector<16xi32>
        %gather3A_317 = tpu.vector_load_idx %arg14[%add3A_127, %broadcast_in_dim3A_316] : memref<16x32xf32, #tpu.memory_space<vmem>>[vector<16xi32>, vector<16xi32>], vector<16xf32>,
        %swap3A_318 = arith.constant 27 : i32
        %swap3A_319 = arith.index_cast %swap3A_318 : i32 to index
        %swap3A_320 = arith.index_cast %mul3A_124 : i32 to index
        %swap3A_321 = tpu.vector_load %arg13[%swap3A_319, %swap3A_320] {strides = array<i32>} : memref<32x256xf32, #tpu.memory_space<vmem>>, vector<16xf32>,
        tpu.vector_store %arg13[%swap3A_319, %swap3A_320], %gather3A_317 {strides = array<i32>} : memref<32x256xf32, #tpu.memory_space<vmem>>, vector<16xf32>,
        %broadcast_in_dim3A_322 = arith.constant 28 : i32
        %broadcast_in_dim3A_323 = vector.broadcast %broadcast_in_dim3A_322 : i32 to vector<16xi32>
        %gather3A_324 = tpu.vector_load_idx %arg14[%add3A_127, %broadcast_in_dim3A_323] : memref<16x32xf32, #tpu.memory_space<vmem>>[vector<16xi32>, vector<16xi32>], vector<16xf32>,
        %swap3A_325 = arith.constant 28 : i32
        %swap3A_326 = arith.index_cast %swap3A_325 : i32 to index
        %swap3A_327 = arith.index_cast %mul3A_124 : i32 to index
        %swap3A_328 = tpu.vector_load %arg13[%swap3A_326, %swap3A_327] {strides = array<i32>} : memref<32x256xf32, #tpu.memory_space<vmem>>, vector<16xf32>,
        tpu.vector_store %arg13[%swap3A_326, %swap3A_327], %gather3A_324 {strides = array<i32>} : memref<32x256xf32, #tpu.memory_space<vmem>>, vector<16xf32>,
        %broadcast_in_dim3A_329 = arith.constant 29 : i32
        %broadcast_in_dim3A_330 = vector.broadcast %broadcast_in_dim3A_329 : i32 to vector<16xi32>
        %gather3A_331 = tpu.vector_load_idx %arg14[%add3A_127, %broadcast_in_dim3A_330] : memref<16x32xf32, #tpu.memory_space<vmem>>[vector<16xi32>, vector<16xi32>], vector<16xf32>,
        %swap3A_332 = arith.constant 29 : i32
        %swap3A_333 = arith.index_cast %swap3A_332 : i32 to index
        %swap3A_334 = arith.index_cast %mul3A_124 : i32 to index
        %swap3A_335 = tpu.vector_load %arg13[%swap3A_333, %swap3A_334] {strides = array<i32>} : memref<32x256xf32, #tpu.memory_space<vmem>>, vector<16xf32>,
        tpu.vector_store %arg13[%swap3A_333, %swap3A_334], %gather3A_331 {strides = array<i32>} : memref<32x256xf32, #tpu.memory_space<vmem>>, vector<16xf32>,
        %broadcast_in_dim3A_336 = arith.constant 30 : i32
        %broadcast_in_dim3A_337 = vector.broadcast %broadcast_in_dim3A_336 : i32 to vector<16xi32>
        %gather3A_338 = tpu.vector_load_idx %arg14[%add3A_127, %broadcast_in_dim3A_337] : memref<16x32xf32, #tpu.memory_space<vmem>>[vector<16xi32>, vector<16xi32>], vector<16xf32>,
        %swap3A_339 = arith.constant 30 : i32
        %swap3A_340 = arith.index_cast %swap3A_339 : i32 to index
        %swap3A_341 = arith.index_cast %mul3A_124 : i32 to index
        %swap3A_342 = tpu.vector_load %arg13[%swap3A_340, %swap3A_341] {strides = array<i32>} : memref<32x256xf32, #tpu.memory_space<vmem>>, vector<16xf32>,
        tpu.vector_store %arg13[%swap3A_340, %swap3A_341], %gather3A_338 {strides = array<i32>} : memref<32x256xf32, #tpu.memory_space<vmem>>, vector<16xf32>,
        %broadcast_in_dim3A_343 = arith.constant 31 : i32
        %broadcast_in_dim3A_344 = vector.broadcast %broadcast_in_dim3A_343 : i32 to vector<16xi32>
        %gather3A_345 = tpu.vector_load_idx %arg14[%add3A_127, %broadcast_in_dim3A_344] : memref<16x32xf32, #tpu.memory_space<vmem>>[vector<16xi32>, vector<16xi32>], vector<16xf32>,
        %swap3A_346 = arith.constant 31 : i32
        %swap3A_347 = arith.index_cast %swap3A_346 : i32 to index
        %swap3A_348 = arith.index_cast %mul3A_124 : i32 to index
        %swap3A_349 = tpu.vector_load %arg13[%swap3A_347, %swap3A_348] {strides = array<i32>} : memref<32x256xf32, #tpu.memory_space<vmem>>, vector<16xf32>,
        tpu.vector_store %arg13[%swap3A_347, %swap3A_348], %gather3A_345 {strides = array<i32>} : memref<32x256xf32, #tpu.memory_space<vmem>>, vector<16xf32>,
      }
      %scan3A_89 = arith.constant 16 : i32
      %add3A_90 = arith.constant 1 : i32
      %add3A_91 = arith.addi %add3A_90, %scan3A_83 : i32
      %add3A_92 = arith.constant 0 : i32
      %add3A_93 = arith.addi %mul3A_2, %add3A_92 : i32
      %add3A_94 = arith.constant 1 : i32
      %add3A_95 = arith.addi %add3A_94, %scan3A_83 : i32
      %add3A_96 = arith.constant 256 : i32
      %add3A_97 = arith.addi %mul3A_2, %add3A_96 : i32
      %dma_start3A_98 = arith.constant 0 : i32
      %dma_start3A_99 = tpu.memref_slice %arg5[%add3A_91, %dma_start3A_98, %add3A_93] : memref<36x32x16384xf32, #tpu.memory_space<hbm>> -> memref<1x32x256xf32, #tpu.memory_space<hbm>>
      %dma_start3A_100 = tpu.memref_squeeze %dma_start3A_99 : memref<1x32x256xf32, #tpu.memory_space<hbm>> -> memref<32x256xf32, #tpu.memory_space<hbm>>
      %dma_start3A_101 = arith.constant 0 : i32
      %dma_start3A_102 = tpu.memref_slice %arg5[%add3A_91, %dma_start3A_101, %add3A_93] : memref<36x32x16384xf32, #tpu.memory_space<hbm>> -> memref<1x32x256xf32, #tpu.memory_space<hbm>>
      %dma_start3A_103 = tpu.memref_squeeze %dma_start3A_102 : memref<1x32x256xf32, #tpu.memory_space<hbm>> -> memref<32x256xf32, #tpu.memory_space<hbm>>
      tpu.enqueue_dma source(%arg13 : memref<32x256xf32, #tpu.memory_space<vmem>>) target(%dma_start3A_103 : memref<32x256xf32, #tpu.memory_space<hbm>>) target_semaphore(%arg17 : memref<!tpu.dma_semaphore, #tpu.memory_space<semaphore_mem>>)
      %dma_start3A_104 = arith.constant 0 : i32
      %dma_start3A_105 = tpu.memref_slice %arg5[%add3A_95, %dma_start3A_104, %add3A_97] : memref<36x32x16384xf32, #tpu.memory_space<hbm>> -> memref<1x32x256xf32, #tpu.memory_space<hbm>>
      %dma_start3A_106 = tpu.memref_squeeze %dma_start3A_105 : memref<1x32x256xf32, #tpu.memory_space<hbm>> -> memref<32x256xf32, #tpu.memory_space<hbm>>
      %dma_start3A_107 = arith.constant 0 : i32
      %dma_start3A_108 = tpu.memref_slice %arg5[%add3A_95, %dma_start3A_107, %add3A_97] : memref<36x32x16384xf32, #tpu.memory_space<hbm>> -> memref<1x32x256xf32, #tpu.memory_space<hbm>>
      %dma_start3A_109 = tpu.memref_squeeze %dma_start3A_108 : memref<1x32x256xf32, #tpu.memory_space<hbm>> -> memref<32x256xf32, #tpu.memory_space<hbm>>
      tpu.enqueue_dma source(%arg13 : memref<32x256xf32, #tpu.memory_space<vmem>>) target(%dma_start3A_109 : memref<32x256xf32, #tpu.memory_space<hbm>>) target_semaphore(%arg17 : memref<!tpu.dma_semaphore, #tpu.memory_space<semaphore_mem>>)
      %dma_wait3A_110 = arith.constant 0 : i32
      %dma_wait3A_111 = tpu.memref_slice %arg5[%add3A_91, %dma_wait3A_110, %add3A_93] : memref<36x32x16384xf32, #tpu.memory_space<hbm>> -> memref<1x32x256xf32, #tpu.memory_space<hbm>>
      %dma_wait3A_112 = tpu.memref_squeeze %dma_wait3A_111 : memref<1x32x256xf32, #tpu.memory_space<hbm>> -> memref<32x256xf32, #tpu.memory_space<hbm>>
      %dma_wait3A_113 = arith.constant 0 : i32
      %dma_wait3A_114 = tpu.memref_slice %arg5[%add3A_91, %dma_wait3A_113, %add3A_93] : memref<36x32x16384xf32, #tpu.memory_space<hbm>> -> memref<1x32x256xf32, #tpu.memory_space<hbm>>
      %dma_wait3A_115 = tpu.memref_squeeze %dma_wait3A_114 : memref<1x32x256xf32, #tpu.memory_space<hbm>> -> memref<32x256xf32, #tpu.memory_space<hbm>>
      tpu.wait_dma2 semaphore(%arg17 : memref<!tpu.dma_semaphore, #tpu.memory_space<semaphore_mem>>) src(%arg13 : memref<32x256xf32, #tpu.memory_space<vmem>>) dst(%dma_wait3A_115 : memref<32x256xf32, #tpu.memory_space<hbm>>)
      %dma_wait3A_116 = arith.constant 0 : i32
      %dma_wait3A_117 = tpu.memref_slice %arg5[%add3A_95, %dma_wait3A_116, %add3A_97] : memref<36x32x16384xf32, #tpu.memory_space<hbm>> -> memref<1x32x256xf32, #tpu.memory_space<hbm>>
      %dma_wait3A_118 = tpu.memref_squeeze %dma_wait3A_117 : memref<1x32x256xf32, #tpu.memory_space<hbm>> -> memref<32x256xf32, #tpu.memory_space<hbm>>
      %dma_wait3A_119 = arith.constant 0 : i32
      %dma_wait3A_120 = tpu.memref_slice %arg5[%add3A_95, %dma_wait3A_119, %add3A_97] : memref<36x32x16384xf32, #tpu.memory_space<hbm>> -> memref<1x32x256xf32, #tpu.memory_space<hbm>>
      %dma_wait3A_121 = tpu.memref_squeeze %dma_wait3A_120 : memref<1x32x256xf32, #tpu.memory_space<hbm>> -> memref<32x256xf32, #tpu.memory_space<hbm>>
      tpu.wait_dma2 semaphore(%arg17 : memref<!tpu.dma_semaphore, #tpu.memory_space<semaphore_mem>>) src(%arg13 : memref<32x256xf32, #tpu.memory_space<vmem>>) dst(%dma_wait3A_121 : memref<32x256xf32, #tpu.memory_space<hbm>>)
    }
    %scan3A_19 = arith.constant 16 : i32
    %scan3A_20 = arith.constant 0 : i32
    %scan3A_21 = arith.constant 0 : i32
    %scan3A_22 = arith.constant 10 : i32
    %scan3A_23 = arith.addi %scan3A_21, %scan3A_22 : i32
    %scan3A_24 = arith.constant 1 : i32
    scf.for %scan3A_83 = %scan3A_21 to %scan3A_23 step %scan3A_24  : i32 {
      %mul3A_84 = arith.constant 2 : i32
      %mul3A_85 = arith.muli %mul3A_84, %scan3A_83 : i32
      %add3A_86 = arith.constant 1 : i32
      %add3A_87 = arith.addi %mul3A_85, %add3A_86 : i32
      %mul3A_88 = arith.constant 256 : i32
      %mul3A_89 = arith.muli %mul3A_85, %mul3A_88 : i32
      %multiple_of3A_90 = tpu.assume_multiple %mul3A_89, 128 : i32
      %dma_wait3A_91 = tpu.memref_slice %arg7[%multiple_of3A_90] : memref<5120xi32, #tpu.memory_space<vmem>> -> memref<256xi32, #tpu.memory_space<vmem>>
      %dma_wait3A_92 = arith.constant 0 : i32
      %dma_wait3A_93 = arith.constant 0 : i32
      %dma_wait3A_94 = tpu.memref_slice %arg3[%dma_wait3A_92, %dma_wait3A_93] : memref<253952x128xf32, #tpu.memory_space<hbm>> -> memref<253952x128xf32, #tpu.memory_space<hbm>>
      tpu.wait_indirect_dma semaphore(%arg15 : memref<!tpu.dma_semaphore, #tpu.memory_space<semaphore_mem>>) src(%dma_wait3A_94 : memref<253952x128xf32, #tpu.memory_space<hbm>>) dst(%arg9 : memref<256x128xf32, #tpu.memory_space<vmem>>)
      %mul3A_95 = arith.constant 256 : i32
      %mul3A_96 = arith.muli %add3A_87, %mul3A_95 : i32
      %multiple_of3A_97 = tpu.assume_multiple %mul3A_96, 128 : i32
      %dma_start3A_98 = tpu.memref_slice %arg7[%multiple_of3A_97] : memref<5120xi32, #tpu.memory_space<vmem>> -> memref<256xi32, #tpu.memory_space<vmem>>
      %dma_start3A_99 = arith.constant 0 : i32
      %dma_start3A_100 = arith.constant 0 : i32
      %dma_start3A_101 = tpu.memref_slice %arg3[%dma_start3A_99, %dma_start3A_100] : memref<253952x128xf32, #tpu.memory_space<hbm>> -> memref<253952x128xf32, #tpu.memory_space<hbm>>
      tpu.enqueue_indirect_dma source(%dma_start3A_101 : memref<253952x128xf32, #tpu.memory_space<hbm>>) target(%arg10 : memref<256x128xf32, #tpu.memory_space<vmem>>) offsets(%dma_start3A_98 : memref<256xi32, #tpu.memory_space<vmem>>) semaphore(%arg16 : memref<!tpu.dma_semaphore, #tpu.memory_space<semaphore_mem>>)
      %gt3A = arith.constant 0 : i32
      %gt3A_102 = arith.cmpi sgt, %scan3A_83, %gt3A : i32
      %convert_element_type3A = arith.extui %gt3A_102 : i1 to i32
      %cond3A = arith.constant 0 : i32
      %cond3A_103 = arith.cmpi ne, %convert_element_type3A, %cond3A : i32
      scf.if %cond3A_103 {
        %sub3A = arith.constant 2 : i32
        %sub3A_155 = arith.subi %mul3A_85, %sub3A : i32
        %eq3A_156 = arith.constant 0 : i32
        %eq3A_157 = arith.cmpi eq, %sub3A_155, %eq3A_156 : i32
        %add3A_158 = arith.constant 16 : i32
        %add3A_159 = arith.addi %add3A_158, %sub3A_155 : i32
        %jit3A_160 = arith.constant 0 : i32
        %select_n3A_161 = arith.select %eq3A_157, %jit3A_160, %add3A_159 : i32
        %dma_wait3A_162 = arith.constant 0 : i32
        %dma_wait3A_163 = tpu.memref_slice %arg5[%select_n3A_161, %dma_wait3A_162, %add3A_4] : memref<36x32x16384xf32, #tpu.memory_space<hbm>> -> memref<1x32x256xf32, #tpu.memory_space<hbm>>
        %dma_wait3A_164 = tpu.memref_squeeze %dma_wait3A_163 : memref<1x32x256xf32, #tpu.memory_space<hbm>> -> memref<32x256xf32, #tpu.memory_space<hbm>>
        %dma_wait3A_165 = arith.constant 0 : i32
        %dma_wait3A_166 = tpu.memref_slice %arg5[%select_n3A_161, %dma_wait3A_165, %add3A_4] : memref<36x32x16384xf32, #tpu.memory_space<hbm>> -> memref<1x32x256xf32, #tpu.memory_space<hbm>>
        %dma_wait3A_167 = tpu.memref_squeeze %dma_wait3A_166 : memref<1x32x256xf32, #tpu.memory_space<hbm>> -> memref<32x256xf32, #tpu.memory_space<hbm>>
        tpu.wait_dma2 semaphore(%arg17 : memref<!tpu.dma_semaphore, #tpu.memory_space<semaphore_mem>>) src(%arg11 : memref<32x256xf32, #tpu.memory_space<vmem>>) dst(%dma_wait3A_167 : memref<32x256xf32, #tpu.memory_space<hbm>>)
      } else {
      }
      %scan3A_104 = arith.constant 0 : i32
      %scan3A_105 = arith.constant 0 : i32
      %scan3A_106 = arith.constant 16 : i32
      %scan3A_107 = arith.addi %scan3A_105, %scan3A_106 : i32
      %scan3A_108 = arith.constant 1 : i32
      scf.for %scan3A_155 = %scan3A_105 to %scan3A_107 step %scan3A_108  : i32 {
        %mul3A_156 = arith.constant 16 : i32
        %mul3A_157 = arith.muli %scan3A_155, %mul3A_156 : i32
        %add3A_158 = vector.broadcast %mul3A_157 : i32 to vector<16xi32>
        %add3A_159 = arith.addi %iota3A, %add3A_158 : vector<16xi32>
        %get3A = arith.index_cast %mul3A_85 : i32 to index
        %get3A_160 = arith.index_cast %mul3A_157 : i32 to index
        %get3A_161 = tpu.vector_load %arg8[%get3A, %get3A_160] {strides = array<i32>} : memref<20x256xi32, #tpu.memory_space<vmem>>, vector<16xi32>,
        %add3A_162 = arith.constant 0 : i32
        %add3A_163 = vector.broadcast %add3A_162 : i32 to vector<16xi32>
        %add3A_164 = arith.addi %get3A_161, %add3A_163 : vector<16xi32>
        %gather3A = tpu.vector_load_idx %arg9[%add3A_159, %add3A_164] : memref<256x128xf32, #tpu.memory_space<vmem>>[vector<16xi32>, vector<16xi32>], vector<16xf32>,
        %swap3A = arith.constant 0 : i32
        %swap3A_165 = arith.index_cast %swap3A : i32 to index
        %swap3A_166 = arith.index_cast %mul3A_157 : i32 to index
        %swap3A_167 = tpu.vector_load %arg11[%swap3A_165, %swap3A_166] {strides = array<i32>} : memref<32x256xf32, #tpu.memory_space<vmem>>, vector<16xf32>,
        tpu.vector_store %arg11[%swap3A_165, %swap3A_166], %gather3A {strides = array<i32>} : memref<32x256xf32, #tpu.memory_space<vmem>>, vector<16xf32>,
        %add3A_168 = arith.constant 1 : i32
        %add3A_169 = vector.broadcast %add3A_168 : i32 to vector<16xi32>
        %add3A_170 = arith.addi %get3A_161, %add3A_169 : vector<16xi32>
        %gather3A_171 = tpu.vector_load_idx %arg9[%add3A_159, %add3A_170] : memref<256x128xf32, #tpu.memory_space<vmem>>[vector<16xi32>, vector<16xi32>], vector<16xf32>,
        %swap3A_172 = arith.constant 1 : i32
        %swap3A_173 = arith.index_cast %swap3A_172 : i32 to index
        %swap3A_174 = arith.index_cast %mul3A_157 : i32 to index
        %swap3A_175 = tpu.vector_load %arg11[%swap3A_173, %swap3A_174] {strides = array<i32>} : memref<32x256xf32, #tpu.memory_space<vmem>>, vector<16xf32>,
        tpu.vector_store %arg11[%swap3A_173, %swap3A_174], %gather3A_171 {strides = array<i32>} : memref<32x256xf32, #tpu.memory_space<vmem>>, vector<16xf32>,
        %add3A_176 = arith.constant 2 : i32
        %add3A_177 = vector.broadcast %add3A_176 : i32 to vector<16xi32>
        %add3A_178 = arith.addi %get3A_161, %add3A_177 : vector<16xi32>
        %gather3A_179 = tpu.vector_load_idx %arg9[%add3A_159, %add3A_178] : memref<256x128xf32, #tpu.memory_space<vmem>>[vector<16xi32>, vector<16xi32>], vector<16xf32>,
        %swap3A_180 = arith.constant 2 : i32
        %swap3A_181 = arith.index_cast %swap3A_180 : i32 to index
        %swap3A_182 = arith.index_cast %mul3A_157 : i32 to index
        %swap3A_183 = tpu.vector_load %arg11[%swap3A_181, %swap3A_182] {strides = array<i32>} : memref<32x256xf32, #tpu.memory_space<vmem>>, vector<16xf32>,
        tpu.vector_store %arg11[%swap3A_181, %swap3A_182], %gather3A_179 {strides = array<i32>} : memref<32x256xf32, #tpu.memory_space<vmem>>, vector<16xf32>,
        %add3A_184 = arith.constant 3 : i32
        %add3A_185 = vector.broadcast %add3A_184 : i32 to vector<16xi32>
        %add3A_186 = arith.addi %get3A_161, %add3A_185 : vector<16xi32>
        %gather3A_187 = tpu.vector_load_idx %arg9[%add3A_159, %add3A_186] : memref<256x128xf32, #tpu.memory_space<vmem>>[vector<16xi32>, vector<16xi32>], vector<16xf32>,
        %swap3A_188 = arith.constant 3 : i32
        %swap3A_189 = arith.index_cast %swap3A_188 : i32 to index
        %swap3A_190 = arith.index_cast %mul3A_157 : i32 to index
        %swap3A_191 = tpu.vector_load %arg11[%swap3A_189, %swap3A_190] {strides = array<i32>} : memref<32x256xf32, #tpu.memory_space<vmem>>, vector<16xf32>,
        tpu.vector_store %arg11[%swap3A_189, %swap3A_190], %gather3A_187 {strides = array<i32>} : memref<32x256xf32, #tpu.memory_space<vmem>>, vector<16xf32>,
        %add3A_192 = arith.constant 4 : i32
        %add3A_193 = vector.broadcast %add3A_192 : i32 to vector<16xi32>
        %add3A_194 = arith.addi %get3A_161, %add3A_193 : vector<16xi32>
        %gather3A_195 = tpu.vector_load_idx %arg9[%add3A_159, %add3A_194] : memref<256x128xf32, #tpu.memory_space<vmem>>[vector<16xi32>, vector<16xi32>], vector<16xf32>,
        %swap3A_196 = arith.constant 4 : i32
        %swap3A_197 = arith.index_cast %swap3A_196 : i32 to index
        %swap3A_198 = arith.index_cast %mul3A_157 : i32 to index
        %swap3A_199 = tpu.vector_load %arg11[%swap3A_197, %swap3A_198] {strides = array<i32>} : memref<32x256xf32, #tpu.memory_space<vmem>>, vector<16xf32>,
        tpu.vector_store %arg11[%swap3A_197, %swap3A_198], %gather3A_195 {strides = array<i32>} : memref<32x256xf32, #tpu.memory_space<vmem>>, vector<16xf32>,
        %add3A_200 = arith.constant 5 : i32
        %add3A_201 = vector.broadcast %add3A_200 : i32 to vector<16xi32>
        %add3A_202 = arith.addi %get3A_161, %add3A_201 : vector<16xi32>
        %gather3A_203 = tpu.vector_load_idx %arg9[%add3A_159, %add3A_202] : memref<256x128xf32, #tpu.memory_space<vmem>>[vector<16xi32>, vector<16xi32>], vector<16xf32>,
        %swap3A_204 = arith.constant 5 : i32
        %swap3A_205 = arith.index_cast %swap3A_204 : i32 to index
        %swap3A_206 = arith.index_cast %mul3A_157 : i32 to index
        %swap3A_207 = tpu.vector_load %arg11[%swap3A_205, %swap3A_206] {strides = array<i32>} : memref<32x256xf32, #tpu.memory_space<vmem>>, vector<16xf32>,
        tpu.vector_store %arg11[%swap3A_205, %swap3A_206], %gather3A_203 {strides = array<i32>} : memref<32x256xf32, #tpu.memory_space<vmem>>, vector<16xf32>,
        %add3A_208 = arith.constant 6 : i32
        %add3A_209 = vector.broadcast %add3A_208 : i32 to vector<16xi32>
        %add3A_210 = arith.addi %get3A_161, %add3A_209 : vector<16xi32>
        %gather3A_211 = tpu.vector_load_idx %arg9[%add3A_159, %add3A_210] : memref<256x128xf32, #tpu.memory_space<vmem>>[vector<16xi32>, vector<16xi32>], vector<16xf32>,
        %swap3A_212 = arith.constant 6 : i32
        %swap3A_213 = arith.index_cast %swap3A_212 : i32 to index
        %swap3A_214 = arith.index_cast %mul3A_157 : i32 to index
        %swap3A_215 = tpu.vector_load %arg11[%swap3A_213, %swap3A_214] {strides = array<i32>} : memref<32x256xf32, #tpu.memory_space<vmem>>, vector<16xf32>,
        tpu.vector_store %arg11[%swap3A_213, %swap3A_214], %gather3A_211 {strides = array<i32>} : memref<32x256xf32, #tpu.memory_space<vmem>>, vector<16xf32>,
        %add3A_216 = arith.constant 7 : i32
        %add3A_217 = vector.broadcast %add3A_216 : i32 to vector<16xi32>
        %add3A_218 = arith.addi %get3A_161, %add3A_217 : vector<16xi32>
        %gather3A_219 = tpu.vector_load_idx %arg9[%add3A_159, %add3A_218] : memref<256x128xf32, #tpu.memory_space<vmem>>[vector<16xi32>, vector<16xi32>], vector<16xf32>,
        %swap3A_220 = arith.constant 7 : i32
        %swap3A_221 = arith.index_cast %swap3A_220 : i32 to index
        %swap3A_222 = arith.index_cast %mul3A_157 : i32 to index
        %swap3A_223 = tpu.vector_load %arg11[%swap3A_221, %swap3A_222] {strides = array<i32>} : memref<32x256xf32, #tpu.memory_space<vmem>>, vector<16xf32>,
        tpu.vector_store %arg11[%swap3A_221, %swap3A_222], %gather3A_219 {strides = array<i32>} : memref<32x256xf32, #tpu.memory_space<vmem>>, vector<16xf32>,
        %add3A_224 = arith.constant 8 : i32
        %add3A_225 = vector.broadcast %add3A_224 : i32 to vector<16xi32>
        %add3A_226 = arith.addi %get3A_161, %add3A_225 : vector<16xi32>
        %gather3A_227 = tpu.vector_load_idx %arg9[%add3A_159, %add3A_226] : memref<256x128xf32, #tpu.memory_space<vmem>>[vector<16xi32>, vector<16xi32>], vector<16xf32>,
        %swap3A_228 = arith.constant 8 : i32
        %swap3A_229 = arith.index_cast %swap3A_228 : i32 to index
        %swap3A_230 = arith.index_cast %mul3A_157 : i32 to index
        %swap3A_231 = tpu.vector_load %arg11[%swap3A_229, %swap3A_230] {strides = array<i32>} : memref<32x256xf32, #tpu.memory_space<vmem>>, vector<16xf32>,
        tpu.vector_store %arg11[%swap3A_229, %swap3A_230], %gather3A_227 {strides = array<i32>} : memref<32x256xf32, #tpu.memory_space<vmem>>, vector<16xf32>,
        %add3A_232 = arith.constant 9 : i32
        %add3A_233 = vector.broadcast %add3A_232 : i32 to vector<16xi32>
        %add3A_234 = arith.addi %get3A_161, %add3A_233 : vector<16xi32>
        %gather3A_235 = tpu.vector_load_idx %arg9[%add3A_159, %add3A_234] : memref<256x128xf32, #tpu.memory_space<vmem>>[vector<16xi32>, vector<16xi32>], vector<16xf32>,
        %swap3A_236 = arith.constant 9 : i32
        %swap3A_237 = arith.index_cast %swap3A_236 : i32 to index
        %swap3A_238 = arith.index_cast %mul3A_157 : i32 to index
        %swap3A_239 = tpu.vector_load %arg11[%swap3A_237, %swap3A_238] {strides = array<i32>} : memref<32x256xf32, #tpu.memory_space<vmem>>, vector<16xf32>,
        tpu.vector_store %arg11[%swap3A_237, %swap3A_238], %gather3A_235 {strides = array<i32>} : memref<32x256xf32, #tpu.memory_space<vmem>>, vector<16xf32>,
        %add3A_240 = arith.constant 10 : i32
        %add3A_241 = vector.broadcast %add3A_240 : i32 to vector<16xi32>
        %add3A_242 = arith.addi %get3A_161, %add3A_241 : vector<16xi32>
        %gather3A_243 = tpu.vector_load_idx %arg9[%add3A_159, %add3A_242] : memref<256x128xf32, #tpu.memory_space<vmem>>[vector<16xi32>, vector<16xi32>], vector<16xf32>,
        %swap3A_244 = arith.constant 10 : i32
        %swap3A_245 = arith.index_cast %swap3A_244 : i32 to index
        %swap3A_246 = arith.index_cast %mul3A_157 : i32 to index
        %swap3A_247 = tpu.vector_load %arg11[%swap3A_245, %swap3A_246] {strides = array<i32>} : memref<32x256xf32, #tpu.memory_space<vmem>>, vector<16xf32>,
        tpu.vector_store %arg11[%swap3A_245, %swap3A_246], %gather3A_243 {strides = array<i32>} : memref<32x256xf32, #tpu.memory_space<vmem>>, vector<16xf32>,
        %add3A_248 = arith.constant 11 : i32
        %add3A_249 = vector.broadcast %add3A_248 : i32 to vector<16xi32>
        %add3A_250 = arith.addi %get3A_161, %add3A_249 : vector<16xi32>
        %gather3A_251 = tpu.vector_load_idx %arg9[%add3A_159, %add3A_250] : memref<256x128xf32, #tpu.memory_space<vmem>>[vector<16xi32>, vector<16xi32>], vector<16xf32>,
        %swap3A_252 = arith.constant 11 : i32
        %swap3A_253 = arith.index_cast %swap3A_252 : i32 to index
        %swap3A_254 = arith.index_cast %mul3A_157 : i32 to index
        %swap3A_255 = tpu.vector_load %arg11[%swap3A_253, %swap3A_254] {strides = array<i32>} : memref<32x256xf32, #tpu.memory_space<vmem>>, vector<16xf32>,
        tpu.vector_store %arg11[%swap3A_253, %swap3A_254], %gather3A_251 {strides = array<i32>} : memref<32x256xf32, #tpu.memory_space<vmem>>, vector<16xf32>,
        %add3A_256 = arith.constant 12 : i32
        %add3A_257 = vector.broadcast %add3A_256 : i32 to vector<16xi32>
        %add3A_258 = arith.addi %get3A_161, %add3A_257 : vector<16xi32>
        %gather3A_259 = tpu.vector_load_idx %arg9[%add3A_159, %add3A_258] : memref<256x128xf32, #tpu.memory_space<vmem>>[vector<16xi32>, vector<16xi32>], vector<16xf32>,
        %swap3A_260 = arith.constant 12 : i32
        %swap3A_261 = arith.index_cast %swap3A_260 : i32 to index
        %swap3A_262 = arith.index_cast %mul3A_157 : i32 to index
        %swap3A_263 = tpu.vector_load %arg11[%swap3A_261, %swap3A_262] {strides = array<i32>} : memref<32x256xf32, #tpu.memory_space<vmem>>, vector<16xf32>,
        tpu.vector_store %arg11[%swap3A_261, %swap3A_262], %gather3A_259 {strides = array<i32>} : memref<32x256xf32, #tpu.memory_space<vmem>>, vector<16xf32>,
        %add3A_264 = arith.constant 13 : i32
        %add3A_265 = vector.broadcast %add3A_264 : i32 to vector<16xi32>
        %add3A_266 = arith.addi %get3A_161, %add3A_265 : vector<16xi32>
        %gather3A_267 = tpu.vector_load_idx %arg9[%add3A_159, %add3A_266] : memref<256x128xf32, #tpu.memory_space<vmem>>[vector<16xi32>, vector<16xi32>], vector<16xf32>,
        %swap3A_268 = arith.constant 13 : i32
        %swap3A_269 = arith.index_cast %swap3A_268 : i32 to index
        %swap3A_270 = arith.index_cast %mul3A_157 : i32 to index
        %swap3A_271 = tpu.vector_load %arg11[%swap3A_269, %swap3A_270] {strides = array<i32>} : memref<32x256xf32, #tpu.memory_space<vmem>>, vector<16xf32>,
        tpu.vector_store %arg11[%swap3A_269, %swap3A_270], %gather3A_267 {strides = array<i32>} : memref<32x256xf32, #tpu.memory_space<vmem>>, vector<16xf32>,
        %add3A_272 = arith.constant 14 : i32
        %add3A_273 = vector.broadcast %add3A_272 : i32 to vector<16xi32>
        %add3A_274 = arith.addi %get3A_161, %add3A_273 : vector<16xi32>
        %gather3A_275 = tpu.vector_load_idx %arg9[%add3A_159, %add3A_274] : memref<256x128xf32, #tpu.memory_space<vmem>>[vector<16xi32>, vector<16xi32>], vector<16xf32>,
        %swap3A_276 = arith.constant 14 : i32
        %swap3A_277 = arith.index_cast %swap3A_276 : i32 to index
        %swap3A_278 = arith.index_cast %mul3A_157 : i32 to index
        %swap3A_279 = tpu.vector_load %arg11[%swap3A_277, %swap3A_278] {strides = array<i32>} : memref<32x256xf32, #tpu.memory_space<vmem>>, vector<16xf32>,
        tpu.vector_store %arg11[%swap3A_277, %swap3A_278], %gather3A_275 {strides = array<i32>} : memref<32x256xf32, #tpu.memory_space<vmem>>, vector<16xf32>,
        %add3A_280 = arith.constant 15 : i32
        %add3A_281 = vector.broadcast %add3A_280 : i32 to vector<16xi32>
        %add3A_282 = arith.addi %get3A_161, %add3A_281 : vector<16xi32>
        %gather3A_283 = tpu.vector_load_idx %arg9[%add3A_159, %add3A_282] : memref<256x128xf32, #tpu.memory_space<vmem>>[vector<16xi32>, vector<16xi32>], vector<16xf32>,
        %swap3A_284 = arith.constant 15 : i32
        %swap3A_285 = arith.index_cast %swap3A_284 : i32 to index
        %swap3A_286 = arith.index_cast %mul3A_157 : i32 to index
        %swap3A_287 = tpu.vector_load %arg11[%swap3A_285, %swap3A_286] {strides = array<i32>} : memref<32x256xf32, #tpu.memory_space<vmem>>, vector<16xf32>,
        tpu.vector_store %arg11[%swap3A_285, %swap3A_286], %gather3A_283 {strides = array<i32>} : memref<32x256xf32, #tpu.memory_space<vmem>>, vector<16xf32>,
        %add3A_288 = arith.constant 16 : i32
        %add3A_289 = vector.broadcast %add3A_288 : i32 to vector<16xi32>
        %add3A_290 = arith.addi %get3A_161, %add3A_289 : vector<16xi32>
        %gather3A_291 = tpu.vector_load_idx %arg9[%add3A_159, %add3A_290] : memref<256x128xf32, #tpu.memory_space<vmem>>[vector<16xi32>, vector<16xi32>], vector<16xf32>,
        %swap3A_292 = arith.constant 16 : i32
        %swap3A_293 = arith.index_cast %swap3A_292 : i32 to index
        %swap3A_294 = arith.index_cast %mul3A_157 : i32 to index
        %swap3A_295 = tpu.vector_load %arg11[%swap3A_293, %swap3A_294] {strides = array<i32>} : memref<32x256xf32, #tpu.memory_space<vmem>>, vector<16xf32>,
        tpu.vector_store %arg11[%swap3A_293, %swap3A_294], %gather3A_291 {strides = array<i32>} : memref<32x256xf32, #tpu.memory_space<vmem>>, vector<16xf32>,
        %add3A_296 = arith.constant 17 : i32
        %add3A_297 = vector.broadcast %add3A_296 : i32 to vector<16xi32>
        %add3A_298 = arith.addi %get3A_161, %add3A_297 : vector<16xi32>
        %gather3A_299 = tpu.vector_load_idx %arg9[%add3A_159, %add3A_298] : memref<256x128xf32, #tpu.memory_space<vmem>>[vector<16xi32>, vector<16xi32>], vector<16xf32>,
        %swap3A_300 = arith.constant 17 : i32
        %swap3A_301 = arith.index_cast %swap3A_300 : i32 to index
        %swap3A_302 = arith.index_cast %mul3A_157 : i32 to index
        %swap3A_303 = tpu.vector_load %arg11[%swap3A_301, %swap3A_302] {strides = array<i32>} : memref<32x256xf32, #tpu.memory_space<vmem>>, vector<16xf32>,
        tpu.vector_store %arg11[%swap3A_301, %swap3A_302], %gather3A_299 {strides = array<i32>} : memref<32x256xf32, #tpu.memory_space<vmem>>, vector<16xf32>,
        %add3A_304 = arith.constant 18 : i32
        %add3A_305 = vector.broadcast %add3A_304 : i32 to vector<16xi32>
        %add3A_306 = arith.addi %get3A_161, %add3A_305 : vector<16xi32>
        %gather3A_307 = tpu.vector_load_idx %arg9[%add3A_159, %add3A_306] : memref<256x128xf32, #tpu.memory_space<vmem>>[vector<16xi32>, vector<16xi32>], vector<16xf32>,
        %swap3A_308 = arith.constant 18 : i32
        %swap3A_309 = arith.index_cast %swap3A_308 : i32 to index
        %swap3A_310 = arith.index_cast %mul3A_157 : i32 to index
        %swap3A_311 = tpu.vector_load %arg11[%swap3A_309, %swap3A_310] {strides = array<i32>} : memref<32x256xf32, #tpu.memory_space<vmem>>, vector<16xf32>,
        tpu.vector_store %arg11[%swap3A_309, %swap3A_310], %gather3A_307 {strides = array<i32>} : memref<32x256xf32, #tpu.memory_space<vmem>>, vector<16xf32>,
        %add3A_312 = arith.constant 19 : i32
        %add3A_313 = vector.broadcast %add3A_312 : i32 to vector<16xi32>
        %add3A_314 = arith.addi %get3A_161, %add3A_313 : vector<16xi32>
        %gather3A_315 = tpu.vector_load_idx %arg9[%add3A_159, %add3A_314] : memref<256x128xf32, #tpu.memory_space<vmem>>[vector<16xi32>, vector<16xi32>], vector<16xf32>,
        %swap3A_316 = arith.constant 19 : i32
        %swap3A_317 = arith.index_cast %swap3A_316 : i32 to index
        %swap3A_318 = arith.index_cast %mul3A_157 : i32 to index
        %swap3A_319 = tpu.vector_load %arg11[%swap3A_317, %swap3A_318] {strides = array<i32>} : memref<32x256xf32, #tpu.memory_space<vmem>>, vector<16xf32>,
        tpu.vector_store %arg11[%swap3A_317, %swap3A_318], %gather3A_315 {strides = array<i32>} : memref<32x256xf32, #tpu.memory_space<vmem>>, vector<16xf32>,
        %add3A_320 = arith.constant 20 : i32
        %add3A_321 = vector.broadcast %add3A_320 : i32 to vector<16xi32>
        %add3A_322 = arith.addi %get3A_161, %add3A_321 : vector<16xi32>
        %gather3A_323 = tpu.vector_load_idx %arg9[%add3A_159, %add3A_322] : memref<256x128xf32, #tpu.memory_space<vmem>>[vector<16xi32>, vector<16xi32>], vector<16xf32>,
        %swap3A_324 = arith.constant 20 : i32
        %swap3A_325 = arith.index_cast %swap3A_324 : i32 to index
        %swap3A_326 = arith.index_cast %mul3A_157 : i32 to index
        %swap3A_327 = tpu.vector_load %arg11[%swap3A_325, %swap3A_326] {strides = array<i32>} : memref<32x256xf32, #tpu.memory_space<vmem>>, vector<16xf32>,
        tpu.vector_store %arg11[%swap3A_325, %swap3A_326], %gather3A_323 {strides = array<i32>} : memref<32x256xf32, #tpu.memory_space<vmem>>, vector<16xf32>,
        %add3A_328 = arith.constant 21 : i32
        %add3A_329 = vector.broadcast %add3A_328 : i32 to vector<16xi32>
        %add3A_330 = arith.addi %get3A_161, %add3A_329 : vector<16xi32>
        %gather3A_331 = tpu.vector_load_idx %arg9[%add3A_159, %add3A_330] : memref<256x128xf32, #tpu.memory_space<vmem>>[vector<16xi32>, vector<16xi32>], vector<16xf32>,
        %swap3A_332 = arith.constant 21 : i32
        %swap3A_333 = arith.index_cast %swap3A_332 : i32 to index
        %swap3A_334 = arith.index_cast %mul3A_157 : i32 to index
        %swap3A_335 = tpu.vector_load %arg11[%swap3A_333, %swap3A_334] {strides = array<i32>} : memref<32x256xf32, #tpu.memory_space<vmem>>, vector<16xf32>,
        tpu.vector_store %arg11[%swap3A_333, %swap3A_334], %gather3A_331 {strides = array<i32>} : memref<32x256xf32, #tpu.memory_space<vmem>>, vector<16xf32>,
        %add3A_336 = arith.constant 22 : i32
        %add3A_337 = vector.broadcast %add3A_336 : i32 to vector<16xi32>
        %add3A_338 = arith.addi %get3A_161, %add3A_337 : vector<16xi32>
        %gather3A_339 = tpu.vector_load_idx %arg9[%add3A_159, %add3A_338] : memref<256x128xf32, #tpu.memory_space<vmem>>[vector<16xi32>, vector<16xi32>], vector<16xf32>,
        %swap3A_340 = arith.constant 22 : i32
        %swap3A_341 = arith.index_cast %swap3A_340 : i32 to index
        %swap3A_342 = arith.index_cast %mul3A_157 : i32 to index
        %swap3A_343 = tpu.vector_load %arg11[%swap3A_341, %swap3A_342] {strides = array<i32>} : memref<32x256xf32, #tpu.memory_space<vmem>>, vector<16xf32>,
        tpu.vector_store %arg11[%swap3A_341, %swap3A_342], %gather3A_339 {strides = array<i32>} : memref<32x256xf32, #tpu.memory_space<vmem>>, vector<16xf32>,
        %add3A_344 = arith.constant 23 : i32
        %add3A_345 = vector.broadcast %add3A_344 : i32 to vector<16xi32>
        %add3A_346 = arith.addi %get3A_161, %add3A_345 : vector<16xi32>
        %gather3A_347 = tpu.vector_load_idx %arg9[%add3A_159, %add3A_346] : memref<256x128xf32, #tpu.memory_space<vmem>>[vector<16xi32>, vector<16xi32>], vector<16xf32>,
        %swap3A_348 = arith.constant 23 : i32
        %swap3A_349 = arith.index_cast %swap3A_348 : i32 to index
        %swap3A_350 = arith.index_cast %mul3A_157 : i32 to index
        %swap3A_351 = tpu.vector_load %arg11[%swap3A_349, %swap3A_350] {strides = array<i32>} : memref<32x256xf32, #tpu.memory_space<vmem>>, vector<16xf32>,
        tpu.vector_store %arg11[%swap3A_349, %swap3A_350], %gather3A_347 {strides = array<i32>} : memref<32x256xf32, #tpu.memory_space<vmem>>, vector<16xf32>,
        %add3A_352 = arith.constant 24 : i32
        %add3A_353 = vector.broadcast %add3A_352 : i32 to vector<16xi32>
        %add3A_354 = arith.addi %get3A_161, %add3A_353 : vector<16xi32>
        %gather3A_355 = tpu.vector_load_idx %arg9[%add3A_159, %add3A_354] : memref<256x128xf32, #tpu.memory_space<vmem>>[vector<16xi32>, vector<16xi32>], vector<16xf32>,
        %swap3A_356 = arith.constant 24 : i32
        %swap3A_357 = arith.index_cast %swap3A_356 : i32 to index
        %swap3A_358 = arith.index_cast %mul3A_157 : i32 to index
        %swap3A_359 = tpu.vector_load %arg11[%swap3A_357, %swap3A_358] {strides = array<i32>} : memref<32x256xf32, #tpu.memory_space<vmem>>, vector<16xf32>,
        tpu.vector_store %arg11[%swap3A_357, %swap3A_358], %gather3A_355 {strides = array<i32>} : memref<32x256xf32, #tpu.memory_space<vmem>>, vector<16xf32>,
        %add3A_360 = arith.constant 25 : i32
        %add3A_361 = vector.broadcast %add3A_360 : i32 to vector<16xi32>
        %add3A_362 = arith.addi %get3A_161, %add3A_361 : vector<16xi32>
        %gather3A_363 = tpu.vector_load_idx %arg9[%add3A_159, %add3A_362] : memref<256x128xf32, #tpu.memory_space<vmem>>[vector<16xi32>, vector<16xi32>], vector<16xf32>,
        %swap3A_364 = arith.constant 25 : i32
        %swap3A_365 = arith.index_cast %swap3A_364 : i32 to index
        %swap3A_366 = arith.index_cast %mul3A_157 : i32 to index
        %swap3A_367 = tpu.vector_load %arg11[%swap3A_365, %swap3A_366] {strides = array<i32>} : memref<32x256xf32, #tpu.memory_space<vmem>>, vector<16xf32>,
        tpu.vector_store %arg11[%swap3A_365, %swap3A_366], %gather3A_363 {strides = array<i32>} : memref<32x256xf32, #tpu.memory_space<vmem>>, vector<16xf32>,
        %add3A_368 = arith.constant 26 : i32
        %add3A_369 = vector.broadcast %add3A_368 : i32 to vector<16xi32>
        %add3A_370 = arith.addi %get3A_161, %add3A_369 : vector<16xi32>
        %gather3A_371 = tpu.vector_load_idx %arg9[%add3A_159, %add3A_370] : memref<256x128xf32, #tpu.memory_space<vmem>>[vector<16xi32>, vector<16xi32>], vector<16xf32>,
        %swap3A_372 = arith.constant 26 : i32
        %swap3A_373 = arith.index_cast %swap3A_372 : i32 to index
        %swap3A_374 = arith.index_cast %mul3A_157 : i32 to index
        %swap3A_375 = tpu.vector_load %arg11[%swap3A_373, %swap3A_374] {strides = array<i32>} : memref<32x256xf32, #tpu.memory_space<vmem>>, vector<16xf32>,
        tpu.vector_store %arg11[%swap3A_373, %swap3A_374], %gather3A_371 {strides = array<i32>} : memref<32x256xf32, #tpu.memory_space<vmem>>, vector<16xf32>,
        %add3A_376 = arith.constant 27 : i32
        %add3A_377 = vector.broadcast %add3A_376 : i32 to vector<16xi32>
        %add3A_378 = arith.addi %get3A_161, %add3A_377 : vector<16xi32>
        %gather3A_379 = tpu.vector_load_idx %arg9[%add3A_159, %add3A_378] : memref<256x128xf32, #tpu.memory_space<vmem>>[vector<16xi32>, vector<16xi32>], vector<16xf32>,
        %swap3A_380 = arith.constant 27 : i32
        %swap3A_381 = arith.index_cast %swap3A_380 : i32 to index
        %swap3A_382 = arith.index_cast %mul3A_157 : i32 to index
        %swap3A_383 = tpu.vector_load %arg11[%swap3A_381, %swap3A_382] {strides = array<i32>} : memref<32x256xf32, #tpu.memory_space<vmem>>, vector<16xf32>,
        tpu.vector_store %arg11[%swap3A_381, %swap3A_382], %gather3A_379 {strides = array<i32>} : memref<32x256xf32, #tpu.memory_space<vmem>>, vector<16xf32>,
        %add3A_384 = arith.constant 28 : i32
        %add3A_385 = vector.broadcast %add3A_384 : i32 to vector<16xi32>
        %add3A_386 = arith.addi %get3A_161, %add3A_385 : vector<16xi32>
        %gather3A_387 = tpu.vector_load_idx %arg9[%add3A_159, %add3A_386] : memref<256x128xf32, #tpu.memory_space<vmem>>[vector<16xi32>, vector<16xi32>], vector<16xf32>,
        %swap3A_388 = arith.constant 28 : i32
        %swap3A_389 = arith.index_cast %swap3A_388 : i32 to index
        %swap3A_390 = arith.index_cast %mul3A_157 : i32 to index
        %swap3A_391 = tpu.vector_load %arg11[%swap3A_389, %swap3A_390] {strides = array<i32>} : memref<32x256xf32, #tpu.memory_space<vmem>>, vector<16xf32>,
        tpu.vector_store %arg11[%swap3A_389, %swap3A_390], %gather3A_387 {strides = array<i32>} : memref<32x256xf32, #tpu.memory_space<vmem>>, vector<16xf32>,
        %add3A_392 = arith.constant 29 : i32
        %add3A_393 = vector.broadcast %add3A_392 : i32 to vector<16xi32>
        %add3A_394 = arith.addi %get3A_161, %add3A_393 : vector<16xi32>
        %gather3A_395 = tpu.vector_load_idx %arg9[%add3A_159, %add3A_394] : memref<256x128xf32, #tpu.memory_space<vmem>>[vector<16xi32>, vector<16xi32>], vector<16xf32>,
        %swap3A_396 = arith.constant 29 : i32
        %swap3A_397 = arith.index_cast %swap3A_396 : i32 to index
        %swap3A_398 = arith.index_cast %mul3A_157 : i32 to index
        %swap3A_399 = tpu.vector_load %arg11[%swap3A_397, %swap3A_398] {strides = array<i32>} : memref<32x256xf32, #tpu.memory_space<vmem>>, vector<16xf32>,
        tpu.vector_store %arg11[%swap3A_397, %swap3A_398], %gather3A_395 {strides = array<i32>} : memref<32x256xf32, #tpu.memory_space<vmem>>, vector<16xf32>,
        %add3A_400 = arith.constant 30 : i32
        %add3A_401 = vector.broadcast %add3A_400 : i32 to vector<16xi32>
        %add3A_402 = arith.addi %get3A_161, %add3A_401 : vector<16xi32>
        %gather3A_403 = tpu.vector_load_idx %arg9[%add3A_159, %add3A_402] : memref<256x128xf32, #tpu.memory_space<vmem>>[vector<16xi32>, vector<16xi32>], vector<16xf32>,
        %swap3A_404 = arith.constant 30 : i32
        %swap3A_405 = arith.index_cast %swap3A_404 : i32 to index
        %swap3A_406 = arith.index_cast %mul3A_157 : i32 to index
        %swap3A_407 = tpu.vector_load %arg11[%swap3A_405, %swap3A_406] {strides = array<i32>} : memref<32x256xf32, #tpu.memory_space<vmem>>, vector<16xf32>,
        tpu.vector_store %arg11[%swap3A_405, %swap3A_406], %gather3A_403 {strides = array<i32>} : memref<32x256xf32, #tpu.memory_space<vmem>>, vector<16xf32>,
        %add3A_408 = arith.constant 31 : i32
        %add3A_409 = vector.broadcast %add3A_408 : i32 to vector<16xi32>
        %add3A_410 = arith.addi %get3A_161, %add3A_409 : vector<16xi32>
        %gather3A_411 = tpu.vector_load_idx %arg9[%add3A_159, %add3A_410] : memref<256x128xf32, #tpu.memory_space<vmem>>[vector<16xi32>, vector<16xi32>], vector<16xf32>,
        %swap3A_412 = arith.constant 31 : i32
        %swap3A_413 = arith.index_cast %swap3A_412 : i32 to index
        %swap3A_414 = arith.index_cast %mul3A_157 : i32 to index
        %swap3A_415 = tpu.vector_load %arg11[%swap3A_413, %swap3A_414] {strides = array<i32>} : memref<32x256xf32, #tpu.memory_space<vmem>>, vector<16xf32>,
        tpu.vector_store %arg11[%swap3A_413, %swap3A_414], %gather3A_411 {strides = array<i32>} : memref<32x256xf32, #tpu.memory_space<vmem>>, vector<16xf32>,
      }
      %scan3A_109 = arith.constant 16 : i32
      %eq3A = arith.constant 0 : i32
      %eq3A_110 = arith.cmpi eq, %mul3A_85, %eq3A : i32
      %add3A_111 = arith.constant 16 : i32
      %add3A_112 = arith.addi %add3A_111, %mul3A_85 : i32
      %jit3A_113 = arith.constant 0 : i32
      %select_n3A_114 = arith.select %eq3A_110, %jit3A_113, %add3A_112 : i32
      %dma_start3A_115 = arith.constant 0 : i32
      %dma_start3A_116 = tpu.memref_slice %arg5[%select_n3A_114, %dma_start3A_115, %add3A_4] : memref<36x32x16384xf32, #tpu.memory_space<hbm>> -> memref<1x32x256xf32, #tpu.memory_space<hbm>>
      %dma_start3A_117 = tpu.memref_squeeze %dma_start3A_116 : memref<1x32x256xf32, #tpu.memory_space<hbm>> -> memref<32x256xf32, #tpu.memory_space<hbm>>
      %dma_start3A_118 = arith.constant 0 : i32
      %dma_start3A_119 = tpu.memref_slice %arg5[%select_n3A_114, %dma_start3A_118, %add3A_4] : memref<36x32x16384xf32, #tpu.memory_space<hbm>> -> memref<1x32x256xf32, #tpu.memory_space<hbm>>
      %dma_start3A_120 = tpu.memref_squeeze %dma_start3A_119 : memref<1x32x256xf32, #tpu.memory_space<hbm>> -> memref<32x256xf32, #tpu.memory_space<hbm>>
      tpu.enqueue_dma source(%arg11 : memref<32x256xf32, #tpu.memory_space<vmem>>) target(%dma_start3A_120 : memref<32x256xf32, #tpu.memory_space<hbm>>) target_semaphore(%arg17 : memref<!tpu.dma_semaphore, #tpu.memory_space<semaphore_mem>>)
      %mul3A_121 = arith.constant 256 : i32
      %mul3A_122 = arith.muli %add3A_87, %mul3A_121 : i32
      %multiple_of3A_123 = tpu.assume_multiple %mul3A_122, 128 : i32
      %dma_wait3A_124 = tpu.memref_slice %arg7[%multiple_of3A_123] : memref<5120xi32, #tpu.memory_space<vmem>> -> memref<256xi32, #tpu.memory_space<vmem>>
      %dma_wait3A_125 = arith.constant 0 : i32
      %dma_wait3A_126 = arith.constant 0 : i32
      %dma_wait3A_127 = tpu.memref_slice %arg3[%dma_wait3A_125, %dma_wait3A_126] : memref<253952x128xf32, #tpu.memory_space<hbm>> -> memref<253952x128xf32, #tpu.memory_space<hbm>>
      tpu.wait_indirect_dma semaphore(%arg16 : memref<!tpu.dma_semaphore, #tpu.memory_space<semaphore_mem>>) src(%dma_wait3A_127 : memref<253952x128xf32, #tpu.memory_space<hbm>>) dst(%arg10 : memref<256x128xf32, #tpu.memory_space<vmem>>)
      %lt3A = arith.constant 9 : i32
      %lt3A_128 = arith.cmpi slt, %scan3A_83, %lt3A : i32
      %convert_element_type3A_129 = arith.extui %lt3A_128 : i1 to i32
      %cond3A_130 = arith.constant 0 : i32
      %cond3A_131 = arith.cmpi ne, %convert_element_type3A_129, %cond3A_130 : i32
      scf.if %cond3A_131 {
        %add3A_155 = arith.constant 2 : i32
        %add3A_156 = arith.addi %mul3A_85, %add3A_155 : i32
        %mul3A_157 = arith.constant 256 : i32
        %mul3A_158 = arith.muli %add3A_156, %mul3A_157 : i32
        %multiple_of3A_159 = tpu.assume_multiple %mul3A_158, 128 : i32
        %dma_start3A_160 = tpu.memref_slice %arg7[%multiple_of3A_159] : memref<5120xi32, #tpu.memory_space<vmem>> -> memref<256xi32, #tpu.memory_space<vmem>>
        %dma_start3A_161 = arith.constant 0 : i32
        %dma_start3A_162 = arith.constant 0 : i32
        %dma_start3A_163 = tpu.memref_slice %arg3[%dma_start3A_161, %dma_start3A_162] : memref<253952x128xf32, #tpu.memory_space<hbm>> -> memref<253952x128xf32, #tpu.memory_space<hbm>>
        tpu.enqueue_indirect_dma source(%dma_start3A_163 : memref<253952x128xf32, #tpu.memory_space<hbm>>) target(%arg9 : memref<256x128xf32, #tpu.memory_space<vmem>>) offsets(%dma_start3A_160 : memref<256xi32, #tpu.memory_space<vmem>>) semaphore(%arg15 : memref<!tpu.dma_semaphore, #tpu.memory_space<semaphore_mem>>)
      } else {
      }
      %gt3A_132 = arith.constant 0 : i32
      %gt3A_133 = arith.cmpi sgt, %scan3A_83, %gt3A_132 : i32
      %convert_element_type3A_134 = arith.extui %gt3A_133 : i1 to i32
      %cond3A_135 = arith.constant 0 : i32
      %cond3A_136 = arith.cmpi ne, %convert_element_type3A_134, %cond3A_135 : i32
      scf.if %cond3A_136 {
        %sub3A = arith.constant 2 : i32
        %sub3A_155 = arith.subi %add3A_87, %sub3A : i32
        %eq3A_156 = arith.constant 0 : i32
        %eq3A_157 = arith.cmpi eq, %sub3A_155, %eq3A_156 : i32
        %add3A_158 = arith.constant 16 : i32
        %add3A_159 = arith.addi %add3A_158, %sub3A_155 : i32
        %jit3A_160 = arith.constant 0 : i32
        %select_n3A_161 = arith.select %eq3A_157, %jit3A_160, %add3A_159 : i32
        %dma_wait3A_162 = arith.constant 0 : i32
        %dma_wait3A_163 = tpu.memref_slice %arg5[%select_n3A_161, %dma_wait3A_162, %add3A_4] : memref<36x32x16384xf32, #tpu.memory_space<hbm>> -> memref<1x32x256xf32, #tpu.memory_space<hbm>>
        %dma_wait3A_164 = tpu.memref_squeeze %dma_wait3A_163 : memref<1x32x256xf32, #tpu.memory_space<hbm>> -> memref<32x256xf32, #tpu.memory_space<hbm>>
        %dma_wait3A_165 = arith.constant 0 : i32
        %dma_wait3A_166 = tpu.memref_slice %arg5[%select_n3A_161, %dma_wait3A_165, %add3A_4] : memref<36x32x16384xf32, #tpu.memory_space<hbm>> -> memref<1x32x256xf32, #tpu.memory_space<hbm>>
        %dma_wait3A_167 = tpu.memref_squeeze %dma_wait3A_166 : memref<1x32x256xf32, #tpu.memory_space<hbm>> -> memref<32x256xf32, #tpu.memory_space<hbm>>
        tpu.wait_dma2 semaphore(%arg18 : memref<!tpu.dma_semaphore, #tpu.memory_space<semaphore_mem>>) src(%arg12 : memref<32x256xf32, #tpu.memory_space<vmem>>) dst(%dma_wait3A_167 : memref<32x256xf32, #tpu.memory_space<hbm>>)
      } else {
      }
      %scan3A_137 = arith.constant 0 : i32
      %scan3A_138 = arith.constant 0 : i32
      %scan3A_139 = arith.constant 16 : i32
      %scan3A_140 = arith.addi %scan3A_138, %scan3A_139 : i32
      %scan3A_141 = arith.constant 1 : i32
      scf.for %scan3A_155 = %scan3A_138 to %scan3A_140 step %scan3A_141  : i32 {
        %mul3A_156 = arith.constant 16 : i32
        %mul3A_157 = arith.muli %scan3A_155, %mul3A_156 : i32
        %add3A_158 = vector.broadcast %mul3A_157 : i32 to vector<16xi32>
        %add3A_159 = arith.addi %iota3A, %add3A_158 : vector<16xi32>
        %get3A = arith.index_cast %add3A_87 : i32 to index
        %get3A_160 = arith.index_cast %mul3A_157 : i32 to index
        %get3A_161 = tpu.vector_load %arg8[%get3A, %get3A_160] {strides = array<i32>} : memref<20x256xi32, #tpu.memory_space<vmem>>, vector<16xi32>,
        %add3A_162 = arith.constant 0 : i32
        %add3A_163 = vector.broadcast %add3A_162 : i32 to vector<16xi32>
        %add3A_164 = arith.addi %get3A_161, %add3A_163 : vector<16xi32>
        %gather3A = tpu.vector_load_idx %arg10[%add3A_159, %add3A_164] : memref<256x128xf32, #tpu.memory_space<vmem>>[vector<16xi32>, vector<16xi32>], vector<16xf32>,
        %swap3A = arith.constant 0 : i32
        %swap3A_165 = arith.index_cast %swap3A : i32 to index
        %swap3A_166 = arith.index_cast %mul3A_157 : i32 to index
        %swap3A_167 = tpu.vector_load %arg12[%swap3A_165, %swap3A_166] {strides = array<i32>} : memref<32x256xf32, #tpu.memory_space<vmem>>, vector<16xf32>,
        tpu.vector_store %arg12[%swap3A_165, %swap3A_166], %gather3A {strides = array<i32>} : memref<32x256xf32, #tpu.memory_space<vmem>>, vector<16xf32>,
        %add3A_168 = arith.constant 1 : i32
        %add3A_169 = vector.broadcast %add3A_168 : i32 to vector<16xi32>
        %add3A_170 = arith.addi %get3A_161, %add3A_169 : vector<16xi32>
        %gather3A_171 = tpu.vector_load_idx %arg10[%add3A_159, %add3A_170] : memref<256x128xf32, #tpu.memory_space<vmem>>[vector<16xi32>, vector<16xi32>], vector<16xf32>,
        %swap3A_172 = arith.constant 1 : i32
        %swap3A_173 = arith.index_cast %swap3A_172 : i32 to index
        %swap3A_174 = arith.index_cast %mul3A_157 : i32 to index
        %swap3A_175 = tpu.vector_load %arg12[%swap3A_173, %swap3A_174] {strides = array<i32>} : memref<32x256xf32, #tpu.memory_space<vmem>>, vector<16xf32>,
        tpu.vector_store %arg12[%swap3A_173, %swap3A_174], %gather3A_171 {strides = array<i32>} : memref<32x256xf32, #tpu.memory_space<vmem>>, vector<16xf32>,
        %add3A_176 = arith.constant 2 : i32
        %add3A_177 = vector.broadcast %add3A_176 : i32 to vector<16xi32>
        %add3A_178 = arith.addi %get3A_161, %add3A_177 : vector<16xi32>
        %gather3A_179 = tpu.vector_load_idx %arg10[%add3A_159, %add3A_178] : memref<256x128xf32, #tpu.memory_space<vmem>>[vector<16xi32>, vector<16xi32>], vector<16xf32>,
        %swap3A_180 = arith.constant 2 : i32
        %swap3A_181 = arith.index_cast %swap3A_180 : i32 to index
        %swap3A_182 = arith.index_cast %mul3A_157 : i32 to index
        %swap3A_183 = tpu.vector_load %arg12[%swap3A_181, %swap3A_182] {strides = array<i32>} : memref<32x256xf32, #tpu.memory_space<vmem>>, vector<16xf32>,
        tpu.vector_store %arg12[%swap3A_181, %swap3A_182], %gather3A_179 {strides = array<i32>} : memref<32x256xf32, #tpu.memory_space<vmem>>, vector<16xf32>,
        %add3A_184 = arith.constant 3 : i32
        %add3A_185 = vector.broadcast %add3A_184 : i32 to vector<16xi32>
        %add3A_186 = arith.addi %get3A_161, %add3A_185 : vector<16xi32>
        %gather3A_187 = tpu.vector_load_idx %arg10[%add3A_159, %add3A_186] : memref<256x128xf32, #tpu.memory_space<vmem>>[vector<16xi32>, vector<16xi32>], vector<16xf32>,
        %swap3A_188 = arith.constant 3 : i32
        %swap3A_189 = arith.index_cast %swap3A_188 : i32 to index
        %swap3A_190 = arith.index_cast %mul3A_157 : i32 to index
        %swap3A_191 = tpu.vector_load %arg12[%swap3A_189, %swap3A_190] {strides = array<i32>} : memref<32x256xf32, #tpu.memory_space<vmem>>, vector<16xf32>,
        tpu.vector_store %arg12[%swap3A_189, %swap3A_190], %gather3A_187 {strides = array<i32>} : memref<32x256xf32, #tpu.memory_space<vmem>>, vector<16xf32>,
        %add3A_192 = arith.constant 4 : i32
        %add3A_193 = vector.broadcast %add3A_192 : i32 to vector<16xi32>
        %add3A_194 = arith.addi %get3A_161, %add3A_193 : vector<16xi32>
        %gather3A_195 = tpu.vector_load_idx %arg10[%add3A_159, %add3A_194] : memref<256x128xf32, #tpu.memory_space<vmem>>[vector<16xi32>, vector<16xi32>], vector<16xf32>,
        %swap3A_196 = arith.constant 4 : i32
        %swap3A_197 = arith.index_cast %swap3A_196 : i32 to index
        %swap3A_198 = arith.index_cast %mul3A_157 : i32 to index
        %swap3A_199 = tpu.vector_load %arg12[%swap3A_197, %swap3A_198] {strides = array<i32>} : memref<32x256xf32, #tpu.memory_space<vmem>>, vector<16xf32>,
        tpu.vector_store %arg12[%swap3A_197, %swap3A_198], %gather3A_195 {strides = array<i32>} : memref<32x256xf32, #tpu.memory_space<vmem>>, vector<16xf32>,
        %add3A_200 = arith.constant 5 : i32
        %add3A_201 = vector.broadcast %add3A_200 : i32 to vector<16xi32>
        %add3A_202 = arith.addi %get3A_161, %add3A_201 : vector<16xi32>
        %gather3A_203 = tpu.vector_load_idx %arg10[%add3A_159, %add3A_202] : memref<256x128xf32, #tpu.memory_space<vmem>>[vector<16xi32>, vector<16xi32>], vector<16xf32>,
        %swap3A_204 = arith.constant 5 : i32
        %swap3A_205 = arith.index_cast %swap3A_204 : i32 to index
        %swap3A_206 = arith.index_cast %mul3A_157 : i32 to index
        %swap3A_207 = tpu.vector_load %arg12[%swap3A_205, %swap3A_206] {strides = array<i32>} : memref<32x256xf32, #tpu.memory_space<vmem>>, vector<16xf32>,
        tpu.vector_store %arg12[%swap3A_205, %swap3A_206], %gather3A_203 {strides = array<i32>} : memref<32x256xf32, #tpu.memory_space<vmem>>, vector<16xf32>,
        %add3A_208 = arith.constant 6 : i32
        %add3A_209 = vector.broadcast %add3A_208 : i32 to vector<16xi32>
        %add3A_210 = arith.addi %get3A_161, %add3A_209 : vector<16xi32>
        %gather3A_211 = tpu.vector_load_idx %arg10[%add3A_159, %add3A_210] : memref<256x128xf32, #tpu.memory_space<vmem>>[vector<16xi32>, vector<16xi32>], vector<16xf32>,
        %swap3A_212 = arith.constant 6 : i32
        %swap3A_213 = arith.index_cast %swap3A_212 : i32 to index
        %swap3A_214 = arith.index_cast %mul3A_157 : i32 to index
        %swap3A_215 = tpu.vector_load %arg12[%swap3A_213, %swap3A_214] {strides = array<i32>} : memref<32x256xf32, #tpu.memory_space<vmem>>, vector<16xf32>,
        tpu.vector_store %arg12[%swap3A_213, %swap3A_214], %gather3A_211 {strides = array<i32>} : memref<32x256xf32, #tpu.memory_space<vmem>>, vector<16xf32>,
        %add3A_216 = arith.constant 7 : i32
        %add3A_217 = vector.broadcast %add3A_216 : i32 to vector<16xi32>
        %add3A_218 = arith.addi %get3A_161, %add3A_217 : vector<16xi32>
        %gather3A_219 = tpu.vector_load_idx %arg10[%add3A_159, %add3A_218] : memref<256x128xf32, #tpu.memory_space<vmem>>[vector<16xi32>, vector<16xi32>], vector<16xf32>,
        %swap3A_220 = arith.constant 7 : i32
        %swap3A_221 = arith.index_cast %swap3A_220 : i32 to index
        %swap3A_222 = arith.index_cast %mul3A_157 : i32 to index
        %swap3A_223 = tpu.vector_load %arg12[%swap3A_221, %swap3A_222] {strides = array<i32>} : memref<32x256xf32, #tpu.memory_space<vmem>>, vector<16xf32>,
        tpu.vector_store %arg12[%swap3A_221, %swap3A_222], %gather3A_219 {strides = array<i32>} : memref<32x256xf32, #tpu.memory_space<vmem>>, vector<16xf32>,
        %add3A_224 = arith.constant 8 : i32
        %add3A_225 = vector.broadcast %add3A_224 : i32 to vector<16xi32>
        %add3A_226 = arith.addi %get3A_161, %add3A_225 : vector<16xi32>
        %gather3A_227 = tpu.vector_load_idx %arg10[%add3A_159, %add3A_226] : memref<256x128xf32, #tpu.memory_space<vmem>>[vector<16xi32>, vector<16xi32>], vector<16xf32>,
        %swap3A_228 = arith.constant 8 : i32
        %swap3A_229 = arith.index_cast %swap3A_228 : i32 to index
        %swap3A_230 = arith.index_cast %mul3A_157 : i32 to index
        %swap3A_231 = tpu.vector_load %arg12[%swap3A_229, %swap3A_230] {strides = array<i32>} : memref<32x256xf32, #tpu.memory_space<vmem>>, vector<16xf32>,
        tpu.vector_store %arg12[%swap3A_229, %swap3A_230], %gather3A_227 {strides = array<i32>} : memref<32x256xf32, #tpu.memory_space<vmem>>, vector<16xf32>,
        %add3A_232 = arith.constant 9 : i32
        %add3A_233 = vector.broadcast %add3A_232 : i32 to vector<16xi32>
        %add3A_234 = arith.addi %get3A_161, %add3A_233 : vector<16xi32>
        %gather3A_235 = tpu.vector_load_idx %arg10[%add3A_159, %add3A_234] : memref<256x128xf32, #tpu.memory_space<vmem>>[vector<16xi32>, vector<16xi32>], vector<16xf32>,
        %swap3A_236 = arith.constant 9 : i32
        %swap3A_237 = arith.index_cast %swap3A_236 : i32 to index
        %swap3A_238 = arith.index_cast %mul3A_157 : i32 to index
        %swap3A_239 = tpu.vector_load %arg12[%swap3A_237, %swap3A_238] {strides = array<i32>} : memref<32x256xf32, #tpu.memory_space<vmem>>, vector<16xf32>,
        tpu.vector_store %arg12[%swap3A_237, %swap3A_238], %gather3A_235 {strides = array<i32>} : memref<32x256xf32, #tpu.memory_space<vmem>>, vector<16xf32>,
        %add3A_240 = arith.constant 10 : i32
        %add3A_241 = vector.broadcast %add3A_240 : i32 to vector<16xi32>
        %add3A_242 = arith.addi %get3A_161, %add3A_241 : vector<16xi32>
        %gather3A_243 = tpu.vector_load_idx %arg10[%add3A_159, %add3A_242] : memref<256x128xf32, #tpu.memory_space<vmem>>[vector<16xi32>, vector<16xi32>], vector<16xf32>,
        %swap3A_244 = arith.constant 10 : i32
        %swap3A_245 = arith.index_cast %swap3A_244 : i32 to index
        %swap3A_246 = arith.index_cast %mul3A_157 : i32 to index
        %swap3A_247 = tpu.vector_load %arg12[%swap3A_245, %swap3A_246] {strides = array<i32>} : memref<32x256xf32, #tpu.memory_space<vmem>>, vector<16xf32>,
        tpu.vector_store %arg12[%swap3A_245, %swap3A_246], %gather3A_243 {strides = array<i32>} : memref<32x256xf32, #tpu.memory_space<vmem>>, vector<16xf32>,
        %add3A_248 = arith.constant 11 : i32
        %add3A_249 = vector.broadcast %add3A_248 : i32 to vector<16xi32>
        %add3A_250 = arith.addi %get3A_161, %add3A_249 : vector<16xi32>
        %gather3A_251 = tpu.vector_load_idx %arg10[%add3A_159, %add3A_250] : memref<256x128xf32, #tpu.memory_space<vmem>>[vector<16xi32>, vector<16xi32>], vector<16xf32>,
        %swap3A_252 = arith.constant 11 : i32
        %swap3A_253 = arith.index_cast %swap3A_252 : i32 to index
        %swap3A_254 = arith.index_cast %mul3A_157 : i32 to index
        %swap3A_255 = tpu.vector_load %arg12[%swap3A_253, %swap3A_254] {strides = array<i32>} : memref<32x256xf32, #tpu.memory_space<vmem>>, vector<16xf32>,
        tpu.vector_store %arg12[%swap3A_253, %swap3A_254], %gather3A_251 {strides = array<i32>} : memref<32x256xf32, #tpu.memory_space<vmem>>, vector<16xf32>,
        %add3A_256 = arith.constant 12 : i32
        %add3A_257 = vector.broadcast %add3A_256 : i32 to vector<16xi32>
        %add3A_258 = arith.addi %get3A_161, %add3A_257 : vector<16xi32>
        %gather3A_259 = tpu.vector_load_idx %arg10[%add3A_159, %add3A_258] : memref<256x128xf32, #tpu.memory_space<vmem>>[vector<16xi32>, vector<16xi32>], vector<16xf32>,
        %swap3A_260 = arith.constant 12 : i32
        %swap3A_261 = arith.index_cast %swap3A_260 : i32 to index
        %swap3A_262 = arith.index_cast %mul3A_157 : i32 to index
        %swap3A_263 = tpu.vector_load %arg12[%swap3A_261, %swap3A_262] {strides = array<i32>} : memref<32x256xf32, #tpu.memory_space<vmem>>, vector<16xf32>,
        tpu.vector_store %arg12[%swap3A_261, %swap3A_262], %gather3A_259 {strides = array<i32>} : memref<32x256xf32, #tpu.memory_space<vmem>>, vector<16xf32>,
        %add3A_264 = arith.constant 13 : i32
        %add3A_265 = vector.broadcast %add3A_264 : i32 to vector<16xi32>
        %add3A_266 = arith.addi %get3A_161, %add3A_265 : vector<16xi32>
        %gather3A_267 = tpu.vector_load_idx %arg10[%add3A_159, %add3A_266] : memref<256x128xf32, #tpu.memory_space<vmem>>[vector<16xi32>, vector<16xi32>], vector<16xf32>,
        %swap3A_268 = arith.constant 13 : i32
        %swap3A_269 = arith.index_cast %swap3A_268 : i32 to index
        %swap3A_270 = arith.index_cast %mul3A_157 : i32 to index
        %swap3A_271 = tpu.vector_load %arg12[%swap3A_269, %swap3A_270] {strides = array<i32>} : memref<32x256xf32, #tpu.memory_space<vmem>>, vector<16xf32>,
        tpu.vector_store %arg12[%swap3A_269, %swap3A_270], %gather3A_267 {strides = array<i32>} : memref<32x256xf32, #tpu.memory_space<vmem>>, vector<16xf32>,
        %add3A_272 = arith.constant 14 : i32
        %add3A_273 = vector.broadcast %add3A_272 : i32 to vector<16xi32>
        %add3A_274 = arith.addi %get3A_161, %add3A_273 : vector<16xi32>
        %gather3A_275 = tpu.vector_load_idx %arg10[%add3A_159, %add3A_274] : memref<256x128xf32, #tpu.memory_space<vmem>>[vector<16xi32>, vector<16xi32>], vector<16xf32>,
        %swap3A_276 = arith.constant 14 : i32
        %swap3A_277 = arith.index_cast %swap3A_276 : i32 to index
        %swap3A_278 = arith.index_cast %mul3A_157 : i32 to index
        %swap3A_279 = tpu.vector_load %arg12[%swap3A_277, %swap3A_278] {strides = array<i32>} : memref<32x256xf32, #tpu.memory_space<vmem>>, vector<16xf32>,
        tpu.vector_store %arg12[%swap3A_277, %swap3A_278], %gather3A_275 {strides = array<i32>} : memref<32x256xf32, #tpu.memory_space<vmem>>, vector<16xf32>,
        %add3A_280 = arith.constant 15 : i32
        %add3A_281 = vector.broadcast %add3A_280 : i32 to vector<16xi32>
        %add3A_282 = arith.addi %get3A_161, %add3A_281 : vector<16xi32>
        %gather3A_283 = tpu.vector_load_idx %arg10[%add3A_159, %add3A_282] : memref<256x128xf32, #tpu.memory_space<vmem>>[vector<16xi32>, vector<16xi32>], vector<16xf32>,
        %swap3A_284 = arith.constant 15 : i32
        %swap3A_285 = arith.index_cast %swap3A_284 : i32 to index
        %swap3A_286 = arith.index_cast %mul3A_157 : i32 to index
        %swap3A_287 = tpu.vector_load %arg12[%swap3A_285, %swap3A_286] {strides = array<i32>} : memref<32x256xf32, #tpu.memory_space<vmem>>, vector<16xf32>,
        tpu.vector_store %arg12[%swap3A_285, %swap3A_286], %gather3A_283 {strides = array<i32>} : memref<32x256xf32, #tpu.memory_space<vmem>>, vector<16xf32>,
        %add3A_288 = arith.constant 16 : i32
        %add3A_289 = vector.broadcast %add3A_288 : i32 to vector<16xi32>
        %add3A_290 = arith.addi %get3A_161, %add3A_289 : vector<16xi32>
        %gather3A_291 = tpu.vector_load_idx %arg10[%add3A_159, %add3A_290] : memref<256x128xf32, #tpu.memory_space<vmem>>[vector<16xi32>, vector<16xi32>], vector<16xf32>,
        %swap3A_292 = arith.constant 16 : i32
        %swap3A_293 = arith.index_cast %swap3A_292 : i32 to index
        %swap3A_294 = arith.index_cast %mul3A_157 : i32 to index
        %swap3A_295 = tpu.vector_load %arg12[%swap3A_293, %swap3A_294] {strides = array<i32>} : memref<32x256xf32, #tpu.memory_space<vmem>>, vector<16xf32>,
        tpu.vector_store %arg12[%swap3A_293, %swap3A_294], %gather3A_291 {strides = array<i32>} : memref<32x256xf32, #tpu.memory_space<vmem>>, vector<16xf32>,
        %add3A_296 = arith.constant 17 : i32
        %add3A_297 = vector.broadcast %add3A_296 : i32 to vector<16xi32>
        %add3A_298 = arith.addi %get3A_161, %add3A_297 : vector<16xi32>
        %gather3A_299 = tpu.vector_load_idx %arg10[%add3A_159, %add3A_298] : memref<256x128xf32, #tpu.memory_space<vmem>>[vector<16xi32>, vector<16xi32>], vector<16xf32>,
        %swap3A_300 = arith.constant 17 : i32
        %swap3A_301 = arith.index_cast %swap3A_300 : i32 to index
        %swap3A_302 = arith.index_cast %mul3A_157 : i32 to index
        %swap3A_303 = tpu.vector_load %arg12[%swap3A_301, %swap3A_302] {strides = array<i32>} : memref<32x256xf32, #tpu.memory_space<vmem>>, vector<16xf32>,
        tpu.vector_store %arg12[%swap3A_301, %swap3A_302], %gather3A_299 {strides = array<i32>} : memref<32x256xf32, #tpu.memory_space<vmem>>, vector<16xf32>,
        %add3A_304 = arith.constant 18 : i32
        %add3A_305 = vector.broadcast %add3A_304 : i32 to vector<16xi32>
        %add3A_306 = arith.addi %get3A_161, %add3A_305 : vector<16xi32>
        %gather3A_307 = tpu.vector_load_idx %arg10[%add3A_159, %add3A_306] : memref<256x128xf32, #tpu.memory_space<vmem>>[vector<16xi32>, vector<16xi32>], vector<16xf32>,
        %swap3A_308 = arith.constant 18 : i32
        %swap3A_309 = arith.index_cast %swap3A_308 : i32 to index
        %swap3A_310 = arith.index_cast %mul3A_157 : i32 to index
        %swap3A_311 = tpu.vector_load %arg12[%swap3A_309, %swap3A_310] {strides = array<i32>} : memref<32x256xf32, #tpu.memory_space<vmem>>, vector<16xf32>,
        tpu.vector_store %arg12[%swap3A_309, %swap3A_310], %gather3A_307 {strides = array<i32>} : memref<32x256xf32, #tpu.memory_space<vmem>>, vector<16xf32>,
        %add3A_312 = arith.constant 19 : i32
        %add3A_313 = vector.broadcast %add3A_312 : i32 to vector<16xi32>
        %add3A_314 = arith.addi %get3A_161, %add3A_313 : vector<16xi32>
        %gather3A_315 = tpu.vector_load_idx %arg10[%add3A_159, %add3A_314] : memref<256x128xf32, #tpu.memory_space<vmem>>[vector<16xi32>, vector<16xi32>], vector<16xf32>,
        %swap3A_316 = arith.constant 19 : i32
        %swap3A_317 = arith.index_cast %swap3A_316 : i32 to index
        %swap3A_318 = arith.index_cast %mul3A_157 : i32 to index
        %swap3A_319 = tpu.vector_load %arg12[%swap3A_317, %swap3A_318] {strides = array<i32>} : memref<32x256xf32, #tpu.memory_space<vmem>>, vector<16xf32>,
        tpu.vector_store %arg12[%swap3A_317, %swap3A_318], %gather3A_315 {strides = array<i32>} : memref<32x256xf32, #tpu.memory_space<vmem>>, vector<16xf32>,
        %add3A_320 = arith.constant 20 : i32
        %add3A_321 = vector.broadcast %add3A_320 : i32 to vector<16xi32>
        %add3A_322 = arith.addi %get3A_161, %add3A_321 : vector<16xi32>
        %gather3A_323 = tpu.vector_load_idx %arg10[%add3A_159, %add3A_322] : memref<256x128xf32, #tpu.memory_space<vmem>>[vector<16xi32>, vector<16xi32>], vector<16xf32>,
        %swap3A_324 = arith.constant 20 : i32
        %swap3A_325 = arith.index_cast %swap3A_324 : i32 to index
        %swap3A_326 = arith.index_cast %mul3A_157 : i32 to index
        %swap3A_327 = tpu.vector_load %arg12[%swap3A_325, %swap3A_326] {strides = array<i32>} : memref<32x256xf32, #tpu.memory_space<vmem>>, vector<16xf32>,
        tpu.vector_store %arg12[%swap3A_325, %swap3A_326], %gather3A_323 {strides = array<i32>} : memref<32x256xf32, #tpu.memory_space<vmem>>, vector<16xf32>,
        %add3A_328 = arith.constant 21 : i32
        %add3A_329 = vector.broadcast %add3A_328 : i32 to vector<16xi32>
        %add3A_330 = arith.addi %get3A_161, %add3A_329 : vector<16xi32>
        %gather3A_331 = tpu.vector_load_idx %arg10[%add3A_159, %add3A_330] : memref<256x128xf32, #tpu.memory_space<vmem>>[vector<16xi32>, vector<16xi32>], vector<16xf32>,
        %swap3A_332 = arith.constant 21 : i32
        %swap3A_333 = arith.index_cast %swap3A_332 : i32 to index
        %swap3A_334 = arith.index_cast %mul3A_157 : i32 to index
        %swap3A_335 = tpu.vector_load %arg12[%swap3A_333, %swap3A_334] {strides = array<i32>} : memref<32x256xf32, #tpu.memory_space<vmem>>, vector<16xf32>,
        tpu.vector_store %arg12[%swap3A_333, %swap3A_334], %gather3A_331 {strides = array<i32>} : memref<32x256xf32, #tpu.memory_space<vmem>>, vector<16xf32>,
        %add3A_336 = arith.constant 22 : i32
        %add3A_337 = vector.broadcast %add3A_336 : i32 to vector<16xi32>
        %add3A_338 = arith.addi %get3A_161, %add3A_337 : vector<16xi32>
        %gather3A_339 = tpu.vector_load_idx %arg10[%add3A_159, %add3A_338] : memref<256x128xf32, #tpu.memory_space<vmem>>[vector<16xi32>, vector<16xi32>], vector<16xf32>,
        %swap3A_340 = arith.constant 22 : i32
        %swap3A_341 = arith.index_cast %swap3A_340 : i32 to index
        %swap3A_342 = arith.index_cast %mul3A_157 : i32 to index
        %swap3A_343 = tpu.vector_load %arg12[%swap3A_341, %swap3A_342] {strides = array<i32>} : memref<32x256xf32, #tpu.memory_space<vmem>>, vector<16xf32>,
        tpu.vector_store %arg12[%swap3A_341, %swap3A_342], %gather3A_339 {strides = array<i32>} : memref<32x256xf32, #tpu.memory_space<vmem>>, vector<16xf32>,
        %add3A_344 = arith.constant 23 : i32
        %add3A_345 = vector.broadcast %add3A_344 : i32 to vector<16xi32>
        %add3A_346 = arith.addi %get3A_161, %add3A_345 : vector<16xi32>
        %gather3A_347 = tpu.vector_load_idx %arg10[%add3A_159, %add3A_346] : memref<256x128xf32, #tpu.memory_space<vmem>>[vector<16xi32>, vector<16xi32>], vector<16xf32>,
        %swap3A_348 = arith.constant 23 : i32
        %swap3A_349 = arith.index_cast %swap3A_348 : i32 to index
        %swap3A_350 = arith.index_cast %mul3A_157 : i32 to index
        %swap3A_351 = tpu.vector_load %arg12[%swap3A_349, %swap3A_350] {strides = array<i32>} : memref<32x256xf32, #tpu.memory_space<vmem>>, vector<16xf32>,
        tpu.vector_store %arg12[%swap3A_349, %swap3A_350], %gather3A_347 {strides = array<i32>} : memref<32x256xf32, #tpu.memory_space<vmem>>, vector<16xf32>,
        %add3A_352 = arith.constant 24 : i32
        %add3A_353 = vector.broadcast %add3A_352 : i32 to vector<16xi32>
        %add3A_354 = arith.addi %get3A_161, %add3A_353 : vector<16xi32>
        %gather3A_355 = tpu.vector_load_idx %arg10[%add3A_159, %add3A_354] : memref<256x128xf32, #tpu.memory_space<vmem>>[vector<16xi32>, vector<16xi32>], vector<16xf32>,
        %swap3A_356 = arith.constant 24 : i32
        %swap3A_357 = arith.index_cast %swap3A_356 : i32 to index
        %swap3A_358 = arith.index_cast %mul3A_157 : i32 to index
        %swap3A_359 = tpu.vector_load %arg12[%swap3A_357, %swap3A_358] {strides = array<i32>} : memref<32x256xf32, #tpu.memory_space<vmem>>, vector<16xf32>,
        tpu.vector_store %arg12[%swap3A_357, %swap3A_358], %gather3A_355 {strides = array<i32>} : memref<32x256xf32, #tpu.memory_space<vmem>>, vector<16xf32>,
        %add3A_360 = arith.constant 25 : i32
        %add3A_361 = vector.broadcast %add3A_360 : i32 to vector<16xi32>
        %add3A_362 = arith.addi %get3A_161, %add3A_361 : vector<16xi32>
        %gather3A_363 = tpu.vector_load_idx %arg10[%add3A_159, %add3A_362] : memref<256x128xf32, #tpu.memory_space<vmem>>[vector<16xi32>, vector<16xi32>], vector<16xf32>,
        %swap3A_364 = arith.constant 25 : i32
        %swap3A_365 = arith.index_cast %swap3A_364 : i32 to index
        %swap3A_366 = arith.index_cast %mul3A_157 : i32 to index
        %swap3A_367 = tpu.vector_load %arg12[%swap3A_365, %swap3A_366] {strides = array<i32>} : memref<32x256xf32, #tpu.memory_space<vmem>>, vector<16xf32>,
        tpu.vector_store %arg12[%swap3A_365, %swap3A_366], %gather3A_363 {strides = array<i32>} : memref<32x256xf32, #tpu.memory_space<vmem>>, vector<16xf32>,
        %add3A_368 = arith.constant 26 : i32
        %add3A_369 = vector.broadcast %add3A_368 : i32 to vector<16xi32>
        %add3A_370 = arith.addi %get3A_161, %add3A_369 : vector<16xi32>
        %gather3A_371 = tpu.vector_load_idx %arg10[%add3A_159, %add3A_370] : memref<256x128xf32, #tpu.memory_space<vmem>>[vector<16xi32>, vector<16xi32>], vector<16xf32>,
        %swap3A_372 = arith.constant 26 : i32
        %swap3A_373 = arith.index_cast %swap3A_372 : i32 to index
        %swap3A_374 = arith.index_cast %mul3A_157 : i32 to index
        %swap3A_375 = tpu.vector_load %arg12[%swap3A_373, %swap3A_374] {strides = array<i32>} : memref<32x256xf32, #tpu.memory_space<vmem>>, vector<16xf32>,
        tpu.vector_store %arg12[%swap3A_373, %swap3A_374], %gather3A_371 {strides = array<i32>} : memref<32x256xf32, #tpu.memory_space<vmem>>, vector<16xf32>,
        %add3A_376 = arith.constant 27 : i32
        %add3A_377 = vector.broadcast %add3A_376 : i32 to vector<16xi32>
        %add3A_378 = arith.addi %get3A_161, %add3A_377 : vector<16xi32>
        %gather3A_379 = tpu.vector_load_idx %arg10[%add3A_159, %add3A_378] : memref<256x128xf32, #tpu.memory_space<vmem>>[vector<16xi32>, vector<16xi32>], vector<16xf32>,
        %swap3A_380 = arith.constant 27 : i32
        %swap3A_381 = arith.index_cast %swap3A_380 : i32 to index
        %swap3A_382 = arith.index_cast %mul3A_157 : i32 to index
        %swap3A_383 = tpu.vector_load %arg12[%swap3A_381, %swap3A_382] {strides = array<i32>} : memref<32x256xf32, #tpu.memory_space<vmem>>, vector<16xf32>,
        tpu.vector_store %arg12[%swap3A_381, %swap3A_382], %gather3A_379 {strides = array<i32>} : memref<32x256xf32, #tpu.memory_space<vmem>>, vector<16xf32>,
        %add3A_384 = arith.constant 28 : i32
        %add3A_385 = vector.broadcast %add3A_384 : i32 to vector<16xi32>
        %add3A_386 = arith.addi %get3A_161, %add3A_385 : vector<16xi32>
        %gather3A_387 = tpu.vector_load_idx %arg10[%add3A_159, %add3A_386] : memref<256x128xf32, #tpu.memory_space<vmem>>[vector<16xi32>, vector<16xi32>], vector<16xf32>,
        %swap3A_388 = arith.constant 28 : i32
        %swap3A_389 = arith.index_cast %swap3A_388 : i32 to index
        %swap3A_390 = arith.index_cast %mul3A_157 : i32 to index
        %swap3A_391 = tpu.vector_load %arg12[%swap3A_389, %swap3A_390] {strides = array<i32>} : memref<32x256xf32, #tpu.memory_space<vmem>>, vector<16xf32>,
        tpu.vector_store %arg12[%swap3A_389, %swap3A_390], %gather3A_387 {strides = array<i32>} : memref<32x256xf32, #tpu.memory_space<vmem>>, vector<16xf32>,
        %add3A_392 = arith.constant 29 : i32
        %add3A_393 = vector.broadcast %add3A_392 : i32 to vector<16xi32>
        %add3A_394 = arith.addi %get3A_161, %add3A_393 : vector<16xi32>
        %gather3A_395 = tpu.vector_load_idx %arg10[%add3A_159, %add3A_394] : memref<256x128xf32, #tpu.memory_space<vmem>>[vector<16xi32>, vector<16xi32>], vector<16xf32>,
        %swap3A_396 = arith.constant 29 : i32
        %swap3A_397 = arith.index_cast %swap3A_396 : i32 to index
        %swap3A_398 = arith.index_cast %mul3A_157 : i32 to index
        %swap3A_399 = tpu.vector_load %arg12[%swap3A_397, %swap3A_398] {strides = array<i32>} : memref<32x256xf32, #tpu.memory_space<vmem>>, vector<16xf32>,
        tpu.vector_store %arg12[%swap3A_397, %swap3A_398], %gather3A_395 {strides = array<i32>} : memref<32x256xf32, #tpu.memory_space<vmem>>, vector<16xf32>,
        %add3A_400 = arith.constant 30 : i32
        %add3A_401 = vector.broadcast %add3A_400 : i32 to vector<16xi32>
        %add3A_402 = arith.addi %get3A_161, %add3A_401 : vector<16xi32>
        %gather3A_403 = tpu.vector_load_idx %arg10[%add3A_159, %add3A_402] : memref<256x128xf32, #tpu.memory_space<vmem>>[vector<16xi32>, vector<16xi32>], vector<16xf32>,
        %swap3A_404 = arith.constant 30 : i32
        %swap3A_405 = arith.index_cast %swap3A_404 : i32 to index
        %swap3A_406 = arith.index_cast %mul3A_157 : i32 to index
        %swap3A_407 = tpu.vector_load %arg12[%swap3A_405, %swap3A_406] {strides = array<i32>} : memref<32x256xf32, #tpu.memory_space<vmem>>, vector<16xf32>,
        tpu.vector_store %arg12[%swap3A_405, %swap3A_406], %gather3A_403 {strides = array<i32>} : memref<32x256xf32, #tpu.memory_space<vmem>>, vector<16xf32>,
        %add3A_408 = arith.constant 31 : i32
        %add3A_409 = vector.broadcast %add3A_408 : i32 to vector<16xi32>
        %add3A_410 = arith.addi %get3A_161, %add3A_409 : vector<16xi32>
        %gather3A_411 = tpu.vector_load_idx %arg10[%add3A_159, %add3A_410] : memref<256x128xf32, #tpu.memory_space<vmem>>[vector<16xi32>, vector<16xi32>], vector<16xf32>,
        %swap3A_412 = arith.constant 31 : i32
        %swap3A_413 = arith.index_cast %swap3A_412 : i32 to index
        %swap3A_414 = arith.index_cast %mul3A_157 : i32 to index
        %swap3A_415 = tpu.vector_load %arg12[%swap3A_413, %swap3A_414] {strides = array<i32>} : memref<32x256xf32, #tpu.memory_space<vmem>>, vector<16xf32>,
        tpu.vector_store %arg12[%swap3A_413, %swap3A_414], %gather3A_411 {strides = array<i32>} : memref<32x256xf32, #tpu.memory_space<vmem>>, vector<16xf32>,
      }
      %scan3A_142 = arith.constant 16 : i32
      %eq3A_143 = arith.constant 0 : i32
      %eq3A_144 = arith.cmpi eq, %add3A_87, %eq3A_143 : i32
      %add3A_145 = arith.constant 16 : i32
      %add3A_146 = arith.addi %add3A_145, %add3A_87 : i32
      %jit3A_147 = arith.constant 0 : i32
      %select_n3A_148 = arith.select %eq3A_144, %jit3A_147, %add3A_146 : i32
      %dma_start3A_149 = arith.constant 0 : i32
      %dma_start3A_150 = tpu.memref_slice %arg5[%select_n3A_148, %dma_start3A_149, %add3A_4] : memref<36x32x16384xf32, #tpu.memory_space<hbm>> -> memref<1x32x256xf32, #tpu.memory_space<hbm>>
      %dma_start3A_151 = tpu.memref_squeeze %dma_start3A_150 : memref<1x32x256xf32, #tpu.memory_space<hbm>> -> memref<32x256xf32, #tpu.memory_space<hbm>>
      %dma_start3A_152 = arith.constant 0 : i32
      %dma_start3A_153 = tpu.memref_slice %arg5[%select_n3A_148, %dma_start3A_152, %add3A_4] : memref<36x32x16384xf32, #tpu.memory_space<hbm>> -> memref<1x32x256xf32, #tpu.memory_space<hbm>>
      %dma_start3A_154 = tpu.memref_squeeze %dma_start3A_153 : memref<1x32x256xf32, #tpu.memory_space<hbm>> -> memref<32x256xf32, #tpu.memory_space<hbm>>
      tpu.enqueue_dma source(%arg12 : memref<32x256xf32, #tpu.memory_space<vmem>>) target(%dma_start3A_154 : memref<32x256xf32, #tpu.memory_space<hbm>>) target_semaphore(%arg18 : memref<!tpu.dma_semaphore, #tpu.memory_space<semaphore_mem>>)
    }
    %scan3A_25 = arith.constant 10 : i32
    %jit3A = arith.constant false
    %jit3A_26 = arith.constant 0 : i32
    %jit3A_27 = arith.constant 34 : i32
    %select_n3A = arith.select %jit3A, %jit3A_26, %jit3A_27 : i32
    %dma_wait3A = arith.constant 0 : i32
    %dma_wait3A_28 = tpu.memref_slice %arg5[%select_n3A, %dma_wait3A, %add3A_4] : memref<36x32x16384xf32, #tpu.memory_space<hbm>> -> memref<1x32x256xf32, #tpu.memory_space<hbm>>
    %dma_wait3A_29 = tpu.memref_squeeze %dma_wait3A_28 : memref<1x32x256xf32, #tpu.memory_space<hbm>> -> memref<32x256xf32, #tpu.memory_space<hbm>>
    %dma_wait3A_30 = arith.constant 0 : i32
    %dma_wait3A_31 = tpu.memref_slice %arg5[%select_n3A, %dma_wait3A_30, %add3A_4] : memref<36x32x16384xf32, #tpu.memory_space<hbm>> -> memref<1x32x256xf32, #tpu.memory_space<hbm>>
    %dma_wait3A_32 = tpu.memref_squeeze %dma_wait3A_31 : memref<1x32x256xf32, #tpu.memory_space<hbm>> -> memref<32x256xf32, #tpu.memory_space<hbm>>
    tpu.wait_dma2 semaphore(%arg17 : memref<!tpu.dma_semaphore, #tpu.memory_space<semaphore_mem>>) src(%arg11 : memref<32x256xf32, #tpu.memory_space<vmem>>) dst(%dma_wait3A_32 : memref<32x256xf32, #tpu.memory_space<hbm>>)
    %jit3A_33 = arith.constant false
    %jit3A_34 = arith.constant 0 : i32
    %jit3A_35 = arith.constant 35 : i32
    %select_n3A_36 = arith.select %jit3A_33, %jit3A_34, %jit3A_35 : i32
    %dma_wait3A_37 = arith.constant 0 : i32
    %dma_wait3A_38 = tpu.memref_slice %arg5[%select_n3A_36, %dma_wait3A_37, %add3A_4] : memref<36x32x16384xf32, #tpu.memory_space<hbm>> -> memref<1x32x256xf32, #tpu.memory_space<hbm>>
    %dma_wait3A_39 = tpu.memref_squeeze %dma_wait3A_38 : memref<1x32x256xf32, #tpu.memory_space<hbm>> -> memref<32x256xf32, #tpu.memory_space<hbm>>
    %dma_wait3A_40 = arith.constant 0 : i32
    %dma_wait3A_41 = tpu.memref_slice %arg5[%select_n3A_36, %dma_wait3A_40, %add3A_4] : memref<36x32x16384xf32, #tpu.memory_space<hbm>> -> memref<1x32x256xf32, #tpu.memory_space<hbm>>
    %dma_wait3A_42 = tpu.memref_squeeze %dma_wait3A_41 : memref<1x32x256xf32, #tpu.memory_space<hbm>> -> memref<32x256xf32, #tpu.memory_space<hbm>>
    tpu.wait_dma2 semaphore(%arg18 : memref<!tpu.dma_semaphore, #tpu.memory_space<semaphore_mem>>) src(%arg12 : memref<32x256xf32, #tpu.memory_space<vmem>>) dst(%dma_wait3A_42 : memref<32x256xf32, #tpu.memory_space<hbm>>)
    %add3A_43 = arith.constant 256 : i32
    %add3A_44 = arith.addi %mul3A_2, %add3A_43 : i32
    "tpu.region"() ({
      %run_scoped3A = tpu.sem_alloc : memref<!tpu.dma_semaphore, #tpu.memory_space<semaphore_mem>>
      %dma_start3A_83 = arith.constant 0 : i32
      %dma_start3A_84 = tpu.memref_slice %arg2[%dma_start3A_83, %add3A_44] : memref<20x16384xi32, #tpu.memory_space<hbm>> -> memref<20x256xi32, #tpu.memory_space<hbm>>
      %dma_start3A_85 = arith.constant 0 : i32
      %dma_start3A_86 = tpu.memref_slice %arg2[%dma_start3A_85, %add3A_44] : memref<20x16384xi32, #tpu.memory_space<hbm>> -> memref<20x256xi32, #tpu.memory_space<hbm>>
      tpu.enqueue_dma source(%dma_start3A_86 : memref<20x256xi32, #tpu.memory_space<hbm>>) target(%arg6 : memref<20x256xi32, #tpu.memory_space<vmem>>) target_semaphore(%run_scoped3A : memref<!tpu.dma_semaphore, #tpu.memory_space<semaphore_mem>>)
      %dma_wait3A_87 = arith.constant 0 : i32
      %dma_wait3A_88 = tpu.memref_slice %arg2[%dma_wait3A_87, %add3A_44] : memref<20x16384xi32, #tpu.memory_space<hbm>> -> memref<20x256xi32, #tpu.memory_space<hbm>>
      %dma_wait3A_89 = arith.constant 0 : i32
      %dma_wait3A_90 = tpu.memref_slice %arg2[%dma_wait3A_89, %add3A_44] : memref<20x16384xi32, #tpu.memory_space<hbm>> -> memref<20x256xi32, #tpu.memory_space<hbm>>
      tpu.wait_dma2 semaphore(%run_scoped3A : memref<!tpu.dma_semaphore, #tpu.memory_space<semaphore_mem>>) src(%dma_wait3A_90 : memref<20x256xi32, #tpu.memory_space<hbm>>) dst(%arg6 : memref<20x256xi32, #tpu.memory_space<vmem>>)
      tpu.yield
    }) : () -> ()
    %scan3A_45 = arith.constant 0 : i32
    %scan3A_46 = arith.constant 0 : i32
    %scan3A_47 = arith.constant 320 : i32
    %scan3A_48 = arith.addi %scan3A_46, %scan3A_47 : i32
    %scan3A_49 = arith.constant 1 : i32
    scf.for %scan3A_83 = %scan3A_46 to %scan3A_48 step %scan3A_49  : i32 {
      %jit3A_84 = arith.constant 16 : i32
      %div3A = arith.divsi %scan3A_83, %jit3A_84 : i32
      %sign3A = arith.constant 0 : i32
      %sign3A_85 = arith.cmpi sgt, %scan3A_83, %sign3A : i32
      %sign3A_86 = arith.extui %sign3A_85 : i1 to i32
      %sign3A_87 = arith.constant 0 : i32
      %sign3A_88 = arith.cmpi slt, %scan3A_83, %sign3A_87 : i32
      %sign3A_89 = arith.extui %sign3A_88 : i1 to i32
      %sign3A_90 = arith.subi %sign3A_86, %sign3A_89 : i32
      %sign3A_91 = arith.constant 0 : i32
      %sign3A_92 = arith.cmpi sgt, %jit3A_84, %sign3A_91 : i32
      %sign3A_93 = arith.extui %sign3A_92 : i1 to i32
      %sign3A_94 = arith.constant 0 : i32
      %sign3A_95 = arith.cmpi slt, %jit3A_84, %sign3A_94 : i32
      %sign3A_96 = arith.extui %sign3A_95 : i1 to i32
      %sign3A_97 = arith.subi %sign3A_93, %sign3A_96 : i32
      %ne3A = arith.cmpi ne, %sign3A_90, %sign3A_97 : i32
      %rem3A = arith.remsi %scan3A_83, %jit3A_84 : i32
      %ne3A_98 = arith.constant 0 : i32
      %ne3A_99 = arith.cmpi ne, %rem3A, %ne3A_98 : i32
      %and3A = arith.andi %ne3A, %ne3A_99 : i1
      %sub3A = arith.constant 1 : i32
      %sub3A_100 = arith.subi %div3A, %sub3A : i32
      %select_n3A_101 = arith.select %and3A, %sub3A_100, %div3A : i32
      %jit3A_102 = arith.constant 16 : i32
      %eq3A = arith.constant 0 : i32
      %eq3A_103 = arith.cmpi eq, %jit3A_102, %eq3A : i32
      %jit3A_104 = arith.constant 1 : i32
      %select_n3A_105 = arith.select %eq3A_103, %jit3A_104, %jit3A_102 : i32
      %rem3A_106 = arith.remsi %scan3A_83, %select_n3A_105 : i32
      %ne3A_107 = arith.constant 0 : i32
      %ne3A_108 = arith.cmpi ne, %rem3A_106, %ne3A_107 : i32
      %lt3A = arith.constant 0 : i32
      %lt3A_109 = arith.cmpi slt, %rem3A_106, %lt3A : i32
      %lt3A_110 = arith.constant 0 : i32
      %lt3A_111 = arith.cmpi slt, %select_n3A_105, %lt3A_110 : i32
      %ne3A_112 = arith.xori %lt3A_109, %lt3A_111 : i1
      %and3A_113 = arith.andi %ne3A_112, %ne3A_108 : i1
      %add3A_114 = arith.addi %rem3A_106, %select_n3A_105 : i32
      %select_n3A_115 = arith.select %and3A_113, %add3A_114, %rem3A_106 : i32
      %mul3A_116 = arith.constant 16 : i32
      %mul3A_117 = arith.muli %select_n3A_115, %mul3A_116 : i32
      %get3A = arith.index_cast %select_n3A_101 : i32 to index
      %get3A_118 = arith.index_cast %mul3A_117 : i32 to index
      %get3A_119 = tpu.vector_load %arg6[%get3A, %get3A_118] {strides = array<i32>} : memref<20x256xi32, #tpu.memory_space<vmem>>, vector<16xi32>,
      %jit3A_120 = arith.constant 253952 : i32
      %div3A_121 = vector.broadcast %jit3A_120 : i32 to vector<16xi32>
      %div3A_122 = arith.divsi %get3A_119, %div3A_121 : vector<16xi32>
      %sign3A_123 = arith.constant 0 : i32
      %sign3A_124 = vector.broadcast %sign3A_123 : i32 to vector<16xi32>
      %sign3A_125 = arith.cmpi sgt, %get3A_119, %sign3A_124 : vector<16xi32>
      %sign3A_126 = arith.extui %sign3A_125 : vector<16xi1> to vector<16xi32>
      %sign3A_127 = arith.constant 0 : i32
      %sign3A_128 = vector.broadcast %sign3A_127 : i32 to vector<16xi32>
      %sign3A_129 = arith.cmpi slt, %get3A_119, %sign3A_128 : vector<16xi32>
      %sign3A_130 = arith.extui %sign3A_129 : vector<16xi1> to vector<16xi32>
      %sign3A_131 = arith.subi %sign3A_126, %sign3A_130 : vector<16xi32>
      %sign3A_132 = arith.constant 0 : i32
      %sign3A_133 = arith.cmpi sgt, %jit3A_120, %sign3A_132 : i32
      %sign3A_134 = arith.extui %sign3A_133 : i1 to i32
      %sign3A_135 = arith.constant 0 : i32
      %sign3A_136 = arith.cmpi slt, %jit3A_120, %sign3A_135 : i32
      %sign3A_137 = arith.extui %sign3A_136 : i1 to i32
      %sign3A_138 = arith.subi %sign3A_134, %sign3A_137 : i32
      %ne3A_139 = vector.broadcast %sign3A_138 : i32 to vector<16xi32>
      %ne3A_140 = arith.cmpi ne, %sign3A_131, %ne3A_139 : vector<16xi32>
      %rem3A_141 = vector.broadcast %jit3A_120 : i32 to vector<16xi32>
      %rem3A_142 = arith.remsi %get3A_119, %rem3A_141 : vector<16xi32>
      %ne3A_143 = arith.constant 0 : i32
      %ne3A_144 = vector.broadcast %ne3A_143 : i32 to vector<16xi32>
      %ne3A_145 = arith.cmpi ne, %rem3A_142, %ne3A_144 : vector<16xi32>
      %and3A_146 = arith.andi %ne3A_140, %ne3A_145 : vector<16xi1>
      %sub3A_147 = arith.constant 1 : i32
      %sub3A_148 = vector.broadcast %sub3A_147 : i32 to vector<16xi32>
      %sub3A_149 = arith.subi %div3A_122, %sub3A_148 : vector<16xi32>
      %select_n3A_150 = arith.select %and3A_146, %sub3A_149, %div3A_122 : vector<16xi1>, vector<16xi32>
      %mul3A_151 = arith.constant 253952 : i32
      %mul3A_152 = vector.broadcast %mul3A_151 : i32 to vector<16xi32>
      %mul3A_153 = arith.muli %select_n3A_150, %mul3A_152 : vector<16xi32>
      %sub3A_154 = arith.subi %get3A_119, %mul3A_153 : vector<16xi32>
      %mul3A_155 = arith.constant 16 : i32
      %mul3A_156 = arith.muli %scan3A_83, %mul3A_155 : i32
      %swap3A = arith.index_cast %mul3A_156 : i32 to index
      %swap3A_157 = tpu.vector_load %arg7[%swap3A] {strides = array<i32>} : memref<5120xi32, #tpu.memory_space<vmem>>, vector<16xi32>,
      tpu.vector_store %arg7[%swap3A], %sub3A_154 {strides = array<i32>} : memref<5120xi32, #tpu.memory_space<vmem>>, vector<16xi32>,
      %shift_left3A = arith.constant 5 : i32
      %shift_left3A_158 = vector.broadcast %shift_left3A : i32 to vector<16xi32>
      %shift_left3A_159 = arith.shli %select_n3A_150, %shift_left3A_158 : vector<16xi32>
      %swap3A_160 = arith.index_cast %select_n3A_101 : i32 to index
      %swap3A_161 = arith.index_cast %mul3A_117 : i32 to index
      %swap3A_162 = tpu.vector_load %arg8[%swap3A_160, %swap3A_161] {strides = array<i32>} : memref<20x256xi32, #tpu.memory_space<vmem>>, vector<16xi32>,
      tpu.vector_store %arg8[%swap3A_160, %swap3A_161], %shift_left3A_159 {strides = array<i32>} : memref<20x256xi32, #tpu.memory_space<vmem>>, vector<16xi32>,
    }
    %scan3A_50 = arith.constant 320 : i32
    %multiple_of3A_51 = arith.constant 0 : i32
    %multiple_of3A_52 = tpu.assume_multiple %multiple_of3A_51, 128 : i32
    %dma_start3A_53 = tpu.memref_slice %arg7[%multiple_of3A_52] : memref<5120xi32, #tpu.memory_space<vmem>> -> memref<256xi32, #tpu.memory_space<vmem>>
    %dma_start3A_54 = arith.constant 0 : i32
    %dma_start3A_55 = arith.constant 0 : i32
    %dma_start3A_56 = tpu.memref_slice %arg3[%dma_start3A_54, %dma_start3A_55] : memref<253952x128xf32, #tpu.memory_space<hbm>> -> memref<253952x128xf32, #tpu.memory_space<hbm>>
    tpu.enqueue_indirect_dma source(%dma_start3A_56 : memref<253952x128xf32, #tpu.memory_space<hbm>>) target(%arg9 : memref<256x128xf32, #tpu.memory_space<vmem>>) offsets(%dma_start3A_53 : memref<256xi32, #tpu.memory_space<vmem>>) semaphore(%arg15 : memref<!tpu.dma_semaphore, #tpu.memory_space<semaphore_mem>>)
    %scan3A_57 = arith.constant 0 : i32
    %scan3A_58 = arith.constant 0 : i32
    %scan3A_59 = arith.constant 10 : i32
    %scan3A_60 = arith.addi %scan3A_58, %scan3A_59 : i32
    %scan3A_61 = arith.constant 1 : i32
    scf.for %scan3A_83 = %scan3A_58 to %scan3A_60 step %scan3A_61  : i32 {
      %mul3A_84 = arith.constant 2 : i32
      %mul3A_85 = arith.muli %mul3A_84, %scan3A_83 : i32
      %add3A_86 = arith.constant 1 : i32
      %add3A_87 = arith.addi %mul3A_85, %add3A_86 : i32
      %mul3A_88 = arith.constant 256 : i32
      %mul3A_89 = arith.muli %mul3A_85, %mul3A_88 : i32
      %multiple_of3A_90 = tpu.assume_multiple %mul3A_89, 128 : i32
      %dma_wait3A_91 = tpu.memref_slice %arg7[%multiple_of3A_90] : memref<5120xi32, #tpu.memory_space<vmem>> -> memref<256xi32, #tpu.memory_space<vmem>>
      %dma_wait3A_92 = arith.constant 0 : i32
      %dma_wait3A_93 = arith.constant 0 : i32
      %dma_wait3A_94 = tpu.memref_slice %arg3[%dma_wait3A_92, %dma_wait3A_93] : memref<253952x128xf32, #tpu.memory_space<hbm>> -> memref<253952x128xf32, #tpu.memory_space<hbm>>
      tpu.wait_indirect_dma semaphore(%arg15 : memref<!tpu.dma_semaphore, #tpu.memory_space<semaphore_mem>>) src(%dma_wait3A_94 : memref<253952x128xf32, #tpu.memory_space<hbm>>) dst(%arg9 : memref<256x128xf32, #tpu.memory_space<vmem>>)
      %mul3A_95 = arith.constant 256 : i32
      %mul3A_96 = arith.muli %add3A_87, %mul3A_95 : i32
      %multiple_of3A_97 = tpu.assume_multiple %mul3A_96, 128 : i32
      %dma_start3A_98 = tpu.memref_slice %arg7[%multiple_of3A_97] : memref<5120xi32, #tpu.memory_space<vmem>> -> memref<256xi32, #tpu.memory_space<vmem>>
      %dma_start3A_99 = arith.constant 0 : i32
      %dma_start3A_100 = arith.constant 0 : i32
      %dma_start3A_101 = tpu.memref_slice %arg3[%dma_start3A_99, %dma_start3A_100] : memref<253952x128xf32, #tpu.memory_space<hbm>> -> memref<253952x128xf32, #tpu.memory_space<hbm>>
      tpu.enqueue_indirect_dma source(%dma_start3A_101 : memref<253952x128xf32, #tpu.memory_space<hbm>>) target(%arg10 : memref<256x128xf32, #tpu.memory_space<vmem>>) offsets(%dma_start3A_98 : memref<256xi32, #tpu.memory_space<vmem>>) semaphore(%arg16 : memref<!tpu.dma_semaphore, #tpu.memory_space<semaphore_mem>>)
      %gt3A = arith.constant 0 : i32
      %gt3A_102 = arith.cmpi sgt, %scan3A_83, %gt3A : i32
      %convert_element_type3A = arith.extui %gt3A_102 : i1 to i32
      %cond3A = arith.constant 0 : i32
      %cond3A_103 = arith.cmpi ne, %convert_element_type3A, %cond3A : i32
      scf.if %cond3A_103 {
        %sub3A = arith.constant 2 : i32
        %sub3A_155 = arith.subi %mul3A_85, %sub3A : i32
        %eq3A_156 = arith.constant 0 : i32
        %eq3A_157 = arith.cmpi eq, %sub3A_155, %eq3A_156 : i32
        %add3A_158 = arith.constant 16 : i32
        %add3A_159 = arith.addi %add3A_158, %sub3A_155 : i32
        %jit3A_160 = arith.constant 0 : i32
        %select_n3A_161 = arith.select %eq3A_157, %jit3A_160, %add3A_159 : i32
        %dma_wait3A_162 = arith.constant 0 : i32
        %dma_wait3A_163 = tpu.memref_slice %arg5[%select_n3A_161, %dma_wait3A_162, %add3A_44] : memref<36x32x16384xf32, #tpu.memory_space<hbm>> -> memref<1x32x256xf32, #tpu.memory_space<hbm>>
        %dma_wait3A_164 = tpu.memref_squeeze %dma_wait3A_163 : memref<1x32x256xf32, #tpu.memory_space<hbm>> -> memref<32x256xf32, #tpu.memory_space<hbm>>
        %dma_wait3A_165 = arith.constant 0 : i32
        %dma_wait3A_166 = tpu.memref_slice %arg5[%select_n3A_161, %dma_wait3A_165, %add3A_44] : memref<36x32x16384xf32, #tpu.memory_space<hbm>> -> memref<1x32x256xf32, #tpu.memory_space<hbm>>
        %dma_wait3A_167 = tpu.memref_squeeze %dma_wait3A_166 : memref<1x32x256xf32, #tpu.memory_space<hbm>> -> memref<32x256xf32, #tpu.memory_space<hbm>>
        tpu.wait_dma2 semaphore(%arg17 : memref<!tpu.dma_semaphore, #tpu.memory_space<semaphore_mem>>) src(%arg11 : memref<32x256xf32, #tpu.memory_space<vmem>>) dst(%dma_wait3A_167 : memref<32x256xf32, #tpu.memory_space<hbm>>)
      } else {
      }
      %scan3A_104 = arith.constant 0 : i32
      %scan3A_105 = arith.constant 0 : i32
      %scan3A_106 = arith.constant 16 : i32
      %scan3A_107 = arith.addi %scan3A_105, %scan3A_106 : i32
      %scan3A_108 = arith.constant 1 : i32
      scf.for %scan3A_155 = %scan3A_105 to %scan3A_107 step %scan3A_108  : i32 {
        %mul3A_156 = arith.constant 16 : i32
        %mul3A_157 = arith.muli %scan3A_155, %mul3A_156 : i32
        %add3A_158 = vector.broadcast %mul3A_157 : i32 to vector<16xi32>
        %add3A_159 = arith.addi %iota3A, %add3A_158 : vector<16xi32>
        %get3A = arith.index_cast %mul3A_85 : i32 to index
        %get3A_160 = arith.index_cast %mul3A_157 : i32 to index
        %get3A_161 = tpu.vector_load %arg8[%get3A, %get3A_160] {strides = array<i32>} : memref<20x256xi32, #tpu.memory_space<vmem>>, vector<16xi32>,
        %add3A_162 = arith.constant 0 : i32
        %add3A_163 = vector.broadcast %add3A_162 : i32 to vector<16xi32>
        %add3A_164 = arith.addi %get3A_161, %add3A_163 : vector<16xi32>
        %gather3A = tpu.vector_load_idx %arg9[%add3A_159, %add3A_164] : memref<256x128xf32, #tpu.memory_space<vmem>>[vector<16xi32>, vector<16xi32>], vector<16xf32>,
        %swap3A = arith.constant 0 : i32
        %swap3A_165 = arith.index_cast %swap3A : i32 to index
        %swap3A_166 = arith.index_cast %mul3A_157 : i32 to index
        %swap3A_167 = tpu.vector_load %arg11[%swap3A_165, %swap3A_166] {strides = array<i32>} : memref<32x256xf32, #tpu.memory_space<vmem>>, vector<16xf32>,
        tpu.vector_store %arg11[%swap3A_165, %swap3A_166], %gather3A {strides = array<i32>} : memref<32x256xf32, #tpu.memory_space<vmem>>, vector<16xf32>,
        %add3A_168 = arith.constant 1 : i32
        %add3A_169 = vector.broadcast %add3A_168 : i32 to vector<16xi32>
        %add3A_170 = arith.addi %get3A_161, %add3A_169 : vector<16xi32>
        %gather3A_171 = tpu.vector_load_idx %arg9[%add3A_159, %add3A_170] : memref<256x128xf32, #tpu.memory_space<vmem>>[vector<16xi32>, vector<16xi32>], vector<16xf32>,
        %swap3A_172 = arith.constant 1 : i32
        %swap3A_173 = arith.index_cast %swap3A_172 : i32 to index
        %swap3A_174 = arith.index_cast %mul3A_157 : i32 to index
        %swap3A_175 = tpu.vector_load %arg11[%swap3A_173, %swap3A_174] {strides = array<i32>} : memref<32x256xf32, #tpu.memory_space<vmem>>, vector<16xf32>,
        tpu.vector_store %arg11[%swap3A_173, %swap3A_174], %gather3A_171 {strides = array<i32>} : memref<32x256xf32, #tpu.memory_space<vmem>>, vector<16xf32>,
        %add3A_176 = arith.constant 2 : i32
        %add3A_177 = vector.broadcast %add3A_176 : i32 to vector<16xi32>
        %add3A_178 = arith.addi %get3A_161, %add3A_177 : vector<16xi32>
        %gather3A_179 = tpu.vector_load_idx %arg9[%add3A_159, %add3A_178] : memref<256x128xf32, #tpu.memory_space<vmem>>[vector<16xi32>, vector<16xi32>], vector<16xf32>,
        %swap3A_180 = arith.constant 2 : i32
        %swap3A_181 = arith.index_cast %swap3A_180 : i32 to index
        %swap3A_182 = arith.index_cast %mul3A_157 : i32 to index
        %swap3A_183 = tpu.vector_load %arg11[%swap3A_181, %swap3A_182] {strides = array<i32>} : memref<32x256xf32, #tpu.memory_space<vmem>>, vector<16xf32>,
        tpu.vector_store %arg11[%swap3A_181, %swap3A_182], %gather3A_179 {strides = array<i32>} : memref<32x256xf32, #tpu.memory_space<vmem>>, vector<16xf32>,
        %add3A_184 = arith.constant 3 : i32
        %add3A_185 = vector.broadcast %add3A_184 : i32 to vector<16xi32>
        %add3A_186 = arith.addi %get3A_161, %add3A_185 : vector<16xi32>
        %gather3A_187 = tpu.vector_load_idx %arg9[%add3A_159, %add3A_186] : memref<256x128xf32, #tpu.memory_space<vmem>>[vector<16xi32>, vector<16xi32>], vector<16xf32>,
        %swap3A_188 = arith.constant 3 : i32
        %swap3A_189 = arith.index_cast %swap3A_188 : i32 to index
        %swap3A_190 = arith.index_cast %mul3A_157 : i32 to index
        %swap3A_191 = tpu.vector_load %arg11[%swap3A_189, %swap3A_190] {strides = array<i32>} : memref<32x256xf32, #tpu.memory_space<vmem>>, vector<16xf32>,
        tpu.vector_store %arg11[%swap3A_189, %swap3A_190], %gather3A_187 {strides = array<i32>} : memref<32x256xf32, #tpu.memory_space<vmem>>, vector<16xf32>,
        %add3A_192 = arith.constant 4 : i32
        %add3A_193 = vector.broadcast %add3A_192 : i32 to vector<16xi32>
        %add3A_194 = arith.addi %get3A_161, %add3A_193 : vector<16xi32>
        %gather3A_195 = tpu.vector_load_idx %arg9[%add3A_159, %add3A_194] : memref<256x128xf32, #tpu.memory_space<vmem>>[vector<16xi32>, vector<16xi32>], vector<16xf32>,
        %swap3A_196 = arith.constant 4 : i32
        %swap3A_197 = arith.index_cast %swap3A_196 : i32 to index
        %swap3A_198 = arith.index_cast %mul3A_157 : i32 to index
        %swap3A_199 = tpu.vector_load %arg11[%swap3A_197, %swap3A_198] {strides = array<i32>} : memref<32x256xf32, #tpu.memory_space<vmem>>, vector<16xf32>,
        tpu.vector_store %arg11[%swap3A_197, %swap3A_198], %gather3A_195 {strides = array<i32>} : memref<32x256xf32, #tpu.memory_space<vmem>>, vector<16xf32>,
        %add3A_200 = arith.constant 5 : i32
        %add3A_201 = vector.broadcast %add3A_200 : i32 to vector<16xi32>
        %add3A_202 = arith.addi %get3A_161, %add3A_201 : vector<16xi32>
        %gather3A_203 = tpu.vector_load_idx %arg9[%add3A_159, %add3A_202] : memref<256x128xf32, #tpu.memory_space<vmem>>[vector<16xi32>, vector<16xi32>], vector<16xf32>,
        %swap3A_204 = arith.constant 5 : i32
        %swap3A_205 = arith.index_cast %swap3A_204 : i32 to index
        %swap3A_206 = arith.index_cast %mul3A_157 : i32 to index
        %swap3A_207 = tpu.vector_load %arg11[%swap3A_205, %swap3A_206] {strides = array<i32>} : memref<32x256xf32, #tpu.memory_space<vmem>>, vector<16xf32>,
        tpu.vector_store %arg11[%swap3A_205, %swap3A_206], %gather3A_203 {strides = array<i32>} : memref<32x256xf32, #tpu.memory_space<vmem>>, vector<16xf32>,
        %add3A_208 = arith.constant 6 : i32
        %add3A_209 = vector.broadcast %add3A_208 : i32 to vector<16xi32>
        %add3A_210 = arith.addi %get3A_161, %add3A_209 : vector<16xi32>
        %gather3A_211 = tpu.vector_load_idx %arg9[%add3A_159, %add3A_210] : memref<256x128xf32, #tpu.memory_space<vmem>>[vector<16xi32>, vector<16xi32>], vector<16xf32>,
        %swap3A_212 = arith.constant 6 : i32
        %swap3A_213 = arith.index_cast %swap3A_212 : i32 to index
        %swap3A_214 = arith.index_cast %mul3A_157 : i32 to index
        %swap3A_215 = tpu.vector_load %arg11[%swap3A_213, %swap3A_214] {strides = array<i32>} : memref<32x256xf32, #tpu.memory_space<vmem>>, vector<16xf32>,
        tpu.vector_store %arg11[%swap3A_213, %swap3A_214], %gather3A_211 {strides = array<i32>} : memref<32x256xf32, #tpu.memory_space<vmem>>, vector<16xf32>,
        %add3A_216 = arith.constant 7 : i32
        %add3A_217 = vector.broadcast %add3A_216 : i32 to vector<16xi32>
        %add3A_218 = arith.addi %get3A_161, %add3A_217 : vector<16xi32>
        %gather3A_219 = tpu.vector_load_idx %arg9[%add3A_159, %add3A_218] : memref<256x128xf32, #tpu.memory_space<vmem>>[vector<16xi32>, vector<16xi32>], vector<16xf32>,
        %swap3A_220 = arith.constant 7 : i32
        %swap3A_221 = arith.index_cast %swap3A_220 : i32 to index
        %swap3A_222 = arith.index_cast %mul3A_157 : i32 to index
        %swap3A_223 = tpu.vector_load %arg11[%swap3A_221, %swap3A_222] {strides = array<i32>} : memref<32x256xf32, #tpu.memory_space<vmem>>, vector<16xf32>,
        tpu.vector_store %arg11[%swap3A_221, %swap3A_222], %gather3A_219 {strides = array<i32>} : memref<32x256xf32, #tpu.memory_space<vmem>>, vector<16xf32>,
        %add3A_224 = arith.constant 8 : i32
        %add3A_225 = vector.broadcast %add3A_224 : i32 to vector<16xi32>
        %add3A_226 = arith.addi %get3A_161, %add3A_225 : vector<16xi32>
        %gather3A_227 = tpu.vector_load_idx %arg9[%add3A_159, %add3A_226] : memref<256x128xf32, #tpu.memory_space<vmem>>[vector<16xi32>, vector<16xi32>], vector<16xf32>,
        %swap3A_228 = arith.constant 8 : i32
        %swap3A_229 = arith.index_cast %swap3A_228 : i32 to index
        %swap3A_230 = arith.index_cast %mul3A_157 : i32 to index
        %swap3A_231 = tpu.vector_load %arg11[%swap3A_229, %swap3A_230] {strides = array<i32>} : memref<32x256xf32, #tpu.memory_space<vmem>>, vector<16xf32>,
        tpu.vector_store %arg11[%swap3A_229, %swap3A_230], %gather3A_227 {strides = array<i32>} : memref<32x256xf32, #tpu.memory_space<vmem>>, vector<16xf32>,
        %add3A_232 = arith.constant 9 : i32
        %add3A_233 = vector.broadcast %add3A_232 : i32 to vector<16xi32>
        %add3A_234 = arith.addi %get3A_161, %add3A_233 : vector<16xi32>
        %gather3A_235 = tpu.vector_load_idx %arg9[%add3A_159, %add3A_234] : memref<256x128xf32, #tpu.memory_space<vmem>>[vector<16xi32>, vector<16xi32>], vector<16xf32>,
        %swap3A_236 = arith.constant 9 : i32
        %swap3A_237 = arith.index_cast %swap3A_236 : i32 to index
        %swap3A_238 = arith.index_cast %mul3A_157 : i32 to index
        %swap3A_239 = tpu.vector_load %arg11[%swap3A_237, %swap3A_238] {strides = array<i32>} : memref<32x256xf32, #tpu.memory_space<vmem>>, vector<16xf32>,
        tpu.vector_store %arg11[%swap3A_237, %swap3A_238], %gather3A_235 {strides = array<i32>} : memref<32x256xf32, #tpu.memory_space<vmem>>, vector<16xf32>,
        %add3A_240 = arith.constant 10 : i32
        %add3A_241 = vector.broadcast %add3A_240 : i32 to vector<16xi32>
        %add3A_242 = arith.addi %get3A_161, %add3A_241 : vector<16xi32>
        %gather3A_243 = tpu.vector_load_idx %arg9[%add3A_159, %add3A_242] : memref<256x128xf32, #tpu.memory_space<vmem>>[vector<16xi32>, vector<16xi32>], vector<16xf32>,
        %swap3A_244 = arith.constant 10 : i32
        %swap3A_245 = arith.index_cast %swap3A_244 : i32 to index
        %swap3A_246 = arith.index_cast %mul3A_157 : i32 to index
        %swap3A_247 = tpu.vector_load %arg11[%swap3A_245, %swap3A_246] {strides = array<i32>} : memref<32x256xf32, #tpu.memory_space<vmem>>, vector<16xf32>,
        tpu.vector_store %arg11[%swap3A_245, %swap3A_246], %gather3A_243 {strides = array<i32>} : memref<32x256xf32, #tpu.memory_space<vmem>>, vector<16xf32>,
        %add3A_248 = arith.constant 11 : i32
        %add3A_249 = vector.broadcast %add3A_248 : i32 to vector<16xi32>
        %add3A_250 = arith.addi %get3A_161, %add3A_249 : vector<16xi32>
        %gather3A_251 = tpu.vector_load_idx %arg9[%add3A_159, %add3A_250] : memref<256x128xf32, #tpu.memory_space<vmem>>[vector<16xi32>, vector<16xi32>], vector<16xf32>,
        %swap3A_252 = arith.constant 11 : i32
        %swap3A_253 = arith.index_cast %swap3A_252 : i32 to index
        %swap3A_254 = arith.index_cast %mul3A_157 : i32 to index
        %swap3A_255 = tpu.vector_load %arg11[%swap3A_253, %swap3A_254] {strides = array<i32>} : memref<32x256xf32, #tpu.memory_space<vmem>>, vector<16xf32>,
        tpu.vector_store %arg11[%swap3A_253, %swap3A_254], %gather3A_251 {strides = array<i32>} : memref<32x256xf32, #tpu.memory_space<vmem>>, vector<16xf32>,
        %add3A_256 = arith.constant 12 : i32
        %add3A_257 = vector.broadcast %add3A_256 : i32 to vector<16xi32>
        %add3A_258 = arith.addi %get3A_161, %add3A_257 : vector<16xi32>
        %gather3A_259 = tpu.vector_load_idx %arg9[%add3A_159, %add3A_258] : memref<256x128xf32, #tpu.memory_space<vmem>>[vector<16xi32>, vector<16xi32>], vector<16xf32>,
        %swap3A_260 = arith.constant 12 : i32
        %swap3A_261 = arith.index_cast %swap3A_260 : i32 to index
        %swap3A_262 = arith.index_cast %mul3A_157 : i32 to index
        %swap3A_263 = tpu.vector_load %arg11[%swap3A_261, %swap3A_262] {strides = array<i32>} : memref<32x256xf32, #tpu.memory_space<vmem>>, vector<16xf32>,
        tpu.vector_store %arg11[%swap3A_261, %swap3A_262], %gather3A_259 {strides = array<i32>} : memref<32x256xf32, #tpu.memory_space<vmem>>, vector<16xf32>,
        %add3A_264 = arith.constant 13 : i32
        %add3A_265 = vector.broadcast %add3A_264 : i32 to vector<16xi32>
        %add3A_266 = arith.addi %get3A_161, %add3A_265 : vector<16xi32>
        %gather3A_267 = tpu.vector_load_idx %arg9[%add3A_159, %add3A_266] : memref<256x128xf32, #tpu.memory_space<vmem>>[vector<16xi32>, vector<16xi32>], vector<16xf32>,
        %swap3A_268 = arith.constant 13 : i32
        %swap3A_269 = arith.index_cast %swap3A_268 : i32 to index
        %swap3A_270 = arith.index_cast %mul3A_157 : i32 to index
        %swap3A_271 = tpu.vector_load %arg11[%swap3A_269, %swap3A_270] {strides = array<i32>} : memref<32x256xf32, #tpu.memory_space<vmem>>, vector<16xf32>,
        tpu.vector_store %arg11[%swap3A_269, %swap3A_270], %gather3A_267 {strides = array<i32>} : memref<32x256xf32, #tpu.memory_space<vmem>>, vector<16xf32>,
        %add3A_272 = arith.constant 14 : i32
        %add3A_273 = vector.broadcast %add3A_272 : i32 to vector<16xi32>
        %add3A_274 = arith.addi %get3A_161, %add3A_273 : vector<16xi32>
        %gather3A_275 = tpu.vector_load_idx %arg9[%add3A_159, %add3A_274] : memref<256x128xf32, #tpu.memory_space<vmem>>[vector<16xi32>, vector<16xi32>], vector<16xf32>,
        %swap3A_276 = arith.constant 14 : i32
        %swap3A_277 = arith.index_cast %swap3A_276 : i32 to index
        %swap3A_278 = arith.index_cast %mul3A_157 : i32 to index
        %swap3A_279 = tpu.vector_load %arg11[%swap3A_277, %swap3A_278] {strides = array<i32>} : memref<32x256xf32, #tpu.memory_space<vmem>>, vector<16xf32>,
        tpu.vector_store %arg11[%swap3A_277, %swap3A_278], %gather3A_275 {strides = array<i32>} : memref<32x256xf32, #tpu.memory_space<vmem>>, vector<16xf32>,
        %add3A_280 = arith.constant 15 : i32
        %add3A_281 = vector.broadcast %add3A_280 : i32 to vector<16xi32>
        %add3A_282 = arith.addi %get3A_161, %add3A_281 : vector<16xi32>
        %gather3A_283 = tpu.vector_load_idx %arg9[%add3A_159, %add3A_282] : memref<256x128xf32, #tpu.memory_space<vmem>>[vector<16xi32>, vector<16xi32>], vector<16xf32>,
        %swap3A_284 = arith.constant 15 : i32
        %swap3A_285 = arith.index_cast %swap3A_284 : i32 to index
        %swap3A_286 = arith.index_cast %mul3A_157 : i32 to index
        %swap3A_287 = tpu.vector_load %arg11[%swap3A_285, %swap3A_286] {strides = array<i32>} : memref<32x256xf32, #tpu.memory_space<vmem>>, vector<16xf32>,
        tpu.vector_store %arg11[%swap3A_285, %swap3A_286], %gather3A_283 {strides = array<i32>} : memref<32x256xf32, #tpu.memory_space<vmem>>, vector<16xf32>,
        %add3A_288 = arith.constant 16 : i32
        %add3A_289 = vector.broadcast %add3A_288 : i32 to vector<16xi32>
        %add3A_290 = arith.addi %get3A_161, %add3A_289 : vector<16xi32>
        %gather3A_291 = tpu.vector_load_idx %arg9[%add3A_159, %add3A_290] : memref<256x128xf32, #tpu.memory_space<vmem>>[vector<16xi32>, vector<16xi32>], vector<16xf32>,
        %swap3A_292 = arith.constant 16 : i32
        %swap3A_293 = arith.index_cast %swap3A_292 : i32 to index
        %swap3A_294 = arith.index_cast %mul3A_157 : i32 to index
        %swap3A_295 = tpu.vector_load %arg11[%swap3A_293, %swap3A_294] {strides = array<i32>} : memref<32x256xf32, #tpu.memory_space<vmem>>, vector<16xf32>,
        tpu.vector_store %arg11[%swap3A_293, %swap3A_294], %gather3A_291 {strides = array<i32>} : memref<32x256xf32, #tpu.memory_space<vmem>>, vector<16xf32>,
        %add3A_296 = arith.constant 17 : i32
        %add3A_297 = vector.broadcast %add3A_296 : i32 to vector<16xi32>
        %add3A_298 = arith.addi %get3A_161, %add3A_297 : vector<16xi32>
        %gather3A_299 = tpu.vector_load_idx %arg9[%add3A_159, %add3A_298] : memref<256x128xf32, #tpu.memory_space<vmem>>[vector<16xi32>, vector<16xi32>], vector<16xf32>,
        %swap3A_300 = arith.constant 17 : i32
        %swap3A_301 = arith.index_cast %swap3A_300 : i32 to index
        %swap3A_302 = arith.index_cast %mul3A_157 : i32 to index
        %swap3A_303 = tpu.vector_load %arg11[%swap3A_301, %swap3A_302] {strides = array<i32>} : memref<32x256xf32, #tpu.memory_space<vmem>>, vector<16xf32>,
        tpu.vector_store %arg11[%swap3A_301, %swap3A_302], %gather3A_299 {strides = array<i32>} : memref<32x256xf32, #tpu.memory_space<vmem>>, vector<16xf32>,
        %add3A_304 = arith.constant 18 : i32
        %add3A_305 = vector.broadcast %add3A_304 : i32 to vector<16xi32>
        %add3A_306 = arith.addi %get3A_161, %add3A_305 : vector<16xi32>
        %gather3A_307 = tpu.vector_load_idx %arg9[%add3A_159, %add3A_306] : memref<256x128xf32, #tpu.memory_space<vmem>>[vector<16xi32>, vector<16xi32>], vector<16xf32>,
        %swap3A_308 = arith.constant 18 : i32
        %swap3A_309 = arith.index_cast %swap3A_308 : i32 to index
        %swap3A_310 = arith.index_cast %mul3A_157 : i32 to index
        %swap3A_311 = tpu.vector_load %arg11[%swap3A_309, %swap3A_310] {strides = array<i32>} : memref<32x256xf32, #tpu.memory_space<vmem>>, vector<16xf32>,
        tpu.vector_store %arg11[%swap3A_309, %swap3A_310], %gather3A_307 {strides = array<i32>} : memref<32x256xf32, #tpu.memory_space<vmem>>, vector<16xf32>,
        %add3A_312 = arith.constant 19 : i32
        %add3A_313 = vector.broadcast %add3A_312 : i32 to vector<16xi32>
        %add3A_314 = arith.addi %get3A_161, %add3A_313 : vector<16xi32>
        %gather3A_315 = tpu.vector_load_idx %arg9[%add3A_159, %add3A_314] : memref<256x128xf32, #tpu.memory_space<vmem>>[vector<16xi32>, vector<16xi32>], vector<16xf32>,
        %swap3A_316 = arith.constant 19 : i32
        %swap3A_317 = arith.index_cast %swap3A_316 : i32 to index
        %swap3A_318 = arith.index_cast %mul3A_157 : i32 to index
        %swap3A_319 = tpu.vector_load %arg11[%swap3A_317, %swap3A_318] {strides = array<i32>} : memref<32x256xf32, #tpu.memory_space<vmem>>, vector<16xf32>,
        tpu.vector_store %arg11[%swap3A_317, %swap3A_318], %gather3A_315 {strides = array<i32>} : memref<32x256xf32, #tpu.memory_space<vmem>>, vector<16xf32>,
        %add3A_320 = arith.constant 20 : i32
        %add3A_321 = vector.broadcast %add3A_320 : i32 to vector<16xi32>
        %add3A_322 = arith.addi %get3A_161, %add3A_321 : vector<16xi32>
        %gather3A_323 = tpu.vector_load_idx %arg9[%add3A_159, %add3A_322] : memref<256x128xf32, #tpu.memory_space<vmem>>[vector<16xi32>, vector<16xi32>], vector<16xf32>,
        %swap3A_324 = arith.constant 20 : i32
        %swap3A_325 = arith.index_cast %swap3A_324 : i32 to index
        %swap3A_326 = arith.index_cast %mul3A_157 : i32 to index
        %swap3A_327 = tpu.vector_load %arg11[%swap3A_325, %swap3A_326] {strides = array<i32>} : memref<32x256xf32, #tpu.memory_space<vmem>>, vector<16xf32>,
        tpu.vector_store %arg11[%swap3A_325, %swap3A_326], %gather3A_323 {strides = array<i32>} : memref<32x256xf32, #tpu.memory_space<vmem>>, vector<16xf32>,
        %add3A_328 = arith.constant 21 : i32
        %add3A_329 = vector.broadcast %add3A_328 : i32 to vector<16xi32>
        %add3A_330 = arith.addi %get3A_161, %add3A_329 : vector<16xi32>
        %gather3A_331 = tpu.vector_load_idx %arg9[%add3A_159, %add3A_330] : memref<256x128xf32, #tpu.memory_space<vmem>>[vector<16xi32>, vector<16xi32>], vector<16xf32>,
        %swap3A_332 = arith.constant 21 : i32
        %swap3A_333 = arith.index_cast %swap3A_332 : i32 to index
        %swap3A_334 = arith.index_cast %mul3A_157 : i32 to index
        %swap3A_335 = tpu.vector_load %arg11[%swap3A_333, %swap3A_334] {strides = array<i32>} : memref<32x256xf32, #tpu.memory_space<vmem>>, vector<16xf32>,
        tpu.vector_store %arg11[%swap3A_333, %swap3A_334], %gather3A_331 {strides = array<i32>} : memref<32x256xf32, #tpu.memory_space<vmem>>, vector<16xf32>,
        %add3A_336 = arith.constant 22 : i32
        %add3A_337 = vector.broadcast %add3A_336 : i32 to vector<16xi32>
        %add3A_338 = arith.addi %get3A_161, %add3A_337 : vector<16xi32>
        %gather3A_339 = tpu.vector_load_idx %arg9[%add3A_159, %add3A_338] : memref<256x128xf32, #tpu.memory_space<vmem>>[vector<16xi32>, vector<16xi32>], vector<16xf32>,
        %swap3A_340 = arith.constant 22 : i32
        %swap3A_341 = arith.index_cast %swap3A_340 : i32 to index
        %swap3A_342 = arith.index_cast %mul3A_157 : i32 to index
        %swap3A_343 = tpu.vector_load %arg11[%swap3A_341, %swap3A_342] {strides = array<i32>} : memref<32x256xf32, #tpu.memory_space<vmem>>, vector<16xf32>,
        tpu.vector_store %arg11[%swap3A_341, %swap3A_342], %gather3A_339 {strides = array<i32>} : memref<32x256xf32, #tpu.memory_space<vmem>>, vector<16xf32>,
        %add3A_344 = arith.constant 23 : i32
        %add3A_345 = vector.broadcast %add3A_344 : i32 to vector<16xi32>
        %add3A_346 = arith.addi %get3A_161, %add3A_345 : vector<16xi32>
        %gather3A_347 = tpu.vector_load_idx %arg9[%add3A_159, %add3A_346] : memref<256x128xf32, #tpu.memory_space<vmem>>[vector<16xi32>, vector<16xi32>], vector<16xf32>,
        %swap3A_348 = arith.constant 23 : i32
        %swap3A_349 = arith.index_cast %swap3A_348 : i32 to index
        %swap3A_350 = arith.index_cast %mul3A_157 : i32 to index
        %swap3A_351 = tpu.vector_load %arg11[%swap3A_349, %swap3A_350] {strides = array<i32>} : memref<32x256xf32, #tpu.memory_space<vmem>>, vector<16xf32>,
        tpu.vector_store %arg11[%swap3A_349, %swap3A_350], %gather3A_347 {strides = array<i32>} : memref<32x256xf32, #tpu.memory_space<vmem>>, vector<16xf32>,
        %add3A_352 = arith.constant 24 : i32
        %add3A_353 = vector.broadcast %add3A_352 : i32 to vector<16xi32>
        %add3A_354 = arith.addi %get3A_161, %add3A_353 : vector<16xi32>
        %gather3A_355 = tpu.vector_load_idx %arg9[%add3A_159, %add3A_354] : memref<256x128xf32, #tpu.memory_space<vmem>>[vector<16xi32>, vector<16xi32>], vector<16xf32>,
        %swap3A_356 = arith.constant 24 : i32
        %swap3A_357 = arith.index_cast %swap3A_356 : i32 to index
        %swap3A_358 = arith.index_cast %mul3A_157 : i32 to index
        %swap3A_359 = tpu.vector_load %arg11[%swap3A_357, %swap3A_358] {strides = array<i32>} : memref<32x256xf32, #tpu.memory_space<vmem>>, vector<16xf32>,
        tpu.vector_store %arg11[%swap3A_357, %swap3A_358], %gather3A_355 {strides = array<i32>} : memref<32x256xf32, #tpu.memory_space<vmem>>, vector<16xf32>,
        %add3A_360 = arith.constant 25 : i32
        %add3A_361 = vector.broadcast %add3A_360 : i32 to vector<16xi32>
        %add3A_362 = arith.addi %get3A_161, %add3A_361 : vector<16xi32>
        %gather3A_363 = tpu.vector_load_idx %arg9[%add3A_159, %add3A_362] : memref<256x128xf32, #tpu.memory_space<vmem>>[vector<16xi32>, vector<16xi32>], vector<16xf32>,
        %swap3A_364 = arith.constant 25 : i32
        %swap3A_365 = arith.index_cast %swap3A_364 : i32 to index
        %swap3A_366 = arith.index_cast %mul3A_157 : i32 to index
        %swap3A_367 = tpu.vector_load %arg11[%swap3A_365, %swap3A_366] {strides = array<i32>} : memref<32x256xf32, #tpu.memory_space<vmem>>, vector<16xf32>,
        tpu.vector_store %arg11[%swap3A_365, %swap3A_366], %gather3A_363 {strides = array<i32>} : memref<32x256xf32, #tpu.memory_space<vmem>>, vector<16xf32>,
        %add3A_368 = arith.constant 26 : i32
        %add3A_369 = vector.broadcast %add3A_368 : i32 to vector<16xi32>
        %add3A_370 = arith.addi %get3A_161, %add3A_369 : vector<16xi32>
        %gather3A_371 = tpu.vector_load_idx %arg9[%add3A_159, %add3A_370] : memref<256x128xf32, #tpu.memory_space<vmem>>[vector<16xi32>, vector<16xi32>], vector<16xf32>,
        %swap3A_372 = arith.constant 26 : i32
        %swap3A_373 = arith.index_cast %swap3A_372 : i32 to index
        %swap3A_374 = arith.index_cast %mul3A_157 : i32 to index
        %swap3A_375 = tpu.vector_load %arg11[%swap3A_373, %swap3A_374] {strides = array<i32>} : memref<32x256xf32, #tpu.memory_space<vmem>>, vector<16xf32>,
        tpu.vector_store %arg11[%swap3A_373, %swap3A_374], %gather3A_371 {strides = array<i32>} : memref<32x256xf32, #tpu.memory_space<vmem>>, vector<16xf32>,
        %add3A_376 = arith.constant 27 : i32
        %add3A_377 = vector.broadcast %add3A_376 : i32 to vector<16xi32>
        %add3A_378 = arith.addi %get3A_161, %add3A_377 : vector<16xi32>
        %gather3A_379 = tpu.vector_load_idx %arg9[%add3A_159, %add3A_378] : memref<256x128xf32, #tpu.memory_space<vmem>>[vector<16xi32>, vector<16xi32>], vector<16xf32>,
        %swap3A_380 = arith.constant 27 : i32
        %swap3A_381 = arith.index_cast %swap3A_380 : i32 to index
        %swap3A_382 = arith.index_cast %mul3A_157 : i32 to index
        %swap3A_383 = tpu.vector_load %arg11[%swap3A_381, %swap3A_382] {strides = array<i32>} : memref<32x256xf32, #tpu.memory_space<vmem>>, vector<16xf32>,
        tpu.vector_store %arg11[%swap3A_381, %swap3A_382], %gather3A_379 {strides = array<i32>} : memref<32x256xf32, #tpu.memory_space<vmem>>, vector<16xf32>,
        %add3A_384 = arith.constant 28 : i32
        %add3A_385 = vector.broadcast %add3A_384 : i32 to vector<16xi32>
        %add3A_386 = arith.addi %get3A_161, %add3A_385 : vector<16xi32>
        %gather3A_387 = tpu.vector_load_idx %arg9[%add3A_159, %add3A_386] : memref<256x128xf32, #tpu.memory_space<vmem>>[vector<16xi32>, vector<16xi32>], vector<16xf32>,
        %swap3A_388 = arith.constant 28 : i32
        %swap3A_389 = arith.index_cast %swap3A_388 : i32 to index
        %swap3A_390 = arith.index_cast %mul3A_157 : i32 to index
        %swap3A_391 = tpu.vector_load %arg11[%swap3A_389, %swap3A_390] {strides = array<i32>} : memref<32x256xf32, #tpu.memory_space<vmem>>, vector<16xf32>,
        tpu.vector_store %arg11[%swap3A_389, %swap3A_390], %gather3A_387 {strides = array<i32>} : memref<32x256xf32, #tpu.memory_space<vmem>>, vector<16xf32>,
        %add3A_392 = arith.constant 29 : i32
        %add3A_393 = vector.broadcast %add3A_392 : i32 to vector<16xi32>
        %add3A_394 = arith.addi %get3A_161, %add3A_393 : vector<16xi32>
        %gather3A_395 = tpu.vector_load_idx %arg9[%add3A_159, %add3A_394] : memref<256x128xf32, #tpu.memory_space<vmem>>[vector<16xi32>, vector<16xi32>], vector<16xf32>,
        %swap3A_396 = arith.constant 29 : i32
        %swap3A_397 = arith.index_cast %swap3A_396 : i32 to index
        %swap3A_398 = arith.index_cast %mul3A_157 : i32 to index
        %swap3A_399 = tpu.vector_load %arg11[%swap3A_397, %swap3A_398] {strides = array<i32>} : memref<32x256xf32, #tpu.memory_space<vmem>>, vector<16xf32>,
        tpu.vector_store %arg11[%swap3A_397, %swap3A_398], %gather3A_395 {strides = array<i32>} : memref<32x256xf32, #tpu.memory_space<vmem>>, vector<16xf32>,
        %add3A_400 = arith.constant 30 : i32
        %add3A_401 = vector.broadcast %add3A_400 : i32 to vector<16xi32>
        %add3A_402 = arith.addi %get3A_161, %add3A_401 : vector<16xi32>
        %gather3A_403 = tpu.vector_load_idx %arg9[%add3A_159, %add3A_402] : memref<256x128xf32, #tpu.memory_space<vmem>>[vector<16xi32>, vector<16xi32>], vector<16xf32>,
        %swap3A_404 = arith.constant 30 : i32
        %swap3A_405 = arith.index_cast %swap3A_404 : i32 to index
        %swap3A_406 = arith.index_cast %mul3A_157 : i32 to index
        %swap3A_407 = tpu.vector_load %arg11[%swap3A_405, %swap3A_406] {strides = array<i32>} : memref<32x256xf32, #tpu.memory_space<vmem>>, vector<16xf32>,
        tpu.vector_store %arg11[%swap3A_405, %swap3A_406], %gather3A_403 {strides = array<i32>} : memref<32x256xf32, #tpu.memory_space<vmem>>, vector<16xf32>,
        %add3A_408 = arith.constant 31 : i32
        %add3A_409 = vector.broadcast %add3A_408 : i32 to vector<16xi32>
        %add3A_410 = arith.addi %get3A_161, %add3A_409 : vector<16xi32>
        %gather3A_411 = tpu.vector_load_idx %arg9[%add3A_159, %add3A_410] : memref<256x128xf32, #tpu.memory_space<vmem>>[vector<16xi32>, vector<16xi32>], vector<16xf32>,
        %swap3A_412 = arith.constant 31 : i32
        %swap3A_413 = arith.index_cast %swap3A_412 : i32 to index
        %swap3A_414 = arith.index_cast %mul3A_157 : i32 to index
        %swap3A_415 = tpu.vector_load %arg11[%swap3A_413, %swap3A_414] {strides = array<i32>} : memref<32x256xf32, #tpu.memory_space<vmem>>, vector<16xf32>,
        tpu.vector_store %arg11[%swap3A_413, %swap3A_414], %gather3A_411 {strides = array<i32>} : memref<32x256xf32, #tpu.memory_space<vmem>>, vector<16xf32>,
      }
      %scan3A_109 = arith.constant 16 : i32
      %eq3A = arith.constant 0 : i32
      %eq3A_110 = arith.cmpi eq, %mul3A_85, %eq3A : i32
      %add3A_111 = arith.constant 16 : i32
      %add3A_112 = arith.addi %add3A_111, %mul3A_85 : i32
      %jit3A_113 = arith.constant 0 : i32
      %select_n3A_114 = arith.select %eq3A_110, %jit3A_113, %add3A_112 : i32
      %dma_start3A_115 = arith.constant 0 : i32
      %dma_start3A_116 = tpu.memref_slice %arg5[%select_n3A_114, %dma_start3A_115, %add3A_44] : memref<36x32x16384xf32, #tpu.memory_space<hbm>> -> memref<1x32x256xf32, #tpu.memory_space<hbm>>
      %dma_start3A_117 = tpu.memref_squeeze %dma_start3A_116 : memref<1x32x256xf32, #tpu.memory_space<hbm>> -> memref<32x256xf32, #tpu.memory_space<hbm>>
      %dma_start3A_118 = arith.constant 0 : i32
      %dma_start3A_119 = tpu.memref_slice %arg5[%select_n3A_114, %dma_start3A_118, %add3A_44] : memref<36x32x16384xf32, #tpu.memory_space<hbm>> -> memref<1x32x256xf32, #tpu.memory_space<hbm>>
      %dma_start3A_120 = tpu.memref_squeeze %dma_start3A_119 : memref<1x32x256xf32, #tpu.memory_space<hbm>> -> memref<32x256xf32, #tpu.memory_space<hbm>>
      tpu.enqueue_dma source(%arg11 : memref<32x256xf32, #tpu.memory_space<vmem>>) target(%dma_start3A_120 : memref<32x256xf32, #tpu.memory_space<hbm>>) target_semaphore(%arg17 : memref<!tpu.dma_semaphore, #tpu.memory_space<semaphore_mem>>)
      %mul3A_121 = arith.constant 256 : i32
      %mul3A_122 = arith.muli %add3A_87, %mul3A_121 : i32
      %multiple_of3A_123 = tpu.assume_multiple %mul3A_122, 128 : i32
      %dma_wait3A_124 = tpu.memref_slice %arg7[%multiple_of3A_123] : memref<5120xi32, #tpu.memory_space<vmem>> -> memref<256xi32, #tpu.memory_space<vmem>>
      %dma_wait3A_125 = arith.constant 0 : i32
      %dma_wait3A_126 = arith.constant 0 : i32
      %dma_wait3A_127 = tpu.memref_slice %arg3[%dma_wait3A_125, %dma_wait3A_126] : memref<253952x128xf32, #tpu.memory_space<hbm>> -> memref<253952x128xf32, #tpu.memory_space<hbm>>
      tpu.wait_indirect_dma semaphore(%arg16 : memref<!tpu.dma_semaphore, #tpu.memory_space<semaphore_mem>>) src(%dma_wait3A_127 : memref<253952x128xf32, #tpu.memory_space<hbm>>) dst(%arg10 : memref<256x128xf32, #tpu.memory_space<vmem>>)
      %lt3A = arith.constant 9 : i32
      %lt3A_128 = arith.cmpi slt, %scan3A_83, %lt3A : i32
      %convert_element_type3A_129 = arith.extui %lt3A_128 : i1 to i32
      %cond3A_130 = arith.constant 0 : i32
      %cond3A_131 = arith.cmpi ne, %convert_element_type3A_129, %cond3A_130 : i32
      scf.if %cond3A_131 {
        %add3A_155 = arith.constant 2 : i32
        %add3A_156 = arith.addi %mul3A_85, %add3A_155 : i32
        %mul3A_157 = arith.constant 256 : i32
        %mul3A_158 = arith.muli %add3A_156, %mul3A_157 : i32
        %multiple_of3A_159 = tpu.assume_multiple %mul3A_158, 128 : i32
        %dma_start3A_160 = tpu.memref_slice %arg7[%multiple_of3A_159] : memref<5120xi32, #tpu.memory_space<vmem>> -> memref<256xi32, #tpu.memory_space<vmem>>
        %dma_start3A_161 = arith.constant 0 : i32
        %dma_start3A_162 = arith.constant 0 : i32
        %dma_start3A_163 = tpu.memref_slice %arg3[%dma_start3A_161, %dma_start3A_162] : memref<253952x128xf32, #tpu.memory_space<hbm>> -> memref<253952x128xf32, #tpu.memory_space<hbm>>
        tpu.enqueue_indirect_dma source(%dma_start3A_163 : memref<253952x128xf32, #tpu.memory_space<hbm>>) target(%arg9 : memref<256x128xf32, #tpu.memory_space<vmem>>) offsets(%dma_start3A_160 : memref<256xi32, #tpu.memory_space<vmem>>) semaphore(%arg15 : memref<!tpu.dma_semaphore, #tpu.memory_space<semaphore_mem>>)
      } else {
      }
      %gt3A_132 = arith.constant 0 : i32
      %gt3A_133 = arith.cmpi sgt, %scan3A_83, %gt3A_132 : i32
      %convert_element_type3A_134 = arith.extui %gt3A_133 : i1 to i32
      %cond3A_135 = arith.constant 0 : i32
      %cond3A_136 = arith.cmpi ne, %convert_element_type3A_134, %cond3A_135 : i32
      scf.if %cond3A_136 {
        %sub3A = arith.constant 2 : i32
        %sub3A_155 = arith.subi %add3A_87, %sub3A : i32
        %eq3A_156 = arith.constant 0 : i32
        %eq3A_157 = arith.cmpi eq, %sub3A_155, %eq3A_156 : i32
        %add3A_158 = arith.constant 16 : i32
        %add3A_159 = arith.addi %add3A_158, %sub3A_155 : i32
        %jit3A_160 = arith.constant 0 : i32
        %select_n3A_161 = arith.select %eq3A_157, %jit3A_160, %add3A_159 : i32
        %dma_wait3A_162 = arith.constant 0 : i32
        %dma_wait3A_163 = tpu.memref_slice %arg5[%select_n3A_161, %dma_wait3A_162, %add3A_44] : memref<36x32x16384xf32, #tpu.memory_space<hbm>> -> memref<1x32x256xf32, #tpu.memory_space<hbm>>
        %dma_wait3A_164 = tpu.memref_squeeze %dma_wait3A_163 : memref<1x32x256xf32, #tpu.memory_space<hbm>> -> memref<32x256xf32, #tpu.memory_space<hbm>>
        %dma_wait3A_165 = arith.constant 0 : i32
        %dma_wait3A_166 = tpu.memref_slice %arg5[%select_n3A_161, %dma_wait3A_165, %add3A_44] : memref<36x32x16384xf32, #tpu.memory_space<hbm>> -> memref<1x32x256xf32, #tpu.memory_space<hbm>>
        %dma_wait3A_167 = tpu.memref_squeeze %dma_wait3A_166 : memref<1x32x256xf32, #tpu.memory_space<hbm>> -> memref<32x256xf32, #tpu.memory_space<hbm>>
        tpu.wait_dma2 semaphore(%arg18 : memref<!tpu.dma_semaphore, #tpu.memory_space<semaphore_mem>>) src(%arg12 : memref<32x256xf32, #tpu.memory_space<vmem>>) dst(%dma_wait3A_167 : memref<32x256xf32, #tpu.memory_space<hbm>>)
      } else {
      }
      %scan3A_137 = arith.constant 0 : i32
      %scan3A_138 = arith.constant 0 : i32
      %scan3A_139 = arith.constant 16 : i32
      %scan3A_140 = arith.addi %scan3A_138, %scan3A_139 : i32
      %scan3A_141 = arith.constant 1 : i32
      scf.for %scan3A_155 = %scan3A_138 to %scan3A_140 step %scan3A_141  : i32 {
        %mul3A_156 = arith.constant 16 : i32
        %mul3A_157 = arith.muli %scan3A_155, %mul3A_156 : i32
        %add3A_158 = vector.broadcast %mul3A_157 : i32 to vector<16xi32>
        %add3A_159 = arith.addi %iota3A, %add3A_158 : vector<16xi32>
        %get3A = arith.index_cast %add3A_87 : i32 to index
        %get3A_160 = arith.index_cast %mul3A_157 : i32 to index
        %get3A_161 = tpu.vector_load %arg8[%get3A, %get3A_160] {strides = array<i32>} : memref<20x256xi32, #tpu.memory_space<vmem>>, vector<16xi32>,
        %add3A_162 = arith.constant 0 : i32
        %add3A_163 = vector.broadcast %add3A_162 : i32 to vector<16xi32>
        %add3A_164 = arith.addi %get3A_161, %add3A_163 : vector<16xi32>
        %gather3A = tpu.vector_load_idx %arg10[%add3A_159, %add3A_164] : memref<256x128xf32, #tpu.memory_space<vmem>>[vector<16xi32>, vector<16xi32>], vector<16xf32>,
        %swap3A = arith.constant 0 : i32
        %swap3A_165 = arith.index_cast %swap3A : i32 to index
        %swap3A_166 = arith.index_cast %mul3A_157 : i32 to index
        %swap3A_167 = tpu.vector_load %arg12[%swap3A_165, %swap3A_166] {strides = array<i32>} : memref<32x256xf32, #tpu.memory_space<vmem>>, vector<16xf32>,
        tpu.vector_store %arg12[%swap3A_165, %swap3A_166], %gather3A {strides = array<i32>} : memref<32x256xf32, #tpu.memory_space<vmem>>, vector<16xf32>,
        %add3A_168 = arith.constant 1 : i32
        %add3A_169 = vector.broadcast %add3A_168 : i32 to vector<16xi32>
        %add3A_170 = arith.addi %get3A_161, %add3A_169 : vector<16xi32>
        %gather3A_171 = tpu.vector_load_idx %arg10[%add3A_159, %add3A_170] : memref<256x128xf32, #tpu.memory_space<vmem>>[vector<16xi32>, vector<16xi32>], vector<16xf32>,
        %swap3A_172 = arith.constant 1 : i32
        %swap3A_173 = arith.index_cast %swap3A_172 : i32 to index
        %swap3A_174 = arith.index_cast %mul3A_157 : i32 to index
        %swap3A_175 = tpu.vector_load %arg12[%swap3A_173, %swap3A_174] {strides = array<i32>} : memref<32x256xf32, #tpu.memory_space<vmem>>, vector<16xf32>,
        tpu.vector_store %arg12[%swap3A_173, %swap3A_174], %gather3A_171 {strides = array<i32>} : memref<32x256xf32, #tpu.memory_space<vmem>>, vector<16xf32>,
        %add3A_176 = arith.constant 2 : i32
        %add3A_177 = vector.broadcast %add3A_176 : i32 to vector<16xi32>
        %add3A_178 = arith.addi %get3A_161, %add3A_177 : vector<16xi32>
        %gather3A_179 = tpu.vector_load_idx %arg10[%add3A_159, %add3A_178] : memref<256x128xf32, #tpu.memory_space<vmem>>[vector<16xi32>, vector<16xi32>], vector<16xf32>,
        %swap3A_180 = arith.constant 2 : i32
        %swap3A_181 = arith.index_cast %swap3A_180 : i32 to index
        %swap3A_182 = arith.index_cast %mul3A_157 : i32 to index
        %swap3A_183 = tpu.vector_load %arg12[%swap3A_181, %swap3A_182] {strides = array<i32>} : memref<32x256xf32, #tpu.memory_space<vmem>>, vector<16xf32>,
        tpu.vector_store %arg12[%swap3A_181, %swap3A_182], %gather3A_179 {strides = array<i32>} : memref<32x256xf32, #tpu.memory_space<vmem>>, vector<16xf32>,
        %add3A_184 = arith.constant 3 : i32
        %add3A_185 = vector.broadcast %add3A_184 : i32 to vector<16xi32>
        %add3A_186 = arith.addi %get3A_161, %add3A_185 : vector<16xi32>
        %gather3A_187 = tpu.vector_load_idx %arg10[%add3A_159, %add3A_186] : memref<256x128xf32, #tpu.memory_space<vmem>>[vector<16xi32>, vector<16xi32>], vector<16xf32>,
        %swap3A_188 = arith.constant 3 : i32
        %swap3A_189 = arith.index_cast %swap3A_188 : i32 to index
        %swap3A_190 = arith.index_cast %mul3A_157 : i32 to index
        %swap3A_191 = tpu.vector_load %arg12[%swap3A_189, %swap3A_190] {strides = array<i32>} : memref<32x256xf32, #tpu.memory_space<vmem>>, vector<16xf32>,
        tpu.vector_store %arg12[%swap3A_189, %swap3A_190], %gather3A_187 {strides = array<i32>} : memref<32x256xf32, #tpu.memory_space<vmem>>, vector<16xf32>,
        %add3A_192 = arith.constant 4 : i32
        %add3A_193 = vector.broadcast %add3A_192 : i32 to vector<16xi32>
        %add3A_194 = arith.addi %get3A_161, %add3A_193 : vector<16xi32>
        %gather3A_195 = tpu.vector_load_idx %arg10[%add3A_159, %add3A_194] : memref<256x128xf32, #tpu.memory_space<vmem>>[vector<16xi32>, vector<16xi32>], vector<16xf32>,
        %swap3A_196 = arith.constant 4 : i32
        %swap3A_197 = arith.index_cast %swap3A_196 : i32 to index
        %swap3A_198 = arith.index_cast %mul3A_157 : i32 to index
        %swap3A_199 = tpu.vector_load %arg12[%swap3A_197, %swap3A_198] {strides = array<i32>} : memref<32x256xf32, #tpu.memory_space<vmem>>, vector<16xf32>,
        tpu.vector_store %arg12[%swap3A_197, %swap3A_198], %gather3A_195 {strides = array<i32>} : memref<32x256xf32, #tpu.memory_space<vmem>>, vector<16xf32>,
        %add3A_200 = arith.constant 5 : i32
        %add3A_201 = vector.broadcast %add3A_200 : i32 to vector<16xi32>
        %add3A_202 = arith.addi %get3A_161, %add3A_201 : vector<16xi32>
        %gather3A_203 = tpu.vector_load_idx %arg10[%add3A_159, %add3A_202] : memref<256x128xf32, #tpu.memory_space<vmem>>[vector<16xi32>, vector<16xi32>], vector<16xf32>,
        %swap3A_204 = arith.constant 5 : i32
        %swap3A_205 = arith.index_cast %swap3A_204 : i32 to index
        %swap3A_206 = arith.index_cast %mul3A_157 : i32 to index
        %swap3A_207 = tpu.vector_load %arg12[%swap3A_205, %swap3A_206] {strides = array<i32>} : memref<32x256xf32, #tpu.memory_space<vmem>>, vector<16xf32>,
        tpu.vector_store %arg12[%swap3A_205, %swap3A_206], %gather3A_203 {strides = array<i32>} : memref<32x256xf32, #tpu.memory_space<vmem>>, vector<16xf32>,
        %add3A_208 = arith.constant 6 : i32
        %add3A_209 = vector.broadcast %add3A_208 : i32 to vector<16xi32>
        %add3A_210 = arith.addi %get3A_161, %add3A_209 : vector<16xi32>
        %gather3A_211 = tpu.vector_load_idx %arg10[%add3A_159, %add3A_210] : memref<256x128xf32, #tpu.memory_space<vmem>>[vector<16xi32>, vector<16xi32>], vector<16xf32>,
        %swap3A_212 = arith.constant 6 : i32
        %swap3A_213 = arith.index_cast %swap3A_212 : i32 to index
        %swap3A_214 = arith.index_cast %mul3A_157 : i32 to index
        %swap3A_215 = tpu.vector_load %arg12[%swap3A_213, %swap3A_214] {strides = array<i32>} : memref<32x256xf32, #tpu.memory_space<vmem>>, vector<16xf32>,
        tpu.vector_store %arg12[%swap3A_213, %swap3A_214], %gather3A_211 {strides = array<i32>} : memref<32x256xf32, #tpu.memory_space<vmem>>, vector<16xf32>,
        %add3A_216 = arith.constant 7 : i32
        %add3A_217 = vector.broadcast %add3A_216 : i32 to vector<16xi32>
        %add3A_218 = arith.addi %get3A_161, %add3A_217 : vector<16xi32>
        %gather3A_219 = tpu.vector_load_idx %arg10[%add3A_159, %add3A_218] : memref<256x128xf32, #tpu.memory_space<vmem>>[vector<16xi32>, vector<16xi32>], vector<16xf32>,
        %swap3A_220 = arith.constant 7 : i32
        %swap3A_221 = arith.index_cast %swap3A_220 : i32 to index
        %swap3A_222 = arith.index_cast %mul3A_157 : i32 to index
        %swap3A_223 = tpu.vector_load %arg12[%swap3A_221, %swap3A_222] {strides = array<i32>} : memref<32x256xf32, #tpu.memory_space<vmem>>, vector<16xf32>,
        tpu.vector_store %arg12[%swap3A_221, %swap3A_222], %gather3A_219 {strides = array<i32>} : memref<32x256xf32, #tpu.memory_space<vmem>>, vector<16xf32>,
        %add3A_224 = arith.constant 8 : i32
        %add3A_225 = vector.broadcast %add3A_224 : i32 to vector<16xi32>
        %add3A_226 = arith.addi %get3A_161, %add3A_225 : vector<16xi32>
        %gather3A_227 = tpu.vector_load_idx %arg10[%add3A_159, %add3A_226] : memref<256x128xf32, #tpu.memory_space<vmem>>[vector<16xi32>, vector<16xi32>], vector<16xf32>,
        %swap3A_228 = arith.constant 8 : i32
        %swap3A_229 = arith.index_cast %swap3A_228 : i32 to index
        %swap3A_230 = arith.index_cast %mul3A_157 : i32 to index
        %swap3A_231 = tpu.vector_load %arg12[%swap3A_229, %swap3A_230] {strides = array<i32>} : memref<32x256xf32, #tpu.memory_space<vmem>>, vector<16xf32>,
        tpu.vector_store %arg12[%swap3A_229, %swap3A_230], %gather3A_227 {strides = array<i32>} : memref<32x256xf32, #tpu.memory_space<vmem>>, vector<16xf32>,
        %add3A_232 = arith.constant 9 : i32
        %add3A_233 = vector.broadcast %add3A_232 : i32 to vector<16xi32>
        %add3A_234 = arith.addi %get3A_161, %add3A_233 : vector<16xi32>
        %gather3A_235 = tpu.vector_load_idx %arg10[%add3A_159, %add3A_234] : memref<256x128xf32, #tpu.memory_space<vmem>>[vector<16xi32>, vector<16xi32>], vector<16xf32>,
        %swap3A_236 = arith.constant 9 : i32
        %swap3A_237 = arith.index_cast %swap3A_236 : i32 to index
        %swap3A_238 = arith.index_cast %mul3A_157 : i32 to index
        %swap3A_239 = tpu.vector_load %arg12[%swap3A_237, %swap3A_238] {strides = array<i32>} : memref<32x256xf32, #tpu.memory_space<vmem>>, vector<16xf32>,
        tpu.vector_store %arg12[%swap3A_237, %swap3A_238], %gather3A_235 {strides = array<i32>} : memref<32x256xf32, #tpu.memory_space<vmem>>, vector<16xf32>,
        %add3A_240 = arith.constant 10 : i32
        %add3A_241 = vector.broadcast %add3A_240 : i32 to vector<16xi32>
        %add3A_242 = arith.addi %get3A_161, %add3A_241 : vector<16xi32>
        %gather3A_243 = tpu.vector_load_idx %arg10[%add3A_159, %add3A_242] : memref<256x128xf32, #tpu.memory_space<vmem>>[vector<16xi32>, vector<16xi32>], vector<16xf32>,
        %swap3A_244 = arith.constant 10 : i32
        %swap3A_245 = arith.index_cast %swap3A_244 : i32 to index
        %swap3A_246 = arith.index_cast %mul3A_157 : i32 to index
        %swap3A_247 = tpu.vector_load %arg12[%swap3A_245, %swap3A_246] {strides = array<i32>} : memref<32x256xf32, #tpu.memory_space<vmem>>, vector<16xf32>,
        tpu.vector_store %arg12[%swap3A_245, %swap3A_246], %gather3A_243 {strides = array<i32>} : memref<32x256xf32, #tpu.memory_space<vmem>>, vector<16xf32>,
        %add3A_248 = arith.constant 11 : i32
        %add3A_249 = vector.broadcast %add3A_248 : i32 to vector<16xi32>
        %add3A_250 = arith.addi %get3A_161, %add3A_249 : vector<16xi32>
        %gather3A_251 = tpu.vector_load_idx %arg10[%add3A_159, %add3A_250] : memref<256x128xf32, #tpu.memory_space<vmem>>[vector<16xi32>, vector<16xi32>], vector<16xf32>,
        %swap3A_252 = arith.constant 11 : i32
        %swap3A_253 = arith.index_cast %swap3A_252 : i32 to index
        %swap3A_254 = arith.index_cast %mul3A_157 : i32 to index
        %swap3A_255 = tpu.vector_load %arg12[%swap3A_253, %swap3A_254] {strides = array<i32>} : memref<32x256xf32, #tpu.memory_space<vmem>>, vector<16xf32>,
        tpu.vector_store %arg12[%swap3A_253, %swap3A_254], %gather3A_251 {strides = array<i32>} : memref<32x256xf32, #tpu.memory_space<vmem>>, vector<16xf32>,
        %add3A_256 = arith.constant 12 : i32
        %add3A_257 = vector.broadcast %add3A_256 : i32 to vector<16xi32>
        %add3A_258 = arith.addi %get3A_161, %add3A_257 : vector<16xi32>
        %gather3A_259 = tpu.vector_load_idx %arg10[%add3A_159, %add3A_258] : memref<256x128xf32, #tpu.memory_space<vmem>>[vector<16xi32>, vector<16xi32>], vector<16xf32>,
        %swap3A_260 = arith.constant 12 : i32
        %swap3A_261 = arith.index_cast %swap3A_260 : i32 to index
        %swap3A_262 = arith.index_cast %mul3A_157 : i32 to index
        %swap3A_263 = tpu.vector_load %arg12[%swap3A_261, %swap3A_262] {strides = array<i32>} : memref<32x256xf32, #tpu.memory_space<vmem>>, vector<16xf32>,
        tpu.vector_store %arg12[%swap3A_261, %swap3A_262], %gather3A_259 {strides = array<i32>} : memref<32x256xf32, #tpu.memory_space<vmem>>, vector<16xf32>,
        %add3A_264 = arith.constant 13 : i32
        %add3A_265 = vector.broadcast %add3A_264 : i32 to vector<16xi32>
        %add3A_266 = arith.addi %get3A_161, %add3A_265 : vector<16xi32>
        %gather3A_267 = tpu.vector_load_idx %arg10[%add3A_159, %add3A_266] : memref<256x128xf32, #tpu.memory_space<vmem>>[vector<16xi32>, vector<16xi32>], vector<16xf32>,
        %swap3A_268 = arith.constant 13 : i32
        %swap3A_269 = arith.index_cast %swap3A_268 : i32 to index
        %swap3A_270 = arith.index_cast %mul3A_157 : i32 to index
        %swap3A_271 = tpu.vector_load %arg12[%swap3A_269, %swap3A_270] {strides = array<i32>} : memref<32x256xf32, #tpu.memory_space<vmem>>, vector<16xf32>,
        tpu.vector_store %arg12[%swap3A_269, %swap3A_270], %gather3A_267 {strides = array<i32>} : memref<32x256xf32, #tpu.memory_space<vmem>>, vector<16xf32>,
        %add3A_272 = arith.constant 14 : i32
        %add3A_273 = vector.broadcast %add3A_272 : i32 to vector<16xi32>
        %add3A_274 = arith.addi %get3A_161, %add3A_273 : vector<16xi32>
        %gather3A_275 = tpu.vector_load_idx %arg10[%add3A_159, %add3A_274] : memref<256x128xf32, #tpu.memory_space<vmem>>[vector<16xi32>, vector<16xi32>], vector<16xf32>,
        %swap3A_276 = arith.constant 14 : i32
        %swap3A_277 = arith.index_cast %swap3A_276 : i32 to index
        %swap3A_278 = arith.index_cast %mul3A_157 : i32 to index
        %swap3A_279 = tpu.vector_load %arg12[%swap3A_277, %swap3A_278] {strides = array<i32>} : memref<32x256xf32, #tpu.memory_space<vmem>>, vector<16xf32>,
        tpu.vector_store %arg12[%swap3A_277, %swap3A_278], %gather3A_275 {strides = array<i32>} : memref<32x256xf32, #tpu.memory_space<vmem>>, vector<16xf32>,
        %add3A_280 = arith.constant 15 : i32
        %add3A_281 = vector.broadcast %add3A_280 : i32 to vector<16xi32>
        %add3A_282 = arith.addi %get3A_161, %add3A_281 : vector<16xi32>
        %gather3A_283 = tpu.vector_load_idx %arg10[%add3A_159, %add3A_282] : memref<256x128xf32, #tpu.memory_space<vmem>>[vector<16xi32>, vector<16xi32>], vector<16xf32>,
        %swap3A_284 = arith.constant 15 : i32
        %swap3A_285 = arith.index_cast %swap3A_284 : i32 to index
        %swap3A_286 = arith.index_cast %mul3A_157 : i32 to index
        %swap3A_287 = tpu.vector_load %arg12[%swap3A_285, %swap3A_286] {strides = array<i32>} : memref<32x256xf32, #tpu.memory_space<vmem>>, vector<16xf32>,
        tpu.vector_store %arg12[%swap3A_285, %swap3A_286], %gather3A_283 {strides = array<i32>} : memref<32x256xf32, #tpu.memory_space<vmem>>, vector<16xf32>,
        %add3A_288 = arith.constant 16 : i32
        %add3A_289 = vector.broadcast %add3A_288 : i32 to vector<16xi32>
        %add3A_290 = arith.addi %get3A_161, %add3A_289 : vector<16xi32>
        %gather3A_291 = tpu.vector_load_idx %arg10[%add3A_159, %add3A_290] : memref<256x128xf32, #tpu.memory_space<vmem>>[vector<16xi32>, vector<16xi32>], vector<16xf32>,
        %swap3A_292 = arith.constant 16 : i32
        %swap3A_293 = arith.index_cast %swap3A_292 : i32 to index
        %swap3A_294 = arith.index_cast %mul3A_157 : i32 to index
        %swap3A_295 = tpu.vector_load %arg12[%swap3A_293, %swap3A_294] {strides = array<i32>} : memref<32x256xf32, #tpu.memory_space<vmem>>, vector<16xf32>,
        tpu.vector_store %arg12[%swap3A_293, %swap3A_294], %gather3A_291 {strides = array<i32>} : memref<32x256xf32, #tpu.memory_space<vmem>>, vector<16xf32>,
        %add3A_296 = arith.constant 17 : i32
        %add3A_297 = vector.broadcast %add3A_296 : i32 to vector<16xi32>
        %add3A_298 = arith.addi %get3A_161, %add3A_297 : vector<16xi32>
        %gather3A_299 = tpu.vector_load_idx %arg10[%add3A_159, %add3A_298] : memref<256x128xf32, #tpu.memory_space<vmem>>[vector<16xi32>, vector<16xi32>], vector<16xf32>,
        %swap3A_300 = arith.constant 17 : i32
        %swap3A_301 = arith.index_cast %swap3A_300 : i32 to index
        %swap3A_302 = arith.index_cast %mul3A_157 : i32 to index
        %swap3A_303 = tpu.vector_load %arg12[%swap3A_301, %swap3A_302] {strides = array<i32>} : memref<32x256xf32, #tpu.memory_space<vmem>>, vector<16xf32>,
        tpu.vector_store %arg12[%swap3A_301, %swap3A_302], %gather3A_299 {strides = array<i32>} : memref<32x256xf32, #tpu.memory_space<vmem>>, vector<16xf32>,
        %add3A_304 = arith.constant 18 : i32
        %add3A_305 = vector.broadcast %add3A_304 : i32 to vector<16xi32>
        %add3A_306 = arith.addi %get3A_161, %add3A_305 : vector<16xi32>
        %gather3A_307 = tpu.vector_load_idx %arg10[%add3A_159, %add3A_306] : memref<256x128xf32, #tpu.memory_space<vmem>>[vector<16xi32>, vector<16xi32>], vector<16xf32>,
        %swap3A_308 = arith.constant 18 : i32
        %swap3A_309 = arith.index_cast %swap3A_308 : i32 to index
        %swap3A_310 = arith.index_cast %mul3A_157 : i32 to index
        %swap3A_311 = tpu.vector_load %arg12[%swap3A_309, %swap3A_310] {strides = array<i32>} : memref<32x256xf32, #tpu.memory_space<vmem>>, vector<16xf32>,
        tpu.vector_store %arg12[%swap3A_309, %swap3A_310], %gather3A_307 {strides = array<i32>} : memref<32x256xf32, #tpu.memory_space<vmem>>, vector<16xf32>,
        %add3A_312 = arith.constant 19 : i32
        %add3A_313 = vector.broadcast %add3A_312 : i32 to vector<16xi32>
        %add3A_314 = arith.addi %get3A_161, %add3A_313 : vector<16xi32>
        %gather3A_315 = tpu.vector_load_idx %arg10[%add3A_159, %add3A_314] : memref<256x128xf32, #tpu.memory_space<vmem>>[vector<16xi32>, vector<16xi32>], vector<16xf32>,
        %swap3A_316 = arith.constant 19 : i32
        %swap3A_317 = arith.index_cast %swap3A_316 : i32 to index
        %swap3A_318 = arith.index_cast %mul3A_157 : i32 to index
        %swap3A_319 = tpu.vector_load %arg12[%swap3A_317, %swap3A_318] {strides = array<i32>} : memref<32x256xf32, #tpu.memory_space<vmem>>, vector<16xf32>,
        tpu.vector_store %arg12[%swap3A_317, %swap3A_318], %gather3A_315 {strides = array<i32>} : memref<32x256xf32, #tpu.memory_space<vmem>>, vector<16xf32>,
        %add3A_320 = arith.constant 20 : i32
        %add3A_321 = vector.broadcast %add3A_320 : i32 to vector<16xi32>
        %add3A_322 = arith.addi %get3A_161, %add3A_321 : vector<16xi32>
        %gather3A_323 = tpu.vector_load_idx %arg10[%add3A_159, %add3A_322] : memref<256x128xf32, #tpu.memory_space<vmem>>[vector<16xi32>, vector<16xi32>], vector<16xf32>,
        %swap3A_324 = arith.constant 20 : i32
        %swap3A_325 = arith.index_cast %swap3A_324 : i32 to index
        %swap3A_326 = arith.index_cast %mul3A_157 : i32 to index
        %swap3A_327 = tpu.vector_load %arg12[%swap3A_325, %swap3A_326] {strides = array<i32>} : memref<32x256xf32, #tpu.memory_space<vmem>>, vector<16xf32>,
        tpu.vector_store %arg12[%swap3A_325, %swap3A_326], %gather3A_323 {strides = array<i32>} : memref<32x256xf32, #tpu.memory_space<vmem>>, vector<16xf32>,
        %add3A_328 = arith.constant 21 : i32
        %add3A_329 = vector.broadcast %add3A_328 : i32 to vector<16xi32>
        %add3A_330 = arith.addi %get3A_161, %add3A_329 : vector<16xi32>
        %gather3A_331 = tpu.vector_load_idx %arg10[%add3A_159, %add3A_330] : memref<256x128xf32, #tpu.memory_space<vmem>>[vector<16xi32>, vector<16xi32>], vector<16xf32>,
        %swap3A_332 = arith.constant 21 : i32
        %swap3A_333 = arith.index_cast %swap3A_332 : i32 to index
        %swap3A_334 = arith.index_cast %mul3A_157 : i32 to index
        %swap3A_335 = tpu.vector_load %arg12[%swap3A_333, %swap3A_334] {strides = array<i32>} : memref<32x256xf32, #tpu.memory_space<vmem>>, vector<16xf32>,
        tpu.vector_store %arg12[%swap3A_333, %swap3A_334], %gather3A_331 {strides = array<i32>} : memref<32x256xf32, #tpu.memory_space<vmem>>, vector<16xf32>,
        %add3A_336 = arith.constant 22 : i32
        %add3A_337 = vector.broadcast %add3A_336 : i32 to vector<16xi32>
        %add3A_338 = arith.addi %get3A_161, %add3A_337 : vector<16xi32>
        %gather3A_339 = tpu.vector_load_idx %arg10[%add3A_159, %add3A_338] : memref<256x128xf32, #tpu.memory_space<vmem>>[vector<16xi32>, vector<16xi32>], vector<16xf32>,
        %swap3A_340 = arith.constant 22 : i32
        %swap3A_341 = arith.index_cast %swap3A_340 : i32 to index
        %swap3A_342 = arith.index_cast %mul3A_157 : i32 to index
        %swap3A_343 = tpu.vector_load %arg12[%swap3A_341, %swap3A_342] {strides = array<i32>} : memref<32x256xf32, #tpu.memory_space<vmem>>, vector<16xf32>,
        tpu.vector_store %arg12[%swap3A_341, %swap3A_342], %gather3A_339 {strides = array<i32>} : memref<32x256xf32, #tpu.memory_space<vmem>>, vector<16xf32>,
        %add3A_344 = arith.constant 23 : i32
        %add3A_345 = vector.broadcast %add3A_344 : i32 to vector<16xi32>
        %add3A_346 = arith.addi %get3A_161, %add3A_345 : vector<16xi32>
        %gather3A_347 = tpu.vector_load_idx %arg10[%add3A_159, %add3A_346] : memref<256x128xf32, #tpu.memory_space<vmem>>[vector<16xi32>, vector<16xi32>], vector<16xf32>,
        %swap3A_348 = arith.constant 23 : i32
        %swap3A_349 = arith.index_cast %swap3A_348 : i32 to index
        %swap3A_350 = arith.index_cast %mul3A_157 : i32 to index
        %swap3A_351 = tpu.vector_load %arg12[%swap3A_349, %swap3A_350] {strides = array<i32>} : memref<32x256xf32, #tpu.memory_space<vmem>>, vector<16xf32>,
        tpu.vector_store %arg12[%swap3A_349, %swap3A_350], %gather3A_347 {strides = array<i32>} : memref<32x256xf32, #tpu.memory_space<vmem>>, vector<16xf32>,
        %add3A_352 = arith.constant 24 : i32
        %add3A_353 = vector.broadcast %add3A_352 : i32 to vector<16xi32>
        %add3A_354 = arith.addi %get3A_161, %add3A_353 : vector<16xi32>
        %gather3A_355 = tpu.vector_load_idx %arg10[%add3A_159, %add3A_354] : memref<256x128xf32, #tpu.memory_space<vmem>>[vector<16xi32>, vector<16xi32>], vector<16xf32>,
        %swap3A_356 = arith.constant 24 : i32
        %swap3A_357 = arith.index_cast %swap3A_356 : i32 to index
        %swap3A_358 = arith.index_cast %mul3A_157 : i32 to index
        %swap3A_359 = tpu.vector_load %arg12[%swap3A_357, %swap3A_358] {strides = array<i32>} : memref<32x256xf32, #tpu.memory_space<vmem>>, vector<16xf32>,
        tpu.vector_store %arg12[%swap3A_357, %swap3A_358], %gather3A_355 {strides = array<i32>} : memref<32x256xf32, #tpu.memory_space<vmem>>, vector<16xf32>,
        %add3A_360 = arith.constant 25 : i32
        %add3A_361 = vector.broadcast %add3A_360 : i32 to vector<16xi32>
        %add3A_362 = arith.addi %get3A_161, %add3A_361 : vector<16xi32>
        %gather3A_363 = tpu.vector_load_idx %arg10[%add3A_159, %add3A_362] : memref<256x128xf32, #tpu.memory_space<vmem>>[vector<16xi32>, vector<16xi32>], vector<16xf32>,
        %swap3A_364 = arith.constant 25 : i32
        %swap3A_365 = arith.index_cast %swap3A_364 : i32 to index
        %swap3A_366 = arith.index_cast %mul3A_157 : i32 to index
        %swap3A_367 = tpu.vector_load %arg12[%swap3A_365, %swap3A_366] {strides = array<i32>} : memref<32x256xf32, #tpu.memory_space<vmem>>, vector<16xf32>,
        tpu.vector_store %arg12[%swap3A_365, %swap3A_366], %gather3A_363 {strides = array<i32>} : memref<32x256xf32, #tpu.memory_space<vmem>>, vector<16xf32>,
        %add3A_368 = arith.constant 26 : i32
        %add3A_369 = vector.broadcast %add3A_368 : i32 to vector<16xi32>
        %add3A_370 = arith.addi %get3A_161, %add3A_369 : vector<16xi32>
        %gather3A_371 = tpu.vector_load_idx %arg10[%add3A_159, %add3A_370] : memref<256x128xf32, #tpu.memory_space<vmem>>[vector<16xi32>, vector<16xi32>], vector<16xf32>,
        %swap3A_372 = arith.constant 26 : i32
        %swap3A_373 = arith.index_cast %swap3A_372 : i32 to index
        %swap3A_374 = arith.index_cast %mul3A_157 : i32 to index
        %swap3A_375 = tpu.vector_load %arg12[%swap3A_373, %swap3A_374] {strides = array<i32>} : memref<32x256xf32, #tpu.memory_space<vmem>>, vector<16xf32>,
        tpu.vector_store %arg12[%swap3A_373, %swap3A_374], %gather3A_371 {strides = array<i32>} : memref<32x256xf32, #tpu.memory_space<vmem>>, vector<16xf32>,
        %add3A_376 = arith.constant 27 : i32
        %add3A_377 = vector.broadcast %add3A_376 : i32 to vector<16xi32>
        %add3A_378 = arith.addi %get3A_161, %add3A_377 : vector<16xi32>
        %gather3A_379 = tpu.vector_load_idx %arg10[%add3A_159, %add3A_378] : memref<256x128xf32, #tpu.memory_space<vmem>>[vector<16xi32>, vector<16xi32>], vector<16xf32>,
        %swap3A_380 = arith.constant 27 : i32
        %swap3A_381 = arith.index_cast %swap3A_380 : i32 to index
        %swap3A_382 = arith.index_cast %mul3A_157 : i32 to index
        %swap3A_383 = tpu.vector_load %arg12[%swap3A_381, %swap3A_382] {strides = array<i32>} : memref<32x256xf32, #tpu.memory_space<vmem>>, vector<16xf32>,
        tpu.vector_store %arg12[%swap3A_381, %swap3A_382], %gather3A_379 {strides = array<i32>} : memref<32x256xf32, #tpu.memory_space<vmem>>, vector<16xf32>,
        %add3A_384 = arith.constant 28 : i32
        %add3A_385 = vector.broadcast %add3A_384 : i32 to vector<16xi32>
        %add3A_386 = arith.addi %get3A_161, %add3A_385 : vector<16xi32>
        %gather3A_387 = tpu.vector_load_idx %arg10[%add3A_159, %add3A_386] : memref<256x128xf32, #tpu.memory_space<vmem>>[vector<16xi32>, vector<16xi32>], vector<16xf32>,
        %swap3A_388 = arith.constant 28 : i32
        %swap3A_389 = arith.index_cast %swap3A_388 : i32 to index
        %swap3A_390 = arith.index_cast %mul3A_157 : i32 to index
        %swap3A_391 = tpu.vector_load %arg12[%swap3A_389, %swap3A_390] {strides = array<i32>} : memref<32x256xf32, #tpu.memory_space<vmem>>, vector<16xf32>,
        tpu.vector_store %arg12[%swap3A_389, %swap3A_390], %gather3A_387 {strides = array<i32>} : memref<32x256xf32, #tpu.memory_space<vmem>>, vector<16xf32>,
        %add3A_392 = arith.constant 29 : i32
        %add3A_393 = vector.broadcast %add3A_392 : i32 to vector<16xi32>
        %add3A_394 = arith.addi %get3A_161, %add3A_393 : vector<16xi32>
        %gather3A_395 = tpu.vector_load_idx %arg10[%add3A_159, %add3A_394] : memref<256x128xf32, #tpu.memory_space<vmem>>[vector<16xi32>, vector<16xi32>], vector<16xf32>,
        %swap3A_396 = arith.constant 29 : i32
        %swap3A_397 = arith.index_cast %swap3A_396 : i32 to index
        %swap3A_398 = arith.index_cast %mul3A_157 : i32 to index
        %swap3A_399 = tpu.vector_load %arg12[%swap3A_397, %swap3A_398] {strides = array<i32>} : memref<32x256xf32, #tpu.memory_space<vmem>>, vector<16xf32>,
        tpu.vector_store %arg12[%swap3A_397, %swap3A_398], %gather3A_395 {strides = array<i32>} : memref<32x256xf32, #tpu.memory_space<vmem>>, vector<16xf32>,
        %add3A_400 = arith.constant 30 : i32
        %add3A_401 = vector.broadcast %add3A_400 : i32 to vector<16xi32>
        %add3A_402 = arith.addi %get3A_161, %add3A_401 : vector<16xi32>
        %gather3A_403 = tpu.vector_load_idx %arg10[%add3A_159, %add3A_402] : memref<256x128xf32, #tpu.memory_space<vmem>>[vector<16xi32>, vector<16xi32>], vector<16xf32>,
        %swap3A_404 = arith.constant 30 : i32
        %swap3A_405 = arith.index_cast %swap3A_404 : i32 to index
        %swap3A_406 = arith.index_cast %mul3A_157 : i32 to index
        %swap3A_407 = tpu.vector_load %arg12[%swap3A_405, %swap3A_406] {strides = array<i32>} : memref<32x256xf32, #tpu.memory_space<vmem>>, vector<16xf32>,
        tpu.vector_store %arg12[%swap3A_405, %swap3A_406], %gather3A_403 {strides = array<i32>} : memref<32x256xf32, #tpu.memory_space<vmem>>, vector<16xf32>,
        %add3A_408 = arith.constant 31 : i32
        %add3A_409 = vector.broadcast %add3A_408 : i32 to vector<16xi32>
        %add3A_410 = arith.addi %get3A_161, %add3A_409 : vector<16xi32>
        %gather3A_411 = tpu.vector_load_idx %arg10[%add3A_159, %add3A_410] : memref<256x128xf32, #tpu.memory_space<vmem>>[vector<16xi32>, vector<16xi32>], vector<16xf32>,
        %swap3A_412 = arith.constant 31 : i32
        %swap3A_413 = arith.index_cast %swap3A_412 : i32 to index
        %swap3A_414 = arith.index_cast %mul3A_157 : i32 to index
        %swap3A_415 = tpu.vector_load %arg12[%swap3A_413, %swap3A_414] {strides = array<i32>} : memref<32x256xf32, #tpu.memory_space<vmem>>, vector<16xf32>,
        tpu.vector_store %arg12[%swap3A_413, %swap3A_414], %gather3A_411 {strides = array<i32>} : memref<32x256xf32, #tpu.memory_space<vmem>>, vector<16xf32>,
      }
      %scan3A_142 = arith.constant 16 : i32
      %eq3A_143 = arith.constant 0 : i32
      %eq3A_144 = arith.cmpi eq, %add3A_87, %eq3A_143 : i32
      %add3A_145 = arith.constant 16 : i32
      %add3A_146 = arith.addi %add3A_145, %add3A_87 : i32
      %jit3A_147 = arith.constant 0 : i32
      %select_n3A_148 = arith.select %eq3A_144, %jit3A_147, %add3A_146 : i32
      %dma_start3A_149 = arith.constant 0 : i32
      %dma_start3A_150 = tpu.memref_slice %arg5[%select_n3A_148, %dma_start3A_149, %add3A_44] : memref<36x32x16384xf32, #tpu.memory_space<hbm>> -> memref<1x32x256xf32, #tpu.memory_space<hbm>>
      %dma_start3A_151 = tpu.memref_squeeze %dma_start3A_150 : memref<1x32x256xf32, #tpu.memory_space<hbm>> -> memref<32x256xf32, #tpu.memory_space<hbm>>
      %dma_start3A_152 = arith.constant 0 : i32
      %dma_start3A_153 = tpu.memref_slice %arg5[%select_n3A_148, %dma_start3A_152, %add3A_44] : memref<36x32x16384xf32, #tpu.memory_space<hbm>> -> memref<1x32x256xf32, #tpu.memory_space<hbm>>
      %dma_start3A_154 = tpu.memref_squeeze %dma_start3A_153 : memref<1x32x256xf32, #tpu.memory_space<hbm>> -> memref<32x256xf32, #tpu.memory_space<hbm>>
      tpu.enqueue_dma source(%arg12 : memref<32x256xf32, #tpu.memory_space<vmem>>) target(%dma_start3A_154 : memref<32x256xf32, #tpu.memory_space<hbm>>) target_semaphore(%arg18 : memref<!tpu.dma_semaphore, #tpu.memory_space<semaphore_mem>>)
    }
    %scan3A_62 = arith.constant 10 : i32
    %jit3A_63 = arith.constant false
    %jit3A_64 = arith.constant 0 : i32
    %jit3A_65 = arith.constant 34 : i32
    %select_n3A_66 = arith.select %jit3A_63, %jit3A_64, %jit3A_65 : i32
    %dma_wait3A_67 = arith.constant 0 : i32
    %dma_wait3A_68 = tpu.memref_slice %arg5[%select_n3A_66, %dma_wait3A_67, %add3A_44] : memref<36x32x16384xf32, #tpu.memory_space<hbm>> -> memref<1x32x256xf32, #tpu.memory_space<hbm>>
    %dma_wait3A_69 = tpu.memref_squeeze %dma_wait3A_68 : memref<1x32x256xf32, #tpu.memory_space<hbm>> -> memref<32x256xf32, #tpu.memory_space<hbm>>
    %dma_wait3A_70 = arith.constant 0 : i32
    %dma_wait3A_71 = tpu.memref_slice %arg5[%select_n3A_66, %dma_wait3A_70, %add3A_44] : memref<36x32x16384xf32, #tpu.memory_space<hbm>> -> memref<1x32x256xf32, #tpu.memory_space<hbm>>
    %dma_wait3A_72 = tpu.memref_squeeze %dma_wait3A_71 : memref<1x32x256xf32, #tpu.memory_space<hbm>> -> memref<32x256xf32, #tpu.memory_space<hbm>>
    tpu.wait_dma2 semaphore(%arg17 : memref<!tpu.dma_semaphore, #tpu.memory_space<semaphore_mem>>) src(%arg11 : memref<32x256xf32, #tpu.memory_space<vmem>>) dst(%dma_wait3A_72 : memref<32x256xf32, #tpu.memory_space<hbm>>)
    %jit3A_73 = arith.constant false
    %jit3A_74 = arith.constant 0 : i32
    %jit3A_75 = arith.constant 35 : i32
    %select_n3A_76 = arith.select %jit3A_73, %jit3A_74, %jit3A_75 : i32
    %dma_wait3A_77 = arith.constant 0 : i32
    %dma_wait3A_78 = tpu.memref_slice %arg5[%select_n3A_76, %dma_wait3A_77, %add3A_44] : memref<36x32x16384xf32, #tpu.memory_space<hbm>> -> memref<1x32x256xf32, #tpu.memory_space<hbm>>
    %dma_wait3A_79 = tpu.memref_squeeze %dma_wait3A_78 : memref<1x32x256xf32, #tpu.memory_space<hbm>> -> memref<32x256xf32, #tpu.memory_space<hbm>>
    %dma_wait3A_80 = arith.constant 0 : i32
    %dma_wait3A_81 = tpu.memref_slice %arg5[%select_n3A_76, %dma_wait3A_80, %add3A_44] : memref<36x32x16384xf32, #tpu.memory_space<hbm>> -> memref<1x32x256xf32, #tpu.memory_space<hbm>>
    %dma_wait3A_82 = tpu.memref_squeeze %dma_wait3A_81 : memref<1x32x256xf32, #tpu.memory_space<hbm>> -> memref<32x256xf32, #tpu.memory_space<hbm>>
    tpu.wait_dma2 semaphore(%arg18 : memref<!tpu.dma_semaphore, #tpu.memory_space<semaphore_mem>>) src(%arg12 : memref<32x256xf32, #tpu.memory_space<vmem>>) dst(%dma_wait3A_82 : memref<32x256xf32, #tpu.memory_space<hbm>>)
    return
  }
}

module attributes {stable_mosaic.version = 14 : i64} {
  func.func @_pack_body(%arg0: i32, %arg1: memref<32x8192xf32, #tpu.memory_space<vmem>>, %arg2: memref<32x8192xf32, #tpu.memory_space<vmem>>, %arg3: memref<32x8192xf32, #tpu.memory_space<vmem>>, %arg4: memref<32x8192xf32, #tpu.memory_space<vmem>>, %arg5: memref<8192x128xf32, #tpu.memory_space<vmem>>) attributes {dimension_semantics = [#tpu.dimension_semantics<arbitrary>], iteration_bounds = array<i64: 31>, scalar_prefetch = 0 : i64, scratch_operands = 0 : i64, tpu.core_type = #tpu.core_type<tc>, window_params = [{transform_indices = @transform_0, window_bounds = array<i64: 32, 8192>}, {transform_indices = @transform_1, window_bounds = array<i64: 32, 8192>}, {transform_indices = @transform_2, window_bounds = array<i64: 32, 8192>}, {transform_indices = @transform_3, window_bounds = array<i64: 32, 8192>}, {transform_indices = @transform_4, window_bounds = array<i64: 8192, 128>}]} {
    %get3A = arith.constant 0 : index
    %get3A_0 = arith.constant 0 : index
    %get3A_1 = vector.load %arg1[%get3A, %get3A_0] : memref<32x8192xf32, #tpu.memory_space<vmem>>, vector<32x8192xf32>
    %transpose3A = tpu.transpose %get3A_1, [1, 0] : vector<32x8192xf32> -> vector<8192x32xf32>
    %get3A_2 = arith.constant 0 : index
    %get3A_3 = arith.constant 0 : index
    %get3A_4 = vector.load %arg2[%get3A_2, %get3A_3] : memref<32x8192xf32, #tpu.memory_space<vmem>>, vector<32x8192xf32>
    %transpose3A_5 = tpu.transpose %get3A_4, [1, 0] : vector<32x8192xf32> -> vector<8192x32xf32>
    %get3A_6 = arith.constant 0 : index
    %get3A_7 = arith.constant 0 : index
    %get3A_8 = vector.load %arg3[%get3A_6, %get3A_7] : memref<32x8192xf32, #tpu.memory_space<vmem>>, vector<32x8192xf32>
    %transpose3A_9 = tpu.transpose %get3A_8, [1, 0] : vector<32x8192xf32> -> vector<8192x32xf32>
    %get3A_10 = arith.constant 0 : index
    %get3A_11 = arith.constant 0 : index
    %get3A_12 = vector.load %arg4[%get3A_10, %get3A_11] : memref<32x8192xf32, #tpu.memory_space<vmem>>, vector<32x8192xf32>
    %transpose3A_13 = tpu.transpose %get3A_12, [1, 0] : vector<32x8192xf32> -> vector<8192x32xf32>
    %concatenate3A = tpu.concatenate %transpose3A, %transpose3A_5, %transpose3A_9, %transpose3A_13 in 1 : vector<8192x32xf32>, vector<8192x32xf32>, vector<8192x32xf32>, vector<8192x32xf32> -> vector<8192x128xf32>
    %swap3A = arith.constant 0 : index
    %swap3A_14 = arith.constant 0 : index
    %swap3A_15 = vector.load %arg5[%swap3A, %swap3A_14] : memref<8192x128xf32, #tpu.memory_space<vmem>>, vector<8192x128xf32>
    tpu.vector_store %arg5[%swap3A, %swap3A_14], %concatenate3A {strides = array<i32>} : memref<8192x128xf32, #tpu.memory_space<vmem>>, vector<8192x128xf32>,
    return
  }
  func.func @transform_0(%arg0: i32) -> (i32, i32) {
    %add3A = arith.constant 0 : i32
    %add3A_0 = arith.addi %add3A, %arg0 : i32
    %min3A = arith.constant 122 : i32
    %min3A_1 = arith.minsi %add3A_0, %min3A : i32
    %c0_i32 = arith.constant 0 : i32
    %c0_i32_2 = arith.constant 0 : i32
    return %c0_i32, %min3A_1 : i32, i32
  }
  func.func @transform_1(%arg0: i32) -> (i32, i32) {
    %add3A = arith.constant 31 : i32
    %add3A_0 = arith.addi %add3A, %arg0 : i32
    %min3A = arith.constant 122 : i32
    %min3A_1 = arith.minsi %add3A_0, %min3A : i32
    %c0_i32 = arith.constant 0 : i32
    %c0_i32_2 = arith.constant 0 : i32
    return %c0_i32, %min3A_1 : i32, i32
  }
  func.func @transform_2(%arg0: i32) -> (i32, i32) {
    %add3A = arith.constant 62 : i32
    %add3A_0 = arith.addi %add3A, %arg0 : i32
    %min3A = arith.constant 122 : i32
    %min3A_1 = arith.minsi %add3A_0, %min3A : i32
    %c0_i32 = arith.constant 0 : i32
    %c0_i32_2 = arith.constant 0 : i32
    return %c0_i32, %min3A_1 : i32, i32
  }
  func.func @transform_3(%arg0: i32) -> (i32, i32) {
    %add3A = arith.constant 93 : i32
    %add3A_0 = arith.addi %add3A, %arg0 : i32
    %min3A = arith.constant 122 : i32
    %min3A_1 = arith.minsi %add3A_0, %min3A : i32
    %c0_i32 = arith.constant 0 : i32
    %c0_i32_2 = arith.constant 0 : i32
    return %c0_i32, %min3A_1 : i32, i32
  }
  func.func @transform_4(%arg0: i32) -> (i32, i32) {
    %c0_i32 = arith.constant 0 : i32
    %c0_i32_0 = arith.constant 0 : i32
    return %arg0, %c0_i32 : i32, i32
  }
}

</mosaic_0001>

<sc_bundles>
// kernel: kernel.4.cloned.1.call-start
scs
__scs_entry_jumppad:
0x0: {  	(pc) =	sbr.rel $0x88, $3  }
0x1: {  	(tag) =	ssettag $0x0;
	lr =	simm.s32 $0x1  }
0x2: {  	[smem:$0x3F9E] =	sst lr;
	_ =	strace $0xD0000000  }
0x3: {  	_ = 	snop  }
0x4: {  	_ = 	snop  }
0x5: {  	_ = 	snop  }
0x6: {  	_ = 	snop  }
0x7: {  	_ = 	snop  }
__scs_overlays_trampoline_lowered:
0x8: {  	[smem:$0x3FAD] =	sst s0  }
0x9: {  	[smem:$0x3FAE] =	sst s1  }
0xa: {  	[smem:$0x3FAF] =	sst s2  }
0xb: {  	[smem:$0x3FB0] =	sst s3  }
0xc: {  	[smem:$0x3FB1] =	sst s4  }
0xd: {  	[smem:$0x3FB2] =	sst s5  }
0xe: {  	[smem:$0x3FB3] =	sst s6  }
0xf: {  	[smem:$0x3FB4] =	sst s7  }
0x10: {  	[smem:$0x3FB5] =	sst s8  }
0x11: {  	[smem:$0x3FB6] =	sst s9;
	s0 =	simm.s32 @!p0 $0x0  }
0x12: {  	s1 =	sld [smem:$0x3F9C];
	s0 =	simm.s32 @p0 $0x1  }
0x13: {  	[smem:$0x3FB7] =	sst s0;
	s0 =	simm.s32 @!p1 $0x0  }
0x14: {  	s2 =	sld [smem:$0x3F9B];
	s0 =	simm.s32 @p1 $0x1  }
0x15: {  	[smem:$0x3FB8] =	sst s0;
	s0 =	simm.s32 @!p2 $0x0  }
0x16: {  	s3 =	sld [smem:$0x3FDB];
	s0 =	simm.s32 @p2 $0x1  }
0x17: {  	s4 =	simm.s32 $0x1BF5;
	[smem:$0x3FBA] =	sst s0  }
0x18: {  	s0 =	sld [smem:$0x3F9D];
	_ =	swait.ge [sflag:s4], $0x0  }
0x19: {  	s7 =	sld [smem:$0x3F9E]  }
0x1a: {  	s8 =	sadd.s32 $0xFFFFE003, lr  }
0x1b: {  	s9 =	sadd.s32 $0xFFFFFEF7, lr;
	s5 =	simm.s32 $0xFFFFFFFF;
	p2 =	slt.u32 s8, $0xFFFFF086  }
0x1c: {  	p1 =	slt.u32 s9, $0xF7A;
	s5 =	simm.s32 @!p2 $0x0  }
0x1d: {  	s5 =	simm.s32 @p1 $0x1;
	p0 =	seq.s32 s7, s2  }
0x1e: {  	s7 =	smul.u32 @!p0 $0xF7A, s2;
	p2 =	seq.s32 @!p0 s5, $0x0  }
0x1f: {  	s9 =	smul.u32 $0xF7A, s1;
	s8 =	simm.s32 @!p0 $0x1BF5;
	p2 =	por !p2, p0  }
0x20: {  	[sflag:s8] =	ssyncset.s32 @!p0 $0xFFFFF086;
	s6 =	sadd.s32 @!p0 s3, s7;
	s7 =	simm.s32 @!p0 $0x108  }
0x21: {  	s3 =	sadd.s32 s3, s9;
	s6 =	sadd.s32 @!p0 $0x88, s6;
	s7 =	simm.s32 @p2 $0x1082  }
0x22: {  	[simem:s7], [sflag:s8] =	dma.local @!p0 [hbm:s6], $0xF7A  }
0x23: {  	s9 =	sor.u32 $0xD0000000, s2;
	s6 =	simm.s32 $0x108;
	_ =	swait.ge @!p0 [sflag:s8], $0x0  }
0x24: {  	s3 =	sadd.s32 $0x88, s3;
	s6 =	simm.s32 @!p1 $0x1082;
	[sflag:s4] =	ssyncset.s32 $0xFFFFF086  }
0x25: {  	[simem:s6], [sflag:s4] =	dma.local [hbm:s3], $0xF7A  }
0x26: {  	[smem:$0x3F9E] =	sst s1;
	(tag) =	ssettag s2;
	_ =	strace s9  }
0x27: {  	s1 =	sld [smem:$0x3FAE]  }
0x28: {  	s2 =	sld [smem:$0x3FAF]  }
0x29: {  	s4 =	sld [smem:$0x3FB1]  }
0x2a: {  	p0 =	seq.s32 s5, $0x0;
	s5 =	sld [smem:$0x3FB2]  }
0x2b: {  	s6 =	sld [smem:$0x3FB3]  }
0x2c: {  	s7 =	sld [smem:$0x3FB4]  }
0x2d: {  	s3 =	simm.s32 $0x108;
	s8 =	sld [smem:$0x3FB5]  }
0x2e: {  	s3 =	simm.s32 @!p0 $0x1082;
	s9 =	sld [smem:$0x3FB6]  }
0x2f: {  	lr =	sadd.s32 s0, s3;
	s0 =	sld [smem:$0x3FAD]  }
0x30: {  	s3 =	sld [smem:$0x3FB0]  }
0x31: {  	[smem:$0x3FB9] =	sst s10  }
0x32: {  	s10 =	sld [smem:$0x3FB7];
	_ =	sdelay $0x3  }
0x33: {  	p0 =	seq.s32 s10, $0x1;
	s10 =	sld [smem:$0x3FB9];
	_ =	sdelay $0x3  }
0x34: {  	[smem:$0x3FB9] =	sst s10  }
0x35: {  	s10 =	sld [smem:$0x3FB8];
	_ =	sdelay $0x3  }
0x36: {  	p1 =	seq.s32 s10, $0x1;
	s10 =	sld [smem:$0x3FB9];
	_ =	sdelay $0x3  }
0x37: {  	[smem:$0x3FB9] =	sst s10  }
0x38: {  	s10 =	sld [smem:$0x3FBA]  }
0x39: {  	_ = 	snop;
	(pc) =	sbr.ind lr, $3  }
0x3a: {  	_ = 	snop  }
0x3b: {  	_ = 	snop  }
0x3c: {  	p2 =	seq.s32 s10, $0x1;
	s10 =	sld [smem:$0x3FB9]  }
0x3d: {  	_ =	shalt  }
0x3e: {  	_ =	shalt  }
0x3f: {  	_ =	shalt  }
0x40: {  	_ =	shalt  }
0x41: {  	_ =	shalt  }
0x42: {  	_ =	shalt  }
0x43: {  	_ =	shalt  }
0x44: {  	_ =	shalt  }
0x45: {  	_ =	shalt  }
0x46: {  	_ =	shalt  }
0x47: {  	_ =	shalt  }
0x48: {  	_ =	shalt  }
0x49: {  	_ =	shalt  }
0x4a: {  	_ =	shalt  }
0x4b: {  	_ =	shalt  }
0x4c: {  	_ =	shalt  }
0x4d: {  	_ =	shalt  }
0x4e: {  	_ =	shalt  }
0x4f: {  	_ =	shalt  }
0x50: {  	_ =	shalt  }
0x51: {  	_ =	shalt  }
0x52: {  	_ =	shalt  }
0x53: {  	_ =	shalt  }
0x54: {  	_ =	shalt  }
0x55: {  	_ =	shalt  }
0x56: {  	_ =	shalt  }
0x57: {  	_ =	shalt  }
0x58: {  	_ =	shalt  }
0x59: {  	_ =	shalt  }
0x5a: {  	_ =	shalt  }
0x5b: {  	_ =	shalt  }
0x5c: {  	_ =	shalt  }
0x5d: {  	_ =	shalt  }
0x5e: {  	_ =	shalt  }
0x5f: {  	_ =	shalt  }
0x60: {  	_ =	shalt  }
0x61: {  	_ =	shalt  }
0x62: {  	_ =	shalt  }
0x63: {  	_ =	shalt  }
0x64: {  	_ =	shalt  }
0x65: {  	_ =	shalt  }
0x66: {  	_ =	shalt  }
0x67: {  	_ =	shalt  }
0x68: {  	_ =	shalt  }
0x69: {  	_ =	shalt  }
0x6a: {  	_ =	shalt  }
0x6b: {  	_ =	shalt  }
0x6c: {  	_ =	shalt  }
0x6d: {  	_ =	shalt  }
0x6e: {  	_ =	shalt  }
0x6f: {  	_ =	shalt  }
0x70: {  	_ =	shalt  }
0x71: {  	_ =	shalt  }
0x72: {  	_ =	shalt  }
0x73: {  	_ =	shalt  }
0x74: {  	_ =	shalt  }
0x75: {  	_ =	shalt  }
0x76: {  	_ =	shalt  }
0x77: {  	_ =	shalt  }
0x78: {  	_ =	shalt  }
0x79: {  	_ =	shalt  }
0x7a: {  	_ =	shalt  }
0x7b: {  	_ =	shalt  }
0x7c: {  	_ =	shalt  }
0x7d: {  	_ =	shalt  }
0x7e: {  	_ =	shalt  }
0x7f: {  	_ =	shalt  }
0x80: {  	_ =	shalt  }
0x81: {  	_ =	shalt  }
0x82: {  	_ =	shalt  }
0x83: {  	_ =	shalt  }
0x84: {  	_ =	shalt  }
0x85: {  	_ =	shalt  }
0x86: {  	_ =	shalt  }
0x87: {  	_ =	shalt  }
.Lfunc_end0:
.L_simem_size_0:
called_computation_lowered:
.L_overlay_start_0:
0x88: {  	s2 =	sld [smem:$0x3FD9]  }
0x89: {  	s3 =	sld [smem:$0x3FFE];
	_ =	sdelay $0x1  }
0x8a: {  	s1 =	srdreg.scid  }
0x8b: {  	s0 =	sand.u32 $0x1, s1  }
0x8c: {  	s17 =	sshll.u32 s0, $0xA;
	s2 =	sadd.s32 s3, s2  }
0x8d: {  	s2 =	sadd.s32 s2, s17  }
0x8e: {  	[smem:$0x3FC5] =	sst s2  }
0x8f: {  	_ = 	snop  }
0x90: {  	s2 =	sld [smem:$0x3FC9]  }
0x91: {  	s18 =	sld [smem:$0x3FC7]  }
0x92: {  	s4 =	sld [smem:$0x3FD0];
	(tm) =	ssettm $0x1  }
0x93: {  	s5 =	sld [smem:$0x3FFB];
	_ =	sdelay $0x3  }
0x94: {  	_ =	strace s5  }
0x95: {  	s5 =	sld [smem:$0x3FFC];
	_ =	sdelay $0x3  }
0x96: {  	_ =	strace s5  }
0x97: {  	s5 =	sld [smem:$0x3FFD];
	_ =	sdelay $0x3  }
0x98: {  	_ =	strace s5  }
0x99: {  	_ =	strace $0x8FFFFFFF  }
0x9a: {  	s19 =	sld [smem:$0x3FDB];
	_ =	sdelay $0x1  }
0x9b: {  	s6 =	simm.s32 $_scs_section_size  }
0x9c: {  	s7 =	simm.s32 $_size__tile_overlayer_lowered;
	s8 =	simm.s32 $_tile_overlayer_lowered  }
0x9d: {  	s22 =	simm.s32 $0x1BFF;
	s21 =	sshll.u32 s8, $0x1;
	s5 =	sadd.s32 s6, s19  }
0x9e: {  	s9 =	simm.s32 $0x0;
	s20 =	sshll.u32 s7, $0x1;
	s7 =	sadd.s32 s21, s5  }
0x9f: {  	[timem:s9], [sflag:s22] =	dma.local [hbm:s7], s20  }
0xa0: {  	_ =	swait.ge [sflag:s22], s20  }
0xa1: {  	s6 =	ssub.s32 $0x0, s20;
	[sflag:s22] =	ssyncset.done $0x0  }
0xa2: {  	[sflag:s22] =	ssyncadd.s32 s6;
	_ =	sdelay $0x1  }
0xa3: {  	s23 =	simm.s32 $0x1B8B  }
0xa4: {  	_ =	swait.ge [sflag:s23], $0x1  }
0xa5: {  	[sflag:s23] =	ssyncset.done $0x0  }
0xa6: {  	s25 =	simm.s32 $0x1B8E;
	s24 =	sld [smem:$0x3FFE];
	[sflag:s23] =	ssyncadd.s32 $0xFFFFFFFF  }
0xa7: {  	s26 =	simm.s32 $execute0_lowered;
	[smem:$0x3FD2] =	sst s25  }
0xa8: {  	s7 =	sshll.u32 s26, $0x1;
	_ =	strace $0x80000046;
	[dreg:$0x1] =	wrdreg $0xFFFFFFFF  }
0xa9: {  	s28 =	simm.s32 $_size_execute0_lowered;
	s5 =	sadd.s32 s5, s7;
	[dreg:$0x0] =	wrdreg $0x0  }
0xaa: {  	s7 =	sshll.u32 s28, $0x1;
	[dreg:$0x2] =	wrdreg s5  }
0xab: {  	[dreg:$0x3] =	wrdreg s7  }
0xac: {  	[dreg:$0x4] =	wrdreg $0xC0  }
0xad: {  	_ =	task [dreg:s9], $0x5FFFF  }
0xae: {  	[dreg:$0x1] =	wrdreg $0xFFFFFFFF  }
0xaf: {  	[dreg:$0x0] =	wrdreg $0x60  }
0xb0: {  	[dreg:$0x2] =	wrdreg s2  }
0xb1: {  	[dreg:$0x3] =	wrdreg s24  }
0xb2: {  	[dreg:$0x4] =	wrdreg s18  }
0xb3: {  	[dreg:$0x5] =	wrdreg s4  }
0xb4: {  	[dreg:$0x6] =	wrdreg $0x9  }
0xb5: {  	_ =	task.clear_ibuf [dreg:s9], $0x7FFFF;
	_ =	strace $0x90000046  }
0xb6: {  	s29 =	simm.s32 $0x9;
	_ =	strace $0x80000048  }
0xb7: {  	_ =	swait.ge [sflag:s29], $0x1  }
0xb8: {  	[sflag:s29] =	ssyncadd.s32 $0xFFFFFFFF  }
0xb9: {  	_ =	strace $0x90000048  }
0xba: {  	_ =	sfence  }
0xbb: {  	s30 =	sld [smem:$0x0];
	_ =	sdelay $0x2  }
0xbc: {  	s31 =	sshll.u32 s1, $0xD;
	s1 =	sshrl.u32 s1, $0x2  }
0xbd: {  	s3 =	sand.u32 $0x4000, s31;
	s1 =	sadd.s32 s1, s30  }
0xbe: {  	s0 =	sor.u32 s3, s0;
	s1 =	sshll.u32 s1, $0x11  }
0xbf: {  	s0 =	sor.u32 s1, s0  }
0xc0: {  	s0 =	sadd.s32 $0x8F2B, s0  }
0xc1: {  	[sflag:s0] =	ssyncadd.remote.s32 $0x1  }
0xc2: {  	_ =	sfence.sel $0xFFFF  }
0xc3: {  	[dreg:$0x0] =	wrdreg $0xFFFFFFFF;
	(pc) =	sbr.abs _section_cstart, $3  }
0xc4: {  	[dreg:$0x1] =	wrdreg $0xFFFFFFFF  }
0xc5: {  	_ =	task.clear_ibuf [dreg:s9], $0x2FFFF;
	_ =	strace $0x9FFFFFFF  }
0xc6: {  	(tm) =	ssettm $0x7FFFFFFF  }
0xc7: {  	_ =	shalt  }
tec
execute0_lowered:
.L_overlay_start_1:
0x0: {  	(tag) =	ssettag $0x1  }
0x1: {  	s0 =	rddreg [dreg:$0x0]  }
0x2: {  	s1 =	rddreg [dreg:$0x1]  }
0x3: {  	s5 =	rddreg [dreg:$0x3]  }
0x4: {  	s2 =	srdreg.scid;
	s3 =	stileid.u32  }
0x5: {  	s6 =	simm.s32 $0x0;
	s14 =	simm.s32 $0x1A400;
	s2 =	sand.u32 $0x1, s2  }
0x6: {  	s3 =	sshll.u32 s3, $0xA;
	[smem:$0x7FF] =	sst s6;
	s4 =	sshll.u32 s2, $0x9  }
0x7: {  	s10 =	sadd.s32 $0x400, s1;
	s2 =	ssub.s32 $0x2, s2;
	s3 =	sor.u32 s4, s3  }
0x8: {  	_ =	strace $0x80000047;
	[dreg:$0x1d] =	wrdreg s10;
	s28 =	sadd.s32 s0, s3  }
0x9: {  	s25 =	sshll.u32 s3, $0x3;
	s3 =	sadd.s32 s5, s3;
	[dreg:$0x1f] =	wrdreg s28  }
0xa: {  	s24 =	sshrl.u32 s2, $0x1;
	s30 =	sadd.s32 $0x100, s3;
	[smem:$0x7F9] =	sst s3  }
0xb: {  	v0 =	vimm.s32 $0xECA86420;
	s26 =	ssub.s32 s2, s24;
	s3 =	sadd.s32 $0x110000, s3;
	[smem:$0x7F8] =	sst s30  }
0xc: {  	s17 =	simm.s32 $0x800;
	vm0 =	vcmask $0xB08;
	vm1 =	vcmask $0x1310;
	vm2 =	vcmask $0x1B18;
	s31 =	smax.u32 s26, $0x1;
	[smem:$0x7FA] =	sst s3  }
0xd: {  	s18 =	simm.s32 $0x20000;
	vm3 =	vcmask $0x300;
	vm4 =	vcmask $0x2320;
	vm5 =	vcmask $0x2B28;
	s12 =	sor.u32 $0x800, s25;
	[smem:$0x7FC] =	sst s31  }
0xe: {  	v3 =	vlaneseq.u32;
	vm6 =	vcmask $0x3330;
	v0 =	vunpack.c.l.s4.s8 v0;
	s16 =	sor.u32 $0x880800, s25;
	s29 =	sshrl.u32 s12, $0x3;
	[dreg:$0x1e] =	wrdreg s12  }
0xf: {  	s20 =	simm.s32 $0x4400;
	vm7 =	vcmask $0x3B38;
	vm8 =	vmmov $0xff;
	v2 =	vimm.s32 $0x0;
	[smem:$0x7FD] =	sst s16;
	s0 =	sadd.s32 s0, s29  }
0x10: {  	v1 =	vmul.u32 $0x2, v3;
	v3 =	vmul.u32 $0x80, v3;
	s1 =	simm.s32 $0x0;
	v0 =	vunpack.c.0.s8.s32 v0;
	s24 =	simm.s32 $0xC400;
	[smem:$0x7FB] =	sst s0  }
.LBB2_1:
0x11: {  	[smem:$0x7F3] =	sst s1  }
0x12: {  	s0 =	rddreg [dreg:$0x2];
	s2 =	simm.s32 $0x0;
	s4 =	simm.s32 $0x5  }
0x13: {  	[tilespmem:s14], [sflag:$0x5] =	stream.linear.gather [hbm4b:s0+s2], $0x800, $0x38;
	[tilespmem:$0x1AC00] =	vst v63  }
0x14: {  	_ =	swait.ge [sflag:s4], $0x800  }
0x15: {  	[sflag:s4] =	ssyncset.done $0x0  }
0x16: {  	s25 =	simm.s32 $0x0;
	s22 =	rddreg [dreg:$0x1f];
	[sflag:s4] =	ssyncadd.s32 $0xFFFFF800  }
0x17: {  	[tilespmem:s2], [sflag:$0x5] =	stream.strided.gather [hbm4b:s22+s17], $0x1800, s18, s17, $0x38;
	[tilespmem:$0x1AC00] =	vst v63  }
0x18: {  	s3 =	simm.s32 $0x0;
	s23 =	sand.u32 $0x70, s2;
	s2 =	sand.u32 $0x400, s2  }
0x19: {  	s1 =	sand.u32 $0x1800, s25;
	_ =	swait.ge [sflag:s4], $0x1800;
	s0 =	sor.u32 s2, s23  }
0x1a: {  	s26 =	sand.u32 $0x380, s3;
	[sflag:s4] =	ssyncset.done $0x0;
	s0 =	sor.u32 s1, s0  }
0x1b: {  	[sflag:s4] =	ssyncadd.s32 $0xFFFFE800;
	s13 =	sor.u32 s26, s0  }
0x1c: {  	v4 =	vld [tilespmem:s13+$0x0];
	_ =	sdelay $0x4  }
0x1d: {  	(v2sf) =	vpush v4, $0xF  }
0x1e: {  	(v2sf) =	vpush v4, $0xA;
	_ =	sdelay $0x2  }
0x1f: {  	(v2sf) =	vpush v4, $0x1  }
0x20: {  	(v2sf) =	vpush v4, $0x0;
	_ =	sdelay $0x2  }
0x21: {  	(v2sf) =	vpush v4, $0xC  }
0x22: {  	(v2sf) =	vpush v4, $0x8;
	_ =	sdelay $0x1  }
0x23: {  	(v2sf) =	vpush v4, $0x2  }
0x24: {  	(v2sf) =	vpush v4, $0xD  }
0x25: {  	(v2sf) =	vpush v4, $0x5;
	_ =	sdelay $0x1  }
0x26: {  	(v2sf) =	vpush v4, $0xE;
	s2 =	spop (v2sf)  }
0x27: {  	s3 =	spop (v2sf);
	s7 =	smulhi.u32 $0x84210843, s2  }
0x28: {  	(v2sf) =	vpush v4, $0x3;
	s19 =	sshra.s32 s2, $0x1F;
	s5 =	smulhi.u32 $0x84210843, s3  }
0x29: {  	(v2sf) =	vpush v4, $0x7;
	s4 =	smul.u32 $0x84210843, s19;
	s11 =	sshra.s32 s3, $0x1F  }
0x2a: {  	s6 =	spop (v2sf);
	s19 =	smul.u32 $0x84210843, s11  }
0x2b: {  	s8 =	spop (v2sf);
	s17 =	smulhi.u32 $0x84210843, s6  }
0x2c: {  	s9 =	sshra.s32 s6, $0x1F;
	s10 =	smulhi.u32 $0x84210843, s8  }
0x2d: {  	(v2sf) =	vpush v4, $0x9;
	s7 =	ssub.s32 s7, s2;
	s9 =	smul.u32 $0x84210843, s9  }
0x2e: {  	(v2sf) =	vpush v4, $0x4;
	s12 =	spop (v2sf);
	s15 =	sshra.s32 s8, $0x1F;
	s31 =	ssub.s32 s5, s3  }
0x2f: {  	s7 =	sadd.s32 s4, s7;
	s16 =	spop (v2sf);
	s23 =	smul.u32 $0x84210843, s15  }
0x30: {  	(v2sf) =	vpush v4, $0xB;
	s21 =	sshra.s32 s12, $0x1F;
	s30 =	smulhi.u32 $0x84210843, s12;
	[smem:$0x7F7] =	sst s7  }
0x31: {  	s6 =	ssub.s32 s17, s6;
	s18 =	spop (v2sf);
	s11 =	smul.u32 $0x84210843, s21  }
0x32: {  	(v2sf) =	vpush v4, $0x6;
	s8 =	ssub.s32 s10, s8;
	s9 =	sadd.s32 s9, s6;
	s21 =	spop (v2sf)  }
0x33: {  	s6 =	sshra.s32 s16, $0x1F;
	s26 =	smulhi.u32 $0x84210843, s18;
	s25 =	spop (v2sf)  }
0x34: {  	s3 =	ssub.s32 s30, s12;
	[smem:$0x7F6] =	sst s6;
	s22 =	smulhi.u32 $0x84210843, s25  }
0x35: {  	s28 =	smulhi.u32 $0x84210843, s21;
	s11 =	sadd.s32 s11, s3;
	s10 =	spop (v2sf)  }
0x36: {  	s29 =	sshra.s32 s10, $0x1F;
	s0 =	smulhi.u32 $0x84210843, s10;
	[smem:$0x7F4] =	sst s22  }
0x37: {  	s6 =	ssub.s32 s28, s21;
	s22 =	spop (v2sf);
	s17 =	smul.u32 $0x84210843, s29  }
0x38: {  	s15 =	spop (v2sf);
	s2 =	ssub.s32 s0, s10;
	s10 =	sadd.s32 s23, s8  }
0x39: {  	s12 =	smulhi.u32 $0x84210843, s22;
	s23 =	ssub.s32 s26, s18;
	[smem:$0x7F5] =	sst s10  }
0x3a: {  	s10 =	sshra.s32 s21, $0x1F;
	s17 =	sadd.s32 s17, s2;
	s2 =	smulhi.u32 $0x84210843, s16  }
0x3b: {  	s18 =	sshra.s32 s18, $0x1F;
	[dreg:$0x10] =	wrdreg s23;
	s26 =	smul.u32 $0x84210843, s10  }
0x3c: {  	s0 =	simm.s32 $0x1;
	s10 =	sld [smem:$0x7F4];
	s5 =	spop (v2sf)  }
0x3d: {  	s1 =	spop (v2sf);
	s4 =	sadd.s32 s26, s6;
	s26 =	sshra.s32 s25, $0x1F  }
0x3e: {  	s12 =	ssub.s32 s12, s22;
	[dreg:$0xe] =	wrdreg s26;
	s26 =	smul.u32 $0x84210843, s18  }
0x3f: {  	s28 =	ssub.s32 s2, s16;
	s29 =	spop (v2sf);
	s2 =	smulhi.u32 $0x84210843, s1  }
0x40: {  	v5 =	vmov s11;
	s11 =	sld [smem:$0x7F5];
	s8 =	smulhi.u32 $0x84210843, s29;
	s3 =	sshra.s32 s29, $0x1F  }
0x41: {  	s6 =	sshra.s32 s22, $0x1F;
	v5 =	vsel vm0, s4, v5;
	s7 =	spop (v2sf);
	s21 =	smul.u32 $0x84210843, s3  }
0x42: {  	s22 =	simm.s32 $0x10;
	v5 =	vsel vm1, s17, v5;
	s17 =	sld [smem:$0x7F6];
	s23 =	smulhi.u32 $0x84210843, s7  }
0x43: {  	s30 =	ssub.s32 s10, s25;
	s18 =	sshra.s32 s1, $0x1F;
	s3 =	smulhi.u32 $0x84210843, s5  }
0x44: {  	s8 =	ssub.s32 s8, s29;
	s10 =	ssub.s32 s23, s7;
	s7 =	sshra.s32 s7, $0x1F  }
0x45: {  	s8 =	sadd.s32 s21, s8;
	s17 =	smul.u32 $0x84210843, s17;
	s21 =	sld [smem:$0x7F7]  }
0x46: {  	s23 =	ssub.s32 s3, s5;
	s5 =	sshra.s32 s5, $0x1F;
	s25 =	smul.u32 $0x84210843, s7  }
0x47: {  	v6 =	vmov s11;
	s11 =	simm.s32 $0x80;
	s29 =	sshra.s32 s15, $0x1F;
	s16 =	smul.u32 $0x84210843, s5  }
0x48: {  	v6 =	vnsel vm3, $0x0, v6;
	s7 =	simm.s32 $0x1800;
	v5 =	vsel vm2, s21, v5;
	s21 =	ssub.s32 s2, s1;
	s1 =	simm.s32 $0x1800  }
.LBB2_2:
0x49: {  	s6 =	smul.u32 $0x84210843, s6  }
0x4a: {  	s5 =	sadd.s32 s16, s23;
	s2 =	rddreg [dreg:$0x10];
	s18 =	smul.u32 $0x84210843, s18  }
0x4b: {  	v6 =	vsel vm0, s9, v6;
	s23 =	rddreg [dreg:$0xe];
	s4 =	sadd.s32 s17, s28;
	s17 =	sadd.s32 s26, s2  }
0x4c: {  	s3 =	smul.u32 $0x84210843, s23;
	v7 =	vmov s4;
	v6 =	vsel vm1, s17, v6;
	s6 =	sadd.s32 s6, s12  }
0x4d: {  	s26 =	sadd.s32 s19, s31;
	s2 =	sadd.s32 s18, s21;
	s4 =	smulhi.u32 $0x84210843, s15;
	v7 =	vsel vm0, s5, v7;
	v6 =	vsel vm2, s6, v6  }
0x4e: {  	s3 =	sadd.s32 s3, s30;
	s6 =	smul.u32 $0x84210843, s29;
	v7 =	vsel vm1, s26, v7;
	v6 =	vsel vm4, s2, v6  }
0x4f: {  	s25 =	sadd.s32 s25, s10;
	s12 =	ssub.s32 s4, s15;
	v7 =	vsel vm2, s8, v7;
	v6 =	vsel vm5, s3, v6  }
0x50: {  	s3 =	sadd.s32 s6, s12;
	v5 =	vcombine.low v7, v5;
	v6 =	vsel vm6, s25, v6  }
0x51: {  	v6 =	vsel vm7, s3, v6  }
0x52: {  	v5 =	vperm.xlane v5, v0;
	v6 =	vperm.xlane v6, v1;
	_ =	sdelay $0x1  }
0x53: {  	v5 =	vsel vm8, v6, v5  }
0x54: {  	v5 =	vadd.s32 v4, v5  }
0x55: {  	v6 =	vshrl.u32 v5, $0x1F;
	v5 =	vshra.s32 v5, $0x11  }
0x56: {  	v5 =	vadd.s32 v6, v5  }
0x57: {  	v6 =	vmul.u32 $0xFFFC2000, v5  }
0x58: {  	v7 =	vsub.s32 $0x0, v4  }
0x59: {  	vm9 =	vlt.s32 v4, $0x1;
	vm10 =	vne.s32 v6, v7  }
0x5a: {  	vm9 =	vmand vm9, vm10  }
0x5b: {  	v6 =	vsel vm9, $0xFFFFFFFF, v2  }
0x5c: {  	s15 =	smov.u32 s0;
	v5 =	vadd.s32 v6, v5  }
0x5d: {  	s19 =	sand.u32 $0x400, s11;
	s17 =	sand.u32 $0x70, s22;
	s18 =	sshll.u32 s15, $0x4;
	v6 =	vmul.u32 $0xFFFC2000, v5  }
0x5e: {  	s6 =	sshll.u32 s15, $0x3;
	s5 =	sand.u32 $0x1800, s18;
	s3 =	sor.u32 s19, s17  }
0x5f: {  	s6 =	sand.u32 $0x380, s6;
	s3 =	sor.u32 s5, s3;
	v4 =	vadd.s32 v4, v6  }
0x60: {  	s3 =	sor.u32 s6, s3;
	[tilespmem:s7+$0x0] =	vst v4  }
0x61: {  	v4 =	vld [tilespmem:s3+$0x0];
	_ =	sdelay $0x4  }
0x62: {  	(v2sf) =	vpush v4, $0xF  }
0x63: {  	(v2sf) =	vpush v4, $0xA;
	_ =	sdelay $0x1  }
0x64: {  	(v2sf) =	vpush v4, $0x1  }
0x65: {  	(v2sf) =	vpush v4, $0x0;
	_ =	sdelay $0x2  }
0x66: {  	(v2sf) =	vpush v4, $0xC  }
0x67: {  	(v2sf) =	vpush v4, $0x8;
	_ =	sdelay $0x1  }
0x68: {  	(v2sf) =	vpush v4, $0x2;
	_ =	sdelay $0x1  }
0x69: {  	s1 =	sadd.s32 $0x10, s1;
	(v2sf) =	vpush v4, $0xD  }
0x6a: {  	s16 =	sadd.s32 $0x1, s0;
	[dreg:$0x7] =	wrdreg s1  }
0x6b: {  	p0 =	sne.s32 s0, $0x13F;
	[dreg:$0x6] =	wrdreg s16;
	s23 =	smov.u32 s1;
	(v2sf) =	vpush v4, $0x5  }
0x6c: {  	s21 =	smov.u32 s11;
	[dreg:$0xd] =	wrdreg s23;
	(v2sf) =	vpush v4, $0xE;
	s26 =	spop (v2sf)  }
0x6d: {  	s25 =	smov.u32 s3;
	(v2sf) =	vpush v4, $0x3;
	s5 =	spop (v2sf);
	s2 =	smulhi.u32 $0x84210843, s26  }
0x6e: {  	[dreg:$0xf] =	wrdreg s25;
	s1 =	sshra.s32 s26, $0x1F;
	s10 =	smulhi.u32 $0x84210843, s5  }
0x6f: {  	s29 =	smov.u32 s22;
	(v2sf) =	vpush v4, $0x7;
	s9 =	spop (v2sf);
	s7 =	smul.u32 $0x84210843, s1  }
0x70: {  	(v2sf) =	vpush v4, $0x9;
	s4 =	sshra.s32 s9, $0x1F;
	s15 =	spop (v2sf);
	s22 =	smulhi.u32 $0x84210843, s9  }
0x71: {  	(v2sf) =	vpush v4, $0x4;
	s23 =	ssub.s32 s2, s26;
	s26 =	sshra.s32 s5, $0x1F;
	s19 =	smulhi.u32 $0x84210843, s15  }
0x72: {  	(v2sf) =	vpush v4, $0xB;
	[dreg:$0x14] =	wrdreg s7;
	s11 =	sshra.s32 s15, $0x1F;
	s12 =	smul.u32 $0x84210843, s4  }
0x73: {  	v5 =	vshll.u32 v5, $0x5;
	s16 =	spop (v2sf);
	s2 =	smul.u32 $0x84210843, s26;
	s7 =	ssub.s32 s10, s5  }
0x74: {  	[tilespmem:s13+$0x2C00] =	vst v5;
	(v2sf) =	vpush v4, $0x6;
	s13 =	sshra.s32 s16, $0x1F;
	s28 =	spop (v2sf);
	[dreg:$0x19] =	wrdreg s7  }
0x75: {  	s5 =	smulhi.u32 $0x84210843, s16;
	s9 =	ssub.s32 s22, s9;
	[dreg:$0x13] =	wrdreg s2  }
0x76: {  	s1 =	sshra.s32 s28, $0x1F;
	s18 =	spop (v2sf);
	s17 =	smul.u32 $0x84210843, s13  }
0x77: {  	s0 =	ssub.s32 s19, s15;
	s9 =	sadd.s32 s12, s9;
	[dreg:$0x11] =	wrdreg s1  }
0x78: {  	s4 =	sshra.s32 s18, $0x1F;
	s25 =	spop (v2sf);
	s1 =	smul.u32 $0x84210843, s11  }
0x79: {  	s8 =	smulhi.u32 $0x84210843, s18;
	s5 =	ssub.s32 s5, s16;
	[dreg:$0x16] =	wrdreg s4  }
0x7a: {  	s26 =	sshra.s32 s25, $0x1F;
	s30 =	spop (v2sf);
	s7 =	smulhi.u32 $0x84210843, s25  }
0x7b: {  	s13 =	spop (v2sf);
	s10 =	smulhi.u32 $0x84210843, s30;
	s11 =	sshra.s32 s30, $0x1F  }
0x7c: {  	s15 =	ssub.s32 s8, s18;
	[dreg:$0xe] =	wrdreg s11;
	s4 =	spop (v2sf)  }
0x7d: {  	s19 =	sshra.s32 s13, $0x1F;
	[dreg:$0x10] =	wrdreg s15;
	s3 =	smulhi.u32 $0x84210843, s13  }
0x7e: {  	s15 =	spop (v2sf);
	s18 =	ssub.s32 s10, s30;
	s10 =	smulhi.u32 $0x84210843, s4  }
0x7f: {  	s0 =	sadd.s32 s1, s0;
	s16 =	smul.u32 $0x84210843, s19;
	s11 =	spop (v2sf)  }
0x80: {  	s7 =	ssub.s32 s7, s25;
	[dreg:$0x1b] =	wrdreg s18;
	s30 =	spop (v2sf)  }
0x81: {  	s6 =	sshra.s32 s4, $0x1F;
	s22 =	smulhi.u32 $0x84210843, s11;
	s19 =	spop (v2sf)  }
0x82: {  	s3 =	ssub.s32 s3, s13;
	s31 =	smulhi.u32 $0x84210843, s19;
	s2 =	sshra.s32 s19, $0x1F  }
0x83: {  	s8 =	sshra.s32 s11, $0x1F;
	s2 =	smul.u32 $0x84210843, s2;
	s13 =	spop (v2sf)  }
0x84: {  	s12 =	ssub.s32 s10, s4;
	s10 =	smulhi.u32 $0x84210843, s13;
	s1 =	sshra.s32 s13, $0x1F  }
0x85: {  	s3 =	sadd.s32 s16, s3;
	s16 =	smov.u32 s29;
	s25 =	smul.u32 $0x84210843, s1  }
0x86: {  	s1 =	smul.u32 $0x84210843, s26;
	s26 =	sadd.s32 s17, s5;
	s5 =	rddreg [dreg:$0x14]  }
0x87: {  	v5 =	vmov s0;
	s10 =	ssub.s32 s10, s13;
	s13 =	rddreg [dreg:$0xf];
	s4 =	sadd.s32 s5, s23  }
0x88: {  	v6 =	vnsel vm3, $0x0, v5;
	s23 =	ssub.s32 s22, s11;
	v5 =	vmov s26;
	s26 =	rddreg [dreg:$0x16];
	s22 =	sadd.s32 $0x10, s16  }
0x89: {  	s16 =	smul.u32 $0x84210843, s8;
	s8 =	ssub.s32 s31, s19;
	s31 =	rddreg [dreg:$0x19]  }
0x8a: {  	s29 =	sshra.s32 s15, $0x1F;
	s17 =	smulhi.u32 $0x84210843, s28;
	s19 =	rddreg [dreg:$0x13]  }
.Ltmp0:
0x8b: {  	s11 =	sadd.s32 $0x80, s21;
	s21 =	rddreg [dreg:$0x11];
	(pc) =	sbr.rel @p0 .LBB2_2-.Ltmp0, $4  }
0x8c: {  	s5 =	smulhi.u32 $0x84210843, s30;
	s0 =	sadd.s32 s1, s7;
	s7 =	rddreg [dreg:$0xd]  }
0x8d: {  	s18 =	sshra.s32 s30, $0x1F;
	s26 =	smul.u32 $0x84210843, s26;
	s1 =	rddreg [dreg:$0x7];
	v5 =	vsel vm0, s0, v5  }
0x8e: {  	s28 =	ssub.s32 s17, s28;
	s17 =	smul.u32 $0x84210843, s21;
	s0 =	rddreg [dreg:$0x6];
	v5 =	vsel vm1, s3, v5  }
0x8f: {  	s8 =	sadd.s32 s2, s8;
	s21 =	ssub.s32 s5, s30;
	s30 =	rddreg [dreg:$0x1b];
	v5 =	vsel vm2, s4, v5  }
0x90: {  	s0 =	smul.u32 $0x84210843, s6;
	s1 =	sadd.s32 s17, s28;
	s2 =	rddreg [dreg:$0x10]  }
0x91: {  	v6 =	vsel vm0, s9, v6;
	s3 =	smul.u32 $0x84210843, s18;
	s18 =	rddreg [dreg:$0xe];
	s2 =	sadd.s32 s26, s2  }
0x92: {  	s4 =	sadd.s32 s16, s23;
	v7 =	vmov s1;
	s1 =	smul.u32 $0x84210843, s18;
	v6 =	vsel vm1, s2, v6;
	s0 =	sadd.s32 s0, s12  }
0x93: {  	s19 =	sadd.s32 s19, s31;
	s22 =	smulhi.u32 $0x84210843, s15;
	v7 =	vsel vm0, s4, v7;
	s21 =	sadd.s32 s3, s21;
	v6 =	vsel vm2, s0, v6  }
0x94: {  	s26 =	smul.u32 $0x84210843, s29;
	v7 =	vsel vm1, s19, v7;
	s23 =	sadd.s32 s1, s30;
	v6 =	vsel vm4, s21, v6  }
0x95: {  	s29 =	sadd.s32 s25, s10;
	s30 =	ssub.s32 s22, s15;
	v7 =	vsel vm2, s8, v7;
	v6 =	vsel vm5, s23, v6  }
0x96: {  	s0 =	sadd.s32 s26, s30;
	v5 =	vcombine.low v7, v5;
	v6 =	vsel vm6, s29, v6  }
0x97: {  	v6 =	vsel vm7, s0, v6  }
0x98: {  	v5 =	vperm.xlane v5, v0;
	v6 =	vperm.xlane v6, v1;
	_ =	sdelay $0x1  }
0x99: {  	v5 =	vsel vm8, v6, v5  }
0x9a: {  	v5 =	vadd.s32 v4, v5  }
0x9b: {  	v61 =	vshrl.u32 v5, $0x1F;
	v5 =	vshra.s32 v5, $0x11  }
0x9c: {  	v5 =	vadd.s32 v61, v5  }
0x9d: {  	v6 =	vmul.u32 $0xFFFC2000, v5  }
0x9e: {  	v62 =	vsub.s32 $0x0, v4  }
0x9f: {  	vm9 =	vlt.s32 v4, $0x1;
	vm10 =	vne.s32 v6, v62  }
0xa0: {  	vm9 =	vmand vm9, vm10  }
0xa1: {  	v63 =	vsel vm9, $0xFFFFFFFF, v2  }
0xa2: {  	s9 =	rddreg [dreg:$0x1d];
	s31 =	simm.s32 $0x1800;
	v5 =	vadd.s32 v63, v5  }
0xa3: {  	s6 =	sld [smem:$0x7F8];
	s16 =	simm.s32 $0x800;
	s17 =	simm.s32 $0x20000;
	v6 =	vmul.u32 $0xFFFC2000, v5  }
0xa4: {  	s28 =	simm.s32 $0x4;
	s18 =	simm.s32 $0x100;
	s10 =	sld [smem:$0x7F9]  }
0xa5: {  	s25 =	simm.s32 $0x2;
	s2 =	simm.s32 $0x0;
	s12 =	sld [smem:$0x7FA];
	v4 =	vadd.s32 v4, v6  }
0xa6: {  	s1 =	simm.s32 $0x0;
	s22 =	simm.s32 $0x1;
	s8 =	simm.s32 $0x18400;
	[tilespmem:s7+$0x0] =	vst v4;
	v4 =	vshll.u32 v5, $0x5  }
0xa7: {  	s21 =	simm.s32 $0x3;
	s26 =	simm.s32 $0x16400;
	s23 =	simm.s32 $0x14400;
	[tilespmem:s13+$0x2C00] =	vst v4  }
0xa8: {  	[tilespmem:s20], [sflag:$0x1] =	stream.indirect.gather [hbm4b:s9+s18], $0x80, s31, s18, $0xb8;
	[tilespmem:$0x1AC00] =	vst v63  }
.LBB2_4:
0xa9: {  	s0 =	sshll.u32 s2, $0x7  }
0xaa: {  	v4 =	vmov s0;
	_ =	sdelay $0x4  }
0xab: {  	v6 =	vld.idx.msk [tilespmem:v4+s14+$0x0], $0xffff  }
0xac: {  	v5 =	vor.u32 $0x1, v4;
	_ =	sdelay $0x1  }
0xad: {  	s30 =	sand.u32 $0x70, s1;
	s3 =	sand.u32 $0x400, s1  }
0xae: {  	s0 =	sor.u32 s30, s3  }
0xaf: {  	[tilespmem:s0+$0x18400] =	vst v6  }
0xb0: {  	v7 =	vld.idx.msk [tilespmem:v5+s14+$0x0], $0xffff  }
0xb1: {  	v6 =	vor.u32 $0x2, v4;
	_ =	sdelay $0x2  }
0xb2: {  	s3 =	sadd.s32 $0x18400, s0  }
0xb3: {  	[tilespmem:s3+$0x80] =	vst v7  }
0xb4: {  	v8 =	vld.idx.msk [tilespmem:v6+s14+$0x0], $0xffff  }
0xb5: {  	v7 =	vor.u32 $0x3, v4;
	_ =	sdelay $0x3  }
0xb6: {  	[tilespmem:s3+$0x100] =	vst v8  }
0xb7: {  	v9 =	vld.idx.msk [tilespmem:v7+s14+$0x0], $0xffff  }
0xb8: {  	v8 =	vor.u32 $0x4, v4;
	_ =	sdelay $0x3  }
0xb9: {  	[tilespmem:s3+$0x180] =	vst v9  }
0xba: {  	v10 =	vld.idx.msk [tilespmem:v8+s14+$0x0], $0xffff  }
0xbb: {  	v9 =	vor.u32 $0x5, v4;
	_ =	sdelay $0x3  }
0xbc: {  	[tilespmem:s3+$0x200] =	vst v10  }
0xbd: {  	v11 =	vld.idx.msk [tilespmem:v9+s14+$0x0], $0xffff  }
0xbe: {  	v10 =	vor.u32 $0x6, v4;
	_ =	sdelay $0x3  }
0xbf: {  	[tilespmem:s3+$0x280] =	vst v11  }
0xc0: {  	v12 =	vld.idx.msk [tilespmem:v10+s14+$0x0], $0xffff  }
0xc1: {  	v11 =	vor.u32 $0x7, v4;
	_ =	sdelay $0x3  }
0xc2: {  	[tilespmem:s3+$0x300] =	vst v12  }
0xc3: {  	v13 =	vld.idx.msk [tilespmem:v11+s14+$0x0], $0xffff  }
0xc4: {  	v12 =	vor.u32 $0x8, v4;
	_ =	sdelay $0x1  }
0xc5: {  	s31 =	sor.u32 s1, s1  }
0xc6: {  	s3 =	sor.u32 $0x380, s31  }
0xc7: {  	[tilespmem:s3+$0x18400] =	vst v13  }
0xc8: {  	v14 =	vld.idx.msk [tilespmem:v12+s14+$0x0], $0xffff  }
0xc9: {  	v13 =	vor.u32 $0x9, v4;
	_ =	sdelay $0x3  }
0xca: {  	[tilespmem:s0+$0x18C00] =	vst v14  }
0xcb: {  	v15 =	vld.idx.msk [tilespmem:v13+s14+$0x0], $0xffff  }
0xcc: {  	v14 =	vor.u32 $0xA, v4;
	_ =	sdelay $0x3  }
0xcd: {  	[tilespmem:s0+$0x18C80] =	vst v15  }
0xce: {  	v16 =	vld.idx.msk [tilespmem:v14+s14+$0x0], $0xffff  }
0xcf: {  	v15 =	vor.u32 $0xB, v4;
	_ =	sdelay $0x3  }
0xd0: {  	[tilespmem:s0+$0x18D00] =	vst v16  }
0xd1: {  	v17 =	vld.idx.msk [tilespmem:v15+s14+$0x0], $0xffff  }
0xd2: {  	v16 =	vor.u32 $0xC, v4;
	_ =	sdelay $0x3  }
0xd3: {  	[tilespmem:s0+$0x18D80] =	vst v17  }
0xd4: {  	v18 =	vld.idx.msk [tilespmem:v16+s14+$0x0], $0xffff  }
0xd5: {  	v17 =	vor.u32 $0xD, v4;
	_ =	sdelay $0x3  }
0xd6: {  	[tilespmem:s0+$0x18E00] =	vst v18  }
0xd7: {  	v19 =	vld.idx.msk [tilespmem:v17+s14+$0x0], $0xffff  }
0xd8: {  	v18 =	vor.u32 $0xE, v4;
	_ =	sdelay $0x3  }
0xd9: {  	[tilespmem:s0+$0x18E80] =	vst v19  }
0xda: {  	v20 =	vld.idx.msk [tilespmem:v18+s14+$0x0], $0xffff  }
0xdb: {  	v19 =	vor.u32 $0xF, v4;
	_ =	sdelay $0x3  }
0xdc: {  	[tilespmem:s0+$0x18F00] =	vst v20  }
0xdd: {  	v21 =	vld.idx.msk [tilespmem:v19+s14+$0x0], $0xffff  }
0xde: {  	v20 =	vor.u32 $0x10, v4;
	_ =	sdelay $0x3  }
0xdf: {  	[tilespmem:s0+$0x18F80] =	vst v21  }
0xe0: {  	v22 =	vld.idx.msk [tilespmem:v20+s14+$0x0], $0xffff  }
0xe1: {  	v21 =	vor.u32 $0x11, v4;
	_ =	sdelay $0x3  }
0xe2: {  	[tilespmem:s0+$0x19400] =	vst v22  }
0xe3: {  	v23 =	vld.idx.msk [tilespmem:v21+s14+$0x0], $0xffff  }
0xe4: {  	v22 =	vor.u32 $0x12, v4;
	_ =	sdelay $0x3  }
0xe5: {  	[tilespmem:s0+$0x19480] =	vst v23  }
0xe6: {  	v24 =	vld.idx.msk [tilespmem:v22+s14+$0x0], $0xffff  }
0xe7: {  	v23 =	vor.u32 $0x13, v4;
	_ =	sdelay $0x3  }
0xe8: {  	[tilespmem:s0+$0x19500] =	vst v24  }
0xe9: {  	v25 =	vld.idx.msk [tilespmem:v23+s14+$0x0], $0xffff  }
0xea: {  	v24 =	vor.u32 $0x14, v4;
	_ =	sdelay $0x3  }
0xeb: {  	[tilespmem:s0+$0x19580] =	vst v25  }
0xec: {  	v26 =	vld.idx.msk [tilespmem:v24+s14+$0x0], $0xffff  }
0xed: {  	v25 =	vor.u32 $0x15, v4;
	_ =	sdelay $0x3  }
0xee: {  	[tilespmem:s0+$0x19600] =	vst v26  }
0xef: {  	v27 =	vld.idx.msk [tilespmem:v25+s14+$0x0], $0xffff  }
0xf0: {  	v26 =	vor.u32 $0x16, v4;
	_ =	sdelay $0x3  }
0xf1: {  	[tilespmem:s0+$0x19680] =	vst v27  }
0xf2: {  	v28 =	vld.idx.msk [tilespmem:v26+s14+$0x0], $0xffff  }
0xf3: {  	v27 =	vor.u32 $0x17, v4;
	_ =	sdelay $0x3  }
0xf4: {  	[tilespmem:s0+$0x19700] =	vst v28  }
0xf5: {  	v29 =	vld.idx.msk [tilespmem:v27+s14+$0x0], $0xffff  }
0xf6: {  	v28 =	vor.u32 $0x18, v4;
	_ =	sdelay $0x3  }
0xf7: {  	[tilespmem:s0+$0x19780] =	vst v29  }
0xf8: {  	v30 =	vld.idx.msk [tilespmem:v28+s14+$0x0], $0xffff  }
0xf9: {  	v29 =	vor.u32 $0x19, v4;
	_ =	sdelay $0x3  }
0xfa: {  	[tilespmem:s0+$0x19C00] =	vst v30  }
0xfb: {  	v31 =	vld.idx.msk [tilespmem:v29+s14+$0x0], $0xffff  }
0xfc: {  	v30 =	vor.u32 $0x1A, v4;
	_ =	sdelay $0x3  }
0xfd: {  	[tilespmem:s0+$0x19C80] =	vst v31  }
0xfe: {  	v32 =	vld.idx.msk [tilespmem:v30+s14+$0x0], $0xffff  }
0xff: {  	v31 =	vor.u32 $0x1B, v4;
	_ =	sdelay $0x3  }
0x100: {  	[tilespmem:s0+$0x19D00] =	vst v32  }
0x101: {  	v33 =	vld.idx.msk [tilespmem:v31+s14+$0x0], $0xffff  }
0x102: {  	v32 =	vor.u32 $0x1C, v4;
	_ =	sdelay $0x3  }
0x103: {  	[tilespmem:s0+$0x19D80] =	vst v33  }
0x104: {  	v34 =	vld.idx.msk [tilespmem:v32+s14+$0x0], $0xffff  }
0x105: {  	v33 =	vor.u32 $0x1D, v4;
	_ =	sdelay $0x3  }
0x106: {  	[tilespmem:s0+$0x19E00] =	vst v34  }
0x107: {  	v35 =	vld.idx.msk [tilespmem:v33+s14+$0x0], $0xffff  }
0x108: {  	v34 =	vor.u32 $0x1E, v4;
	_ =	sdelay $0x3  }
0x109: {  	[tilespmem:s0+$0x19E80] =	vst v35  }
0x10a: {  	v36 =	vld.idx.msk [tilespmem:v34+s14+$0x0], $0xffff  }
0x10b: {  	v35 =	vor.u32 $0x1F, v4;
	_ =	sdelay $0x3  }
0x10c: {  	[tilespmem:s0+$0x19F00] =	vst v36  }
0x10d: {  	s4 =	simm.s32 $0x10;
	s7 =	simm.s32 $0x0;
	v36 =	vld.idx.msk [tilespmem:v35+s14+$0x0], $0xffff  }
.LBB2_5:
0x10e: {  	_ =	sdelay $0x2  }
0x10f: {  	p0 =	sne.s32 s4, $0xF0  }
0x110: {  	s7 =	sadd.s32 $0x80, s7;
	s3 =	smov.u32 s4;
	s4 =	sadd.s32 $0x10, s4;
	[tilespmem:s0+$0x19F80] =	vst v36  }
0x111: {  	v36 =	vld.idx.msk [tilespmem:v4+s14+$0x0], $0xffff;
	_ =	sdelay $0x3  }
0x112: {  	s5 =	sand.u32 $0x400, s7;
	s0 =	sand.u32 $0x70, s3  }
0x113: {  	s0 =	sor.u32 s0, s5  }
0x114: {  	[tilespmem:s0+$0x18400] =	vst v36  }
0x115: {  	v36 =	vld.idx.msk [tilespmem:v5+s14+$0x0], $0xffff;
	_ =	sdelay $0x4  }
0x116: {  	s5 =	sadd.s32 $0x18400, s0  }
0x117: {  	[tilespmem:s5+$0x80] =	vst v36  }
0x118: {  	v36 =	vld.idx.msk [tilespmem:v6+s14+$0x0], $0xffff;
	_ =	sdelay $0x5  }
0x119: {  	[tilespmem:s5+$0x100] =	vst v36  }
0x11a: {  	v36 =	vld.idx.msk [tilespmem:v7+s14+$0x0], $0xffff;
	_ =	sdelay $0x5  }
0x11b: {  	[tilespmem:s5+$0x180] =	vst v36  }
0x11c: {  	v36 =	vld.idx.msk [tilespmem:v8+s14+$0x0], $0xffff;
	_ =	sdelay $0x5  }
0x11d: {  	[tilespmem:s5+$0x200] =	vst v36  }
0x11e: {  	v36 =	vld.idx.msk [tilespmem:v9+s14+$0x0], $0xffff;
	_ =	sdelay $0x5  }
0x11f: {  	[tilespmem:s5+$0x280] =	vst v36  }
0x120: {  	v36 =	vld.idx.msk [tilespmem:v10+s14+$0x0], $0xffff;
	_ =	sdelay $0x5  }
0x121: {  	[tilespmem:s5+$0x300] =	vst v36  }
0x122: {  	v36 =	vld.idx.msk [tilespmem:v11+s14+$0x0], $0xffff;
	_ =	sdelay $0x3  }
0x123: {  	s3 =	sor.u32 s7, s3  }
0x124: {  	s3 =	sor.u32 $0x380, s3  }
0x125: {  	[tilespmem:s3+$0x18400] =	vst v36  }
0x126: {  	v36 =	vld.idx.msk [tilespmem:v12+s14+$0x0], $0xffff;
	_ =	sdelay $0x5  }
0x127: {  	[tilespmem:s0+$0x18C00] =	vst v36  }
0x128: {  	v36 =	vld.idx.msk [tilespmem:v13+s14+$0x0], $0xffff;
	_ =	sdelay $0x5  }
0x129: {  	[tilespmem:s0+$0x18C80] =	vst v36  }
0x12a: {  	v36 =	vld.idx.msk [tilespmem:v14+s14+$0x0], $0xffff;
	_ =	sdelay $0x5  }
0x12b: {  	[tilespmem:s0+$0x18D00] =	vst v36  }
0x12c: {  	v36 =	vld.idx.msk [tilespmem:v15+s14+$0x0], $0xffff;
	_ =	sdelay $0x5  }
0x12d: {  	[tilespmem:s0+$0x18D80] =	vst v36  }
0x12e: {  	v36 =	vld.idx.msk [tilespmem:v16+s14+$0x0], $0xffff;
	_ =	sdelay $0x5  }
0x12f: {  	[tilespmem:s0+$0x18E00] =	vst v36  }
0x130: {  	v36 =	vld.idx.msk [tilespmem:v17+s14+$0x0], $0xffff;
	_ =	sdelay $0x5  }
0x131: {  	[tilespmem:s0+$0x18E80] =	vst v36  }
0x132: {  	v36 =	vld.idx.msk [tilespmem:v18+s14+$0x0], $0xffff;
	_ =	sdelay $0x5  }
0x133: {  	[tilespmem:s0+$0x18F00] =	vst v36  }
0x134: {  	v36 =	vld.idx.msk [tilespmem:v19+s14+$0x0], $0xffff;
	_ =	sdelay $0x5  }
0x135: {  	[tilespmem:s0+$0x18F80] =	vst v36  }
0x136: {  	v36 =	vld.idx.msk [tilespmem:v20+s14+$0x0], $0xffff;
	_ =	sdelay $0x5  }
0x137: {  	[tilespmem:s0+$0x19400] =	vst v36  }
0x138: {  	v36 =	vld.idx.msk [tilespmem:v21+s14+$0x0], $0xffff;
	_ =	sdelay $0x5  }
0x139: {  	[tilespmem:s0+$0x19480] =	vst v36  }
0x13a: {  	v36 =	vld.idx.msk [tilespmem:v22+s14+$0x0], $0xffff;
	_ =	sdelay $0x5  }
0x13b: {  	[tilespmem:s0+$0x19500] =	vst v36  }
0x13c: {  	v36 =	vld.idx.msk [tilespmem:v23+s14+$0x0], $0xffff;
	_ =	sdelay $0x5  }
0x13d: {  	[tilespmem:s0+$0x19580] =	vst v36  }
0x13e: {  	v36 =	vld.idx.msk [tilespmem:v24+s14+$0x0], $0xffff;
	_ =	sdelay $0x5  }
0x13f: {  	[tilespmem:s0+$0x19600] =	vst v36  }
0x140: {  	v36 =	vld.idx.msk [tilespmem:v25+s14+$0x0], $0xffff;
	_ =	sdelay $0x5  }
0x141: {  	[tilespmem:s0+$0x19680] =	vst v36  }
0x142: {  	v36 =	vld.idx.msk [tilespmem:v26+s14+$0x0], $0xffff;
	_ =	sdelay $0x5  }
0x143: {  	[tilespmem:s0+$0x19700] =	vst v36  }
0x144: {  	v36 =	vld.idx.msk [tilespmem:v27+s14+$0x0], $0xffff;
	_ =	sdelay $0x5  }
0x145: {  	[tilespmem:s0+$0x19780] =	vst v36  }
0x146: {  	v36 =	vld.idx.msk [tilespmem:v28+s14+$0x0], $0xffff;
	_ =	sdelay $0x5  }
0x147: {  	[tilespmem:s0+$0x19C00] =	vst v36  }
0x148: {  	v36 =	vld.idx.msk [tilespmem:v29+s14+$0x0], $0xffff;
	_ =	sdelay $0x5  }
0x149: {  	[tilespmem:s0+$0x19C80] =	vst v36  }
0x14a: {  	v36 =	vld.idx.msk [tilespmem:v30+s14+$0x0], $0xffff;
	_ =	sdelay $0x5  }
0x14b: {  	[tilespmem:s0+$0x19D00] =	vst v36  }
0x14c: {  	v36 =	vld.idx.msk [tilespmem:v31+s14+$0x0], $0xffff;
	_ =	sdelay $0x5  }
0x14d: {  	[tilespmem:s0+$0x19D80] =	vst v36  }
0x14e: {  	v36 =	vld.idx.msk [tilespmem:v32+s14+$0x0], $0xffff;
	_ =	sdelay $0x5  }
0x14f: {  	[tilespmem:s0+$0x19E00] =	vst v36  }
0x150: {  	v36 =	vld.idx.msk [tilespmem:v33+s14+$0x0], $0xffff;
	_ =	sdelay $0x5  }
0x151: {  	[tilespmem:s0+$0x19E80] =	vst v36  }
0x152: {  	v36 =	vld.idx.msk [tilespmem:v34+s14+$0x0], $0xffff;
	_ =	sdelay $0x2  }
.Ltmp1:
0x153: {  	(pc) =	sbr.rel @p0 .LBB2_5-.Ltmp1, $3  }
0x154: {  	_ =	sdelay $0x1  }
0x155: {  	[tilespmem:s0+$0x19F00] =	vst v36  }
0x156: {  	v36 =	vld.idx.msk [tilespmem:v35+s14+$0x0], $0xffff  }
0x157: {  	_ =	sdelay $0x1  }
0x158: {  	s2 =	sadd.s32 $0x1, s2  }
0x159: {  	s3 =	sshll.u32 s2, $0x10  }
0x15a: {  	s30 =	sadd.s32 s3, s10;
	[tilespmem:s0+$0x19F80] =	vst v36  }
0x15b: {  	[hbm4b:s30+s16] =	stream.strided.scatter [tilespmem:s8], [sflag:$0x3], $0x2000, s17, s16, $0x38;
	[tilespmem:$0x1AC00] =	vst v63  }
0x15c: {  	s31 =	sadd.s32 s3, s6  }
0x15d: {  	[hbm4b:s31+s16] =	stream.strided.scatter [tilespmem:s8], [sflag:$0x3], $0x2000, s17, s16, $0x38;
	[tilespmem:$0x1AC00] =	vst v63  }
0x15e: {  	p0 =	sne.s32 s2, $0x10;
	_ =	swait.ge [sflag:s21], $0x2000  }
.Ltmp2:
0x15f: {  	[sflag:s21] =	ssyncset.done $0x0;
	(pc) =	sbr.rel @p0 .LBB2_4-.Ltmp2, $4  }
0x160: {  	[sflag:s21] =	ssyncadd.s32 $0xFFFFE000  }
0x161: {  	_ =	swait.ge [sflag:s21], $0x2000  }
0x162: {  	[sflag:s21] =	ssyncset.done $0x0  }
0x163: {  	s0 =	simm.s32 $0x0;
	[sflag:s21] =	ssyncadd.s32 $0xFFFFE000  }
0x164: {  	s31 =	simm.s32 $0x0  }
.LBB2_8:
0x165: {  	s1 =	sshllo.u32 s31, $0x1  }
0x166: {  	_ =	swait.ge [sflag:s22], $0x8000;
	s2 =	sshll.u32 s1, $0x8  }
0x167: {  	[sflag:s22] =	ssyncset.done $0x0;
	s2 =	sand.u32 $0x3FFFFF00, s2  }
0x168: {  	s13 =	sshll.u32 s31, $0x9;
	[sflag:s22] =	ssyncadd.s32 $0xFFFF8000;
	s2 =	sadd.s32 $0x1800, s2  }
0x169: {  	[tilespmem:s24], [sflag:$0x2] =	stream.indirect.gather [hbm4b:s9+s18], $0x80, s2, s18, $0xb8;
	[tilespmem:$0x1AC00] =	vst v63  }
0x16a: {  	p0 =	seq.s32 s31, $0x0;
	s3 =	sshll.u32 s31, $0x8;
	s2 =	sand.u32 $0x1800, s13  }
0x16b: {  	s4 =	simm.s32 @!p0 $0x3;
	s3 =	sand.u32 $0x300, s3;
	s2 =	sadd.s32 $0x2C00, s2  }
0x16c: {  	s15 =	sand.u32 $0x400, s0;
	_ =	swait.ge @!p0 [sflag:s4], $0x2000;
	s19 =	sor.u32 s3, s2  }
0x16d: {  	s5 =	sand.u32 $0x70, s0;
	[sflag:s4] =	ssyncset.done @!p0 $0x0;
	s6 =	sadd.s32 s15, s19  }
0x16e: {  	[sflag:s4] =	ssyncadd.s32 @!p0 $0xFFFFE000;
	s29 =	sadd.s32 s5, s6  }
0x16f: {  	v4 =	vld [tilespmem:s29+$0x0];
	_ =	sdelay $0x2  }
0x170: {  	v5 =	vmov s0  }
0x171: {  	v5 =	vshll.u32 v5, $0x7  }
0x172: {  	v5 =	vor.u32 v3, v5;
	v6 =	vand.u32 $0xFFFFFF80, v4  }
0x173: {  	v7 =	vand.u32 $0x7F, v4;
	v6 =	vadd.s32 v5, v6  }
0x174: {  	v6 =	vor.u32 v7, v6;
	_ =	sdelay $0x2  }
0x175: {  	v7 =	vadd.s32 $0x1, v4  }
0x176: {  	v8 =	vand.u32 $0xFFFFFF80, v7  }
0x177: {  	v7 =	vand.u32 $0x7F, v7;
	v8 =	vadd.s32 v5, v8;
	v6 =	vld.idx.msk [tilespmem:v6+s20+$0x0], $0xffff  }
0x178: {  	v7 =	vor.u32 v7, v8;
	_ =	sdelay $0x2  }
0x179: {  	s7 =	sor.u32 s5, s15;
	v58 =	vadd.s32 $0x2, v4  }
0x17a: {  	v9 =	vand.u32 $0xFFFFFF80, v58;
	[tilespmem:s7+$0x14400] =	vst v6  }
0x17b: {  	v8 =	vand.u32 $0x7F, v58;
	v6 =	vadd.s32 v5, v9;
	v7 =	vld.idx.msk [tilespmem:v7+s20+$0x0], $0xffff  }
0x17c: {  	v6 =	vor.u32 v8, v6;
	_ =	sdelay $0x2  }
0x17d: {  	s3 =	sadd.s32 $0x14400, s7;
	v59 =	vadd.s32 $0x3, v4  }
0x17e: {  	v60 =	vand.u32 $0xFFFFFF80, v59;
	[tilespmem:s3+$0x80] =	vst v7  }
0x17f: {  	v8 =	vand.u32 $0x7F, v59;
	v7 =	vadd.s32 v5, v60;
	v6 =	vld.idx.msk [tilespmem:v6+s20+$0x0], $0xffff  }
0x180: {  	v7 =	vor.u32 v8, v7;
	_ =	sdelay $0x2  }
0x181: {  	v61 =	vadd.s32 $0x4, v4  }
0x182: {  	v62 =	vand.u32 $0xFFFFFF80, v61;
	[tilespmem:s3+$0x100] =	vst v6  }
0x183: {  	v8 =	vand.u32 $0x7F, v61;
	v6 =	vadd.s32 v5, v62;
	v7 =	vld.idx.msk [tilespmem:v7+s20+$0x0], $0xffff  }
0x184: {  	v6 =	vor.u32 v8, v6;
	_ =	sdelay $0x2  }
0x185: {  	v63 =	vadd.s32 $0x5, v4  }
0x186: {  	v12 =	vand.u32 $0xFFFFFF80, v63;
	[tilespmem:s3+$0x180] =	vst v7  }
0x187: {  	v8 =	vand.u32 $0x7F, v63;
	v7 =	vadd.s32 v5, v12;
	v6 =	vld.idx.msk [tilespmem:v6+s20+$0x0], $0xffff  }
0x188: {  	v7 =	vor.u32 v8, v7;
	_ =	sdelay $0x2  }
0x189: {  	v13 =	vadd.s32 $0x6, v4  }
0x18a: {  	v14 =	vand.u32 $0xFFFFFF80, v13;
	[tilespmem:s3+$0x200] =	vst v6  }
0x18b: {  	v8 =	vand.u32 $0x7F, v13;
	v6 =	vadd.s32 v5, v14;
	v7 =	vld.idx.msk [tilespmem:v7+s20+$0x0], $0xffff  }
0x18c: {  	v6 =	vor.u32 v8, v6;
	_ =	sdelay $0x2  }
0x18d: {  	v15 =	vadd.s32 $0x7, v4  }
0x18e: {  	v16 =	vand.u32 $0xFFFFFF80, v15;
	[tilespmem:s3+$0x280] =	vst v7  }
0x18f: {  	v8 =	vand.u32 $0x7F, v15;
	v7 =	vadd.s32 v5, v16;
	v6 =	vld.idx.msk [tilespmem:v6+s20+$0x0], $0xffff  }
0x190: {  	v7 =	vor.u32 v8, v7;
	_ =	sdelay $0x2  }
0x191: {  	v17 =	vadd.s32 $0x8, v4  }
0x192: {  	v18 =	vand.u32 $0xFFFFFF80, v17;
	[tilespmem:s3+$0x300] =	vst v6  }
0x193: {  	v8 =	vand.u32 $0x7F, v17;
	v6 =	vadd.s32 v5, v18;
	v7 =	vld.idx.msk [tilespmem:v7+s20+$0x0], $0xffff  }
0x194: {  	v6 =	vor.u32 v8, v6;
	_ =	sdelay $0x1  }
0x195: {  	s30 =	sor.u32 s0, s0  }
0x196: {  	v19 =	vadd.s32 $0x9, v4;
	s3 =	sor.u32 $0x380, s30  }
0x197: {  	v20 =	vand.u32 $0xFFFFFF80, v19;
	[tilespmem:s3+$0x14400] =	vst v7  }
0x198: {  	v8 =	vand.u32 $0x7F, v19;
	v7 =	vadd.s32 v5, v20;
	v6 =	vld.idx.msk [tilespmem:v6+s20+$0x0], $0xffff  }
0x199: {  	v7 =	vor.u32 v8, v7;
	_ =	sdelay $0x2  }
0x19a: {  	v21 =	vadd.s32 $0xA, v4  }
0x19b: {  	v22 =	vand.u32 $0xFFFFFF80, v21;
	[tilespmem:s7+$0x14C00] =	vst v6  }
0x19c: {  	v8 =	vand.u32 $0x7F, v21;
	v6 =	vadd.s32 v5, v22;
	v7 =	vld.idx.msk [tilespmem:v7+s20+$0x0], $0xffff  }
0x19d: {  	v6 =	vor.u32 v8, v6;
	_ =	sdelay $0x2  }
0x19e: {  	v23 =	vadd.s32 $0xB, v4  }
0x19f: {  	v24 =	vand.u32 $0xFFFFFF80, v23;
	[tilespmem:s7+$0x14C80] =	vst v7  }
0x1a0: {  	v8 =	vand.u32 $0x7F, v23;
	v7 =	vadd.s32 v5, v24;
	v6 =	vld.idx.msk [tilespmem:v6+s20+$0x0], $0xffff  }
0x1a1: {  	v7 =	vor.u32 v8, v7;
	_ =	sdelay $0x2  }
0x1a2: {  	v25 =	vadd.s32 $0xC, v4  }
0x1a3: {  	v26 =	vand.u32 $0xFFFFFF80, v25;
	[tilespmem:s7+$0x14D00] =	vst v6  }
0x1a4: {  	v8 =	vand.u32 $0x7F, v25;
	v6 =	vadd.s32 v5, v26;
	v7 =	vld.idx.msk [tilespmem:v7+s20+$0x0], $0xffff  }
0x1a5: {  	v6 =	vor.u32 v8, v6;
	_ =	sdelay $0x2  }
0x1a6: {  	v27 =	vadd.s32 $0xD, v4  }
0x1a7: {  	v28 =	vand.u32 $0xFFFFFF80, v27;
	[tilespmem:s7+$0x14D80] =	vst v7  }
0x1a8: {  	v8 =	vand.u32 $0x7F, v27;
	v7 =	vadd.s32 v5, v28;
	v6 =	vld.idx.msk [tilespmem:v6+s20+$0x0], $0xffff  }
0x1a9: {  	v7 =	vor.u32 v8, v7;
	_ =	sdelay $0x2  }
0x1aa: {  	v29 =	vadd.s32 $0xE, v4  }
0x1ab: {  	v30 =	vand.u32 $0xFFFFFF80, v29;
	[tilespmem:s7+$0x14E00] =	vst v6  }
0x1ac: {  	v8 =	vand.u32 $0x7F, v29;
	v6 =	vadd.s32 v5, v30;
	v7 =	vld.idx.msk [tilespmem:v7+s20+$0x0], $0xffff  }
0x1ad: {  	v6 =	vor.u32 v8, v6;
	_ =	sdelay $0x2  }
0x1ae: {  	v31 =	vadd.s32 $0xF, v4  }
0x1af: {  	v32 =	vand.u32 $0xFFFFFF80, v31;
	[tilespmem:s7+$0x14E80] =	vst v7  }
0x1b0: {  	v8 =	vand.u32 $0x7F, v31;
	v7 =	vadd.s32 v5, v32;
	v6 =	vld.idx.msk [tilespmem:v6+s20+$0x0], $0xffff  }
0x1b1: {  	v7 =	vor.u32 v8, v7;
	_ =	sdelay $0x2  }
0x1b2: {  	v33 =	vadd.s32 $0x10, v4  }
0x1b3: {  	v34 =	vand.u32 $0xFFFFFF80, v33;
	[tilespmem:s7+$0x14F00] =	vst v6  }
0x1b4: {  	v8 =	vand.u32 $0x7F, v33;
	v6 =	vadd.s32 v5, v34;
	v7 =	vld.idx.msk [tilespmem:v7+s20+$0x0], $0xffff  }
0x1b5: {  	v6 =	vor.u32 v8, v6;
	_ =	sdelay $0x2  }
0x1b6: {  	v35 =	vadd.s32 $0x11, v4  }
0x1b7: {  	v36 =	vand.u32 $0xFFFFFF80, v35;
	[tilespmem:s7+$0x14F80] =	vst v7  }
0x1b8: {  	v8 =	vand.u32 $0x7F, v35;
	v7 =	vadd.s32 v5, v36;
	v6 =	vld.idx.msk [tilespmem:v6+s20+$0x0], $0xffff  }
0x1b9: {  	v7 =	vor.u32 v8, v7;
	_ =	sdelay $0x2  }
0x1ba: {  	v37 =	vadd.s32 $0x12, v4  }
0x1bb: {  	v38 =	vand.u32 $0xFFFFFF80, v37;
	[tilespmem:s7+$0x15400] =	vst v6  }
0x1bc: {  	v8 =	vand.u32 $0x7F, v37;
	v6 =	vadd.s32 v5, v38;
	v7 =	vld.idx.msk [tilespmem:v7+s20+$0x0], $0xffff  }
0x1bd: {  	v6 =	vor.u32 v8, v6;
	_ =	sdelay $0x2  }
0x1be: {  	v39 =	vadd.s32 $0x13, v4  }
0x1bf: {  	v40 =	vand.u32 $0xFFFFFF80, v39;
	[tilespmem:s7+$0x15480] =	vst v7  }
0x1c0: {  	v8 =	vand.u32 $0x7F, v39;
	v7 =	vadd.s32 v5, v40;
	v6 =	vld.idx.msk [tilespmem:v6+s20+$0x0], $0xffff  }
0x1c1: {  	v7 =	vor.u32 v8, v7;
	_ =	sdelay $0x2  }
0x1c2: {  	v41 =	vadd.s32 $0x14, v4  }
0x1c3: {  	v42 =	vand.u32 $0xFFFFFF80, v41;
	[tilespmem:s7+$0x15500] =	vst v6  }
0x1c4: {  	v8 =	vand.u32 $0x7F, v41;
	v6 =	vadd.s32 v5, v42;
	v7 =	vld.idx.msk [tilespmem:v7+s20+$0x0], $0xffff  }
0x1c5: {  	v6 =	vor.u32 v8, v6;
	_ =	sdelay $0x2  }
0x1c6: {  	v43 =	vadd.s32 $0x15, v4  }
0x1c7: {  	v44 =	vand.u32 $0xFFFFFF80, v43;
	[tilespmem:s7+$0x15580] =	vst v7  }
0x1c8: {  	v8 =	vand.u32 $0x7F, v43;
	v7 =	vadd.s32 v5, v44;
	v6 =	vld.idx.msk [tilespmem:v6+s20+$0x0], $0xffff  }
0x1c9: {  	v7 =	vor.u32 v8, v7;
	_ =	sdelay $0x2  }
0x1ca: {  	v45 =	vadd.s32 $0x16, v4  }
0x1cb: {  	v46 =	vand.u32 $0xFFFFFF80, v45;
	[tilespmem:s7+$0x15600] =	vst v6  }
0x1cc: {  	v8 =	vand.u32 $0x7F, v45;
	v6 =	vadd.s32 v5, v46;
	v7 =	vld.idx.msk [tilespmem:v7+s20+$0x0], $0xffff  }
0x1cd: {  	v6 =	vor.u32 v8, v6;
	_ =	sdelay $0x2  }
0x1ce: {  	v47 =	vadd.s32 $0x17, v4  }
0x1cf: {  	v48 =	vand.u32 $0xFFFFFF80, v47;
	[tilespmem:s7+$0x15680] =	vst v7  }
0x1d0: {  	v8 =	vand.u32 $0x7F, v47;
	v7 =	vadd.s32 v5, v48;
	v6 =	vld.idx.msk [tilespmem:v6+s20+$0x0], $0xffff  }
0x1d1: {  	v7 =	vor.u32 v8, v7;
	_ =	sdelay $0x2  }
0x1d2: {  	v49 =	vadd.s32 $0x18, v4  }
0x1d3: {  	v50 =	vand.u32 $0xFFFFFF80, v49;
	[tilespmem:s7+$0x15700] =	vst v6  }
0x1d4: {  	v8 =	vand.u32 $0x7F, v49;
	v6 =	vadd.s32 v5, v50;
	v7 =	vld.idx.msk [tilespmem:v7+s20+$0x0], $0xffff  }
0x1d5: {  	v6 =	vor.u32 v8, v6;
	_ =	sdelay $0x2  }
0x1d6: {  	v51 =	vadd.s32 $0x19, v4  }
0x1d7: {  	v52 =	vand.u32 $0xFFFFFF80, v51;
	[tilespmem:s7+$0x15780] =	vst v7  }
0x1d8: {  	v8 =	vand.u32 $0x7F, v51;
	v7 =	vadd.s32 v5, v52;
	v6 =	vld.idx.msk [tilespmem:v6+s20+$0x0], $0xffff  }
0x1d9: {  	v7 =	vor.u32 v8, v7;
	_ =	sdelay $0x2  }
0x1da: {  	v53 =	vadd.s32 $0x1A, v4  }
0x1db: {  	v54 =	vand.u32 $0xFFFFFF80, v53;
	[tilespmem:s7+$0x15C00] =	vst v6  }
0x1dc: {  	v8 =	vand.u32 $0x7F, v53;
	v6 =	vadd.s32 v5, v54;
	v7 =	vld.idx.msk [tilespmem:v7+s20+$0x0], $0xffff  }
0x1dd: {  	v6 =	vor.u32 v8, v6;
	_ =	sdelay $0x2  }
0x1de: {  	v55 =	vadd.s32 $0x1B, v4  }
0x1df: {  	v56 =	vand.u32 $0xFFFFFF80, v55;
	[tilespmem:s7+$0x15C80] =	vst v7  }
0x1e0: {  	v8 =	vand.u32 $0x7F, v55;
	v7 =	vadd.s32 v5, v56;
	v6 =	vld.idx.msk [tilespmem:v6+s20+$0x0], $0xffff  }
0x1e1: {  	v7 =	vor.u32 v8, v7;
	_ =	sdelay $0x2  }
0x1e2: {  	v57 =	vadd.s32 $0x1C, v4  }
0x1e3: {  	v58 =	vand.u32 $0xFFFFFF80, v57;
	[tilespmem:s7+$0x15D00] =	vst v6  }
0x1e4: {  	v8 =	vand.u32 $0x7F, v57;
	v6 =	vadd.s32 v5, v58;
	v7 =	vld.idx.msk [tilespmem:v7+s20+$0x0], $0xffff  }
0x1e5: {  	v6 =	vor.u32 v8, v6;
	_ =	sdelay $0x2  }
0x1e6: {  	v59 =	vadd.s32 $0x1D, v4  }
0x1e7: {  	v60 =	vand.u32 $0xFFFFFF80, v59;
	[tilespmem:s7+$0x15D80] =	vst v7  }
0x1e8: {  	v8 =	vand.u32 $0x7F, v59;
	v7 =	vadd.s32 v5, v60;
	v6 =	vld.idx.msk [tilespmem:v6+s20+$0x0], $0xffff  }
0x1e9: {  	v7 =	vor.u32 v8, v7;
	_ =	sdelay $0x2  }
0x1ea: {  	v61 =	vadd.s32 $0x1E, v4  }
0x1eb: {  	v62 =	vand.u32 $0xFFFFFF80, v61;
	[tilespmem:s7+$0x15E00] =	vst v6  }
0x1ec: {  	v8 =	vand.u32 $0x7F, v61;
	v6 =	vadd.s32 v5, v62;
	v7 =	vld.idx.msk [tilespmem:v7+s20+$0x0], $0xffff  }
0x1ed: {  	v6 =	vor.u32 v8, v6;
	_ =	sdelay $0x2  }
0x1ee: {  	v4 =	vadd.s32 $0x1F, v4  }
0x1ef: {  	v63 =	vand.u32 $0xFFFFFF80, v4;
	[tilespmem:s7+$0x15E80] =	vst v7  }
0x1f0: {  	v4 =	vand.u32 $0x7F, v4;
	v5 =	vadd.s32 v5, v63;
	v6 =	vld.idx.msk [tilespmem:v6+s20+$0x0], $0xffff  }
0x1f1: {  	v4 =	vor.u32 v4, v5;
	_ =	sdelay $0x3  }
0x1f2: {  	[tilespmem:s7+$0x15F00] =	vst v6  }
0x1f3: {  	s11 =	simm.s32 $0x80;
	v4 =	vld.idx.msk [tilespmem:v4+s20+$0x0], $0xffff  }
0x1f4: {  	s13 =	simm.s32 $0x10;
	s3 =	sand.u32 $0x400, s11  }
0x1f5: {  	s4 =	simm.s32 $0x20;
	s6 =	sand.u32 $0x70, s13;
	s8 =	sadd.s32 s3, s19  }
.LBB2_9:
0x1f6: {  	p1 =	sne.s32 s4, $0xF0  }
0x1f7: {  	s5 =	sadd.s32 s6, s8;
	s15 =	smov.u32 s4;
	s4 =	sadd.s32 $0x10, s4  }
0x1f8: {  	[tilespmem:s7+$0x15F80] =	vst v4  }
0x1f9: {  	v4 =	vld [tilespmem:s5+$0x0];
	_ =	sdelay $0x1  }
0x1fa: {  	v5 =	vmov s13  }
0x1fb: {  	v5 =	vshll.u32 v5, $0x7;
	_ =	sdelay $0x1  }
0x1fc: {  	v6 =	vor.u32 v3, v5;
	v7 =	vand.u32 $0xFFFFFF80, v4;
	v8 =	vand.u32 $0x7F, v4  }
0x1fd: {  	v9 =	vadd.s32 $0x2, v4;
	v5 =	vadd.s32 v6, v7;
	v7 =	vadd.s32 $0x1, v4  }
0x1fe: {  	v10 =	vand.u32 $0xFFFFFF80, v9;
	v5 =	vor.u32 v8, v5;
	v8 =	vand.u32 $0xFFFFFF80, v7  }
0x1ff: {  	v11 =	vadd.s32 $0x3, v4;
	v10 =	vadd.s32 v6, v10;
	v8 =	vadd.s32 v6, v8  }
0x200: {  	v13 =	vadd.s32 $0x4, v4;
	v55 =	vadd.s32 $0x5, v4;
	v12 =	vand.u32 $0xFFFFFF80, v11  }
0x201: {  	v14 =	vand.u32 $0xFFFFFF80, v13;
	v15 =	vand.u32 $0xFFFFFF80, v55;
	v12 =	vadd.s32 v6, v12  }
0x202: {  	v54 =	vadd.s32 $0x6, v4;
	v16 =	vadd.s32 v6, v14;
	v57 =	vadd.s32 v6, v15  }
0x203: {  	v51 =	vadd.s32 $0x7, v4;
	v7 =	vand.u32 $0x7F, v7;
	v14 =	vand.u32 $0xFFFFFF80, v54;
	v5 =	vld.idx.msk [tilespmem:v5+s20+$0x0], $0xffff  }
0x204: {  	v56 =	vadd.s32 v6, v14;
	v7 =	vor.u32 v7, v8;
	v8 =	vand.u32 $0xFFFFFF80, v51  }
0x205: {  	v50 =	vadd.s32 $0x8, v4;
	v48 =	vadd.s32 $0x9, v4;
	v53 =	vadd.s32 v6, v8  }
0x206: {  	v45 =	vadd.s32 $0xA, v4;
	v14 =	vand.u32 $0xFFFFFF80, v48;
	v8 =	vand.u32 $0xFFFFFF80, v50  }
0x207: {  	s7 =	sor.u32 s6, s3;
	v49 =	vadd.s32 v6, v14;
	v52 =	vadd.s32 v6, v8;
	v8 =	vand.u32 $0xFFFFFF80, v45  }
0x208: {  	v44 =	vadd.s32 $0xB, v4;
	v41 =	vadd.s32 $0xC, v4;
	v46 =	vadd.s32 v6, v8  }
0x209: {  	v39 =	vadd.s32 $0xD, v4;
	v8 =	vand.u32 $0xFFFFFF80, v41;
	[tilespmem:s7+$0x14400] =	vst v5;
	v5 =	vand.u32 $0xFFFFFF80, v44  }
0x20a: {  	v9 =	vand.u32 $0x7F, v9;
	v43 =	vadd.s32 v6, v8;
	v7 =	vld.idx.msk [tilespmem:v7+s20+$0x0], $0xffff;
	v47 =	vadd.s32 v6, v5  }
0x20b: {  	v38 =	vadd.s32 $0xE, v4;
	v8 =	vand.u32 $0xFFFFFF80, v39;
	v5 =	vor.u32 v9, v10  }
0x20c: {  	v36 =	vadd.s32 $0xF, v4;
	v42 =	vadd.s32 v6, v8;
	v8 =	vand.u32 $0xFFFFFF80, v38  }
0x20d: {  	v34 =	vadd.s32 $0x10, v4;
	v40 =	vadd.s32 v6, v8;
	v8 =	vand.u32 $0xFFFFFF80, v36  }
0x20e: {  	s3 =	sadd.s32 $0x14400, s7;
	v31 =	vadd.s32 $0x11, v4;
	v37 =	vadd.s32 v6, v8;
	v8 =	vand.u32 $0xFFFFFF80, v34  }
0x20f: {  	v29 =	vadd.s32 $0x12, v4;
	v35 =	vadd.s32 v6, v8;
	v8 =	vand.u32 $0xFFFFFF80, v31  }
0x210: {  	v27 =	vadd.s32 $0x13, v4;
	v33 =	vadd.s32 v6, v8;
	[tilespmem:s3+$0x80] =	vst v7;
	v7 =	vand.u32 $0xFFFFFF80, v29  }
0x211: {  	v8 =	vand.u32 $0x7F, v11;
	v5 =	vld.idx.msk [tilespmem:v5+s20+$0x0], $0xffff;
	v32 =	vadd.s32 v6, v7;
	v7 =	vand.u32 $0xFFFFFF80, v27  }
0x212: {  	v26 =	vadd.s32 $0x14, v4;
	v8 =	vor.u32 v8, v12;
	v30 =	vadd.s32 v6, v7  }
0x213: {  	v24 =	vadd.s32 $0x15, v4;
	v21 =	vadd.s32 $0x16, v4;
	v7 =	vand.u32 $0xFFFFFF80, v26  }
0x214: {  	v9 =	vand.u32 $0xFFFFFF80, v21;
	v28 =	vadd.s32 v6, v7;
	v7 =	vand.u32 $0xFFFFFF80, v24  }
0x215: {  	v19 =	vadd.s32 $0x17, v4;
	v23 =	vadd.s32 v6, v9;
	v25 =	vadd.s32 v6, v7  }
0x216: {  	v18 =	vadd.s32 $0x18, v4;
	v14 =	vadd.s32 $0x19, v4;
	v7 =	vand.u32 $0xFFFFFF80, v19  }
0x217: {  	v22 =	vadd.s32 v6, v7;
	v7 =	vand.u32 $0xFFFFFF80, v14;
	[tilespmem:s3+$0x100] =	vst v5;
	v5 =	vand.u32 $0xFFFFFF80, v18  }
0x218: {  	v17 =	vadd.s32 v6, v7;
	v10 =	vld.idx.msk [tilespmem:v8+s20+$0x0], $0xffff;
	v8 =	vand.u32 $0x7F, v13;
	v20 =	vadd.s32 v6, v5  }
0x219: {  	v15 =	vadd.s32 $0x1A, v4;
	v12 =	vadd.s32 $0x1B, v4;
	v58 =	vor.u32 v8, v16  }
0x21a: {  	v9 =	vadd.s32 $0x1C, v4;
	v7 =	vand.u32 $0xFFFFFF80, v12;
	v5 =	vand.u32 $0xFFFFFF80, v15  }
0x21b: {  	v13 =	vadd.s32 v6, v7;
	v16 =	vadd.s32 v6, v5;
	v5 =	vand.u32 $0xFFFFFF80, v9  }
0x21c: {  	v8 =	vadd.s32 $0x1D, v4;
	v11 =	vadd.s32 v6, v5;
	v5 =	vadd.s32 $0x1E, v4  }
0x21d: {  	v7 =	vand.u32 $0xFFFFFF80, v8;
	v4 =	vadd.s32 $0x1F, v4;
	v59 =	vand.u32 $0xFFFFFF80, v5  }
0x21e: {  	[tilespmem:s3+$0x180] =	vst v10;
	v10 =	vadd.s32 v6, v7;
	v7 =	vadd.s32 v6, v59;
	v59 =	vand.u32 $0xFFFFFF80, v4  }
0x21f: {  	v55 =	vand.u32 $0x7F, v55;
	v58 =	vld.idx.msk [tilespmem:v58+s20+$0x0], $0xffff;
	v6 =	vadd.s32 v6, v59  }
0x220: {  	v55 =	vor.u32 v55, v57;
	_ =	sdelay $0x4  }
0x221: {  	[tilespmem:s3+$0x200] =	vst v58  }
0x222: {  	v54 =	vand.u32 $0x7F, v54;
	v55 =	vld.idx.msk [tilespmem:v55+s20+$0x0], $0xffff  }
0x223: {  	v54 =	vor.u32 v54, v56;
	_ =	sdelay $0x4  }
0x224: {  	[tilespmem:s3+$0x280] =	vst v55  }
0x225: {  	v51 =	vand.u32 $0x7F, v51;
	v54 =	vld.idx.msk [tilespmem:v54+s20+$0x0], $0xffff  }
0x226: {  	v51 =	vor.u32 v51, v53;
	_ =	sdelay $0x4  }
0x227: {  	[tilespmem:s3+$0x300] =	vst v54  }
0x228: {  	v50 =	vand.u32 $0x7F, v50;
	v51 =	vld.idx.msk [tilespmem:v51+s20+$0x0], $0xffff  }
0x229: {  	v50 =	vor.u32 v50, v52;
	_ =	sdelay $0x1  }
0x22a: {  	s3 =	sor.u32 s11, s13;
	s13 =	smov.u32 s15  }
0x22b: {  	s3 =	sor.u32 $0x380, s3;
	_ =	sdelay $0x1  }
0x22c: {  	[tilespmem:s3+$0x14400] =	vst v51  }
0x22d: {  	v48 =	vand.u32 $0x7F, v48;
	v50 =	vld.idx.msk [tilespmem:v50+s20+$0x0], $0xffff  }
0x22e: {  	v48 =	vor.u32 v48, v49;
	_ =	sdelay $0x4  }
0x22f: {  	[tilespmem:s7+$0x14C00] =	vst v50  }
0x230: {  	v45 =	vand.u32 $0x7F, v45;
	v48 =	vld.idx.msk [tilespmem:v48+s20+$0x0], $0xffff  }
0x231: {  	v45 =	vor.u32 v45, v46;
	_ =	sdelay $0x4  }
0x232: {  	[tilespmem:s7+$0x14C80] =	vst v48  }
0x233: {  	v44 =	vand.u32 $0x7F, v44;
	v45 =	vld.idx.msk [tilespmem:v45+s20+$0x0], $0xffff  }
0x234: {  	v44 =	vor.u32 v44, v47;
	_ =	sdelay $0x4  }
0x235: {  	[tilespmem:s7+$0x14D00] =	vst v45  }
0x236: {  	v41 =	vand.u32 $0x7F, v41;
	v44 =	vld.idx.msk [tilespmem:v44+s20+$0x0], $0xffff  }
0x237: {  	v41 =	vor.u32 v41, v43;
	_ =	sdelay $0x4  }
0x238: {  	[tilespmem:s7+$0x14D80] =	vst v44  }
0x239: {  	v39 =	vand.u32 $0x7F, v39;
	v41 =	vld.idx.msk [tilespmem:v41+s20+$0x0], $0xffff  }
0x23a: {  	v39 =	vor.u32 v39, v42;
	_ =	sdelay $0x4  }
0x23b: {  	[tilespmem:s7+$0x14E00] =	vst v41  }
0x23c: {  	v38 =	vand.u32 $0x7F, v38;
	v39 =	vld.idx.msk [tilespmem:v39+s20+$0x0], $0xffff  }
0x23d: {  	v38 =	vor.u32 v38, v40;
	_ =	sdelay $0x4  }
0x23e: {  	[tilespmem:s7+$0x14E80] =	vst v39  }
0x23f: {  	v36 =	vand.u32 $0x7F, v36;
	v38 =	vld.idx.msk [tilespmem:v38+s20+$0x0], $0xffff  }
0x240: {  	v36 =	vor.u32 v36, v37;
	_ =	sdelay $0x4  }
0x241: {  	[tilespmem:s7+$0x14F00] =	vst v38  }
0x242: {  	v34 =	vand.u32 $0x7F, v34;
	v36 =	vld.idx.msk [tilespmem:v36+s20+$0x0], $0xffff  }
0x243: {  	v34 =	vor.u32 v34, v35;
	_ =	sdelay $0x4  }
0x244: {  	[tilespmem:s7+$0x14F80] =	vst v36  }
0x245: {  	v31 =	vand.u32 $0x7F, v31;
	v34 =	vld.idx.msk [tilespmem:v34+s20+$0x0], $0xffff  }
0x246: {  	v31 =	vor.u32 v31, v33;
	_ =	sdelay $0x4  }
0x247: {  	[tilespmem:s7+$0x15400] =	vst v34  }
0x248: {  	v29 =	vand.u32 $0x7F, v29;
	v31 =	vld.idx.msk [tilespmem:v31+s20+$0x0], $0xffff  }
0x249: {  	v29 =	vor.u32 v29, v32;
	_ =	sdelay $0x4  }
0x24a: {  	[tilespmem:s7+$0x15480] =	vst v31  }
0x24b: {  	v27 =	vand.u32 $0x7F, v27;
	v29 =	vld.idx.msk [tilespmem:v29+s20+$0x0], $0xffff  }
0x24c: {  	v27 =	vor.u32 v27, v30;
	_ =	sdelay $0x4  }
0x24d: {  	[tilespmem:s7+$0x15500] =	vst v29  }
0x24e: {  	v26 =	vand.u32 $0x7F, v26;
	v27 =	vld.idx.msk [tilespmem:v27+s20+$0x0], $0xffff  }
0x24f: {  	v26 =	vor.u32 v26, v28;
	_ =	sdelay $0x4  }
0x250: {  	[tilespmem:s7+$0x15580] =	vst v27  }
0x251: {  	v24 =	vand.u32 $0x7F, v24;
	v26 =	vld.idx.msk [tilespmem:v26+s20+$0x0], $0xffff  }
0x252: {  	v24 =	vor.u32 v24, v25;
	_ =	sdelay $0x4  }
0x253: {  	[tilespmem:s7+$0x15600] =	vst v26  }
0x254: {  	v21 =	vand.u32 $0x7F, v21;
	v24 =	vld.idx.msk [tilespmem:v24+s20+$0x0], $0xffff  }
0x255: {  	v21 =	vor.u32 v21, v23;
	_ =	sdelay $0x4  }
0x256: {  	[tilespmem:s7+$0x15680] =	vst v24  }
0x257: {  	v19 =	vand.u32 $0x7F, v19;
	v21 =	vld.idx.msk [tilespmem:v21+s20+$0x0], $0xffff  }
0x258: {  	v19 =	vor.u32 v19, v22;
	_ =	sdelay $0x4  }
0x259: {  	[tilespmem:s7+$0x15700] =	vst v21  }
0x25a: {  	v18 =	vand.u32 $0x7F, v18;
	v19 =	vld.idx.msk [tilespmem:v19+s20+$0x0], $0xffff  }
0x25b: {  	v18 =	vor.u32 v18, v20;
	_ =	sdelay $0x4  }
0x25c: {  	[tilespmem:s7+$0x15780] =	vst v19  }
0x25d: {  	v14 =	vand.u32 $0x7F, v14;
	v18 =	vld.idx.msk [tilespmem:v18+s20+$0x0], $0xffff  }
0x25e: {  	v14 =	vor.u32 v14, v17;
	_ =	sdelay $0x4  }
0x25f: {  	[tilespmem:s7+$0x15C00] =	vst v18  }
0x260: {  	v15 =	vand.u32 $0x7F, v15;
	v14 =	vld.idx.msk [tilespmem:v14+s20+$0x0], $0xffff  }
0x261: {  	v15 =	vor.u32 v15, v16;
	_ =	sdelay $0x4  }
0x262: {  	[tilespmem:s7+$0x15C80] =	vst v14  }
0x263: {  	v12 =	vand.u32 $0x7F, v12;
	v14 =	vld.idx.msk [tilespmem:v15+s20+$0x0], $0xffff  }
0x264: {  	v12 =	vor.u32 v12, v13;
	_ =	sdelay $0x4  }
0x265: {  	[tilespmem:s7+$0x15D00] =	vst v14  }
0x266: {  	v9 =	vand.u32 $0x7F, v9;
	v12 =	vld.idx.msk [tilespmem:v12+s20+$0x0], $0xffff  }
0x267: {  	v9 =	vor.u32 v9, v11;
	_ =	sdelay $0x4  }
0x268: {  	[tilespmem:s7+$0x15D80] =	vst v12  }
0x269: {  	v8 =	vand.u32 $0x7F, v8;
	v9 =	vld.idx.msk [tilespmem:v9+s20+$0x0], $0xffff  }
0x26a: {  	v8 =	vor.u32 v8, v10;
	_ =	sdelay $0x4  }
0x26b: {  	[tilespmem:s7+$0x15E00] =	vst v9  }
0x26c: {  	v5 =	vand.u32 $0x7F, v5;
	v8 =	vld.idx.msk [tilespmem:v8+s20+$0x0], $0xffff  }
0x26d: {  	v5 =	vor.u32 v5, v7;
	_ =	sdelay $0x4  }
0x26e: {  	[tilespmem:s7+$0x15E80] =	vst v8  }
0x26f: {  	v4 =	vand.u32 $0x7F, v4;
	v5 =	vld.idx.msk [tilespmem:v5+s20+$0x0], $0xffff  }
0x270: {  	v4 =	vor.u32 v4, v6;
	_ =	sdelay $0x4  }
0x271: {  	[tilespmem:s7+$0x15F00] =	vst v5  }
.Ltmp3:
0x272: {  	v4 =	vld.idx.msk [tilespmem:v4+s20+$0x0], $0xffff;
	(pc) =	sbr.rel @p1 .LBB2_9-.Ltmp3, $4  }
0x273: {  	_ = 	snop  }
0x274: {  	s11 =	sadd.s32 $0x80, s11  }
0x275: {  	s3 =	sand.u32 $0x400, s11  }
0x276: {  	s6 =	sand.u32 $0x70, s13;
	s8 =	sadd.s32 s3, s19  }
0x277: {  	s4 =	sadd.s32 s6, s8;
	[tilespmem:s7+$0x15F80] =	vst v4  }
0x278: {  	v4 =	vld [tilespmem:s4+$0x0];
	_ =	sdelay $0x2  }
0x279: {  	v5 =	vmov s13  }
0x27a: {  	v5 =	vshll.u32 v5, $0x7  }
0x27b: {  	v5 =	vor.u32 v3, v5;
	v6 =	vand.u32 $0xFFFFFF80, v4  }
0x27c: {  	v7 =	vand.u32 $0x7F, v4;
	v6 =	vadd.s32 v5, v6  }
0x27d: {  	v6 =	vor.u32 v7, v6;
	_ =	sdelay $0x2  }
0x27e: {  	v7 =	vadd.s32 $0x1, v4  }
0x27f: {  	v8 =	vand.u32 $0xFFFFFF80, v7  }
0x280: {  	v7 =	vand.u32 $0x7F, v7;
	v8 =	vadd.s32 v5, v8;
	v6 =	vld.idx.msk [tilespmem:v6+s20+$0x0], $0xffff  }
0x281: {  	v7 =	vor.u32 v7, v8;
	_ =	sdelay $0x2  }
0x282: {  	s8 =	sor.u32 s6, s3;
	v50 =	vadd.s32 $0x2, v4  }
0x283: {  	v9 =	vand.u32 $0xFFFFFF80, v50;
	[tilespmem:s8+$0x14400] =	vst v6  }
0x284: {  	v8 =	vand.u32 $0x7F, v50;
	v6 =	vadd.s32 v5, v9;
	v7 =	vld.idx.msk [tilespmem:v7+s20+$0x0], $0xffff  }
0x285: {  	v6 =	vor.u32 v8, v6;
	_ =	sdelay $0x2  }
0x286: {  	s3 =	sadd.s32 $0x14400, s8;
	v51 =	vadd.s32 $0x3, v4  }
0x287: {  	v52 =	vand.u32 $0xFFFFFF80, v51;
	[tilespmem:s3+$0x80] =	vst v7  }
0x288: {  	v8 =	vand.u32 $0x7F, v51;
	v7 =	vadd.s32 v5, v52;
	v6 =	vld.idx.msk [tilespmem:v6+s20+$0x0], $0xffff  }
0x289: {  	v7 =	vor.u32 v8, v7;
	_ =	sdelay $0x2  }
0x28a: {  	v53 =	vadd.s32 $0x4, v4  }
0x28b: {  	v54 =	vand.u32 $0xFFFFFF80, v53;
	[tilespmem:s3+$0x100] =	vst v6  }
0x28c: {  	v8 =	vand.u32 $0x7F, v53;
	v6 =	vadd.s32 v5, v54;
	v7 =	vld.idx.msk [tilespmem:v7+s20+$0x0], $0xffff  }
0x28d: {  	v6 =	vor.u32 v8, v6;
	_ =	sdelay $0x2  }
0x28e: {  	v55 =	vadd.s32 $0x5, v4  }
0x28f: {  	v56 =	vand.u32 $0xFFFFFF80, v55;
	[tilespmem:s3+$0x180] =	vst v7  }
0x290: {  	v8 =	vand.u32 $0x7F, v55;
	v7 =	vadd.s32 v5, v56;
	v6 =	vld.idx.msk [tilespmem:v6+s20+$0x0], $0xffff  }
0x291: {  	v7 =	vor.u32 v8, v7;
	_ =	sdelay $0x2  }
0x292: {  	v57 =	vadd.s32 $0x6, v4  }
0x293: {  	v58 =	vand.u32 $0xFFFFFF80, v57;
	[tilespmem:s3+$0x200] =	vst v6  }
0x294: {  	v8 =	vand.u32 $0x7F, v57;
	v6 =	vadd.s32 v5, v58;
	v7 =	vld.idx.msk [tilespmem:v7+s20+$0x0], $0xffff  }
0x295: {  	v6 =	vor.u32 v8, v6;
	_ =	sdelay $0x2  }
0x296: {  	v59 =	vadd.s32 $0x7, v4  }
0x297: {  	v60 =	vand.u32 $0xFFFFFF80, v59;
	[tilespmem:s3+$0x280] =	vst v7  }
0x298: {  	v8 =	vand.u32 $0x7F, v59;
	v7 =	vadd.s32 v5, v60;
	v6 =	vld.idx.msk [tilespmem:v6+s20+$0x0], $0xffff  }
0x299: {  	v7 =	vor.u32 v8, v7;
	_ =	sdelay $0x2  }
0x29a: {  	v61 =	vadd.s32 $0x8, v4  }
0x29b: {  	v62 =	vand.u32 $0xFFFFFF80, v61;
	[tilespmem:s3+$0x300] =	vst v6  }
0x29c: {  	v8 =	vand.u32 $0x7F, v61;
	v6 =	vadd.s32 v5, v62;
	v7 =	vld.idx.msk [tilespmem:v7+s20+$0x0], $0xffff  }
0x29d: {  	v6 =	vor.u32 v8, v6;
	_ =	sdelay $0x1  }
0x29e: {  	s11 =	sor.u32 s11, s13  }
0x29f: {  	v63 =	vadd.s32 $0x9, v4;
	s3 =	sor.u32 $0x380, s11  }
0x2a0: {  	v12 =	vand.u32 $0xFFFFFF80, v63;
	[tilespmem:s3+$0x14400] =	vst v7  }
0x2a1: {  	v8 =	vand.u32 $0x7F, v63;
	v7 =	vadd.s32 v5, v12;
	v6 =	vld.idx.msk [tilespmem:v6+s20+$0x0], $0xffff  }
0x2a2: {  	v7 =	vor.u32 v8, v7;
	_ =	sdelay $0x2  }
0x2a3: {  	v13 =	vadd.s32 $0xA, v4  }
0x2a4: {  	v14 =	vand.u32 $0xFFFFFF80, v13;
	[tilespmem:s8+$0x14C00] =	vst v6  }
0x2a5: {  	v8 =	vand.u32 $0x7F, v13;
	v6 =	vadd.s32 v5, v14;
	v7 =	vld.idx.msk [tilespmem:v7+s20+$0x0], $0xffff  }
0x2a6: {  	v6 =	vor.u32 v8, v6;
	_ =	sdelay $0x2  }
0x2a7: {  	v15 =	vadd.s32 $0xB, v4  }
0x2a8: {  	v16 =	vand.u32 $0xFFFFFF80, v15;
	[tilespmem:s8+$0x14C80] =	vst v7  }
0x2a9: {  	v8 =	vand.u32 $0x7F, v15;
	v7 =	vadd.s32 v5, v16;
	v6 =	vld.idx.msk [tilespmem:v6+s20+$0x0], $0xffff  }
0x2aa: {  	v7 =	vor.u32 v8, v7;
	_ =	sdelay $0x2  }
0x2ab: {  	v17 =	vadd.s32 $0xC, v4  }
0x2ac: {  	v18 =	vand.u32 $0xFFFFFF80, v17;
	[tilespmem:s8+$0x14D00] =	vst v6  }
0x2ad: {  	v8 =	vand.u32 $0x7F, v17;
	v6 =	vadd.s32 v5, v18;
	v7 =	vld.idx.msk [tilespmem:v7+s20+$0x0], $0xffff  }
0x2ae: {  	v6 =	vor.u32 v8, v6;
	_ =	sdelay $0x2  }
0x2af: {  	v19 =	vadd.s32 $0xD, v4  }
0x2b0: {  	v20 =	vand.u32 $0xFFFFFF80, v19;
	[tilespmem:s8+$0x14D80] =	vst v7  }
0x2b1: {  	v8 =	vand.u32 $0x7F, v19;
	v7 =	vadd.s32 v5, v20;
	v6 =	vld.idx.msk [tilespmem:v6+s20+$0x0], $0xffff  }
0x2b2: {  	v7 =	vor.u32 v8, v7;
	_ =	sdelay $0x2  }
0x2b3: {  	v21 =	vadd.s32 $0xE, v4  }
0x2b4: {  	v22 =	vand.u32 $0xFFFFFF80, v21;
	[tilespmem:s8+$0x14E00] =	vst v6  }
0x2b5: {  	v8 =	vand.u32 $0x7F, v21;
	v6 =	vadd.s32 v5, v22;
	v7 =	vld.idx.msk [tilespmem:v7+s20+$0x0], $0xffff  }
0x2b6: {  	v6 =	vor.u32 v8, v6;
	_ =	sdelay $0x2  }
0x2b7: {  	v23 =	vadd.s32 $0xF, v4  }
0x2b8: {  	v24 =	vand.u32 $0xFFFFFF80, v23;
	[tilespmem:s8+$0x14E80] =	vst v7  }
0x2b9: {  	v8 =	vand.u32 $0x7F, v23;
	v7 =	vadd.s32 v5, v24;
	v6 =	vld.idx.msk [tilespmem:v6+s20+$0x0], $0xffff  }
0x2ba: {  	v7 =	vor.u32 v8, v7;
	_ =	sdelay $0x2  }
0x2bb: {  	v25 =	vadd.s32 $0x10, v4  }
0x2bc: {  	v26 =	vand.u32 $0xFFFFFF80, v25;
	[tilespmem:s8+$0x14F00] =	vst v6  }
0x2bd: {  	v8 =	vand.u32 $0x7F, v25;
	v6 =	vadd.s32 v5, v26;
	v7 =	vld.idx.msk [tilespmem:v7+s20+$0x0], $0xffff  }
0x2be: {  	v6 =	vor.u32 v8, v6;
	_ =	sdelay $0x2  }
0x2bf: {  	v27 =	vadd.s32 $0x11, v4  }
0x2c0: {  	v28 =	vand.u32 $0xFFFFFF80, v27;
	[tilespmem:s8+$0x14F80] =	vst v7  }
0x2c1: {  	v8 =	vand.u32 $0x7F, v27;
	v7 =	vadd.s32 v5, v28;
	v6 =	vld.idx.msk [tilespmem:v6+s20+$0x0], $0xffff  }
0x2c2: {  	v7 =	vor.u32 v8, v7;
	_ =	sdelay $0x2  }
0x2c3: {  	v29 =	vadd.s32 $0x12, v4  }
0x2c4: {  	v30 =	vand.u32 $0xFFFFFF80, v29;
	[tilespmem:s8+$0x15400] =	vst v6  }
0x2c5: {  	v8 =	vand.u32 $0x7F, v29;
	v6 =	vadd.s32 v5, v30;
	v7 =	vld.idx.msk [tilespmem:v7+s20+$0x0], $0xffff  }
0x2c6: {  	v6 =	vor.u32 v8, v6;
	_ =	sdelay $0x2  }
0x2c7: {  	v31 =	vadd.s32 $0x13, v4  }
0x2c8: {  	v32 =	vand.u32 $0xFFFFFF80, v31;
	[tilespmem:s8+$0x15480] =	vst v7  }
0x2c9: {  	v8 =	vand.u32 $0x7F, v31;
	v7 =	vadd.s32 v5, v32;
	v6 =	vld.idx.msk [tilespmem:v6+s20+$0x0], $0xffff  }
0x2ca: {  	v7 =	vor.u32 v8, v7;
	_ =	sdelay $0x2  }
0x2cb: {  	v33 =	vadd.s32 $0x14, v4  }
0x2cc: {  	v34 =	vand.u32 $0xFFFFFF80, v33;
	[tilespmem:s8+$0x15500] =	vst v6  }
0x2cd: {  	v8 =	vand.u32 $0x7F, v33;
	v6 =	vadd.s32 v5, v34;
	v7 =	vld.idx.msk [tilespmem:v7+s20+$0x0], $0xffff  }
0x2ce: {  	v6 =	vor.u32 v8, v6;
	_ =	sdelay $0x2  }
0x2cf: {  	v35 =	vadd.s32 $0x15, v4  }
0x2d0: {  	v36 =	vand.u32 $0xFFFFFF80, v35;
	[tilespmem:s8+$0x15580] =	vst v7  }
0x2d1: {  	v8 =	vand.u32 $0x7F, v35;
	v7 =	vadd.s32 v5, v36;
	v6 =	vld.idx.msk [tilespmem:v6+s20+$0x0], $0xffff  }
0x2d2: {  	v7 =	vor.u32 v8, v7;
	_ =	sdelay $0x2  }
0x2d3: {  	v37 =	vadd.s32 $0x16, v4  }
0x2d4: {  	v38 =	vand.u32 $0xFFFFFF80, v37;
	[tilespmem:s8+$0x15600] =	vst v6  }
0x2d5: {  	v8 =	vand.u32 $0x7F, v37;
	v6 =	vadd.s32 v5, v38;
	v7 =	vld.idx.msk [tilespmem:v7+s20+$0x0], $0xffff  }
0x2d6: {  	v6 =	vor.u32 v8, v6;
	_ =	sdelay $0x2  }
0x2d7: {  	v39 =	vadd.s32 $0x17, v4  }
0x2d8: {  	v40 =	vand.u32 $0xFFFFFF80, v39;
	[tilespmem:s8+$0x15680] =	vst v7  }
0x2d9: {  	v8 =	vand.u32 $0x7F, v39;
	v7 =	vadd.s32 v5, v40;
	v6 =	vld.idx.msk [tilespmem:v6+s20+$0x0], $0xffff  }
0x2da: {  	v7 =	vor.u32 v8, v7;
	_ =	sdelay $0x2  }
0x2db: {  	v41 =	vadd.s32 $0x18, v4  }
0x2dc: {  	v42 =	vand.u32 $0xFFFFFF80, v41;
	[tilespmem:s8+$0x15700] =	vst v6  }
0x2dd: {  	v8 =	vand.u32 $0x7F, v41;
	v6 =	vadd.s32 v5, v42;
	v7 =	vld.idx.msk [tilespmem:v7+s20+$0x0], $0xffff  }
0x2de: {  	v6 =	vor.u32 v8, v6;
	_ =	sdelay $0x2  }
0x2df: {  	v43 =	vadd.s32 $0x19, v4  }
0x2e0: {  	v44 =	vand.u32 $0xFFFFFF80, v43;
	[tilespmem:s8+$0x15780] =	vst v7  }
0x2e1: {  	v8 =	vand.u32 $0x7F, v43;
	v7 =	vadd.s32 v5, v44;
	v6 =	vld.idx.msk [tilespmem:v6+s20+$0x0], $0xffff  }
0x2e2: {  	v7 =	vor.u32 v8, v7;
	_ =	sdelay $0x2  }
0x2e3: {  	v45 =	vadd.s32 $0x1A, v4  }
0x2e4: {  	v46 =	vand.u32 $0xFFFFFF80, v45;
	[tilespmem:s8+$0x15C00] =	vst v6  }
0x2e5: {  	v8 =	vand.u32 $0x7F, v45;
	v6 =	vadd.s32 v5, v46;
	v7 =	vld.idx.msk [tilespmem:v7+s20+$0x0], $0xffff  }
0x2e6: {  	v6 =	vor.u32 v8, v6;
	_ =	sdelay $0x2  }
0x2e7: {  	v47 =	vadd.s32 $0x1B, v4  }
0x2e8: {  	v48 =	vand.u32 $0xFFFFFF80, v47;
	[tilespmem:s8+$0x15C80] =	vst v7  }
0x2e9: {  	v8 =	vand.u32 $0x7F, v47;
	v7 =	vadd.s32 v5, v48;
	v6 =	vld.idx.msk [tilespmem:v6+s20+$0x0], $0xffff  }
0x2ea: {  	v7 =	vor.u32 v8, v7;
	_ =	sdelay $0x2  }
0x2eb: {  	v49 =	vadd.s32 $0x1C, v4  }
0x2ec: {  	v50 =	vand.u32 $0xFFFFFF80, v49;
	[tilespmem:s8+$0x15D00] =	vst v6  }
0x2ed: {  	v8 =	vand.u32 $0x7F, v49;
	v6 =	vadd.s32 v5, v50;
	v7 =	vld.idx.msk [tilespmem:v7+s20+$0x0], $0xffff  }
0x2ee: {  	v6 =	vor.u32 v8, v6;
	_ =	sdelay $0x2  }
0x2ef: {  	v51 =	vadd.s32 $0x1D, v4  }
0x2f0: {  	v52 =	vand.u32 $0xFFFFFF80, v51;
	[tilespmem:s8+$0x15D80] =	vst v7  }
0x2f1: {  	v8 =	vand.u32 $0x7F, v51;
	v7 =	vadd.s32 v5, v52;
	v6 =	vld.idx.msk [tilespmem:v6+s20+$0x0], $0xffff  }
0x2f2: {  	v7 =	vor.u32 v8, v7;
	_ =	sdelay $0x2  }
0x2f3: {  	v53 =	vadd.s32 $0x1E, v4  }
0x2f4: {  	v54 =	vand.u32 $0xFFFFFF80, v53;
	[tilespmem:s8+$0x15E00] =	vst v6  }
0x2f5: {  	v8 =	vand.u32 $0x7F, v53;
	v6 =	vadd.s32 v5, v54;
	v7 =	vld.idx.msk [tilespmem:v7+s20+$0x0], $0xffff  }
0x2f6: {  	v6 =	vor.u32 v8, v6;
	_ =	sdelay $0x2  }
0x2f7: {  	v4 =	vadd.s32 $0x1F, v4  }
0x2f8: {  	v55 =	vand.u32 $0xFFFFFF80, v4;
	[tilespmem:s8+$0x15E80] =	vst v7  }
0x2f9: {  	v4 =	vand.u32 $0x7F, v4;
	v5 =	vadd.s32 v5, v55;
	v6 =	vld.idx.msk [tilespmem:v6+s20+$0x0], $0xffff  }
0x2fa: {  	v4 =	vor.u32 v4, v5;
	_ =	sdelay $0x3  }
0x2fb: {  	[tilespmem:s8+$0x15F00] =	vst v6  }
0x2fc: {  	v4 =	vld.idx.msk [tilespmem:v4+s20+$0x0], $0xffff;
	_ =	sdelay $0x1  }
0x2fd: {  	s19 =	sshll.u32 s31, $0x11  }
0x2fe: {  	s3 =	sadd.s32 $0x100000, s19  }
0x2ff: {  	s3 =	simm.s32 @p0 $0x0  }
0x300: {  	s1 =	sshll.u32 s1, $0x7;
	p0 =	seq.s32 s31, $0x9;
	s3 =	sadd.s32 s3, s10;
	[tilespmem:s8+$0x15F80] =	vst v4  }
0x301: {  	[hbm4b:s3+s16] =	stream.strided.scatter [tilespmem:s23], [sflag:$0x3], $0x2000, s17, s16, $0x38;
	[tilespmem:$0x1AC00] =	vst v63  }
0x302: {  	p1 =	seq.s32 @!p0 s31, $0x0;
	s3 =	sshll.u32 @!p0 s31, $0x9;
	_ =	swait.ge [sflag:s25], $0x8000  }
0x303: {  	s4 =	simm.s32 @!p0 $0x100;
	s3 =	sand.u32 @!p0 $0x3FFFFE00, s3;
	[sflag:s25] =	ssyncset.done $0x0  }
0x304: {  	s5 =	simm.s32 @!p0 $0x4400;
	s3 =	sadd.s32 @!p0 $0x1A00, s3;
	[sflag:s25] =	ssyncadd.s32 $0xFFFF8000  }
0x305: {  	[tilespmem:s5], [sflag:$0x1] =	stream.indirect.gather @!p0 [hbm4b:s9+s4], $0x80, s3, s4, $0xb8;
	[tilespmem:$0x1AC00] =	vst v63  }
0x306: {  	s13 =	simm.s32 $0x0;
	s1 =	sand.u32 $0x380, s1;
	p0 =	por p0, !p1  }
0x307: {  	s15 =	sand.u32 $0x400, s13;
	s1 =	sadd.s32 s1, s2;
	_ =	swait.ge @p0 [sflag:s28], $0x2000  }
0x308: {  	s29 =	sand.u32 $0x70, s13;
	s30 =	sadd.s32 s15, s1;
	[sflag:s28] =	ssyncset.done @p0 $0x0  }
0x309: {  	s5 =	sadd.s32 s29, s30;
	[sflag:s28] =	ssyncadd.s32 @p0 $0xFFFFE000  }
0x30a: {  	v4 =	vld [tilespmem:s5+$0x0];
	_ =	sdelay $0x2  }
0x30b: {  	v5 =	vmov s13  }
0x30c: {  	v5 =	vshll.u32 v5, $0x7  }
0x30d: {  	v5 =	vor.u32 v3, v5;
	v6 =	vand.u32 $0xFFFFFF80, v4  }
0x30e: {  	v7 =	vand.u32 $0x7F, v4;
	v6 =	vadd.s32 v5, v6  }
0x30f: {  	v6 =	vor.u32 v7, v6;
	_ =	sdelay $0x2  }
0x310: {  	v7 =	vadd.s32 $0x1, v4  }
0x311: {  	v56 =	vand.u32 $0xFFFFFF80, v7  }
0x312: {  	v7 =	vand.u32 $0x7F, v7;
	v8 =	vadd.s32 v5, v56;
	v6 =	vld.idx.msk [tilespmem:v6+s24+$0x0], $0xffff  }
0x313: {  	v7 =	vor.u32 v7, v8;
	_ =	sdelay $0x2  }
0x314: {  	s2 =	sor.u32 s29, s15;
	v57 =	vadd.s32 $0x2, v4  }
0x315: {  	v58 =	vand.u32 $0xFFFFFF80, v57;
	[tilespmem:s2+$0x16400] =	vst v6  }
0x316: {  	v8 =	vand.u32 $0x7F, v57;
	v6 =	vadd.s32 v5, v58;
	v7 =	vld.idx.msk [tilespmem:v7+s24+$0x0], $0xffff  }
0x317: {  	v6 =	vor.u32 v8, v6;
	_ =	sdelay $0x2  }
0x318: {  	s4 =	sadd.s32 $0x16400, s2;
	v59 =	vadd.s32 $0x3, v4  }
0x319: {  	v60 =	vand.u32 $0xFFFFFF80, v59;
	[tilespmem:s4+$0x80] =	vst v7  }
0x31a: {  	v8 =	vand.u32 $0x7F, v59;
	v7 =	vadd.s32 v5, v60;
	v6 =	vld.idx.msk [tilespmem:v6+s24+$0x0], $0xffff  }
0x31b: {  	v7 =	vor.u32 v8, v7;
	_ =	sdelay $0x2  }
0x31c: {  	v61 =	vadd.s32 $0x4, v4  }
0x31d: {  	v62 =	vand.u32 $0xFFFFFF80, v61;
	[tilespmem:s4+$0x100] =	vst v6  }
0x31e: {  	v8 =	vand.u32 $0x7F, v61;
	v6 =	vadd.s32 v5, v62;
	v7 =	vld.idx.msk [tilespmem:v7+s24+$0x0], $0xffff  }
0x31f: {  	v6 =	vor.u32 v8, v6;
	_ =	sdelay $0x2  }
0x320: {  	v63 =	vadd.s32 $0x5, v4  }
0x321: {  	v12 =	vand.u32 $0xFFFFFF80, v63;
	[tilespmem:s4+$0x180] =	vst v7  }
0x322: {  	v8 =	vand.u32 $0x7F, v63;
	v7 =	vadd.s32 v5, v12;
	v6 =	vld.idx.msk [tilespmem:v6+s24+$0x0], $0xffff  }
0x323: {  	v7 =	vor.u32 v8, v7;
	_ =	sdelay $0x2  }
0x324: {  	v13 =	vadd.s32 $0x6, v4  }
0x325: {  	v14 =	vand.u32 $0xFFFFFF80, v13;
	[tilespmem:s4+$0x200] =	vst v6  }
0x326: {  	v8 =	vand.u32 $0x7F, v13;
	v6 =	vadd.s32 v5, v14;
	v7 =	vld.idx.msk [tilespmem:v7+s24+$0x0], $0xffff  }
0x327: {  	v6 =	vor.u32 v8, v6;
	_ =	sdelay $0x2  }
0x328: {  	v15 =	vadd.s32 $0x7, v4  }
0x329: {  	v16 =	vand.u32 $0xFFFFFF80, v15;
	[tilespmem:s4+$0x280] =	vst v7  }
0x32a: {  	v8 =	vand.u32 $0x7F, v15;
	v7 =	vadd.s32 v5, v16;
	v6 =	vld.idx.msk [tilespmem:v6+s24+$0x0], $0xffff  }
0x32b: {  	v7 =	vor.u32 v8, v7;
	_ =	sdelay $0x2  }
0x32c: {  	v17 =	vadd.s32 $0x8, v4  }
0x32d: {  	v18 =	vand.u32 $0xFFFFFF80, v17;
	[tilespmem:s4+$0x300] =	vst v6  }
0x32e: {  	v8 =	vand.u32 $0x7F, v17;
	v6 =	vadd.s32 v5, v18;
	v7 =	vld.idx.msk [tilespmem:v7+s24+$0x0], $0xffff  }
0x32f: {  	v6 =	vor.u32 v8, v6;
	_ =	sdelay $0x1  }
0x330: {  	s3 =	sor.u32 s13, s13  }
0x331: {  	s3 =	sor.u32 $0x380, s3;
	v19 =	vadd.s32 $0x9, v4  }
0x332: {  	v20 =	vand.u32 $0xFFFFFF80, v19;
	[tilespmem:s3+$0x16400] =	vst v7  }
0x333: {  	v8 =	vand.u32 $0x7F, v19;
	v7 =	vadd.s32 v5, v20;
	v6 =	vld.idx.msk [tilespmem:v6+s24+$0x0], $0xffff  }
0x334: {  	v7 =	vor.u32 v8, v7;
	_ =	sdelay $0x2  }
0x335: {  	v21 =	vadd.s32 $0xA, v4  }
0x336: {  	v22 =	vand.u32 $0xFFFFFF80, v21;
	[tilespmem:s2+$0x16C00] =	vst v6  }
0x337: {  	v8 =	vand.u32 $0x7F, v21;
	v6 =	vadd.s32 v5, v22;
	v7 =	vld.idx.msk [tilespmem:v7+s24+$0x0], $0xffff  }
0x338: {  	v6 =	vor.u32 v8, v6;
	_ =	sdelay $0x2  }
0x339: {  	v23 =	vadd.s32 $0xB, v4  }
0x33a: {  	v24 =	vand.u32 $0xFFFFFF80, v23;
	[tilespmem:s2+$0x16C80] =	vst v7  }
0x33b: {  	v8 =	vand.u32 $0x7F, v23;
	v7 =	vadd.s32 v5, v24;
	v6 =	vld.idx.msk [tilespmem:v6+s24+$0x0], $0xffff  }
0x33c: {  	v7 =	vor.u32 v8, v7;
	_ =	sdelay $0x2  }
0x33d: {  	v25 =	vadd.s32 $0xC, v4  }
0x33e: {  	v26 =	vand.u32 $0xFFFFFF80, v25;
	[tilespmem:s2+$0x16D00] =	vst v6  }
0x33f: {  	v8 =	vand.u32 $0x7F, v25;
	v6 =	vadd.s32 v5, v26;
	v7 =	vld.idx.msk [tilespmem:v7+s24+$0x0], $0xffff  }
0x340: {  	v6 =	vor.u32 v8, v6;
	_ =	sdelay $0x2  }
0x341: {  	v27 =	vadd.s32 $0xD, v4  }
0x342: {  	v28 =	vand.u32 $0xFFFFFF80, v27;
	[tilespmem:s2+$0x16D80] =	vst v7  }
0x343: {  	v8 =	vand.u32 $0x7F, v27;
	v7 =	vadd.s32 v5, v28;
	v6 =	vld.idx.msk [tilespmem:v6+s24+$0x0], $0xffff  }
0x344: {  	v7 =	vor.u32 v8, v7;
	_ =	sdelay $0x2  }
0x345: {  	v29 =	vadd.s32 $0xE, v4  }
0x346: {  	v30 =	vand.u32 $0xFFFFFF80, v29;
	[tilespmem:s2+$0x16E00] =	vst v6  }
0x347: {  	v8 =	vand.u32 $0x7F, v29;
	v6 =	vadd.s32 v5, v30;
	v7 =	vld.idx.msk [tilespmem:v7+s24+$0x0], $0xffff  }
0x348: {  	v6 =	vor.u32 v8, v6;
	_ =	sdelay $0x2  }
0x349: {  	v31 =	vadd.s32 $0xF, v4  }
0x34a: {  	v32 =	vand.u32 $0xFFFFFF80, v31;
	[tilespmem:s2+$0x16E80] =	vst v7  }
0x34b: {  	v8 =	vand.u32 $0x7F, v31;
	v7 =	vadd.s32 v5, v32;
	v6 =	vld.idx.msk [tilespmem:v6+s24+$0x0], $0xffff  }
0x34c: {  	v7 =	vor.u32 v8, v7;
	_ =	sdelay $0x2  }
0x34d: {  	v33 =	vadd.s32 $0x10, v4  }
0x34e: {  	v34 =	vand.u32 $0xFFFFFF80, v33;
	[tilespmem:s2+$0x16F00] =	vst v6  }
0x34f: {  	v8 =	vand.u32 $0x7F, v33;
	v6 =	vadd.s32 v5, v34;
	v7 =	vld.idx.msk [tilespmem:v7+s24+$0x0], $0xffff  }
0x350: {  	v6 =	vor.u32 v8, v6;
	_ =	sdelay $0x2  }
0x351: {  	v35 =	vadd.s32 $0x11, v4  }
0x352: {  	v36 =	vand.u32 $0xFFFFFF80, v35;
	[tilespmem:s2+$0x16F80] =	vst v7  }
0x353: {  	v8 =	vand.u32 $0x7F, v35;
	v7 =	vadd.s32 v5, v36;
	v6 =	vld.idx.msk [tilespmem:v6+s24+$0x0], $0xffff  }
0x354: {  	v7 =	vor.u32 v8, v7;
	_ =	sdelay $0x2  }
0x355: {  	v37 =	vadd.s32 $0x12, v4  }
0x356: {  	v38 =	vand.u32 $0xFFFFFF80, v37;
	[tilespmem:s2+$0x17400] =	vst v6  }
0x357: {  	v8 =	vand.u32 $0x7F, v37;
	v6 =	vadd.s32 v5, v38;
	v7 =	vld.idx.msk [tilespmem:v7+s24+$0x0], $0xffff  }
0x358: {  	v6 =	vor.u32 v8, v6;
	_ =	sdelay $0x2  }
0x359: {  	v39 =	vadd.s32 $0x13, v4  }
0x35a: {  	v40 =	vand.u32 $0xFFFFFF80, v39;
	[tilespmem:s2+$0x17480] =	vst v7  }
0x35b: {  	v8 =	vand.u32 $0x7F, v39;
	v7 =	vadd.s32 v5, v40;
	v6 =	vld.idx.msk [tilespmem:v6+s24+$0x0], $0xffff  }
0x35c: {  	v7 =	vor.u32 v8, v7;
	_ =	sdelay $0x2  }
0x35d: {  	v41 =	vadd.s32 $0x14, v4  }
0x35e: {  	v42 =	vand.u32 $0xFFFFFF80, v41;
	[tilespmem:s2+$0x17500] =	vst v6  }
0x35f: {  	v8 =	vand.u32 $0x7F, v41;
	v6 =	vadd.s32 v5, v42;
	v7 =	vld.idx.msk [tilespmem:v7+s24+$0x0], $0xffff  }
0x360: {  	v6 =	vor.u32 v8, v6;
	_ =	sdelay $0x2  }
0x361: {  	v43 =	vadd.s32 $0x15, v4  }
0x362: {  	v44 =	vand.u32 $0xFFFFFF80, v43;
	[tilespmem:s2+$0x17580] =	vst v7  }
0x363: {  	v8 =	vand.u32 $0x7F, v43;
	v7 =	vadd.s32 v5, v44;
	v6 =	vld.idx.msk [tilespmem:v6+s24+$0x0], $0xffff  }
0x364: {  	v7 =	vor.u32 v8, v7;
	_ =	sdelay $0x2  }
0x365: {  	v45 =	vadd.s32 $0x16, v4  }
0x366: {  	v46 =	vand.u32 $0xFFFFFF80, v45;
	[tilespmem:s2+$0x17600] =	vst v6  }
0x367: {  	v8 =	vand.u32 $0x7F, v45;
	v6 =	vadd.s32 v5, v46;
	v7 =	vld.idx.msk [tilespmem:v7+s24+$0x0], $0xffff  }
0x368: {  	v6 =	vor.u32 v8, v6;
	_ =	sdelay $0x2  }
0x369: {  	v47 =	vadd.s32 $0x17, v4  }
0x36a: {  	v48 =	vand.u32 $0xFFFFFF80, v47;
	[tilespmem:s2+$0x17680] =	vst v7  }
0x36b: {  	v8 =	vand.u32 $0x7F, v47;
	v7 =	vadd.s32 v5, v48;
	v6 =	vld.idx.msk [tilespmem:v6+s24+$0x0], $0xffff  }
0x36c: {  	v7 =	vor.u32 v8, v7;
	_ =	sdelay $0x2  }
0x36d: {  	v49 =	vadd.s32 $0x18, v4  }
0x36e: {  	v50 =	vand.u32 $0xFFFFFF80, v49;
	[tilespmem:s2+$0x17700] =	vst v6  }
0x36f: {  	v8 =	vand.u32 $0x7F, v49;
	v6 =	vadd.s32 v5, v50;
	v7 =	vld.idx.msk [tilespmem:v7+s24+$0x0], $0xffff  }
0x370: {  	v6 =	vor.u32 v8, v6;
	_ =	sdelay $0x2  }
0x371: {  	v51 =	vadd.s32 $0x19, v4  }
0x372: {  	v52 =	vand.u32 $0xFFFFFF80, v51;
	[tilespmem:s2+$0x17780] =	vst v7  }
0x373: {  	v8 =	vand.u32 $0x7F, v51;
	v7 =	vadd.s32 v5, v52;
	v6 =	vld.idx.msk [tilespmem:v6+s24+$0x0], $0xffff  }
0x374: {  	v7 =	vor.u32 v8, v7;
	_ =	sdelay $0x2  }
0x375: {  	v53 =	vadd.s32 $0x1A, v4  }
0x376: {  	v54 =	vand.u32 $0xFFFFFF80, v53;
	[tilespmem:s2+$0x17C00] =	vst v6  }
0x377: {  	v8 =	vand.u32 $0x7F, v53;
	v6 =	vadd.s32 v5, v54;
	v7 =	vld.idx.msk [tilespmem:v7+s24+$0x0], $0xffff  }
0x378: {  	v6 =	vor.u32 v8, v6;
	_ =	sdelay $0x2  }
0x379: {  	v55 =	vadd.s32 $0x1B, v4  }
0x37a: {  	v56 =	vand.u32 $0xFFFFFF80, v55;
	[tilespmem:s2+$0x17C80] =	vst v7  }
0x37b: {  	v8 =	vand.u32 $0x7F, v55;
	v7 =	vadd.s32 v5, v56;
	v6 =	vld.idx.msk [tilespmem:v6+s24+$0x0], $0xffff  }
0x37c: {  	v7 =	vor.u32 v8, v7;
	_ =	sdelay $0x2  }
0x37d: {  	v57 =	vadd.s32 $0x1C, v4  }
0x37e: {  	v58 =	vand.u32 $0xFFFFFF80, v57;
	[tilespmem:s2+$0x17D00] =	vst v6  }
0x37f: {  	v8 =	vand.u32 $0x7F, v57;
	v6 =	vadd.s32 v5, v58;
	v7 =	vld.idx.msk [tilespmem:v7+s24+$0x0], $0xffff  }
0x380: {  	v6 =	vor.u32 v8, v6;
	_ =	sdelay $0x2  }
0x381: {  	v59 =	vadd.s32 $0x1D, v4  }
0x382: {  	v60 =	vand.u32 $0xFFFFFF80, v59;
	[tilespmem:s2+$0x17D80] =	vst v7  }
0x383: {  	v8 =	vand.u32 $0x7F, v59;
	v7 =	vadd.s32 v5, v60;
	v6 =	vld.idx.msk [tilespmem:v6+s24+$0x0], $0xffff  }
0x384: {  	v7 =	vor.u32 v8, v7;
	_ =	sdelay $0x2  }
0x385: {  	v61 =	vadd.s32 $0x1E, v4  }
0x386: {  	v62 =	vand.u32 $0xFFFFFF80, v61;
	[tilespmem:s2+$0x17E00] =	vst v6  }
0x387: {  	v8 =	vand.u32 $0x7F, v61;
	v6 =	vadd.s32 v5, v62;
	v7 =	vld.idx.msk [tilespmem:v7+s24+$0x0], $0xffff  }
0x388: {  	v6 =	vor.u32 v8, v6;
	_ =	sdelay $0x2  }
0x389: {  	v4 =	vadd.s32 $0x1F, v4  }
0x38a: {  	v63 =	vand.u32 $0xFFFFFF80, v4;
	[tilespmem:s2+$0x17E80] =	vst v7  }
0x38b: {  	v4 =	vand.u32 $0x7F, v4;
	v5 =	vadd.s32 v5, v63;
	v6 =	vld.idx.msk [tilespmem:v6+s24+$0x0], $0xffff  }
0x38c: {  	v4 =	vor.u32 v4, v5;
	_ =	sdelay $0x3  }
0x38d: {  	[tilespmem:s2+$0x17F00] =	vst v6  }
0x38e: {  	s7 =	simm.s32 $0x80;
	v4 =	vld.idx.msk [tilespmem:v4+s24+$0x0], $0xffff  }
0x38f: {  	s11 =	simm.s32 $0x10;
	s3 =	sand.u32 $0x400, s7  }
0x390: {  	s6 =	sand.u32 $0x70, s11;
	s4 =	simm.s32 $0x20;
	s8 =	sadd.s32 s3, s1  }
.LBB2_11:
0x391: {  	p0 =	sne.s32 s4, $0xF0  }
0x392: {  	s5 =	sadd.s32 s6, s8;
	s13 =	smov.u32 s4;
	s4 =	sadd.s32 $0x10, s4  }
0x393: {  	[tilespmem:s2+$0x17F80] =	vst v4  }
0x394: {  	v4 =	vld [tilespmem:s5+$0x0];
	_ =	sdelay $0x1  }
0x395: {  	v5 =	vmov s11  }
0x396: {  	v5 =	vshll.u32 v5, $0x7;
	_ =	sdelay $0x1  }
0x397: {  	v6 =	vor.u32 v3, v5;
	v7 =	vand.u32 $0xFFFFFF80, v4;
	v8 =	vand.u32 $0x7F, v4  }
0x398: {  	v9 =	vadd.s32 $0x2, v4;
	v5 =	vadd.s32 v6, v7;
	v7 =	vadd.s32 $0x1, v4  }
0x399: {  	v10 =	vand.u32 $0xFFFFFF80, v9;
	v5 =	vor.u32 v8, v5;
	v8 =	vand.u32 $0xFFFFFF80, v7  }
0x39a: {  	v11 =	vadd.s32 $0x3, v4;
	v10 =	vadd.s32 v6, v10;
	v8 =	vadd.s32 v6, v8  }
0x39b: {  	v13 =	vadd.s32 $0x4, v4;
	v55 =	vadd.s32 $0x5, v4;
	v12 =	vand.u32 $0xFFFFFF80, v11  }
0x39c: {  	v14 =	vand.u32 $0xFFFFFF80, v13;
	v15 =	vand.u32 $0xFFFFFF80, v55;
	v12 =	vadd.s32 v6, v12  }
0x39d: {  	v54 =	vadd.s32 $0x6, v4;
	v16 =	vadd.s32 v6, v14;
	v57 =	vadd.s32 v6, v15  }
0x39e: {  	v51 =	vadd.s32 $0x7, v4;
	v7 =	vand.u32 $0x7F, v7;
	v14 =	vand.u32 $0xFFFFFF80, v54;
	v5 =	vld.idx.msk [tilespmem:v5+s24+$0x0], $0xffff  }
0x39f: {  	v56 =	vadd.s32 v6, v14;
	v7 =	vor.u32 v7, v8;
	v8 =	vand.u32 $0xFFFFFF80, v51  }
0x3a0: {  	v50 =	vadd.s32 $0x8, v4;
	v48 =	vadd.s32 $0x9, v4;
	v53 =	vadd.s32 v6, v8  }
0x3a1: {  	v45 =	vadd.s32 $0xA, v4;
	v14 =	vand.u32 $0xFFFFFF80, v48;
	v8 =	vand.u32 $0xFFFFFF80, v50  }
0x3a2: {  	s2 =	sor.u32 s6, s3;
	v49 =	vadd.s32 v6, v14;
	v52 =	vadd.s32 v6, v8;
	v8 =	vand.u32 $0xFFFFFF80, v45  }
0x3a3: {  	v44 =	vadd.s32 $0xB, v4;
	v41 =	vadd.s32 $0xC, v4;
	v46 =	vadd.s32 v6, v8  }
0x3a4: {  	v39 =	vadd.s32 $0xD, v4;
	v8 =	vand.u32 $0xFFFFFF80, v41;
	[tilespmem:s2+$0x16400] =	vst v5;
	v5 =	vand.u32 $0xFFFFFF80, v44  }
0x3a5: {  	v9 =	vand.u32 $0x7F, v9;
	v43 =	vadd.s32 v6, v8;
	v7 =	vld.idx.msk [tilespmem:v7+s24+$0x0], $0xffff;
	v47 =	vadd.s32 v6, v5  }
0x3a6: {  	v38 =	vadd.s32 $0xE, v4;
	v8 =	vand.u32 $0xFFFFFF80, v39;
	v5 =	vor.u32 v9, v10  }
0x3a7: {  	v36 =	vadd.s32 $0xF, v4;
	v42 =	vadd.s32 v6, v8;
	v8 =	vand.u32 $0xFFFFFF80, v38  }
0x3a8: {  	v34 =	vadd.s32 $0x10, v4;
	v40 =	vadd.s32 v6, v8;
	v8 =	vand.u32 $0xFFFFFF80, v36  }
0x3a9: {  	s3 =	sadd.s32 $0x16400, s2;
	v31 =	vadd.s32 $0x11, v4;
	v37 =	vadd.s32 v6, v8;
	v8 =	vand.u32 $0xFFFFFF80, v34  }
0x3aa: {  	v29 =	vadd.s32 $0x12, v4;
	v35 =	vadd.s32 v6, v8;
	v8 =	vand.u32 $0xFFFFFF80, v31  }
0x3ab: {  	v27 =	vadd.s32 $0x13, v4;
	v33 =	vadd.s32 v6, v8;
	[tilespmem:s3+$0x80] =	vst v7;
	v7 =	vand.u32 $0xFFFFFF80, v29  }
0x3ac: {  	v8 =	vand.u32 $0x7F, v11;
	v5 =	vld.idx.msk [tilespmem:v5+s24+$0x0], $0xffff;
	v32 =	vadd.s32 v6, v7;
	v7 =	vand.u32 $0xFFFFFF80, v27  }
0x3ad: {  	v26 =	vadd.s32 $0x14, v4;
	v8 =	vor.u32 v8, v12;
	v30 =	vadd.s32 v6, v7  }
0x3ae: {  	v24 =	vadd.s32 $0x15, v4;
	v21 =	vadd.s32 $0x16, v4;
	v7 =	vand.u32 $0xFFFFFF80, v26  }
0x3af: {  	v9 =	vand.u32 $0xFFFFFF80, v21;
	v28 =	vadd.s32 v6, v7;
	v7 =	vand.u32 $0xFFFFFF80, v24  }
0x3b0: {  	v19 =	vadd.s32 $0x17, v4;
	v23 =	vadd.s32 v6, v9;
	v25 =	vadd.s32 v6, v7  }
0x3b1: {  	v18 =	vadd.s32 $0x18, v4;
	v14 =	vadd.s32 $0x19, v4;
	v7 =	vand.u32 $0xFFFFFF80, v19  }
0x3b2: {  	v22 =	vadd.s32 v6, v7;
	v7 =	vand.u32 $0xFFFFFF80, v14;
	[tilespmem:s3+$0x100] =	vst v5;
	v5 =	vand.u32 $0xFFFFFF80, v18  }
0x3b3: {  	v17 =	vadd.s32 v6, v7;
	v10 =	vld.idx.msk [tilespmem:v8+s24+$0x0], $0xffff;
	v8 =	vand.u32 $0x7F, v13;
	v20 =	vadd.s32 v6, v5  }
0x3b4: {  	v15 =	vadd.s32 $0x1A, v4;
	v12 =	vadd.s32 $0x1B, v4;
	v58 =	vor.u32 v8, v16  }
0x3b5: {  	v9 =	vadd.s32 $0x1C, v4;
	v7 =	vand.u32 $0xFFFFFF80, v12;
	v5 =	vand.u32 $0xFFFFFF80, v15  }
0x3b6: {  	v13 =	vadd.s32 v6, v7;
	v16 =	vadd.s32 v6, v5;
	v5 =	vand.u32 $0xFFFFFF80, v9  }
0x3b7: {  	v8 =	vadd.s32 $0x1D, v4;
	v11 =	vadd.s32 v6, v5;
	v5 =	vadd.s32 $0x1E, v4  }
0x3b8: {  	v7 =	vand.u32 $0xFFFFFF80, v8;
	v4 =	vadd.s32 $0x1F, v4;
	v59 =	vand.u32 $0xFFFFFF80, v5  }
0x3b9: {  	[tilespmem:s3+$0x180] =	vst v10;
	v10 =	vadd.s32 v6, v7;
	v7 =	vadd.s32 v6, v59;
	v59 =	vand.u32 $0xFFFFFF80, v4  }
0x3ba: {  	v55 =	vand.u32 $0x7F, v55;
	v58 =	vld.idx.msk [tilespmem:v58+s24+$0x0], $0xffff;
	v6 =	vadd.s32 v6, v59  }
0x3bb: {  	v55 =	vor.u32 v55, v57;
	_ =	sdelay $0x4  }
0x3bc: {  	[tilespmem:s3+$0x200] =	vst v58  }
0x3bd: {  	v54 =	vand.u32 $0x7F, v54;
	v55 =	vld.idx.msk [tilespmem:v55+s24+$0x0], $0xffff  }
0x3be: {  	v54 =	vor.u32 v54, v56;
	_ =	sdelay $0x4  }
0x3bf: {  	[tilespmem:s3+$0x280] =	vst v55  }
0x3c0: {  	v51 =	vand.u32 $0x7F, v51;
	v54 =	vld.idx.msk [tilespmem:v54+s24+$0x0], $0xffff  }
0x3c1: {  	v51 =	vor.u32 v51, v53;
	_ =	sdelay $0x4  }
0x3c2: {  	[tilespmem:s3+$0x300] =	vst v54  }
0x3c3: {  	v50 =	vand.u32 $0x7F, v50;
	v51 =	vld.idx.msk [tilespmem:v51+s24+$0x0], $0xffff  }
0x3c4: {  	v50 =	vor.u32 v50, v52;
	_ =	sdelay $0x1  }
0x3c5: {  	s3 =	sor.u32 s7, s11;
	s11 =	smov.u32 s13  }
0x3c6: {  	s3 =	sor.u32 $0x380, s3;
	_ =	sdelay $0x1  }
0x3c7: {  	[tilespmem:s3+$0x16400] =	vst v51  }
0x3c8: {  	v48 =	vand.u32 $0x7F, v48;
	v50 =	vld.idx.msk [tilespmem:v50+s24+$0x0], $0xffff  }
0x3c9: {  	v48 =	vor.u32 v48, v49;
	_ =	sdelay $0x4  }
0x3ca: {  	[tilespmem:s2+$0x16C00] =	vst v50  }
0x3cb: {  	v45 =	vand.u32 $0x7F, v45;
	v48 =	vld.idx.msk [tilespmem:v48+s24+$0x0], $0xffff  }
0x3cc: {  	v45 =	vor.u32 v45, v46;
	_ =	sdelay $0x4  }
0x3cd: {  	[tilespmem:s2+$0x16C80] =	vst v48  }
0x3ce: {  	v44 =	vand.u32 $0x7F, v44;
	v45 =	vld.idx.msk [tilespmem:v45+s24+$0x0], $0xffff  }
0x3cf: {  	v44 =	vor.u32 v44, v47;
	_ =	sdelay $0x4  }
0x3d0: {  	[tilespmem:s2+$0x16D00] =	vst v45  }
0x3d1: {  	v41 =	vand.u32 $0x7F, v41;
	v44 =	vld.idx.msk [tilespmem:v44+s24+$0x0], $0xffff  }
0x3d2: {  	v41 =	vor.u32 v41, v43;
	_ =	sdelay $0x4  }
0x3d3: {  	[tilespmem:s2+$0x16D80] =	vst v44  }
0x3d4: {  	v39 =	vand.u32 $0x7F, v39;
	v41 =	vld.idx.msk [tilespmem:v41+s24+$0x0], $0xffff  }
0x3d5: {  	v39 =	vor.u32 v39, v42;
	_ =	sdelay $0x4  }
0x3d6: {  	[tilespmem:s2+$0x16E00] =	vst v41  }
0x3d7: {  	v38 =	vand.u32 $0x7F, v38;
	v39 =	vld.idx.msk [tilespmem:v39+s24+$0x0], $0xffff  }
0x3d8: {  	v38 =	vor.u32 v38, v40;
	_ =	sdelay $0x4  }
0x3d9: {  	[tilespmem:s2+$0x16E80] =	vst v39  }
0x3da: {  	v36 =	vand.u32 $0x7F, v36;
	v38 =	vld.idx.msk [tilespmem:v38+s24+$0x0], $0xffff  }
0x3db: {  	v36 =	vor.u32 v36, v37;
	_ =	sdelay $0x4  }
0x3dc: {  	[tilespmem:s2+$0x16F00] =	vst v38  }
0x3dd: {  	v34 =	vand.u32 $0x7F, v34;
	v36 =	vld.idx.msk [tilespmem:v36+s24+$0x0], $0xffff  }
0x3de: {  	v34 =	vor.u32 v34, v35;
	_ =	sdelay $0x4  }
0x3df: {  	[tilespmem:s2+$0x16F80] =	vst v36  }
0x3e0: {  	v31 =	vand.u32 $0x7F, v31;
	v34 =	vld.idx.msk [tilespmem:v34+s24+$0x0], $0xffff  }
0x3e1: {  	v31 =	vor.u32 v31, v33;
	_ =	sdelay $0x4  }
0x3e2: {  	[tilespmem:s2+$0x17400] =	vst v34  }
0x3e3: {  	v29 =	vand.u32 $0x7F, v29;
	v31 =	vld.idx.msk [tilespmem:v31+s24+$0x0], $0xffff  }
0x3e4: {  	v29 =	vor.u32 v29, v32;
	_ =	sdelay $0x4  }
0x3e5: {  	[tilespmem:s2+$0x17480] =	vst v31  }
0x3e6: {  	v27 =	vand.u32 $0x7F, v27;
	v29 =	vld.idx.msk [tilespmem:v29+s24+$0x0], $0xffff  }
0x3e7: {  	v27 =	vor.u32 v27, v30;
	_ =	sdelay $0x4  }
0x3e8: {  	[tilespmem:s2+$0x17500] =	vst v29  }
0x3e9: {  	v26 =	vand.u32 $0x7F, v26;
	v27 =	vld.idx.msk [tilespmem:v27+s24+$0x0], $0xffff  }
0x3ea: {  	v26 =	vor.u32 v26, v28;
	_ =	sdelay $0x4  }
0x3eb: {  	[tilespmem:s2+$0x17580] =	vst v27  }
0x3ec: {  	v24 =	vand.u32 $0x7F, v24;
	v26 =	vld.idx.msk [tilespmem:v26+s24+$0x0], $0xffff  }
0x3ed: {  	v24 =	vor.u32 v24, v25;
	_ =	sdelay $0x4  }
0x3ee: {  	[tilespmem:s2+$0x17600] =	vst v26  }
0x3ef: {  	v21 =	vand.u32 $0x7F, v21;
	v24 =	vld.idx.msk [tilespmem:v24+s24+$0x0], $0xffff  }
0x3f0: {  	v21 =	vor.u32 v21, v23;
	_ =	sdelay $0x4  }
0x3f1: {  	[tilespmem:s2+$0x17680] =	vst v24  }
0x3f2: {  	v19 =	vand.u32 $0x7F, v19;
	v21 =	vld.idx.msk [tilespmem:v21+s24+$0x0], $0xffff  }
0x3f3: {  	v19 =	vor.u32 v19, v22;
	_ =	sdelay $0x4  }
0x3f4: {  	[tilespmem:s2+$0x17700] =	vst v21  }
0x3f5: {  	v18 =	vand.u32 $0x7F, v18;
	v19 =	vld.idx.msk [tilespmem:v19+s24+$0x0], $0xffff  }
0x3f6: {  	v18 =	vor.u32 v18, v20;
	_ =	sdelay $0x4  }
0x3f7: {  	[tilespmem:s2+$0x17780] =	vst v19  }
0x3f8: {  	v14 =	vand.u32 $0x7F, v14;
	v18 =	vld.idx.msk [tilespmem:v18+s24+$0x0], $0xffff  }
0x3f9: {  	v14 =	vor.u32 v14, v17;
	_ =	sdelay $0x4  }
0x3fa: {  	[tilespmem:s2+$0x17C00] =	vst v18  }
0x3fb: {  	v15 =	vand.u32 $0x7F, v15;
	v14 =	vld.idx.msk [tilespmem:v14+s24+$0x0], $0xffff  }
0x3fc: {  	v15 =	vor.u32 v15, v16;
	_ =	sdelay $0x4  }
0x3fd: {  	[tilespmem:s2+$0x17C80] =	vst v14  }
0x3fe: {  	v12 =	vand.u32 $0x7F, v12;
	v14 =	vld.idx.msk [tilespmem:v15+s24+$0x0], $0xffff  }
0x3ff: {  	v12 =	vor.u32 v12, v13;
	_ =	sdelay $0x4  }
0x400: {  	[tilespmem:s2+$0x17D00] =	vst v14  }
0x401: {  	v9 =	vand.u32 $0x7F, v9;
	v12 =	vld.idx.msk [tilespmem:v12+s24+$0x0], $0xffff  }
0x402: {  	v9 =	vor.u32 v9, v11;
	_ =	sdelay $0x4  }
0x403: {  	[tilespmem:s2+$0x17D80] =	vst v12  }
0x404: {  	v8 =	vand.u32 $0x7F, v8;
	v9 =	vld.idx.msk [tilespmem:v9+s24+$0x0], $0xffff  }
0x405: {  	v8 =	vor.u32 v8, v10;
	_ =	sdelay $0x4  }
0x406: {  	[tilespmem:s2+$0x17E00] =	vst v9  }
0x407: {  	v5 =	vand.u32 $0x7F, v5;
	v8 =	vld.idx.msk [tilespmem:v8+s24+$0x0], $0xffff  }
0x408: {  	v5 =	vor.u32 v5, v7;
	_ =	sdelay $0x4  }
0x409: {  	[tilespmem:s2+$0x17E80] =	vst v8  }
0x40a: {  	v4 =	vand.u32 $0x7F, v4;
	v5 =	vld.idx.msk [tilespmem:v5+s24+$0x0], $0xffff  }
0x40b: {  	v4 =	vor.u32 v4, v6;
	_ =	sdelay $0x4  }
0x40c: {  	[tilespmem:s2+$0x17F00] =	vst v5  }
.Ltmp4:
0x40d: {  	v4 =	vld.idx.msk [tilespmem:v4+s24+$0x0], $0xffff;
	(pc) =	sbr.rel @p0 .LBB2_11-.Ltmp4, $4  }
0x40e: {  	_ = 	snop  }
0x40f: {  	s7 =	sadd.s32 $0x80, s7  }
0x410: {  	s3 =	sand.u32 $0x400, s7  }
0x411: {  	s6 =	sand.u32 $0x70, s11;
	s8 =	sadd.s32 s3, s1  }
0x412: {  	s1 =	sadd.s32 s6, s8;
	[tilespmem:s2+$0x17F80] =	vst v4  }
0x413: {  	v4 =	vld [tilespmem:s1+$0x0];
	_ =	sdelay $0x2  }
0x414: {  	v5 =	vmov s11  }
0x415: {  	v5 =	vshll.u32 v5, $0x7  }
0x416: {  	v5 =	vor.u32 v3, v5;
	v6 =	vand.u32 $0xFFFFFF80, v4  }
0x417: {  	v7 =	vand.u32 $0x7F, v4;
	v6 =	vadd.s32 v5, v6  }
0x418: {  	v6 =	vor.u32 v7, v6;
	_ =	sdelay $0x2  }
0x419: {  	v28 =	vadd.s32 $0x1, v4  }
0x41a: {  	v8 =	vand.u32 $0xFFFFFF80, v28  }
0x41b: {  	v8 =	vadd.s32 v5, v8;
	v7 =	vand.u32 $0x7F, v28;
	v6 =	vld.idx.msk [tilespmem:v6+s24+$0x0], $0xffff  }
0x41c: {  	v7 =	vor.u32 v7, v8;
	_ =	sdelay $0x2  }
0x41d: {  	s13 =	sor.u32 s6, s3;
	v29 =	vadd.s32 $0x2, v4  }
0x41e: {  	v9 =	vand.u32 $0xFFFFFF80, v29;
	[tilespmem:s13+$0x16400] =	vst v6  }
0x41f: {  	v30 =	vadd.s32 v5, v9;
	v8 =	vand.u32 $0x7F, v29;
	v7 =	vld.idx.msk [tilespmem:v7+s24+$0x0], $0xffff  }
0x420: {  	v6 =	vor.u32 v8, v30;
	_ =	sdelay $0x2  }
0x421: {  	s15 =	sadd.s32 $0x16400, s13;
	v31 =	vadd.s32 $0x3, v4  }
0x422: {  	v32 =	vand.u32 $0xFFFFFF80, v31;
	[tilespmem:s15+$0x80] =	vst v7  }
0x423: {  	v33 =	vadd.s32 v5, v32;
	v8 =	vand.u32 $0x7F, v31;
	v6 =	vld.idx.msk [tilespmem:v6+s24+$0x0], $0xffff  }
0x424: {  	v7 =	vor.u32 v8, v33;
	_ =	sdelay $0x2  }
0x425: {  	v34 =	vadd.s32 $0x4, v4  }
0x426: {  	v35 =	vand.u32 $0xFFFFFF80, v34;
	[tilespmem:s15+$0x100] =	vst v6  }
0x427: {  	v36 =	vadd.s32 v5, v35;
	v8 =	vand.u32 $0x7F, v34;
	v7 =	vld.idx.msk [tilespmem:v7+s24+$0x0], $0xffff  }
0x428: {  	v6 =	vor.u32 v8, v36;
	_ =	sdelay $0x2  }
0x429: {  	v37 =	vadd.s32 $0x5, v4  }
0x42a: {  	v38 =	vand.u32 $0xFFFFFF80, v37;
	[tilespmem:s15+$0x180] =	vst v7  }
0x42b: {  	v39 =	vadd.s32 v5, v38;
	v8 =	vand.u32 $0x7F, v37;
	v6 =	vld.idx.msk [tilespmem:v6+s24+$0x0], $0xffff  }
0x42c: {  	v7 =	vor.u32 v8, v39;
	_ =	sdelay $0x2  }
0x42d: {  	v40 =	vadd.s32 $0x6, v4  }
0x42e: {  	v41 =	vand.u32 $0xFFFFFF80, v40;
	[tilespmem:s15+$0x200] =	vst v6  }
0x42f: {  	v42 =	vadd.s32 v5, v41;
	v8 =	vand.u32 $0x7F, v40;
	v7 =	vld.idx.msk [tilespmem:v7+s24+$0x0], $0xffff  }
0x430: {  	v6 =	vor.u32 v8, v42;
	_ =	sdelay $0x2  }
0x431: {  	v43 =	vadd.s32 $0x7, v4  }
0x432: {  	v44 =	vand.u32 $0xFFFFFF80, v43;
	[tilespmem:s15+$0x280] =	vst v7  }
0x433: {  	v45 =	vadd.s32 v5, v44;
	v8 =	vand.u32 $0x7F, v43;
	v6 =	vld.idx.msk [tilespmem:v6+s24+$0x0], $0xffff  }
0x434: {  	v7 =	vor.u32 v8, v45;
	_ =	sdelay $0x2  }
0x435: {  	v46 =	vadd.s32 $0x8, v4  }
0x436: {  	v47 =	vand.u32 $0xFFFFFF80, v46;
	[tilespmem:s15+$0x300] =	vst v6  }
0x437: {  	v48 =	vadd.s32 v5, v47;
	v8 =	vand.u32 $0x7F, v46;
	v7 =	vld.idx.msk [tilespmem:v7+s24+$0x0], $0xffff  }
0x438: {  	v6 =	vor.u32 v8, v48;
	_ =	sdelay $0x1  }
0x439: {  	s29 =	sor.u32 s7, s11  }
0x43a: {  	s2 =	sor.u32 $0x380, s29;
	v49 =	vadd.s32 $0x9, v4  }
0x43b: {  	v50 =	vand.u32 $0xFFFFFF80, v49;
	[tilespmem:s2+$0x16400] =	vst v7  }
0x43c: {  	v51 =	vadd.s32 v5, v50;
	v8 =	vand.u32 $0x7F, v49;
	v6 =	vld.idx.msk [tilespmem:v6+s24+$0x0], $0xffff  }
0x43d: {  	v7 =	vor.u32 v8, v51;
	_ =	sdelay $0x2  }
0x43e: {  	v52 =	vadd.s32 $0xA, v4  }
0x43f: {  	v53 =	vand.u32 $0xFFFFFF80, v52;
	[tilespmem:s13+$0x16C00] =	vst v6  }
0x440: {  	v54 =	vadd.s32 v5, v53;
	v8 =	vand.u32 $0x7F, v52;
	v7 =	vld.idx.msk [tilespmem:v7+s24+$0x0], $0xffff  }
0x441: {  	v6 =	vor.u32 v8, v54;
	_ =	sdelay $0x2  }
0x442: {  	v55 =	vadd.s32 $0xB, v4  }
0x443: {  	v56 =	vand.u32 $0xFFFFFF80, v55;
	[tilespmem:s13+$0x16C80] =	vst v7  }
0x444: {  	v57 =	vadd.s32 v5, v56;
	v8 =	vand.u32 $0x7F, v55;
	v6 =	vld.idx.msk [tilespmem:v6+s24+$0x0], $0xffff  }
0x445: {  	v7 =	vor.u32 v8, v57;
	_ =	sdelay $0x2  }
0x446: {  	v58 =	vadd.s32 $0xC, v4  }
0x447: {  	v59 =	vand.u32 $0xFFFFFF80, v58;
	[tilespmem:s13+$0x16D00] =	vst v6  }
0x448: {  	v60 =	vadd.s32 v5, v59;
	v8 =	vand.u32 $0x7F, v58;
	v7 =	vld.idx.msk [tilespmem:v7+s24+$0x0], $0xffff  }
0x449: {  	v6 =	vor.u32 v8, v60;
	_ =	sdelay $0x2  }
0x44a: {  	v61 =	vadd.s32 $0xD, v4  }
0x44b: {  	v62 =	vand.u32 $0xFFFFFF80, v61;
	[tilespmem:s13+$0x16D80] =	vst v7  }
0x44c: {  	v63 =	vadd.s32 v5, v62;
	v8 =	vand.u32 $0x7F, v61;
	v6 =	vld.idx.msk [tilespmem:v6+s24+$0x0], $0xffff  }
0x44d: {  	v7 =	vor.u32 v8, v63;
	_ =	sdelay $0x2  }
0x44e: {  	v12 =	vadd.s32 $0xE, v4  }
0x44f: {  	v13 =	vand.u32 $0xFFFFFF80, v12;
	[tilespmem:s13+$0x16E00] =	vst v6  }
0x450: {  	v14 =	vadd.s32 v5, v13;
	v8 =	vand.u32 $0x7F, v12;
	v7 =	vld.idx.msk [tilespmem:v7+s24+$0x0], $0xffff  }
0x451: {  	v6 =	vor.u32 v8, v14;
	_ =	sdelay $0x2  }
0x452: {  	v15 =	vadd.s32 $0xF, v4  }
0x453: {  	v16 =	vand.u32 $0xFFFFFF80, v15;
	[tilespmem:s13+$0x16E80] =	vst v7  }
0x454: {  	v17 =	vadd.s32 v5, v16;
	v8 =	vand.u32 $0x7F, v15;
	v6 =	vld.idx.msk [tilespmem:v6+s24+$0x0], $0xffff  }
0x455: {  	v7 =	vor.u32 v8, v17;
	_ =	sdelay $0x2  }
0x456: {  	v18 =	vadd.s32 $0x10, v4  }
0x457: {  	v19 =	vand.u32 $0xFFFFFF80, v18;
	[tilespmem:s13+$0x16F00] =	vst v6  }
0x458: {  	v20 =	vadd.s32 v5, v19;
	v8 =	vand.u32 $0x7F, v18;
	v7 =	vld.idx.msk [tilespmem:v7+s24+$0x0], $0xffff  }
0x459: {  	v6 =	vor.u32 v8, v20;
	_ =	sdelay $0x2  }
0x45a: {  	v21 =	vadd.s32 $0x11, v4  }
0x45b: {  	v22 =	vand.u32 $0xFFFFFF80, v21;
	[tilespmem:s13+$0x16F80] =	vst v7  }
0x45c: {  	v23 =	vadd.s32 v5, v22;
	v8 =	vand.u32 $0x7F, v21;
	v6 =	vld.idx.msk [tilespmem:v6+s24+$0x0], $0xffff  }
0x45d: {  	v7 =	vor.u32 v8, v23;
	_ =	sdelay $0x2  }
0x45e: {  	v24 =	vadd.s32 $0x12, v4  }
0x45f: {  	v25 =	vand.u32 $0xFFFFFF80, v24;
	[tilespmem:s13+$0x17400] =	vst v6  }
0x460: {  	v26 =	vadd.s32 v5, v25;
	v8 =	vand.u32 $0x7F, v24;
	v7 =	vld.idx.msk [tilespmem:v7+s24+$0x0], $0xffff  }
0x461: {  	v6 =	vor.u32 v8, v26;
	_ =	sdelay $0x2  }
0x462: {  	v27 =	vadd.s32 $0x13, v4  }
0x463: {  	v28 =	vand.u32 $0xFFFFFF80, v27;
	[tilespmem:s13+$0x17480] =	vst v7  }
0x464: {  	v29 =	vadd.s32 v5, v28;
	v8 =	vand.u32 $0x7F, v27;
	v6 =	vld.idx.msk [tilespmem:v6+s24+$0x0], $0xffff  }
0x465: {  	v7 =	vor.u32 v8, v29;
	_ =	sdelay $0x2  }
0x466: {  	v30 =	vadd.s32 $0x14, v4  }
0x467: {  	v31 =	vand.u32 $0xFFFFFF80, v30;
	[tilespmem:s13+$0x17500] =	vst v6  }
0x468: {  	v32 =	vadd.s32 v5, v31;
	v8 =	vand.u32 $0x7F, v30;
	v7 =	vld.idx.msk [tilespmem:v7+s24+$0x0], $0xffff  }
0x469: {  	v6 =	vor.u32 v8, v32;
	_ =	sdelay $0x2  }
0x46a: {  	v33 =	vadd.s32 $0x15, v4  }
0x46b: {  	v34 =	vand.u32 $0xFFFFFF80, v33;
	[tilespmem:s13+$0x17580] =	vst v7  }
0x46c: {  	v35 =	vadd.s32 v5, v34;
	v8 =	vand.u32 $0x7F, v33;
	v6 =	vld.idx.msk [tilespmem:v6+s24+$0x0], $0xffff  }
0x46d: {  	v7 =	vor.u32 v8, v35;
	_ =	sdelay $0x2  }
0x46e: {  	v36 =	vadd.s32 $0x16, v4  }
0x46f: {  	v37 =	vand.u32 $0xFFFFFF80, v36;
	[tilespmem:s13+$0x17600] =	vst v6  }
0x470: {  	v38 =	vadd.s32 v5, v37;
	v8 =	vand.u32 $0x7F, v36;
	v7 =	vld.idx.msk [tilespmem:v7+s24+$0x0], $0xffff  }
0x471: {  	v6 =	vor.u32 v8, v38;
	_ =	sdelay $0x2  }
0x472: {  	v39 =	vadd.s32 $0x17, v4  }
0x473: {  	v40 =	vand.u32 $0xFFFFFF80, v39;
	[tilespmem:s13+$0x17680] =	vst v7  }
0x474: {  	v41 =	vadd.s32 v5, v40;
	v8 =	vand.u32 $0x7F, v39;
	v6 =	vld.idx.msk [tilespmem:v6+s24+$0x0], $0xffff  }
0x475: {  	v7 =	vor.u32 v8, v41;
	_ =	sdelay $0x2  }
0x476: {  	v42 =	vadd.s32 $0x18, v4  }
0x477: {  	v43 =	vand.u32 $0xFFFFFF80, v42;
	[tilespmem:s13+$0x17700] =	vst v6  }
0x478: {  	v44 =	vadd.s32 v5, v43;
	v8 =	vand.u32 $0x7F, v42;
	v7 =	vld.idx.msk [tilespmem:v7+s24+$0x0], $0xffff  }
0x479: {  	v6 =	vor.u32 v8, v44;
	_ =	sdelay $0x2  }
0x47a: {  	v45 =	vadd.s32 $0x19, v4  }
0x47b: {  	v46 =	vand.u32 $0xFFFFFF80, v45;
	[tilespmem:s13+$0x17780] =	vst v7  }
0x47c: {  	v47 =	vadd.s32 v5, v46;
	v8 =	vand.u32 $0x7F, v45;
	v6 =	vld.idx.msk [tilespmem:v6+s24+$0x0], $0xffff  }
0x47d: {  	v7 =	vor.u32 v8, v47;
	_ =	sdelay $0x2  }
0x47e: {  	v48 =	vadd.s32 $0x1A, v4  }
0x47f: {  	v49 =	vand.u32 $0xFFFFFF80, v48;
	[tilespmem:s13+$0x17C00] =	vst v6  }
0x480: {  	v50 =	vadd.s32 v5, v49;
	v8 =	vand.u32 $0x7F, v48;
	v7 =	vld.idx.msk [tilespmem:v7+s24+$0x0], $0xffff  }
0x481: {  	v6 =	vor.u32 v8, v50;
	_ =	sdelay $0x2  }
0x482: {  	v51 =	vadd.s32 $0x1B, v4  }
0x483: {  	v52 =	vand.u32 $0xFFFFFF80, v51;
	[tilespmem:s13+$0x17C80] =	vst v7  }
0x484: {  	v53 =	vadd.s32 v5, v52;
	v8 =	vand.u32 $0x7F, v51;
	v6 =	vld.idx.msk [tilespmem:v6+s24+$0x0], $0xffff  }
0x485: {  	v7 =	vor.u32 v8, v53;
	_ =	sdelay $0x2  }
0x486: {  	v54 =	vadd.s32 $0x1C, v4  }
0x487: {  	v55 =	vand.u32 $0xFFFFFF80, v54;
	[tilespmem:s13+$0x17D00] =	vst v6  }
0x488: {  	v56 =	vadd.s32 v5, v55;
	v8 =	vand.u32 $0x7F, v54;
	v7 =	vld.idx.msk [tilespmem:v7+s24+$0x0], $0xffff  }
0x489: {  	v6 =	vor.u32 v8, v56;
	_ =	sdelay $0x2  }
0x48a: {  	v57 =	vadd.s32 $0x1D, v4  }
0x48b: {  	v58 =	vand.u32 $0xFFFFFF80, v57;
	[tilespmem:s13+$0x17D80] =	vst v7  }
0x48c: {  	v59 =	vadd.s32 v5, v58;
	v8 =	vand.u32 $0x7F, v57;
	v6 =	vld.idx.msk [tilespmem:v6+s24+$0x0], $0xffff  }
0x48d: {  	v7 =	vor.u32 v8, v59;
	_ =	sdelay $0x2  }
0x48e: {  	v60 =	vadd.s32 $0x1E, v4  }
0x48f: {  	v61 =	vand.u32 $0xFFFFFF80, v60;
	[tilespmem:s13+$0x17E00] =	vst v6  }
0x490: {  	v62 =	vadd.s32 v5, v61;
	v8 =	vand.u32 $0x7F, v60;
	v7 =	vld.idx.msk [tilespmem:v7+s24+$0x0], $0xffff  }
0x491: {  	v6 =	vor.u32 v8, v62;
	_ =	sdelay $0x2  }
0x492: {  	v4 =	vadd.s32 $0x1F, v4  }
0x493: {  	v63 =	vand.u32 $0xFFFFFF80, v4;
	[tilespmem:s13+$0x17E80] =	vst v7  }
0x494: {  	v4 =	vand.u32 $0x7F, v4;
	v5 =	vadd.s32 v5, v63;
	v6 =	vld.idx.msk [tilespmem:v6+s24+$0x0], $0xffff  }
0x495: {  	v4 =	vor.u32 v4, v5;
	_ =	sdelay $0x3  }
0x496: {  	[tilespmem:s13+$0x17F00] =	vst v6  }
0x497: {  	s31 =	sadd.s32 $0x1, s31;
	v4 =	vld.idx.msk [tilespmem:v4+s24+$0x0], $0xffff  }
0x498: {  	p0 =	sne.s32 s31, $0xA  }
.Ltmp5:
0x499: {  	_ = 	snop;
	(pc) =	sbr.rel @p0 .LBB2_8-.Ltmp5, $3  }
0x49a: {  	_ =	sdelay $0x1  }
0x49b: {  	s30 =	sadd.s32 s19, s12;
	[tilespmem:s13+$0x17F80] =	vst v4  }
0x49c: {  	[hbm4b:s30+s16] =	stream.strided.scatter [tilespmem:s26], [sflag:$0x4], $0x2000, s17, s16, $0x38;
	[tilespmem:$0x1AC00] =	vst v63  }
0x49d: {  	_ =	swait.ge [sflag:s21], $0x2000  }
0x49e: {  	[sflag:s21] =	ssyncset.done $0x0  }
0x49f: {  	[sflag:s21] =	ssyncadd.s32 $0xFFFFE000  }
0x4a0: {  	_ =	swait.ge [sflag:s28], $0x2000  }
0x4a1: {  	s1 =	sld [smem:$0x7FB]  }
0x4a2: {  	s0 =	simm.s32 $0x0;
	[sflag:s28] =	ssyncset.done $0x0  }
0x4a3: {  	s4 =	simm.s32 $0x5;
	s2 =	simm.s32 $0x0;
	[sflag:s28] =	ssyncadd.s32 $0xFFFFE000  }
0x4a4: {  	[tilespmem:s0], [sflag:$0x5] =	stream.strided.gather [hbm4b:s1+s16], $0x1800, s17, s16, $0x38;
	[tilespmem:$0x1AC00] =	vst v63  }
0x4a5: {  	s3 =	simm.s32 $0x0;
	s25 =	sand.u32 $0x70, s0;
	s0 =	sand.u32 $0x400, s0  }
0x4a6: {  	s2 =	sand.u32 $0x1800, s2;
	_ =	swait.ge [sflag:s4], $0x1800;
	s0 =	sor.u32 s0, s25  }
0x4a7: {  	s26 =	sand.u32 $0x380, s3;
	[sflag:s4] =	ssyncset.done $0x0;
	s0 =	sor.u32 s2, s0  }
0x4a8: {  	[sflag:s4] =	ssyncadd.s32 $0xFFFFE800;
	s13 =	sor.u32 s26, s0  }
0x4a9: {  	v4 =	vld [tilespmem:s13+$0x0];
	_ =	sdelay $0x4  }
0x4aa: {  	(v2sf) =	vpush v4, $0xF  }
0x4ab: {  	(v2sf) =	vpush v4, $0xA;
	_ =	sdelay $0x2  }
0x4ac: {  	(v2sf) =	vpush v4, $0x1  }
0x4ad: {  	(v2sf) =	vpush v4, $0x0;
	_ =	sdelay $0x1  }
0x4ae: {  	(v2sf) =	vpush v4, $0xC;
	_ =	sdelay $0x1  }
0x4af: {  	(v2sf) =	vpush v4, $0x8  }
0x4b0: {  	(v2sf) =	vpush v4, $0x2  }
0x4b1: {  	(v2sf) =	vpush v4, $0xD  }
0x4b2: {  	(v2sf) =	vpush v4, $0x5;
	_ =	sdelay $0x2  }
0x4b3: {  	(v2sf) =	vpush v4, $0xE;
	s3 =	spop (v2sf)  }
0x4b4: {  	(v2sf) =	vpush v4, $0x3;
	s4 =	spop (v2sf);
	s6 =	smulhi.u32 $0x84210843, s3  }
0x4b5: {  	s25 =	sshra.s32 s3, $0x1F;
	s21 =	smulhi.u32 $0x84210843, s4  }
0x4b6: {  	s8 =	smul.u32 $0x84210843, s25;
	s12 =	sshra.s32 s4, $0x1F  }
0x4b7: {  	(v2sf) =	vpush v4, $0x7;
	s5 =	spop (v2sf);
	s30 =	smul.u32 $0x84210843, s12  }
0x4b8: {  	(v2sf) =	vpush v4, $0x9;
	s7 =	spop (v2sf);
	s12 =	ssub.s32 s6, s3;
	s6 =	smulhi.u32 $0x84210843, s5  }
0x4b9: {  	(v2sf) =	vpush v4, $0x4;
	s9 =	sshra.s32 s5, $0x1F;
	s10 =	smulhi.u32 $0x84210843, s7  }
0x4ba: {  	(v2sf) =	vpush v4, $0xB;
	s11 =	spop (v2sf);
	s9 =	smul.u32 $0x84210843, s9;
	s15 =	sshra.s32 s7, $0x1F  }
0x4bb: {  	(v2sf) =	vpush v4, $0x6;
	s31 =	ssub.s32 s21, s4;
	s26 =	sshra.s32 s11, $0x1F;
	s23 =	smul.u32 $0x84210843, s15  }
0x4bc: {  	s17 =	spop (v2sf);
	s21 =	smulhi.u32 $0x84210843, s11;
	s5 =	ssub.s32 s6, s5  }
0x4bd: {  	s19 =	sshra.s32 s17, $0x1F;
	s18 =	spop (v2sf);
	s16 =	smul.u32 $0x84210843, s26  }
0x4be: {  	s7 =	ssub.s32 s10, s7;
	[smem:$0x7F2] =	sst s19;
	s22 =	spop (v2sf)  }
0x4bf: {  	s6 =	sadd.s32 s9, s5;
	s26 =	smulhi.u32 $0x84210843, s18;
	s15 =	spop (v2sf)  }
0x4c0: {  	s19 =	sshra.s32 s18, $0x1F;
	s4 =	ssub.s32 s21, s11;
	s28 =	smulhi.u32 $0x84210843, s15  }
0x4c1: {  	s25 =	sshra.s32 s22, $0x1F;
	s3 =	ssub.s32 s26, s18;
	s18 =	smulhi.u32 $0x84210843, s22  }
0x4c2: {  	s16 =	sadd.s32 s16, s4;
	s10 =	spop (v2sf);
	s25 =	smul.u32 $0x84210843, s25  }
0x4c3: {  	s29 =	sshra.s32 s10, $0x1F;
	s2 =	spop (v2sf);
	s11 =	smulhi.u32 $0x84210843, s10  }
0x4c4: {  	s26 =	ssub.s32 s28, s15;
	s15 =	sshra.s32 s15, $0x1F;
	s21 =	smulhi.u32 $0x84210843, s2  }
0x4c5: {  	s9 =	sshra.s32 s2, $0x1F;
	s1 =	smul.u32 $0x84210843, s29;
	[dreg:$0x9] =	wrdreg s26  }
0x4c6: {  	s18 =	ssub.s32 s18, s22;
	[dreg:$0xc] =	wrdreg s15;
	s15 =	spop (v2sf)  }
0x4c7: {  	s11 =	ssub.s32 s11, s10;
	s10 =	ssub.s32 s21, s2;
	s2 =	spop (v2sf)  }
0x4c8: {  	v5 =	vmov s16;
	s18 =	sadd.s32 s25, s18;
	s21 =	sadd.s32 s8, s12;
	s5 =	spop (v2sf)  }
0x4c9: {  	s12 =	smulhi.u32 $0x84210843, s17;
	s11 =	sadd.s32 s1, s11;
	v5 =	vsel vm0, s18, v5;
	s22 =	spop (v2sf)  }
0x4ca: {  	s7 =	sadd.s32 s23, s7;
	v5 =	vsel vm1, s11, v5;
	s26 =	smulhi.u32 $0x84210843, s22;
	s23 =	spop (v2sf)  }
0x4cb: {  	s25 =	ssub.s32 s12, s17;
	v5 =	vsel vm2, s21, v5;
	s21 =	sld [smem:$0x7F2];
	s1 =	smulhi.u32 $0x84210843, s23  }
0x4cc: {  	s17 =	sshra.s32 s22, $0x1F;
	s8 =	ssub.s32 s26, s22;
	s22 =	smulhi.u32 $0x84210843, s2  }
0x4cd: {  	s26 =	smul.u32 $0x84210843, s17  }
0x4ce: {  	s17 =	smul.u32 $0x84210843, s21;
	s12 =	ssub.s32 s1, s23;
	s1 =	sshra.s32 s23, $0x1F  }
0x4cf: {  	s0 =	simm.s32 $0x1800;
	v6 =	vmov s7;
	s7 =	simm.s32 $0x1800;
	s28 =	smul.u32 $0x84210843, s1  }
0x4d0: {  	s29 =	sshra.s32 s15, $0x1F;
	s23 =	ssub.s32 s22, s2;
	s22 =	smulhi.u32 $0x84210843, s5  }
0x4d1: {  	s2 =	sshra.s32 s2, $0x1F;
	s8 =	sadd.s32 s26, s8;
	s26 =	smul.u32 $0x84210843, s19  }
0x4d2: {  	s18 =	sshra.s32 s5, $0x1F;
	s1 =	simm.s32 $0x1;
	s16 =	smul.u32 $0x84210843, s2  }
0x4d3: {  	v6 =	vnsel vm3, $0x0, v6;
	s19 =	simm.s32 $0x10;
	s2 =	simm.s32 $0x80;
	s21 =	ssub.s32 s22, s5  }
.LBB2_14:
0x4d4: {  	s9 =	smul.u32 $0x84210843, s9;
	s4 =	rddreg [dreg:$0xc];
	s5 =	sadd.s32 s16, s23  }
0x4d5: {  	v6 =	vsel vm0, s6, v6;
	s11 =	sadd.s32 s17, s25;
	s3 =	sadd.s32 s26, s3;
	s17 =	smul.u32 $0x84210843, s18  }
0x4d6: {  	s22 =	smul.u32 $0x84210843, s4;
	s25 =	sadd.s32 s30, s31;
	v7 =	vmov s11;
	v6 =	vsel vm1, s3, v6;
	s18 =	sadd.s32 s9, s10  }
0x4d7: {  	s4 =	smulhi.u32 $0x84210843, s15;
	s11 =	rddreg [dreg:$0x9];
	v7 =	vsel vm0, s5, v7;
	v6 =	vsel vm2, s18, v6;
	s26 =	sadd.s32 s17, s21  }
0x4d8: {  	s23 =	sadd.s32 s28, s12;
	s12 =	smul.u32 $0x84210843, s29;
	s3 =	sadd.s32 s22, s11;
	v7 =	vsel vm1, s25, v7;
	v6 =	vsel vm4, s26, v6  }
0x4d9: {  	s15 =	ssub.s32 s4, s15;
	v7 =	vsel vm2, s8, v7;
	v6 =	vsel vm5, s3, v6  }
0x4da: {  	s3 =	sadd.s32 s12, s15;
	v5 =	vcombine.low v7, v5;
	v6 =	vsel vm6, s23, v6  }
0x4db: {  	v6 =	vsel vm7, s3, v6  }
0x4dc: {  	v5 =	vperm.xlane v5, v0;
	v6 =	vperm.xlane v6, v1;
	_ =	sdelay $0x1  }
0x4dd: {  	v5 =	vsel vm8, v6, v5  }
0x4de: {  	v5 =	vadd.s32 v4, v5  }
0x4df: {  	v6 =	vshrl.u32 v5, $0x1F;
	v5 =	vshra.s32 v5, $0x11  }
0x4e0: {  	v5 =	vadd.s32 v6, v5  }
0x4e1: {  	v6 =	vmul.u32 $0xFFFC2000, v5  }
0x4e2: {  	v7 =	vsub.s32 $0x0, v4  }
0x4e3: {  	vm9 =	vlt.s32 v4, $0x1;
	vm10 =	vne.s32 v6, v7  }
0x4e4: {  	vm9 =	vmand vm9, vm10  }
0x4e5: {  	v6 =	vsel vm9, $0xFFFFFFFF, v2  }
0x4e6: {  	s16 =	smov.u32 s1;
	v5 =	vadd.s32 v6, v5  }
0x4e7: {  	s18 =	sand.u32 $0x70, s19;
	s21 =	sshll.u32 s16, $0x4;
	s22 =	sand.u32 $0x400, s2;
	v6 =	vmul.u32 $0xFFFC2000, v5  }
0x4e8: {  	s6 =	sshll.u32 s16, $0x3;
	s5 =	sand.u32 $0x1800, s21;
	s3 =	sor.u32 s22, s18  }
0x4e9: {  	s6 =	sand.u32 $0x380, s6;
	s3 =	sor.u32 s5, s3;
	v4 =	vadd.s32 v4, v6  }
0x4ea: {  	s3 =	sor.u32 s6, s3;
	[tilespmem:s7+$0x0] =	vst v4  }
0x4eb: {  	v4 =	vld [tilespmem:s3+$0x0];
	_ =	sdelay $0x4  }
0x4ec: {  	(v2sf) =	vpush v4, $0xF  }
0x4ed: {  	(v2sf) =	vpush v4, $0xA;
	_ =	sdelay $0x2  }
0x4ee: {  	(v2sf) =	vpush v4, $0x1  }
0x4ef: {  	(v2sf) =	vpush v4, $0x0;
	_ =	sdelay $0x1  }
0x4f0: {  	(v2sf) =	vpush v4, $0xC;
	_ =	sdelay $0x1  }
0x4f1: {  	(v2sf) =	vpush v4, $0x8  }
0x4f2: {  	(v2sf) =	vpush v4, $0x2;
	_ =	sdelay $0x1  }
0x4f3: {  	s0 =	sadd.s32 $0x10, s0;
	(v2sf) =	vpush v4, $0xD  }
0x4f4: {  	[dreg:$0x5] =	wrdreg s0;
	s17 =	sadd.s32 $0x1, s1  }
0x4f5: {  	[dreg:$0x8] =	wrdreg s17;
	s23 =	smov.u32 s0;
	(v2sf) =	vpush v4, $0x5  }
0x4f6: {  	[dreg:$0xa] =	wrdreg s23;
	s26 =	spop (v2sf)  }
0x4f7: {  	p0 =	sne.s32 s1, $0x13F;
	(v2sf) =	vpush v4, $0xE;
	s5 =	spop (v2sf);
	s4 =	smulhi.u32 $0x84210843, s26  }
0x4f8: {  	s25 =	smov.u32 s3;
	s1 =	sshra.s32 s26, $0x1F;
	s9 =	smulhi.u32 $0x84210843, s5  }
0x4f9: {  	[dreg:$0xb] =	wrdreg s25;
	s8 =	smul.u32 $0x84210843, s1;
	s1 =	sshra.s32 s5, $0x1F  }
0x4fa: {  	(v2sf) =	vpush v4, $0x3;
	s6 =	spop (v2sf);
	s29 =	smul.u32 $0x84210843, s1  }
0x4fb: {  	v5 =	vshll.u32 v5, $0x5;
	(v2sf) =	vpush v4, $0x7;
	s7 =	sshra.s32 s6, $0x1F;
	s15 =	spop (v2sf);
	s22 =	smulhi.u32 $0x84210843, s6  }
0x4fc: {  	[tilespmem:s13+$0x2C00] =	vst v5;
	s13 =	ssub.s32 s4, s26;
	[dreg:$0x15] =	wrdreg s8;
	s21 =	smulhi.u32 $0x84210843, s15  }
0x4fd: {  	s16 =	sshra.s32 s15, $0x1F;
	s17 =	spop (v2sf);
	s10 =	smul.u32 $0x84210843, s7  }
0x4fe: {  	(v2sf) =	vpush v4, $0x9;
	[dreg:$0x18] =	wrdreg s13;
	s16 =	smul.u32 $0x84210843, s16  }
0x4ff: {  	s11 =	sshra.s32 s17, $0x1F;
	s25 =	spop (v2sf);
	s12 =	smulhi.u32 $0x84210843, s17  }
0x500: {  	s6 =	ssub.s32 s22, s6;
	s4 =	sshra.s32 s25, $0x1F;
	s7 =	spop (v2sf)  }
0x501: {  	(v2sf) =	vpush v4, $0x4;
	s23 =	smul.u32 $0x84210843, s11;
	s28 =	ssub.s32 s21, s15;
	s6 =	sadd.s32 s10, s6  }
0x502: {  	(v2sf) =	vpush v4, $0xB;
	[dreg:$0x12] =	wrdreg s4;
	s8 =	sshra.s32 s7, $0x1F;
	s26 =	spop (v2sf)  }
0x503: {  	s4 =	ssub.s32 s9, s5;
	s9 =	smulhi.u32 $0x84210843, s7;
	s5 =	ssub.s32 s12, s17  }
0x504: {  	(v2sf) =	vpush v4, $0x6;
	s16 =	sadd.s32 s16, s28;
	[dreg:$0x17] =	wrdreg s8;
	s18 =	spop (v2sf)  }
0x505: {  	s8 =	sshra.s32 s26, $0x1F;
	s31 =	smulhi.u32 $0x84210843, s26;
	v5 =	vmov s16;
	s16 =	rddreg [dreg:$0x18]  }
0x506: {  	s5 =	sadd.s32 s23, s5;
	s13 =	spop (v2sf);
	s11 =	smulhi.u32 $0x84210843, s18  }
0x507: {  	s21 =	sshra.s32 s18, $0x1F;
	s3 =	ssub.s32 s9, s7;
	s8 =	smul.u32 $0x84210843, s8  }
0x508: {  	s1 =	sshra.s32 s13, $0x1F;
	[dreg:$0xc] =	wrdreg s21;
	s21 =	smov.u32 s2  }
0x509: {  	s2 =	smov.u32 s19;
	s19 =	spop (v2sf);
	[dreg:$0x1a] =	wrdreg s3  }
0x50a: {  	s0 =	smulhi.u32 $0x84210843, s13;
	s26 =	ssub.s32 s31, s26;
	s15 =	spop (v2sf)  }
0x50b: {  	s9 =	sshra.s32 s19, $0x1F;
	s11 =	ssub.s32 s11, s18;
	s12 =	smulhi.u32 $0x84210843, s19  }
0x50c: {  	v6 =	vnsel vm3, $0x0, v5;
	v5 =	vmov s5;
	s1 =	smul.u32 $0x84210843, s1;
	s8 =	sadd.s32 s8, s26;
	[dreg:$0x9] =	wrdreg s11  }
0x50d: {  	s30 =	spop (v2sf);
	s0 =	ssub.s32 s0, s13;
	v5 =	vsel vm0, s8, v5;
	s8 =	rddreg [dreg:$0x17]  }
0x50e: {  	s7 =	sshra.s32 s30, $0x1F;
	s10 =	ssub.s32 s12, s19;
	s19 =	smulhi.u32 $0x84210843, s30  }
0x50f: {  	s0 =	sadd.s32 s1, s0;
	s26 =	smul.u32 $0x84210843, s8;
	[dreg:$0x1c] =	wrdreg s7  }
0x510: {  	v5 =	vsel vm1, s0, v5;
	s0 =	rddreg [dreg:$0x5];
	s3 =	spop (v2sf)  }
0x511: {  	s23 =	ssub.s32 s19, s30;
	s17 =	spop (v2sf);
	s1 =	smulhi.u32 $0x84210843, s3  }
0x512: {  	s19 =	sadd.s32 $0x10, s2;
	s7 =	smulhi.u32 $0x84210843, s17;
	s11 =	sshra.s32 s17, $0x1F  }
0x513: {  	s2 =	sadd.s32 $0x80, s21;
	s11 =	smul.u32 $0x84210843, s11;
	s13 =	spop (v2sf)  }
0x514: {  	s18 =	sshra.s32 s3, $0x1F;
	s12 =	smulhi.u32 $0x84210843, s13;
	s22 =	sshra.s32 s13, $0x1F  }
0x515: {  	s21 =	ssub.s32 s7, s17;
	s7 =	rddreg [dreg:$0xa];
	s28 =	smul.u32 $0x84210843, s22  }
0x516: {  	s8 =	sadd.s32 s11, s21;
	s21 =	ssub.s32 s1, s3;
	s3 =	rddreg [dreg:$0x1a]  }
.Ltmp6:
0x517: {  	s31 =	smov.u32 s4;
	s1 =	rddreg [dreg:$0x8];
	(pc) =	sbr.rel @p0 .LBB2_14-.Ltmp6, $4  }
0x518: {  	s22 =	smulhi.u32 $0x84210843, s25;
	s12 =	ssub.s32 s12, s13;
	s13 =	rddreg [dreg:$0x15]  }
0x519: {  	s30 =	smov.u32 s29;
	s13 =	sadd.s32 s13, s16;
	s16 =	rddreg [dreg:$0x1c]  }
0x51a: {  	s25 =	ssub.s32 s22, s25;
	s22 =	rddreg [dreg:$0x12];
	s16 =	smul.u32 $0x84210843, s16  }
0x51b: {  	s29 =	sshra.s32 s15, $0x1F;
	v5 =	vsel vm2, s13, v5;
	s13 =	rddreg [dreg:$0xb];
	s17 =	smul.u32 $0x84210843, s22  }
0x51c: {  	s0 =	smul.u32 $0x84210843, s9;
	s2 =	sadd.s32 s26, s3;
	s4 =	sadd.s32 s16, s23  }
0x51d: {  	v6 =	vsel vm0, s6, v6;
	s1 =	sadd.s32 s17, s25;
	s17 =	smul.u32 $0x84210843, s18;
	s18 =	rddreg [dreg:$0xc]  }
0x51e: {  	s19 =	sadd.s32 s30, s31;
	v6 =	vsel vm1, s2, v6;
	v7 =	vmov s1;
	s0 =	sadd.s32 s0, s10;
	s1 =	smul.u32 $0x84210843, s18  }
0x51f: {  	s22 =	smulhi.u32 $0x84210843, s15;
	s23 =	rddreg [dreg:$0x9];
	v7 =	vsel vm0, s4, v7;
	v6 =	vsel vm2, s0, v6;
	s21 =	sadd.s32 s17, s21  }
0x520: {  	s25 =	smul.u32 $0x84210843, s29;
	v7 =	vsel vm1, s19, v7;
	v6 =	vsel vm4, s21, v6;
	s0 =	sadd.s32 s1, s23  }
0x521: {  	s26 =	sadd.s32 s28, s12;
	s29 =	ssub.s32 s22, s15;
	v7 =	vsel vm2, s8, v7;
	v6 =	vsel vm5, s0, v6  }
0x522: {  	s0 =	sadd.s32 s25, s29;
	v5 =	vcombine.low v7, v5;
	v6 =	vsel vm6, s26, v6  }
0x523: {  	v6 =	vsel vm7, s0, v6  }
0x524: {  	v5 =	vperm.xlane v5, v0;
	v6 =	vperm.xlane v6, v1;
	_ =	sdelay $0x1  }
0x525: {  	v5 =	vsel vm8, v6, v5  }
0x526: {  	v5 =	vadd.s32 v4, v5  }
0x527: {  	v61 =	vshrl.u32 v5, $0x1F;
	v5 =	vshra.s32 v5, $0x11  }
0x528: {  	v5 =	vadd.s32 v61, v5  }
0x529: {  	v6 =	vmul.u32 $0xFFFC2000, v5  }
0x52a: {  	v62 =	vsub.s32 $0x0, v4  }
0x52b: {  	vm9 =	vlt.s32 v4, $0x1;
	vm10 =	vne.s32 v6, v62  }
0x52c: {  	vm9 =	vmand vm9, vm10  }
0x52d: {  	v63 =	vsel vm9, $0xFFFFFFFF, v2  }
0x52e: {  	s9 =	rddreg [dreg:$0x3];
	v5 =	vadd.s32 v63, v5  }
0x52f: {  	s30 =	simm.s32 $0x1800;
	s12 =	rddreg [dreg:$0x1e];
	v6 =	vmul.u32 $0xFFFC2000, v5  }
0x530: {  	s31 =	simm.s32 $0x0;
	s16 =	sld [smem:$0x7FD];
	s28 =	simm.s32 $0x4  }
0x531: {  	s10 =	rddreg [dreg:$0x1d];
	s18 =	simm.s32 $0x20000;
	s22 =	simm.s32 $0x1;
	v4 =	vadd.s32 v4, v6  }
0x532: {  	s17 =	simm.s32 $0x800;
	s21 =	simm.s32 $0x100;
	s23 =	simm.s32 $0x14400;
	[tilespmem:s7+$0x0] =	vst v4;
	v4 =	vshll.u32 v5, $0x5  }
0x533: {  	s25 =	simm.s32 $0x2;
	s26 =	simm.s32 $0x16400;
	s0 =	simm.s32 $0x0;
	[tilespmem:s13+$0x2C00] =	vst v4  }
0x534: {  	[tilespmem:s20], [sflag:$0x1] =	stream.indirect.gather [hbm4b:s10+s21], $0x80, s30, s21, $0xb8;
	[tilespmem:$0x1AC00] =	vst v63  }
.LBB2_16:
0x535: {  	s1 =	sshllo.u32 s0, $0x1  }
0x536: {  	_ =	swait.ge [sflag:s22], $0x8000;
	s2 =	sshll.u32 s1, $0x8  }
0x537: {  	[sflag:s22] =	ssyncset.done $0x0;
	s2 =	sand.u32 $0x3FFFFF00, s2  }
0x538: {  	s13 =	sshll.u32 s0, $0x9;
	[sflag:s22] =	ssyncadd.s32 $0xFFFF8000;
	s2 =	sadd.s32 $0x1800, s2  }
0x539: {  	[tilespmem:s24], [sflag:$0x2] =	stream.indirect.gather [hbm4b:s10+s21], $0x80, s2, s21, $0xb8;
	[tilespmem:$0x1AC00] =	vst v63  }
0x53a: {  	p0 =	seq.s32 s0, $0x0;
	s3 =	sshll.u32 s0, $0x8;
	s2 =	sand.u32 $0x1800, s13  }
0x53b: {  	s4 =	simm.s32 @!p0 $0x3;
	s3 =	sand.u32 $0x300, s3;
	s2 =	sadd.s32 $0x2C00, s2  }
0x53c: {  	s15 =	sand.u32 $0x400, s31;
	_ =	swait.ge @!p0 [sflag:s4], $0x2000;
	s19 =	sor.u32 s3, s2  }
0x53d: {  	s5 =	sand.u32 $0x70, s31;
	[sflag:s4] =	ssyncset.done @!p0 $0x0;
	s6 =	sadd.s32 s15, s19  }
0x53e: {  	[sflag:s4] =	ssyncadd.s32 @!p0 $0xFFFFE000;
	s29 =	sadd.s32 s5, s6  }
0x53f: {  	v4 =	vld [tilespmem:s29+$0x0];
	_ =	sdelay $0x2  }
0x540: {  	v5 =	vmov s31  }
0x541: {  	v5 =	vshll.u32 v5, $0x7  }
0x542: {  	v5 =	vor.u32 v3, v5;
	v6 =	vand.u32 $0xFFFFFF80, v4  }
0x543: {  	v7 =	vand.u32 $0x7F, v4;
	v6 =	vadd.s32 v5, v6  }
0x544: {  	v6 =	vor.u32 v7, v6;
	_ =	sdelay $0x2  }
0x545: {  	v7 =	vadd.s32 $0x1, v4  }
0x546: {  	v8 =	vand.u32 $0xFFFFFF80, v7  }
0x547: {  	v7 =	vand.u32 $0x7F, v7;
	v8 =	vadd.s32 v5, v8;
	v6 =	vld.idx.msk [tilespmem:v6+s20+$0x0], $0xffff  }
0x548: {  	v7 =	vor.u32 v7, v8;
	_ =	sdelay $0x2  }
0x549: {  	s7 =	sor.u32 s5, s15;
	v58 =	vadd.s32 $0x2, v4  }
0x54a: {  	v9 =	vand.u32 $0xFFFFFF80, v58;
	[tilespmem:s7+$0x14400] =	vst v6  }
0x54b: {  	v8 =	vand.u32 $0x7F, v58;
	v6 =	vadd.s32 v5, v9;
	v7 =	vld.idx.msk [tilespmem:v7+s20+$0x0], $0xffff  }
0x54c: {  	v6 =	vor.u32 v8, v6;
	_ =	sdelay $0x2  }
0x54d: {  	s3 =	sadd.s32 $0x14400, s7;
	v59 =	vadd.s32 $0x3, v4  }
0x54e: {  	v60 =	vand.u32 $0xFFFFFF80, v59;
	[tilespmem:s3+$0x80] =	vst v7  }
0x54f: {  	v8 =	vand.u32 $0x7F, v59;
	v7 =	vadd.s32 v5, v60;
	v6 =	vld.idx.msk [tilespmem:v6+s20+$0x0], $0xffff  }
0x550: {  	v7 =	vor.u32 v8, v7;
	_ =	sdelay $0x2  }
0x551: {  	v61 =	vadd.s32 $0x4, v4  }
0x552: {  	v62 =	vand.u32 $0xFFFFFF80, v61;
	[tilespmem:s3+$0x100] =	vst v6  }
0x553: {  	v8 =	vand.u32 $0x7F, v61;
	v6 =	vadd.s32 v5, v62;
	v7 =	vld.idx.msk [tilespmem:v7+s20+$0x0], $0xffff  }
0x554: {  	v6 =	vor.u32 v8, v6;
	_ =	sdelay $0x2  }
0x555: {  	v63 =	vadd.s32 $0x5, v4  }
0x556: {  	v12 =	vand.u32 $0xFFFFFF80, v63;
	[tilespmem:s3+$0x180] =	vst v7  }
0x557: {  	v8 =	vand.u32 $0x7F, v63;
	v7 =	vadd.s32 v5, v12;
	v6 =	vld.idx.msk [tilespmem:v6+s20+$0x0], $0xffff  }
0x558: {  	v7 =	vor.u32 v8, v7;
	_ =	sdelay $0x2  }
0x559: {  	v13 =	vadd.s32 $0x6, v4  }
0x55a: {  	v14 =	vand.u32 $0xFFFFFF80, v13;
	[tilespmem:s3+$0x200] =	vst v6  }
0x55b: {  	v8 =	vand.u32 $0x7F, v13;
	v6 =	vadd.s32 v5, v14;
	v7 =	vld.idx.msk [tilespmem:v7+s20+$0x0], $0xffff  }
0x55c: {  	v6 =	vor.u32 v8, v6;
	_ =	sdelay $0x2  }
0x55d: {  	v15 =	vadd.s32 $0x7, v4  }
0x55e: {  	v16 =	vand.u32 $0xFFFFFF80, v15;
	[tilespmem:s3+$0x280] =	vst v7  }
0x55f: {  	v8 =	vand.u32 $0x7F, v15;
	v7 =	vadd.s32 v5, v16;
	v6 =	vld.idx.msk [tilespmem:v6+s20+$0x0], $0xffff  }
0x560: {  	v7 =	vor.u32 v8, v7;
	_ =	sdelay $0x2  }
0x561: {  	v17 =	vadd.s32 $0x8, v4  }
0x562: {  	v18 =	vand.u32 $0xFFFFFF80, v17;
	[tilespmem:s3+$0x300] =	vst v6  }
0x563: {  	v8 =	vand.u32 $0x7F, v17;
	v6 =	vadd.s32 v5, v18;
	v7 =	vld.idx.msk [tilespmem:v7+s20+$0x0], $0xffff  }
0x564: {  	v6 =	vor.u32 v8, v6;
	_ =	sdelay $0x1  }
0x565: {  	s30 =	sor.u32 s31, s31  }
0x566: {  	v19 =	vadd.s32 $0x9, v4;
	s3 =	sor.u32 $0x380, s30  }
0x567: {  	v20 =	vand.u32 $0xFFFFFF80, v19;
	[tilespmem:s3+$0x14400] =	vst v7  }
0x568: {  	v8 =	vand.u32 $0x7F, v19;
	v7 =	vadd.s32 v5, v20;
	v6 =	vld.idx.msk [tilespmem:v6+s20+$0x0], $0xffff  }
0x569: {  	v7 =	vor.u32 v8, v7;
	_ =	sdelay $0x2  }
0x56a: {  	v21 =	vadd.s32 $0xA, v4  }
0x56b: {  	v22 =	vand.u32 $0xFFFFFF80, v21;
	[tilespmem:s7+$0x14C00] =	vst v6  }
0x56c: {  	v8 =	vand.u32 $0x7F, v21;
	v6 =	vadd.s32 v5, v22;
	v7 =	vld.idx.msk [tilespmem:v7+s20+$0x0], $0xffff  }
0x56d: {  	v6 =	vor.u32 v8, v6;
	_ =	sdelay $0x2  }
0x56e: {  	v23 =	vadd.s32 $0xB, v4  }
0x56f: {  	v24 =	vand.u32 $0xFFFFFF80, v23;
	[tilespmem:s7+$0x14C80] =	vst v7  }
0x570: {  	v8 =	vand.u32 $0x7F, v23;
	v7 =	vadd.s32 v5, v24;
	v6 =	vld.idx.msk [tilespmem:v6+s20+$0x0], $0xffff  }
0x571: {  	v7 =	vor.u32 v8, v7;
	_ =	sdelay $0x2  }
0x572: {  	v25 =	vadd.s32 $0xC, v4  }
0x573: {  	v26 =	vand.u32 $0xFFFFFF80, v25;
	[tilespmem:s7+$0x14D00] =	vst v6  }
0x574: {  	v8 =	vand.u32 $0x7F, v25;
	v6 =	vadd.s32 v5, v26;
	v7 =	vld.idx.msk [tilespmem:v7+s20+$0x0], $0xffff  }
0x575: {  	v6 =	vor.u32 v8, v6;
	_ =	sdelay $0x2  }
0x576: {  	v27 =	vadd.s32 $0xD, v4  }
0x577: {  	v28 =	vand.u32 $0xFFFFFF80, v27;
	[tilespmem:s7+$0x14D80] =	vst v7  }
0x578: {  	v8 =	vand.u32 $0x7F, v27;
	v7 =	vadd.s32 v5, v28;
	v6 =	vld.idx.msk [tilespmem:v6+s20+$0x0], $0xffff  }
0x579: {  	v7 =	vor.u32 v8, v7;
	_ =	sdelay $0x2  }
0x57a: {  	v29 =	vadd.s32 $0xE, v4  }
0x57b: {  	v30 =	vand.u32 $0xFFFFFF80, v29;
	[tilespmem:s7+$0x14E00] =	vst v6  }
0x57c: {  	v8 =	vand.u32 $0x7F, v29;
	v6 =	vadd.s32 v5, v30;
	v7 =	vld.idx.msk [tilespmem:v7+s20+$0x0], $0xffff  }
0x57d: {  	v6 =	vor.u32 v8, v6;
	_ =	sdelay $0x2  }
0x57e: {  	v31 =	vadd.s32 $0xF, v4  }
0x57f: {  	v32 =	vand.u32 $0xFFFFFF80, v31;
	[tilespmem:s7+$0x14E80] =	vst v7  }
0x580: {  	v8 =	vand.u32 $0x7F, v31;
	v7 =	vadd.s32 v5, v32;
	v6 =	vld.idx.msk [tilespmem:v6+s20+$0x0], $0xffff  }
0x581: {  	v7 =	vor.u32 v8, v7;
	_ =	sdelay $0x2  }
0x582: {  	v33 =	vadd.s32 $0x10, v4  }
0x583: {  	v34 =	vand.u32 $0xFFFFFF80, v33;
	[tilespmem:s7+$0x14F00] =	vst v6  }
0x584: {  	v8 =	vand.u32 $0x7F, v33;
	v6 =	vadd.s32 v5, v34;
	v7 =	vld.idx.msk [tilespmem:v7+s20+$0x0], $0xffff  }
0x585: {  	v6 =	vor.u32 v8, v6;
	_ =	sdelay $0x2  }
0x586: {  	v35 =	vadd.s32 $0x11, v4  }
0x587: {  	v36 =	vand.u32 $0xFFFFFF80, v35;
	[tilespmem:s7+$0x14F80] =	vst v7  }
0x588: {  	v8 =	vand.u32 $0x7F, v35;
	v7 =	vadd.s32 v5, v36;
	v6 =	vld.idx.msk [tilespmem:v6+s20+$0x0], $0xffff  }
0x589: {  	v7 =	vor.u32 v8, v7;
	_ =	sdelay $0x2  }
0x58a: {  	v37 =	vadd.s32 $0x12, v4  }
0x58b: {  	v38 =	vand.u32 $0xFFFFFF80, v37;
	[tilespmem:s7+$0x15400] =	vst v6  }
0x58c: {  	v8 =	vand.u32 $0x7F, v37;
	v6 =	vadd.s32 v5, v38;
	v7 =	vld.idx.msk [tilespmem:v7+s20+$0x0], $0xffff  }
0x58d: {  	v6 =	vor.u32 v8, v6;
	_ =	sdelay $0x2  }
0x58e: {  	v39 =	vadd.s32 $0x13, v4  }
0x58f: {  	v40 =	vand.u32 $0xFFFFFF80, v39;
	[tilespmem:s7+$0x15480] =	vst v7  }
0x590: {  	v8 =	vand.u32 $0x7F, v39;
	v7 =	vadd.s32 v5, v40;
	v6 =	vld.idx.msk [tilespmem:v6+s20+$0x0], $0xffff  }
0x591: {  	v7 =	vor.u32 v8, v7;
	_ =	sdelay $0x2  }
0x592: {  	v41 =	vadd.s32 $0x14, v4  }
0x593: {  	v42 =	vand.u32 $0xFFFFFF80, v41;
	[tilespmem:s7+$0x15500] =	vst v6  }
0x594: {  	v8 =	vand.u32 $0x7F, v41;
	v6 =	vadd.s32 v5, v42;
	v7 =	vld.idx.msk [tilespmem:v7+s20+$0x0], $0xffff  }
0x595: {  	v6 =	vor.u32 v8, v6;
	_ =	sdelay $0x2  }
0x596: {  	v43 =	vadd.s32 $0x15, v4  }
0x597: {  	v44 =	vand.u32 $0xFFFFFF80, v43;
	[tilespmem:s7+$0x15580] =	vst v7  }
0x598: {  	v8 =	vand.u32 $0x7F, v43;
	v7 =	vadd.s32 v5, v44;
	v6 =	vld.idx.msk [tilespmem:v6+s20+$0x0], $0xffff  }
0x599: {  	v7 =	vor.u32 v8, v7;
	_ =	sdelay $0x2  }
0x59a: {  	v45 =	vadd.s32 $0x16, v4  }
0x59b: {  	v46 =	vand.u32 $0xFFFFFF80, v45;
	[tilespmem:s7+$0x15600] =	vst v6  }
0x59c: {  	v8 =	vand.u32 $0x7F, v45;
	v6 =	vadd.s32 v5, v46;
	v7 =	vld.idx.msk [tilespmem:v7+s20+$0x0], $0xffff  }
0x59d: {  	v6 =	vor.u32 v8, v6;
	_ =	sdelay $0x2  }
0x59e: {  	v47 =	vadd.s32 $0x17, v4  }
0x59f: {  	v48 =	vand.u32 $0xFFFFFF80, v47;
	[tilespmem:s7+$0x15680] =	vst v7  }
0x5a0: {  	v8 =	vand.u32 $0x7F, v47;
	v7 =	vadd.s32 v5, v48;
	v6 =	vld.idx.msk [tilespmem:v6+s20+$0x0], $0xffff  }
0x5a1: {  	v7 =	vor.u32 v8, v7;
	_ =	sdelay $0x2  }
0x5a2: {  	v49 =	vadd.s32 $0x18, v4  }
0x5a3: {  	v50 =	vand.u32 $0xFFFFFF80, v49;
	[tilespmem:s7+$0x15700] =	vst v6  }
0x5a4: {  	v8 =	vand.u32 $0x7F, v49;
	v6 =	vadd.s32 v5, v50;
	v7 =	vld.idx.msk [tilespmem:v7+s20+$0x0], $0xffff  }
0x5a5: {  	v6 =	vor.u32 v8, v6;
	_ =	sdelay $0x2  }
0x5a6: {  	v51 =	vadd.s32 $0x19, v4  }
0x5a7: {  	v52 =	vand.u32 $0xFFFFFF80, v51;
	[tilespmem:s7+$0x15780] =	vst v7  }
0x5a8: {  	v8 =	vand.u32 $0x7F, v51;
	v7 =	vadd.s32 v5, v52;
	v6 =	vld.idx.msk [tilespmem:v6+s20+$0x0], $0xffff  }
0x5a9: {  	v7 =	vor.u32 v8, v7;
	_ =	sdelay $0x2  }
0x5aa: {  	v53 =	vadd.s32 $0x1A, v4  }
0x5ab: {  	v54 =	vand.u32 $0xFFFFFF80, v53;
	[tilespmem:s7+$0x15C00] =	vst v6  }
0x5ac: {  	v8 =	vand.u32 $0x7F, v53;
	v6 =	vadd.s32 v5, v54;
	v7 =	vld.idx.msk [tilespmem:v7+s20+$0x0], $0xffff  }
0x5ad: {  	v6 =	vor.u32 v8, v6;
	_ =	sdelay $0x2  }
0x5ae: {  	v55 =	vadd.s32 $0x1B, v4  }
0x5af: {  	v56 =	vand.u32 $0xFFFFFF80, v55;
	[tilespmem:s7+$0x15C80] =	vst v7  }
0x5b0: {  	v8 =	vand.u32 $0x7F, v55;
	v7 =	vadd.s32 v5, v56;
	v6 =	vld.idx.msk [tilespmem:v6+s20+$0x0], $0xffff  }
0x5b1: {  	v7 =	vor.u32 v8, v7;
	_ =	sdelay $0x2  }
0x5b2: {  	v57 =	vadd.s32 $0x1C, v4  }
0x5b3: {  	v58 =	vand.u32 $0xFFFFFF80, v57;
	[tilespmem:s7+$0x15D00] =	vst v6  }
0x5b4: {  	v8 =	vand.u32 $0x7F, v57;
	v6 =	vadd.s32 v5, v58;
	v7 =	vld.idx.msk [tilespmem:v7+s20+$0x0], $0xffff  }
0x5b5: {  	v6 =	vor.u32 v8, v6;
	_ =	sdelay $0x2  }
0x5b6: {  	v59 =	vadd.s32 $0x1D, v4  }
0x5b7: {  	v60 =	vand.u32 $0xFFFFFF80, v59;
	[tilespmem:s7+$0x15D80] =	vst v7  }
0x5b8: {  	v8 =	vand.u32 $0x7F, v59;
	v7 =	vadd.s32 v5, v60;
	v6 =	vld.idx.msk [tilespmem:v6+s20+$0x0], $0xffff  }
0x5b9: {  	v7 =	vor.u32 v8, v7;
	_ =	sdelay $0x2  }
0x5ba: {  	v61 =	vadd.s32 $0x1E, v4  }
0x5bb: {  	v62 =	vand.u32 $0xFFFFFF80, v61;
	[tilespmem:s7+$0x15E00] =	vst v6  }
0x5bc: {  	v8 =	vand.u32 $0x7F, v61;
	v6 =	vadd.s32 v5, v62;
	v7 =	vld.idx.msk [tilespmem:v7+s20+$0x0], $0xffff  }
0x5bd: {  	v6 =	vor.u32 v8, v6;
	_ =	sdelay $0x2  }
0x5be: {  	v4 =	vadd.s32 $0x1F, v4  }
0x5bf: {  	v63 =	vand.u32 $0xFFFFFF80, v4;
	[tilespmem:s7+$0x15E80] =	vst v7  }
0x5c0: {  	v4 =	vand.u32 $0x7F, v4;
	v5 =	vadd.s32 v5, v63;
	v6 =	vld.idx.msk [tilespmem:v6+s20+$0x0], $0xffff  }
0x5c1: {  	v4 =	vor.u32 v4, v5;
	_ =	sdelay $0x3  }
0x5c2: {  	[tilespmem:s7+$0x15F00] =	vst v6  }
0x5c3: {  	s11 =	simm.s32 $0x80;
	v4 =	vld.idx.msk [tilespmem:v4+s20+$0x0], $0xffff  }
0x5c4: {  	s13 =	simm.s32 $0x10;
	s3 =	sand.u32 $0x400, s11  }
0x5c5: {  	s4 =	simm.s32 $0x20;
	s6 =	sand.u32 $0x70, s13;
	s8 =	sadd.s32 s3, s19  }
.LBB2_17:
0x5c6: {  	p1 =	sne.s32 s4, $0xF0  }
0x5c7: {  	s5 =	sadd.s32 s6, s8;
	s15 =	smov.u32 s4;
	s4 =	sadd.s32 $0x10, s4  }
0x5c8: {  	[tilespmem:s7+$0x15F80] =	vst v4  }
0x5c9: {  	v4 =	vld [tilespmem:s5+$0x0];
	_ =	sdelay $0x1  }
0x5ca: {  	v5 =	vmov s13  }
0x5cb: {  	v5 =	vshll.u32 v5, $0x7;
	_ =	sdelay $0x1  }
0x5cc: {  	v6 =	vor.u32 v3, v5;
	v7 =	vand.u32 $0xFFFFFF80, v4;
	v8 =	vand.u32 $0x7F, v4  }
0x5cd: {  	v9 =	vadd.s32 $0x2, v4;
	v5 =	vadd.s32 v6, v7;
	v7 =	vadd.s32 $0x1, v4  }
0x5ce: {  	v10 =	vand.u32 $0xFFFFFF80, v9;
	v5 =	vor.u32 v8, v5;
	v8 =	vand.u32 $0xFFFFFF80, v7  }
0x5cf: {  	v11 =	vadd.s32 $0x3, v4;
	v10 =	vadd.s32 v6, v10;
	v8 =	vadd.s32 v6, v8  }
0x5d0: {  	v13 =	vadd.s32 $0x4, v4;
	v55 =	vadd.s32 $0x5, v4;
	v12 =	vand.u32 $0xFFFFFF80, v11  }
0x5d1: {  	v14 =	vand.u32 $0xFFFFFF80, v13;
	v15 =	vand.u32 $0xFFFFFF80, v55;
	v12 =	vadd.s32 v6, v12  }
0x5d2: {  	v54 =	vadd.s32 $0x6, v4;
	v16 =	vadd.s32 v6, v14;
	v57 =	vadd.s32 v6, v15  }
0x5d3: {  	v51 =	vadd.s32 $0x7, v4;
	v7 =	vand.u32 $0x7F, v7;
	v14 =	vand.u32 $0xFFFFFF80, v54;
	v5 =	vld.idx.msk [tilespmem:v5+s20+$0x0], $0xffff  }
0x5d4: {  	v56 =	vadd.s32 v6, v14;
	v7 =	vor.u32 v7, v8;
	v8 =	vand.u32 $0xFFFFFF80, v51  }
0x5d5: {  	v50 =	vadd.s32 $0x8, v4;
	v48 =	vadd.s32 $0x9, v4;
	v53 =	vadd.s32 v6, v8  }
0x5d6: {  	v45 =	vadd.s32 $0xA, v4;
	v14 =	vand.u32 $0xFFFFFF80, v48;
	v8 =	vand.u32 $0xFFFFFF80, v50  }
0x5d7: {  	s7 =	sor.u32 s6, s3;
	v49 =	vadd.s32 v6, v14;
	v52 =	vadd.s32 v6, v8;
	v8 =	vand.u32 $0xFFFFFF80, v45  }
0x5d8: {  	v44 =	vadd.s32 $0xB, v4;
	v41 =	vadd.s32 $0xC, v4;
	v46 =	vadd.s32 v6, v8  }
0x5d9: {  	v39 =	vadd.s32 $0xD, v4;
	v8 =	vand.u32 $0xFFFFFF80, v41;
	[tilespmem:s7+$0x14400] =	vst v5;
	v5 =	vand.u32 $0xFFFFFF80, v44  }
0x5da: {  	v9 =	vand.u32 $0x7F, v9;
	v43 =	vadd.s32 v6, v8;
	v7 =	vld.idx.msk [tilespmem:v7+s20+$0x0], $0xffff;
	v47 =	vadd.s32 v6, v5  }
0x5db: {  	v38 =	vadd.s32 $0xE, v4;
	v8 =	vand.u32 $0xFFFFFF80, v39;
	v5 =	vor.u32 v9, v10  }
0x5dc: {  	v36 =	vadd.s32 $0xF, v4;
	v42 =	vadd.s32 v6, v8;
	v8 =	vand.u32 $0xFFFFFF80, v38  }
0x5dd: {  	v34 =	vadd.s32 $0x10, v4;
	v40 =	vadd.s32 v6, v8;
	v8 =	vand.u32 $0xFFFFFF80, v36  }
0x5de: {  	s3 =	sadd.s32 $0x14400, s7;
	v31 =	vadd.s32 $0x11, v4;
	v37 =	vadd.s32 v6, v8;
	v8 =	vand.u32 $0xFFFFFF80, v34  }
0x5df: {  	v29 =	vadd.s32 $0x12, v4;
	v35 =	vadd.s32 v6, v8;
	v8 =	vand.u32 $0xFFFFFF80, v31  }
0x5e0: {  	v27 =	vadd.s32 $0x13, v4;
	v33 =	vadd.s32 v6, v8;
	[tilespmem:s3+$0x80] =	vst v7;
	v7 =	vand.u32 $0xFFFFFF80, v29  }
0x5e1: {  	v8 =	vand.u32 $0x7F, v11;
	v5 =	vld.idx.msk [tilespmem:v5+s20+$0x0], $0xffff;
	v32 =	vadd.s32 v6, v7;
	v7 =	vand.u32 $0xFFFFFF80, v27  }
0x5e2: {  	v26 =	vadd.s32 $0x14, v4;
	v8 =	vor.u32 v8, v12;
	v30 =	vadd.s32 v6, v7  }
0x5e3: {  	v24 =	vadd.s32 $0x15, v4;
	v21 =	vadd.s32 $0x16, v4;
	v7 =	vand.u32 $0xFFFFFF80, v26  }
0x5e4: {  	v9 =	vand.u32 $0xFFFFFF80, v21;
	v28 =	vadd.s32 v6, v7;
	v7 =	vand.u32 $0xFFFFFF80, v24  }
0x5e5: {  	v19 =	vadd.s32 $0x17, v4;
	v23 =	vadd.s32 v6, v9;
	v25 =	vadd.s32 v6, v7  }
0x5e6: {  	v18 =	vadd.s32 $0x18, v4;
	v14 =	vadd.s32 $0x19, v4;
	v7 =	vand.u32 $0xFFFFFF80, v19  }
0x5e7: {  	v22 =	vadd.s32 v6, v7;
	v7 =	vand.u32 $0xFFFFFF80, v14;
	[tilespmem:s3+$0x100] =	vst v5;
	v5 =	vand.u32 $0xFFFFFF80, v18  }
0x5e8: {  	v17 =	vadd.s32 v6, v7;
	v10 =	vld.idx.msk [tilespmem:v8+s20+$0x0], $0xffff;
	v8 =	vand.u32 $0x7F, v13;
	v20 =	vadd.s32 v6, v5  }
0x5e9: {  	v15 =	vadd.s32 $0x1A, v4;
	v12 =	vadd.s32 $0x1B, v4;
	v58 =	vor.u32 v8, v16  }
0x5ea: {  	v9 =	vadd.s32 $0x1C, v4;
	v7 =	vand.u32 $0xFFFFFF80, v12;
	v5 =	vand.u32 $0xFFFFFF80, v15  }
0x5eb: {  	v13 =	vadd.s32 v6, v7;
	v16 =	vadd.s32 v6, v5;
	v5 =	vand.u32 $0xFFFFFF80, v9  }
0x5ec: {  	v8 =	vadd.s32 $0x1D, v4;
	v11 =	vadd.s32 v6, v5;
	v5 =	vadd.s32 $0x1E, v4  }
0x5ed: {  	v7 =	vand.u32 $0xFFFFFF80, v8;
	v4 =	vadd.s32 $0x1F, v4;
	v59 =	vand.u32 $0xFFFFFF80, v5  }
0x5ee: {  	[tilespmem:s3+$0x180] =	vst v10;
	v10 =	vadd.s32 v6, v7;
	v7 =	vadd.s32 v6, v59;
	v59 =	vand.u32 $0xFFFFFF80, v4  }
0x5ef: {  	v55 =	vand.u32 $0x7F, v55;
	v58 =	vld.idx.msk [tilespmem:v58+s20+$0x0], $0xffff;
	v6 =	vadd.s32 v6, v59  }
0x5f0: {  	v55 =	vor.u32 v55, v57;
	_ =	sdelay $0x4  }
0x5f1: {  	[tilespmem:s3+$0x200] =	vst v58  }
0x5f2: {  	v54 =	vand.u32 $0x7F, v54;
	v55 =	vld.idx.msk [tilespmem:v55+s20+$0x0], $0xffff  }
0x5f3: {  	v54 =	vor.u32 v54, v56;
	_ =	sdelay $0x4  }
0x5f4: {  	[tilespmem:s3+$0x280] =	vst v55  }
0x5f5: {  	v51 =	vand.u32 $0x7F, v51;
	v54 =	vld.idx.msk [tilespmem:v54+s20+$0x0], $0xffff  }
0x5f6: {  	v51 =	vor.u32 v51, v53;
	_ =	sdelay $0x4  }
0x5f7: {  	[tilespmem:s3+$0x300] =	vst v54  }
0x5f8: {  	v50 =	vand.u32 $0x7F, v50;
	v51 =	vld.idx.msk [tilespmem:v51+s20+$0x0], $0xffff  }
0x5f9: {  	v50 =	vor.u32 v50, v52;
	_ =	sdelay $0x1  }
0x5fa: {  	s3 =	sor.u32 s11, s13;
	s13 =	smov.u32 s15  }
0x5fb: {  	s3 =	sor.u32 $0x380, s3;
	_ =	sdelay $0x1  }
0x5fc: {  	[tilespmem:s3+$0x14400] =	vst v51  }
0x5fd: {  	v48 =	vand.u32 $0x7F, v48;
	v50 =	vld.idx.msk [tilespmem:v50+s20+$0x0], $0xffff  }
0x5fe: {  	v48 =	vor.u32 v48, v49;
	_ =	sdelay $0x4  }
0x5ff: {  	[tilespmem:s7+$0x14C00] =	vst v50  }
0x600: {  	v45 =	vand.u32 $0x7F, v45;
	v48 =	vld.idx.msk [tilespmem:v48+s20+$0x0], $0xffff  }
0x601: {  	v45 =	vor.u32 v45, v46;
	_ =	sdelay $0x4  }
0x602: {  	[tilespmem:s7+$0x14C80] =	vst v48  }
0x603: {  	v44 =	vand.u32 $0x7F, v44;
	v45 =	vld.idx.msk [tilespmem:v45+s20+$0x0], $0xffff  }
0x604: {  	v44 =	vor.u32 v44, v47;
	_ =	sdelay $0x4  }
0x605: {  	[tilespmem:s7+$0x14D00] =	vst v45  }
0x606: {  	v41 =	vand.u32 $0x7F, v41;
	v44 =	vld.idx.msk [tilespmem:v44+s20+$0x0], $0xffff  }
0x607: {  	v41 =	vor.u32 v41, v43;
	_ =	sdelay $0x4  }
0x608: {  	[tilespmem:s7+$0x14D80] =	vst v44  }
0x609: {  	v39 =	vand.u32 $0x7F, v39;
	v41 =	vld.idx.msk [tilespmem:v41+s20+$0x0], $0xffff  }
0x60a: {  	v39 =	vor.u32 v39, v42;
	_ =	sdelay $0x4  }
0x60b: {  	[tilespmem:s7+$0x14E00] =	vst v41  }
0x60c: {  	v38 =	vand.u32 $0x7F, v38;
	v39 =	vld.idx.msk [tilespmem:v39+s20+$0x0], $0xffff  }
0x60d: {  	v38 =	vor.u32 v38, v40;
	_ =	sdelay $0x4  }
0x60e: {  	[tilespmem:s7+$0x14E80] =	vst v39  }
0x60f: {  	v36 =	vand.u32 $0x7F, v36;
	v38 =	vld.idx.msk [tilespmem:v38+s20+$0x0], $0xffff  }
0x610: {  	v36 =	vor.u32 v36, v37;
	_ =	sdelay $0x4  }
0x611: {  	[tilespmem:s7+$0x14F00] =	vst v38  }
0x612: {  	v34 =	vand.u32 $0x7F, v34;
	v36 =	vld.idx.msk [tilespmem:v36+s20+$0x0], $0xffff  }
0x613: {  	v34 =	vor.u32 v34, v35;
	_ =	sdelay $0x4  }
0x614: {  	[tilespmem:s7+$0x14F80] =	vst v36  }
0x615: {  	v31 =	vand.u32 $0x7F, v31;
	v34 =	vld.idx.msk [tilespmem:v34+s20+$0x0], $0xffff  }
0x616: {  	v31 =	vor.u32 v31, v33;
	_ =	sdelay $0x4  }
0x617: {  	[tilespmem:s7+$0x15400] =	vst v34  }
0x618: {  	v29 =	vand.u32 $0x7F, v29;
	v31 =	vld.idx.msk [tilespmem:v31+s20+$0x0], $0xffff  }
0x619: {  	v29 =	vor.u32 v29, v32;
	_ =	sdelay $0x4  }
0x61a: {  	[tilespmem:s7+$0x15480] =	vst v31  }
0x61b: {  	v27 =	vand.u32 $0x7F, v27;
	v29 =	vld.idx.msk [tilespmem:v29+s20+$0x0], $0xffff  }
0x61c: {  	v27 =	vor.u32 v27, v30;
	_ =	sdelay $0x4  }
0x61d: {  	[tilespmem:s7+$0x15500] =	vst v29  }
0x61e: {  	v26 =	vand.u32 $0x7F, v26;
	v27 =	vld.idx.msk [tilespmem:v27+s20+$0x0], $0xffff  }
0x61f: {  	v26 =	vor.u32 v26, v28;
	_ =	sdelay $0x4  }
0x620: {  	[tilespmem:s7+$0x15580] =	vst v27  }
0x621: {  	v24 =	vand.u32 $0x7F, v24;
	v26 =	vld.idx.msk [tilespmem:v26+s20+$0x0], $0xffff  }
0x622: {  	v24 =	vor.u32 v24, v25;
	_ =	sdelay $0x4  }
0x623: {  	[tilespmem:s7+$0x15600] =	vst v26  }
0x624: {  	v21 =	vand.u32 $0x7F, v21;
	v24 =	vld.idx.msk [tilespmem:v24+s20+$0x0], $0xffff  }
0x625: {  	v21 =	vor.u32 v21, v23;
	_ =	sdelay $0x4  }
0x626: {  	[tilespmem:s7+$0x15680] =	vst v24  }
0x627: {  	v19 =	vand.u32 $0x7F, v19;
	v21 =	vld.idx.msk [tilespmem:v21+s20+$0x0], $0xffff  }
0x628: {  	v19 =	vor.u32 v19, v22;
	_ =	sdelay $0x4  }
0x629: {  	[tilespmem:s7+$0x15700] =	vst v21  }
0x62a: {  	v18 =	vand.u32 $0x7F, v18;
	v19 =	vld.idx.msk [tilespmem:v19+s20+$0x0], $0xffff  }
0x62b: {  	v18 =	vor.u32 v18, v20;
	_ =	sdelay $0x4  }
0x62c: {  	[tilespmem:s7+$0x15780] =	vst v19  }
0x62d: {  	v14 =	vand.u32 $0x7F, v14;
	v18 =	vld.idx.msk [tilespmem:v18+s20+$0x0], $0xffff  }
0x62e: {  	v14 =	vor.u32 v14, v17;
	_ =	sdelay $0x4  }
0x62f: {  	[tilespmem:s7+$0x15C00] =	vst v18  }
0x630: {  	v15 =	vand.u32 $0x7F, v15;
	v14 =	vld.idx.msk [tilespmem:v14+s20+$0x0], $0xffff  }
0x631: {  	v15 =	vor.u32 v15, v16;
	_ =	sdelay $0x4  }
0x632: {  	[tilespmem:s7+$0x15C80] =	vst v14  }
0x633: {  	v12 =	vand.u32 $0x7F, v12;
	v14 =	vld.idx.msk [tilespmem:v15+s20+$0x0], $0xffff  }
0x634: {  	v12 =	vor.u32 v12, v13;
	_ =	sdelay $0x4  }
0x635: {  	[tilespmem:s7+$0x15D00] =	vst v14  }
0x636: {  	v9 =	vand.u32 $0x7F, v9;
	v12 =	vld.idx.msk [tilespmem:v12+s20+$0x0], $0xffff  }
0x637: {  	v9 =	vor.u32 v9, v11;
	_ =	sdelay $0x4  }
0x638: {  	[tilespmem:s7+$0x15D80] =	vst v12  }
0x639: {  	v8 =	vand.u32 $0x7F, v8;
	v9 =	vld.idx.msk [tilespmem:v9+s20+$0x0], $0xffff  }
0x63a: {  	v8 =	vor.u32 v8, v10;
	_ =	sdelay $0x4  }
0x63b: {  	[tilespmem:s7+$0x15E00] =	vst v9  }
0x63c: {  	v5 =	vand.u32 $0x7F, v5;
	v8 =	vld.idx.msk [tilespmem:v8+s20+$0x0], $0xffff  }
0x63d: {  	v5 =	vor.u32 v5, v7;
	_ =	sdelay $0x4  }
0x63e: {  	[tilespmem:s7+$0x15E80] =	vst v8  }
0x63f: {  	v4 =	vand.u32 $0x7F, v4;
	v5 =	vld.idx.msk [tilespmem:v5+s20+$0x0], $0xffff  }
0x640: {  	v4 =	vor.u32 v4, v6;
	_ =	sdelay $0x4  }
0x641: {  	[tilespmem:s7+$0x15F00] =	vst v5  }
.Ltmp7:
0x642: {  	v4 =	vld.idx.msk [tilespmem:v4+s20+$0x0], $0xffff;
	(pc) =	sbr.rel @p1 .LBB2_17-.Ltmp7, $4  }
0x643: {  	_ = 	snop  }
0x644: {  	s11 =	sadd.s32 $0x80, s11  }
0x645: {  	s3 =	sand.u32 $0x400, s11  }
0x646: {  	s6 =	sand.u32 $0x70, s13;
	s8 =	sadd.s32 s3, s19  }
0x647: {  	s4 =	sadd.s32 s6, s8;
	[tilespmem:s7+$0x15F80] =	vst v4  }
0x648: {  	v4 =	vld [tilespmem:s4+$0x0];
	_ =	sdelay $0x2  }
0x649: {  	v5 =	vmov s13  }
0x64a: {  	v5 =	vshll.u32 v5, $0x7  }
0x64b: {  	v5 =	vor.u32 v3, v5;
	v6 =	vand.u32 $0xFFFFFF80, v4  }
0x64c: {  	v7 =	vand.u32 $0x7F, v4;
	v6 =	vadd.s32 v5, v6  }
0x64d: {  	v6 =	vor.u32 v7, v6;
	_ =	sdelay $0x2  }
0x64e: {  	v7 =	vadd.s32 $0x1, v4  }
0x64f: {  	v8 =	vand.u32 $0xFFFFFF80, v7  }
0x650: {  	v7 =	vand.u32 $0x7F, v7;
	v8 =	vadd.s32 v5, v8;
	v6 =	vld.idx.msk [tilespmem:v6+s20+$0x0], $0xffff  }
0x651: {  	v7 =	vor.u32 v7, v8;
	_ =	sdelay $0x2  }
0x652: {  	s8 =	sor.u32 s6, s3;
	v50 =	vadd.s32 $0x2, v4  }
0x653: {  	v9 =	vand.u32 $0xFFFFFF80, v50;
	[tilespmem:s8+$0x14400] =	vst v6  }
0x654: {  	v8 =	vand.u32 $0x7F, v50;
	v6 =	vadd.s32 v5, v9;
	v7 =	vld.idx.msk [tilespmem:v7+s20+$0x0], $0xffff  }
0x655: {  	v6 =	vor.u32 v8, v6;
	_ =	sdelay $0x2  }
0x656: {  	s3 =	sadd.s32 $0x14400, s8;
	v51 =	vadd.s32 $0x3, v4  }
0x657: {  	v52 =	vand.u32 $0xFFFFFF80, v51;
	[tilespmem:s3+$0x80] =	vst v7  }
0x658: {  	v8 =	vand.u32 $0x7F, v51;
	v7 =	vadd.s32 v5, v52;
	v6 =	vld.idx.msk [tilespmem:v6+s20+$0x0], $0xffff  }
0x659: {  	v7 =	vor.u32 v8, v7;
	_ =	sdelay $0x2  }
0x65a: {  	v53 =	vadd.s32 $0x4, v4  }
0x65b: {  	v54 =	vand.u32 $0xFFFFFF80, v53;
	[tilespmem:s3+$0x100] =	vst v6  }
0x65c: {  	v8 =	vand.u32 $0x7F, v53;
	v6 =	vadd.s32 v5, v54;
	v7 =	vld.idx.msk [tilespmem:v7+s20+$0x0], $0xffff  }
0x65d: {  	v6 =	vor.u32 v8, v6;
	_ =	sdelay $0x2  }
0x65e: {  	v55 =	vadd.s32 $0x5, v4  }
0x65f: {  	v56 =	vand.u32 $0xFFFFFF80, v55;
	[tilespmem:s3+$0x180] =	vst v7  }
0x660: {  	v8 =	vand.u32 $0x7F, v55;
	v7 =	vadd.s32 v5, v56;
	v6 =	vld.idx.msk [tilespmem:v6+s20+$0x0], $0xffff  }
0x661: {  	v7 =	vor.u32 v8, v7;
	_ =	sdelay $0x2  }
0x662: {  	v57 =	vadd.s32 $0x6, v4  }
0x663: {  	v58 =	vand.u32 $0xFFFFFF80, v57;
	[tilespmem:s3+$0x200] =	vst v6  }
0x664: {  	v8 =	vand.u32 $0x7F, v57;
	v6 =	vadd.s32 v5, v58;
	v7 =	vld.idx.msk [tilespmem:v7+s20+$0x0], $0xffff  }
0x665: {  	v6 =	vor.u32 v8, v6;
	_ =	sdelay $0x2  }
0x666: {  	v59 =	vadd.s32 $0x7, v4  }
0x667: {  	v60 =	vand.u32 $0xFFFFFF80, v59;
	[tilespmem:s3+$0x280] =	vst v7  }
0x668: {  	v8 =	vand.u32 $0x7F, v59;
	v7 =	vadd.s32 v5, v60;
	v6 =	vld.idx.msk [tilespmem:v6+s20+$0x0], $0xffff  }
0x669: {  	v7 =	vor.u32 v8, v7;
	_ =	sdelay $0x2  }
0x66a: {  	v61 =	vadd.s32 $0x8, v4  }
0x66b: {  	v62 =	vand.u32 $0xFFFFFF80, v61;
	[tilespmem:s3+$0x300] =	vst v6  }
0x66c: {  	v8 =	vand.u32 $0x7F, v61;
	v6 =	vadd.s32 v5, v62;
	v7 =	vld.idx.msk [tilespmem:v7+s20+$0x0], $0xffff  }
0x66d: {  	v6 =	vor.u32 v8, v6;
	_ =	sdelay $0x1  }
0x66e: {  	s11 =	sor.u32 s11, s13  }
0x66f: {  	v63 =	vadd.s32 $0x9, v4;
	s3 =	sor.u32 $0x380, s11  }
0x670: {  	v12 =	vand.u32 $0xFFFFFF80, v63;
	[tilespmem:s3+$0x14400] =	vst v7  }
0x671: {  	v8 =	vand.u32 $0x7F, v63;
	v7 =	vadd.s32 v5, v12;
	v6 =	vld.idx.msk [tilespmem:v6+s20+$0x0], $0xffff  }
0x672: {  	v7 =	vor.u32 v8, v7;
	_ =	sdelay $0x2  }
0x673: {  	v13 =	vadd.s32 $0xA, v4  }
0x674: {  	v14 =	vand.u32 $0xFFFFFF80, v13;
	[tilespmem:s8+$0x14C00] =	vst v6  }
0x675: {  	v8 =	vand.u32 $0x7F, v13;
	v6 =	vadd.s32 v5, v14;
	v7 =	vld.idx.msk [tilespmem:v7+s20+$0x0], $0xffff  }
0x676: {  	v6 =	vor.u32 v8, v6;
	_ =	sdelay $0x2  }
0x677: {  	v15 =	vadd.s32 $0xB, v4  }
0x678: {  	v16 =	vand.u32 $0xFFFFFF80, v15;
	[tilespmem:s8+$0x14C80] =	vst v7  }
0x679: {  	v8 =	vand.u32 $0x7F, v15;
	v7 =	vadd.s32 v5, v16;
	v6 =	vld.idx.msk [tilespmem:v6+s20+$0x0], $0xffff  }
0x67a: {  	v7 =	vor.u32 v8, v7;
	_ =	sdelay $0x2  }
0x67b: {  	v17 =	vadd.s32 $0xC, v4  }
0x67c: {  	v18 =	vand.u32 $0xFFFFFF80, v17;
	[tilespmem:s8+$0x14D00] =	vst v6  }
0x67d: {  	v8 =	vand.u32 $0x7F, v17;
	v6 =	vadd.s32 v5, v18;
	v7 =	vld.idx.msk [tilespmem:v7+s20+$0x0], $0xffff  }
0x67e: {  	v6 =	vor.u32 v8, v6;
	_ =	sdelay $0x2  }
0x67f: {  	v19 =	vadd.s32 $0xD, v4  }
0x680: {  	v20 =	vand.u32 $0xFFFFFF80, v19;
	[tilespmem:s8+$0x14D80] =	vst v7  }
0x681: {  	v8 =	vand.u32 $0x7F, v19;
	v7 =	vadd.s32 v5, v20;
	v6 =	vld.idx.msk [tilespmem:v6+s20+$0x0], $0xffff  }
0x682: {  	v7 =	vor.u32 v8, v7;
	_ =	sdelay $0x2  }
0x683: {  	v21 =	vadd.s32 $0xE, v4  }
0x684: {  	v22 =	vand.u32 $0xFFFFFF80, v21;
	[tilespmem:s8+$0x14E00] =	vst v6  }
0x685: {  	v8 =	vand.u32 $0x7F, v21;
	v6 =	vadd.s32 v5, v22;
	v7 =	vld.idx.msk [tilespmem:v7+s20+$0x0], $0xffff  }
0x686: {  	v6 =	vor.u32 v8, v6;
	_ =	sdelay $0x2  }
0x687: {  	v23 =	vadd.s32 $0xF, v4  }
0x688: {  	v24 =	vand.u32 $0xFFFFFF80, v23;
	[tilespmem:s8+$0x14E80] =	vst v7  }
0x689: {  	v8 =	vand.u32 $0x7F, v23;
	v7 =	vadd.s32 v5, v24;
	v6 =	vld.idx.msk [tilespmem:v6+s20+$0x0], $0xffff  }
0x68a: {  	v7 =	vor.u32 v8, v7;
	_ =	sdelay $0x2  }
0x68b: {  	v25 =	vadd.s32 $0x10, v4  }
0x68c: {  	v26 =	vand.u32 $0xFFFFFF80, v25;
	[tilespmem:s8+$0x14F00] =	vst v6  }
0x68d: {  	v8 =	vand.u32 $0x7F, v25;
	v6 =	vadd.s32 v5, v26;
	v7 =	vld.idx.msk [tilespmem:v7+s20+$0x0], $0xffff  }
0x68e: {  	v6 =	vor.u32 v8, v6;
	_ =	sdelay $0x2  }
0x68f: {  	v27 =	vadd.s32 $0x11, v4  }
0x690: {  	v28 =	vand.u32 $0xFFFFFF80, v27;
	[tilespmem:s8+$0x14F80] =	vst v7  }
0x691: {  	v8 =	vand.u32 $0x7F, v27;
	v7 =	vadd.s32 v5, v28;
	v6 =	vld.idx.msk [tilespmem:v6+s20+$0x0], $0xffff  }
0x692: {  	v7 =	vor.u32 v8, v7;
	_ =	sdelay $0x2  }
0x693: {  	v29 =	vadd.s32 $0x12, v4  }
0x694: {  	v30 =	vand.u32 $0xFFFFFF80, v29;
	[tilespmem:s8+$0x15400] =	vst v6  }
0x695: {  	v8 =	vand.u32 $0x7F, v29;
	v6 =	vadd.s32 v5, v30;
	v7 =	vld.idx.msk [tilespmem:v7+s20+$0x0], $0xffff  }
0x696: {  	v6 =	vor.u32 v8, v6;
	_ =	sdelay $0x2  }
0x697: {  	v31 =	vadd.s32 $0x13, v4  }
0x698: {  	v32 =	vand.u32 $0xFFFFFF80, v31;
	[tilespmem:s8+$0x15480] =	vst v7  }
0x699: {  	v8 =	vand.u32 $0x7F, v31;
	v7 =	vadd.s32 v5, v32;
	v6 =	vld.idx.msk [tilespmem:v6+s20+$0x0], $0xffff  }
0x69a: {  	v7 =	vor.u32 v8, v7;
	_ =	sdelay $0x2  }
0x69b: {  	v33 =	vadd.s32 $0x14, v4  }
0x69c: {  	v34 =	vand.u32 $0xFFFFFF80, v33;
	[tilespmem:s8+$0x15500] =	vst v6  }
0x69d: {  	v8 =	vand.u32 $0x7F, v33;
	v6 =	vadd.s32 v5, v34;
	v7 =	vld.idx.msk [tilespmem:v7+s20+$0x0], $0xffff  }
0x69e: {  	v6 =	vor.u32 v8, v6;
	_ =	sdelay $0x2  }
0x69f: {  	v35 =	vadd.s32 $0x15, v4  }
0x6a0: {  	v36 =	vand.u32 $0xFFFFFF80, v35;
	[tilespmem:s8+$0x15580] =	vst v7  }
0x6a1: {  	v8 =	vand.u32 $0x7F, v35;
	v7 =	vadd.s32 v5, v36;
	v6 =	vld.idx.msk [tilespmem:v6+s20+$0x0], $0xffff  }
0x6a2: {  	v7 =	vor.u32 v8, v7;
	_ =	sdelay $0x2  }
0x6a3: {  	v37 =	vadd.s32 $0x16, v4  }
0x6a4: {  	v38 =	vand.u32 $0xFFFFFF80, v37;
	[tilespmem:s8+$0x15600] =	vst v6  }
0x6a5: {  	v8 =	vand.u32 $0x7F, v37;
	v6 =	vadd.s32 v5, v38;
	v7 =	vld.idx.msk [tilespmem:v7+s20+$0x0], $0xffff  }
0x6a6: {  	v6 =	vor.u32 v8, v6;
	_ =	sdelay $0x2  }
0x6a7: {  	v39 =	vadd.s32 $0x17, v4  }
0x6a8: {  	v40 =	vand.u32 $0xFFFFFF80, v39;
	[tilespmem:s8+$0x15680] =	vst v7  }
0x6a9: {  	v8 =	vand.u32 $0x7F, v39;
	v7 =	vadd.s32 v5, v40;
	v6 =	vld.idx.msk [tilespmem:v6+s20+$0x0], $0xffff  }
0x6aa: {  	v7 =	vor.u32 v8, v7;
	_ =	sdelay $0x2  }
0x6ab: {  	v41 =	vadd.s32 $0x18, v4  }
0x6ac: {  	v42 =	vand.u32 $0xFFFFFF80, v41;
	[tilespmem:s8+$0x15700] =	vst v6  }
0x6ad: {  	v8 =	vand.u32 $0x7F, v41;
	v6 =	vadd.s32 v5, v42;
	v7 =	vld.idx.msk [tilespmem:v7+s20+$0x0], $0xffff  }
0x6ae: {  	v6 =	vor.u32 v8, v6;
	_ =	sdelay $0x2  }
0x6af: {  	v43 =	vadd.s32 $0x19, v4  }
0x6b0: {  	v44 =	vand.u32 $0xFFFFFF80, v43;
	[tilespmem:s8+$0x15780] =	vst v7  }
0x6b1: {  	v8 =	vand.u32 $0x7F, v43;
	v7 =	vadd.s32 v5, v44;
	v6 =	vld.idx.msk [tilespmem:v6+s20+$0x0], $0xffff  }
0x6b2: {  	v7 =	vor.u32 v8, v7;
	_ =	sdelay $0x2  }
0x6b3: {  	v45 =	vadd.s32 $0x1A, v4  }
0x6b4: {  	v46 =	vand.u32 $0xFFFFFF80, v45;
	[tilespmem:s8+$0x15C00] =	vst v6  }
0x6b5: {  	v8 =	vand.u32 $0x7F, v45;
	v6 =	vadd.s32 v5, v46;
	v7 =	vld.idx.msk [tilespmem:v7+s20+$0x0], $0xffff  }
0x6b6: {  	v6 =	vor.u32 v8, v6;
	_ =	sdelay $0x2  }
0x6b7: {  	v47 =	vadd.s32 $0x1B, v4  }
0x6b8: {  	v48 =	vand.u32 $0xFFFFFF80, v47;
	[tilespmem:s8+$0x15C80] =	vst v7  }
0x6b9: {  	v8 =	vand.u32 $0x7F, v47;
	v7 =	vadd.s32 v5, v48;
	v6 =	vld.idx.msk [tilespmem:v6+s20+$0x0], $0xffff  }
0x6ba: {  	v7 =	vor.u32 v8, v7;
	_ =	sdelay $0x2  }
0x6bb: {  	v49 =	vadd.s32 $0x1C, v4  }
0x6bc: {  	v50 =	vand.u32 $0xFFFFFF80, v49;
	[tilespmem:s8+$0x15D00] =	vst v6  }
0x6bd: {  	v8 =	vand.u32 $0x7F, v49;
	v6 =	vadd.s32 v5, v50;
	v7 =	vld.idx.msk [tilespmem:v7+s20+$0x0], $0xffff  }
0x6be: {  	v6 =	vor.u32 v8, v6;
	_ =	sdelay $0x2  }
0x6bf: {  	v51 =	vadd.s32 $0x1D, v4  }
0x6c0: {  	v52 =	vand.u32 $0xFFFFFF80, v51;
	[tilespmem:s8+$0x15D80] =	vst v7  }
0x6c1: {  	v8 =	vand.u32 $0x7F, v51;
	v7 =	vadd.s32 v5, v52;
	v6 =	vld.idx.msk [tilespmem:v6+s20+$0x0], $0xffff  }
0x6c2: {  	v7 =	vor.u32 v8, v7;
	_ =	sdelay $0x2  }
0x6c3: {  	v53 =	vadd.s32 $0x1E, v4  }
0x6c4: {  	v54 =	vand.u32 $0xFFFFFF80, v53;
	[tilespmem:s8+$0x15E00] =	vst v6  }
0x6c5: {  	v8 =	vand.u32 $0x7F, v53;
	v6 =	vadd.s32 v5, v54;
	v7 =	vld.idx.msk [tilespmem:v7+s20+$0x0], $0xffff  }
0x6c6: {  	v6 =	vor.u32 v8, v6;
	_ =	sdelay $0x2  }
0x6c7: {  	v4 =	vadd.s32 $0x1F, v4  }
0x6c8: {  	v55 =	vand.u32 $0xFFFFFF80, v4;
	[tilespmem:s8+$0x15E80] =	vst v7  }
0x6c9: {  	v4 =	vand.u32 $0x7F, v4;
	v5 =	vadd.s32 v5, v55;
	v6 =	vld.idx.msk [tilespmem:v6+s20+$0x0], $0xffff  }
0x6ca: {  	v4 =	vor.u32 v4, v5;
	_ =	sdelay $0x3  }
0x6cb: {  	[tilespmem:s8+$0x15F00] =	vst v6  }
0x6cc: {  	s19 =	sshll.u32 s0, $0x14;
	v4 =	vld.idx.msk [tilespmem:v4+s20+$0x0], $0xffff  }
0x6cd: {  	s3 =	sadd.s32 $0x800000, s19  }
0x6ce: {  	s3 =	simm.s32 @p0 $0x0  }
0x6cf: {  	s3 =	sor.u32 s12, s3  }
0x6d0: {  	s3 =	sshrl.u32 s3, $0x3  }
0x6d1: {  	s1 =	sshll.u32 s1, $0x7;
	p0 =	seq.s32 s0, $0x9;
	s3 =	sadd.s32 s9, s3;
	[tilespmem:s8+$0x15F80] =	vst v4  }
0x6d2: {  	[hbm4b:s3+s17] =	stream.strided.scatter [tilespmem:s23], [sflag:$0x3], $0x2000, s18, s17, $0x38;
	[tilespmem:$0x1AC00] =	vst v63  }
0x6d3: {  	p1 =	seq.s32 @!p0 s0, $0x0;
	s3 =	sshll.u32 @!p0 s0, $0x9;
	_ =	swait.ge [sflag:s25], $0x8000  }
0x6d4: {  	s4 =	simm.s32 @!p0 $0x100;
	s3 =	sand.u32 @!p0 $0x3FFFFE00, s3;
	[sflag:s25] =	ssyncset.done $0x0  }
0x6d5: {  	s5 =	simm.s32 @!p0 $0x4400;
	s3 =	sadd.s32 @!p0 $0x1A00, s3;
	[sflag:s25] =	ssyncadd.s32 $0xFFFF8000  }
0x6d6: {  	[tilespmem:s5], [sflag:$0x1] =	stream.indirect.gather @!p0 [hbm4b:s10+s4], $0x80, s3, s4, $0xb8;
	[tilespmem:$0x1AC00] =	vst v63  }
0x6d7: {  	s13 =	simm.s32 $0x0;
	s1 =	sand.u32 $0x380, s1;
	p0 =	por p0, !p1  }
0x6d8: {  	s15 =	sand.u32 $0x400, s13;
	s1 =	sadd.s32 s1, s2;
	_ =	swait.ge @p0 [sflag:s28], $0x2000  }
0x6d9: {  	s29 =	sand.u32 $0x70, s13;
	s30 =	sadd.s32 s15, s1;
	[sflag:s28] =	ssyncset.done @p0 $0x0  }
0x6da: {  	s5 =	sadd.s32 s29, s30;
	[sflag:s28] =	ssyncadd.s32 @p0 $0xFFFFE000  }
0x6db: {  	v4 =	vld [tilespmem:s5+$0x0];
	_ =	sdelay $0x2  }
0x6dc: {  	v5 =	vmov s13  }
0x6dd: {  	v5 =	vshll.u32 v5, $0x7  }
0x6de: {  	v5 =	vor.u32 v3, v5;
	v6 =	vand.u32 $0xFFFFFF80, v4  }
0x6df: {  	v7 =	vand.u32 $0x7F, v4;
	v6 =	vadd.s32 v5, v6  }
0x6e0: {  	v6 =	vor.u32 v7, v6;
	_ =	sdelay $0x2  }
0x6e1: {  	v7 =	vadd.s32 $0x1, v4  }
0x6e2: {  	v56 =	vand.u32 $0xFFFFFF80, v7  }
0x6e3: {  	v7 =	vand.u32 $0x7F, v7;
	v8 =	vadd.s32 v5, v56;
	v6 =	vld.idx.msk [tilespmem:v6+s24+$0x0], $0xffff  }
0x6e4: {  	v7 =	vor.u32 v7, v8;
	_ =	sdelay $0x2  }
0x6e5: {  	s2 =	sor.u32 s29, s15;
	v57 =	vadd.s32 $0x2, v4  }
0x6e6: {  	v58 =	vand.u32 $0xFFFFFF80, v57;
	[tilespmem:s2+$0x16400] =	vst v6  }
0x6e7: {  	v8 =	vand.u32 $0x7F, v57;
	v6 =	vadd.s32 v5, v58;
	v7 =	vld.idx.msk [tilespmem:v7+s24+$0x0], $0xffff  }
0x6e8: {  	v6 =	vor.u32 v8, v6;
	_ =	sdelay $0x2  }
0x6e9: {  	s4 =	sadd.s32 $0x16400, s2;
	v59 =	vadd.s32 $0x3, v4  }
0x6ea: {  	v60 =	vand.u32 $0xFFFFFF80, v59;
	[tilespmem:s4+$0x80] =	vst v7  }
0x6eb: {  	v8 =	vand.u32 $0x7F, v59;
	v7 =	vadd.s32 v5, v60;
	v6 =	vld.idx.msk [tilespmem:v6+s24+$0x0], $0xffff  }
0x6ec: {  	v7 =	vor.u32 v8, v7;
	_ =	sdelay $0x2  }
0x6ed: {  	v61 =	vadd.s32 $0x4, v4  }
0x6ee: {  	v62 =	vand.u32 $0xFFFFFF80, v61;
	[tilespmem:s4+$0x100] =	vst v6  }
0x6ef: {  	v8 =	vand.u32 $0x7F, v61;
	v6 =	vadd.s32 v5, v62;
	v7 =	vld.idx.msk [tilespmem:v7+s24+$0x0], $0xffff  }
0x6f0: {  	v6 =	vor.u32 v8, v6;
	_ =	sdelay $0x2  }
0x6f1: {  	v63 =	vadd.s32 $0x5, v4  }
0x6f2: {  	v12 =	vand.u32 $0xFFFFFF80, v63;
	[tilespmem:s4+$0x180] =	vst v7  }
0x6f3: {  	v8 =	vand.u32 $0x7F, v63;
	v7 =	vadd.s32 v5, v12;
	v6 =	vld.idx.msk [tilespmem:v6+s24+$0x0], $0xffff  }
0x6f4: {  	v7 =	vor.u32 v8, v7;
	_ =	sdelay $0x2  }
0x6f5: {  	v13 =	vadd.s32 $0x6, v4  }
0x6f6: {  	v14 =	vand.u32 $0xFFFFFF80, v13;
	[tilespmem:s4+$0x200] =	vst v6  }
0x6f7: {  	v8 =	vand.u32 $0x7F, v13;
	v6 =	vadd.s32 v5, v14;
	v7 =	vld.idx.msk [tilespmem:v7+s24+$0x0], $0xffff  }
0x6f8: {  	v6 =	vor.u32 v8, v6;
	_ =	sdelay $0x2  }
0x6f9: {  	v15 =	vadd.s32 $0x7, v4  }
0x6fa: {  	v16 =	vand.u32 $0xFFFFFF80, v15;
	[tilespmem:s4+$0x280] =	vst v7  }
0x6fb: {  	v8 =	vand.u32 $0x7F, v15;
	v7 =	vadd.s32 v5, v16;
	v6 =	vld.idx.msk [tilespmem:v6+s24+$0x0], $0xffff  }
0x6fc: {  	v7 =	vor.u32 v8, v7;
	_ =	sdelay $0x2  }
0x6fd: {  	v17 =	vadd.s32 $0x8, v4  }
0x6fe: {  	v18 =	vand.u32 $0xFFFFFF80, v17;
	[tilespmem:s4+$0x300] =	vst v6  }
0x6ff: {  	v8 =	vand.u32 $0x7F, v17;
	v6 =	vadd.s32 v5, v18;
	v7 =	vld.idx.msk [tilespmem:v7+s24+$0x0], $0xffff  }
0x700: {  	v6 =	vor.u32 v8, v6;
	_ =	sdelay $0x1  }
0x701: {  	s3 =	sor.u32 s13, s13  }
0x702: {  	s3 =	sor.u32 $0x380, s3;
	v19 =	vadd.s32 $0x9, v4  }
0x703: {  	v20 =	vand.u32 $0xFFFFFF80, v19;
	[tilespmem:s3+$0x16400] =	vst v7  }
0x704: {  	v8 =	vand.u32 $0x7F, v19;
	v7 =	vadd.s32 v5, v20;
	v6 =	vld.idx.msk [tilespmem:v6+s24+$0x0], $0xffff  }
0x705: {  	v7 =	vor.u32 v8, v7;
	_ =	sdelay $0x2  }
0x706: {  	v21 =	vadd.s32 $0xA, v4  }
0x707: {  	v22 =	vand.u32 $0xFFFFFF80, v21;
	[tilespmem:s2+$0x16C00] =	vst v6  }
0x708: {  	v8 =	vand.u32 $0x7F, v21;
	v6 =	vadd.s32 v5, v22;
	v7 =	vld.idx.msk [tilespmem:v7+s24+$0x0], $0xffff  }
0x709: {  	v6 =	vor.u32 v8, v6;
	_ =	sdelay $0x2  }
0x70a: {  	v23 =	vadd.s32 $0xB, v4  }
0x70b: {  	v24 =	vand.u32 $0xFFFFFF80, v23;
	[tilespmem:s2+$0x16C80] =	vst v7  }
0x70c: {  	v8 =	vand.u32 $0x7F, v23;
	v7 =	vadd.s32 v5, v24;
	v6 =	vld.idx.msk [tilespmem:v6+s24+$0x0], $0xffff  }
0x70d: {  	v7 =	vor.u32 v8, v7;
	_ =	sdelay $0x2  }
0x70e: {  	v25 =	vadd.s32 $0xC, v4  }
0x70f: {  	v26 =	vand.u32 $0xFFFFFF80, v25;
	[tilespmem:s2+$0x16D00] =	vst v6  }
0x710: {  	v8 =	vand.u32 $0x7F, v25;
	v6 =	vadd.s32 v5, v26;
	v7 =	vld.idx.msk [tilespmem:v7+s24+$0x0], $0xffff  }
0x711: {  	v6 =	vor.u32 v8, v6;
	_ =	sdelay $0x2  }
0x712: {  	v27 =	vadd.s32 $0xD, v4  }
0x713: {  	v28 =	vand.u32 $0xFFFFFF80, v27;
	[tilespmem:s2+$0x16D80] =	vst v7  }
0x714: {  	v8 =	vand.u32 $0x7F, v27;
	v7 =	vadd.s32 v5, v28;
	v6 =	vld.idx.msk [tilespmem:v6+s24+$0x0], $0xffff  }
0x715: {  	v7 =	vor.u32 v8, v7;
	_ =	sdelay $0x2  }
0x716: {  	v29 =	vadd.s32 $0xE, v4  }
0x717: {  	v30 =	vand.u32 $0xFFFFFF80, v29;
	[tilespmem:s2+$0x16E00] =	vst v6  }
0x718: {  	v8 =	vand.u32 $0x7F, v29;
	v6 =	vadd.s32 v5, v30;
	v7 =	vld.idx.msk [tilespmem:v7+s24+$0x0], $0xffff  }
0x719: {  	v6 =	vor.u32 v8, v6;
	_ =	sdelay $0x2  }
0x71a: {  	v31 =	vadd.s32 $0xF, v4  }
0x71b: {  	v32 =	vand.u32 $0xFFFFFF80, v31;
	[tilespmem:s2+$0x16E80] =	vst v7  }
0x71c: {  	v8 =	vand.u32 $0x7F, v31;
	v7 =	vadd.s32 v5, v32;
	v6 =	vld.idx.msk [tilespmem:v6+s24+$0x0], $0xffff  }
0x71d: {  	v7 =	vor.u32 v8, v7;
	_ =	sdelay $0x2  }
0x71e: {  	v33 =	vadd.s32 $0x10, v4  }
0x71f: {  	v34 =	vand.u32 $0xFFFFFF80, v33;
	[tilespmem:s2+$0x16F00] =	vst v6  }
0x720: {  	v8 =	vand.u32 $0x7F, v33;
	v6 =	vadd.s32 v5, v34;
	v7 =	vld.idx.msk [tilespmem:v7+s24+$0x0], $0xffff  }
0x721: {  	v6 =	vor.u32 v8, v6;
	_ =	sdelay $0x2  }
0x722: {  	v35 =	vadd.s32 $0x11, v4  }
0x723: {  	v36 =	vand.u32 $0xFFFFFF80, v35;
	[tilespmem:s2+$0x16F80] =	vst v7  }
0x724: {  	v8 =	vand.u32 $0x7F, v35;
	v7 =	vadd.s32 v5, v36;
	v6 =	vld.idx.msk [tilespmem:v6+s24+$0x0], $0xffff  }
0x725: {  	v7 =	vor.u32 v8, v7;
	_ =	sdelay $0x2  }
0x726: {  	v37 =	vadd.s32 $0x12, v4  }
0x727: {  	v38 =	vand.u32 $0xFFFFFF80, v37;
	[tilespmem:s2+$0x17400] =	vst v6  }
0x728: {  	v8 =	vand.u32 $0x7F, v37;
	v6 =	vadd.s32 v5, v38;
	v7 =	vld.idx.msk [tilespmem:v7+s24+$0x0], $0xffff  }
0x729: {  	v6 =	vor.u32 v8, v6;
	_ =	sdelay $0x2  }
0x72a: {  	v39 =	vadd.s32 $0x13, v4  }
0x72b: {  	v40 =	vand.u32 $0xFFFFFF80, v39;
	[tilespmem:s2+$0x17480] =	vst v7  }
0x72c: {  	v8 =	vand.u32 $0x7F, v39;
	v7 =	vadd.s32 v5, v40;
	v6 =	vld.idx.msk [tilespmem:v6+s24+$0x0], $0xffff  }
0x72d: {  	v7 =	vor.u32 v8, v7;
	_ =	sdelay $0x2  }
0x72e: {  	v41 =	vadd.s32 $0x14, v4  }
0x72f: {  	v42 =	vand.u32 $0xFFFFFF80, v41;
	[tilespmem:s2+$0x17500] =	vst v6  }
0x730: {  	v8 =	vand.u32 $0x7F, v41;
	v6 =	vadd.s32 v5, v42;
	v7 =	vld.idx.msk [tilespmem:v7+s24+$0x0], $0xffff  }
0x731: {  	v6 =	vor.u32 v8, v6;
	_ =	sdelay $0x2  }
0x732: {  	v43 =	vadd.s32 $0x15, v4  }
0x733: {  	v44 =	vand.u32 $0xFFFFFF80, v43;
	[tilespmem:s2+$0x17580] =	vst v7  }
0x734: {  	v8 =	vand.u32 $0x7F, v43;
	v7 =	vadd.s32 v5, v44;
	v6 =	vld.idx.msk [tilespmem:v6+s24+$0x0], $0xffff  }
0x735: {  	v7 =	vor.u32 v8, v7;
	_ =	sdelay $0x2  }
0x736: {  	v45 =	vadd.s32 $0x16, v4  }
0x737: {  	v46 =	vand.u32 $0xFFFFFF80, v45;
	[tilespmem:s2+$0x17600] =	vst v6  }
0x738: {  	v8 =	vand.u32 $0x7F, v45;
	v6 =	vadd.s32 v5, v46;
	v7 =	vld.idx.msk [tilespmem:v7+s24+$0x0], $0xffff  }
0x739: {  	v6 =	vor.u32 v8, v6;
	_ =	sdelay $0x2  }
0x73a: {  	v47 =	vadd.s32 $0x17, v4  }
0x73b: {  	v48 =	vand.u32 $0xFFFFFF80, v47;
	[tilespmem:s2+$0x17680] =	vst v7  }
0x73c: {  	v8 =	vand.u32 $0x7F, v47;
	v7 =	vadd.s32 v5, v48;
	v6 =	vld.idx.msk [tilespmem:v6+s24+$0x0], $0xffff  }
0x73d: {  	v7 =	vor.u32 v8, v7;
	_ =	sdelay $0x2  }
0x73e: {  	v49 =	vadd.s32 $0x18, v4  }
0x73f: {  	v50 =	vand.u32 $0xFFFFFF80, v49;
	[tilespmem:s2+$0x17700] =	vst v6  }
0x740: {  	v8 =	vand.u32 $0x7F, v49;
	v6 =	vadd.s32 v5, v50;
	v7 =	vld.idx.msk [tilespmem:v7+s24+$0x0], $0xffff  }
0x741: {  	v6 =	vor.u32 v8, v6;
	_ =	sdelay $0x2  }
0x742: {  	v51 =	vadd.s32 $0x19, v4  }
0x743: {  	v52 =	vand.u32 $0xFFFFFF80, v51;
	[tilespmem:s2+$0x17780] =	vst v7  }
0x744: {  	v8 =	vand.u32 $0x7F, v51;
	v7 =	vadd.s32 v5, v52;
	v6 =	vld.idx.msk [tilespmem:v6+s24+$0x0], $0xffff  }
0x745: {  	v7 =	vor.u32 v8, v7;
	_ =	sdelay $0x2  }
0x746: {  	v53 =	vadd.s32 $0x1A, v4  }
0x747: {  	v54 =	vand.u32 $0xFFFFFF80, v53;
	[tilespmem:s2+$0x17C00] =	vst v6  }
0x748: {  	v8 =	vand.u32 $0x7F, v53;
	v6 =	vadd.s32 v5, v54;
	v7 =	vld.idx.msk [tilespmem:v7+s24+$0x0], $0xffff  }
0x749: {  	v6 =	vor.u32 v8, v6;
	_ =	sdelay $0x2  }
0x74a: {  	v55 =	vadd.s32 $0x1B, v4  }
0x74b: {  	v56 =	vand.u32 $0xFFFFFF80, v55;
	[tilespmem:s2+$0x17C80] =	vst v7  }
0x74c: {  	v8 =	vand.u32 $0x7F, v55;
	v7 =	vadd.s32 v5, v56;
	v6 =	vld.idx.msk [tilespmem:v6+s24+$0x0], $0xffff  }
0x74d: {  	v7 =	vor.u32 v8, v7;
	_ =	sdelay $0x2  }
0x74e: {  	v57 =	vadd.s32 $0x1C, v4  }
0x74f: {  	v58 =	vand.u32 $0xFFFFFF80, v57;
	[tilespmem:s2+$0x17D00] =	vst v6  }
0x750: {  	v8 =	vand.u32 $0x7F, v57;
	v6 =	vadd.s32 v5, v58;
	v7 =	vld.idx.msk [tilespmem:v7+s24+$0x0], $0xffff  }
0x751: {  	v6 =	vor.u32 v8, v6;
	_ =	sdelay $0x2  }
0x752: {  	v59 =	vadd.s32 $0x1D, v4  }
0x753: {  	v60 =	vand.u32 $0xFFFFFF80, v59;
	[tilespmem:s2+$0x17D80] =	vst v7  }
0x754: {  	v8 =	vand.u32 $0x7F, v59;
	v7 =	vadd.s32 v5, v60;
	v6 =	vld.idx.msk [tilespmem:v6+s24+$0x0], $0xffff  }
0x755: {  	v7 =	vor.u32 v8, v7;
	_ =	sdelay $0x2  }
0x756: {  	v61 =	vadd.s32 $0x1E, v4  }
0x757: {  	v62 =	vand.u32 $0xFFFFFF80, v61;
	[tilespmem:s2+$0x17E00] =	vst v6  }
0x758: {  	v8 =	vand.u32 $0x7F, v61;
	v6 =	vadd.s32 v5, v62;
	v7 =	vld.idx.msk [tilespmem:v7+s24+$0x0], $0xffff  }
0x759: {  	v6 =	vor.u32 v8, v6;
	_ =	sdelay $0x2  }
0x75a: {  	v4 =	vadd.s32 $0x1F, v4  }
0x75b: {  	v63 =	vand.u32 $0xFFFFFF80, v4;
	[tilespmem:s2+$0x17E80] =	vst v7  }
0x75c: {  	v4 =	vand.u32 $0x7F, v4;
	v5 =	vadd.s32 v5, v63;
	v6 =	vld.idx.msk [tilespmem:v6+s24+$0x0], $0xffff  }
0x75d: {  	v4 =	vor.u32 v4, v5;
	_ =	sdelay $0x3  }
0x75e: {  	[tilespmem:s2+$0x17F00] =	vst v6  }
0x75f: {  	s7 =	simm.s32 $0x80;
	v4 =	vld.idx.msk [tilespmem:v4+s24+$0x0], $0xffff  }
0x760: {  	s11 =	simm.s32 $0x10;
	s3 =	sand.u32 $0x400, s7  }
0x761: {  	s6 =	sand.u32 $0x70, s11;
	s4 =	simm.s32 $0x20;
	s8 =	sadd.s32 s3, s1  }
.LBB2_19:
0x762: {  	p0 =	sne.s32 s4, $0xF0  }
0x763: {  	s5 =	sadd.s32 s6, s8;
	s13 =	smov.u32 s4;
	s4 =	sadd.s32 $0x10, s4  }
0x764: {  	[tilespmem:s2+$0x17F80] =	vst v4  }
0x765: {  	v4 =	vld [tilespmem:s5+$0x0];
	_ =	sdelay $0x1  }
0x766: {  	v5 =	vmov s11  }
0x767: {  	v5 =	vshll.u32 v5, $0x7;
	_ =	sdelay $0x1  }
0x768: {  	v6 =	vor.u32 v3, v5;
	v7 =	vand.u32 $0xFFFFFF80, v4;
	v8 =	vand.u32 $0x7F, v4  }
0x769: {  	v9 =	vadd.s32 $0x2, v4;
	v5 =	vadd.s32 v6, v7;
	v7 =	vadd.s32 $0x1, v4  }
0x76a: {  	v10 =	vand.u32 $0xFFFFFF80, v9;
	v5 =	vor.u32 v8, v5;
	v8 =	vand.u32 $0xFFFFFF80, v7  }
0x76b: {  	v11 =	vadd.s32 $0x3, v4;
	v10 =	vadd.s32 v6, v10;
	v8 =	vadd.s32 v6, v8  }
0x76c: {  	v13 =	vadd.s32 $0x4, v4;
	v55 =	vadd.s32 $0x5, v4;
	v12 =	vand.u32 $0xFFFFFF80, v11  }
0x76d: {  	v14 =	vand.u32 $0xFFFFFF80, v13;
	v15 =	vand.u32 $0xFFFFFF80, v55;
	v12 =	vadd.s32 v6, v12  }
0x76e: {  	v54 =	vadd.s32 $0x6, v4;
	v16 =	vadd.s32 v6, v14;
	v57 =	vadd.s32 v6, v15  }
0x76f: {  	v51 =	vadd.s32 $0x7, v4;
	v7 =	vand.u32 $0x7F, v7;
	v14 =	vand.u32 $0xFFFFFF80, v54;
	v5 =	vld.idx.msk [tilespmem:v5+s24+$0x0], $0xffff  }
0x770: {  	v56 =	vadd.s32 v6, v14;
	v7 =	vor.u32 v7, v8;
	v8 =	vand.u32 $0xFFFFFF80, v51  }
0x771: {  	v50 =	vadd.s32 $0x8, v4;
	v48 =	vadd.s32 $0x9, v4;
	v53 =	vadd.s32 v6, v8  }
0x772: {  	v45 =	vadd.s32 $0xA, v4;
	v14 =	vand.u32 $0xFFFFFF80, v48;
	v8 =	vand.u32 $0xFFFFFF80, v50  }
0x773: {  	s2 =	sor.u32 s6, s3;
	v49 =	vadd.s32 v6, v14;
	v52 =	vadd.s32 v6, v8;
	v8 =	vand.u32 $0xFFFFFF80, v45  }
0x774: {  	v44 =	vadd.s32 $0xB, v4;
	v41 =	vadd.s32 $0xC, v4;
	v46 =	vadd.s32 v6, v8  }
0x775: {  	v39 =	vadd.s32 $0xD, v4;
	v8 =	vand.u32 $0xFFFFFF80, v41;
	[tilespmem:s2+$0x16400] =	vst v5;
	v5 =	vand.u32 $0xFFFFFF80, v44  }
0x776: {  	v9 =	vand.u32 $0x7F, v9;
	v43 =	vadd.s32 v6, v8;
	v7 =	vld.idx.msk [tilespmem:v7+s24+$0x0], $0xffff;
	v47 =	vadd.s32 v6, v5  }
0x777: {  	v38 =	vadd.s32 $0xE, v4;
	v8 =	vand.u32 $0xFFFFFF80, v39;
	v5 =	vor.u32 v9, v10  }
0x778: {  	v36 =	vadd.s32 $0xF, v4;
	v42 =	vadd.s32 v6, v8;
	v8 =	vand.u32 $0xFFFFFF80, v38  }
0x779: {  	v34 =	vadd.s32 $0x10, v4;
	v40 =	vadd.s32 v6, v8;
	v8 =	vand.u32 $0xFFFFFF80, v36  }
0x77a: {  	s3 =	sadd.s32 $0x16400, s2;
	v31 =	vadd.s32 $0x11, v4;
	v37 =	vadd.s32 v6, v8;
	v8 =	vand.u32 $0xFFFFFF80, v34  }
0x77b: {  	v29 =	vadd.s32 $0x12, v4;
	v35 =	vadd.s32 v6, v8;
	v8 =	vand.u32 $0xFFFFFF80, v31  }
0x77c: {  	v27 =	vadd.s32 $0x13, v4;
	v33 =	vadd.s32 v6, v8;
	[tilespmem:s3+$0x80] =	vst v7;
	v7 =	vand.u32 $0xFFFFFF80, v29  }
0x77d: {  	v8 =	vand.u32 $0x7F, v11;
	v5 =	vld.idx.msk [tilespmem:v5+s24+$0x0], $0xffff;
	v32 =	vadd.s32 v6, v7;
	v7 =	vand.u32 $0xFFFFFF80, v27  }
0x77e: {  	v26 =	vadd.s32 $0x14, v4;
	v8 =	vor.u32 v8, v12;
	v30 =	vadd.s32 v6, v7  }
0x77f: {  	v24 =	vadd.s32 $0x15, v4;
	v21 =	vadd.s32 $0x16, v4;
	v7 =	vand.u32 $0xFFFFFF80, v26  }
0x780: {  	v9 =	vand.u32 $0xFFFFFF80, v21;
	v28 =	vadd.s32 v6, v7;
	v7 =	vand.u32 $0xFFFFFF80, v24  }
0x781: {  	v19 =	vadd.s32 $0x17, v4;
	v23 =	vadd.s32 v6, v9;
	v25 =	vadd.s32 v6, v7  }
0x782: {  	v18 =	vadd.s32 $0x18, v4;
	v14 =	vadd.s32 $0x19, v4;
	v7 =	vand.u32 $0xFFFFFF80, v19  }
0x783: {  	v22 =	vadd.s32 v6, v7;
	v7 =	vand.u32 $0xFFFFFF80, v14;
	[tilespmem:s3+$0x100] =	vst v5;
	v5 =	vand.u32 $0xFFFFFF80, v18  }
0x784: {  	v17 =	vadd.s32 v6, v7;
	v10 =	vld.idx.msk [tilespmem:v8+s24+$0x0], $0xffff;
	v8 =	vand.u32 $0x7F, v13;
	v20 =	vadd.s32 v6, v5  }
0x785: {  	v15 =	vadd.s32 $0x1A, v4;
	v12 =	vadd.s32 $0x1B, v4;
	v58 =	vor.u32 v8, v16  }
0x786: {  	v9 =	vadd.s32 $0x1C, v4;
	v7 =	vand.u32 $0xFFFFFF80, v12;
	v5 =	vand.u32 $0xFFFFFF80, v15  }
0x787: {  	v13 =	vadd.s32 v6, v7;
	v16 =	vadd.s32 v6, v5;
	v5 =	vand.u32 $0xFFFFFF80, v9  }
0x788: {  	v8 =	vadd.s32 $0x1D, v4;
	v11 =	vadd.s32 v6, v5;
	v5 =	vadd.s32 $0x1E, v4  }
0x789: {  	v7 =	vand.u32 $0xFFFFFF80, v8;
	v4 =	vadd.s32 $0x1F, v4;
	v59 =	vand.u32 $0xFFFFFF80, v5  }
0x78a: {  	[tilespmem:s3+$0x180] =	vst v10;
	v10 =	vadd.s32 v6, v7;
	v7 =	vadd.s32 v6, v59;
	v59 =	vand.u32 $0xFFFFFF80, v4  }
0x78b: {  	v55 =	vand.u32 $0x7F, v55;
	v58 =	vld.idx.msk [tilespmem:v58+s24+$0x0], $0xffff;
	v6 =	vadd.s32 v6, v59  }
0x78c: {  	v55 =	vor.u32 v55, v57;
	_ =	sdelay $0x4  }
0x78d: {  	[tilespmem:s3+$0x200] =	vst v58  }
0x78e: {  	v54 =	vand.u32 $0x7F, v54;
	v55 =	vld.idx.msk [tilespmem:v55+s24+$0x0], $0xffff  }
0x78f: {  	v54 =	vor.u32 v54, v56;
	_ =	sdelay $0x4  }
0x790: {  	[tilespmem:s3+$0x280] =	vst v55  }
0x791: {  	v51 =	vand.u32 $0x7F, v51;
	v54 =	vld.idx.msk [tilespmem:v54+s24+$0x0], $0xffff  }
0x792: {  	v51 =	vor.u32 v51, v53;
	_ =	sdelay $0x4  }
0x793: {  	[tilespmem:s3+$0x300] =	vst v54  }
0x794: {  	v50 =	vand.u32 $0x7F, v50;
	v51 =	vld.idx.msk [tilespmem:v51+s24+$0x0], $0xffff  }
0x795: {  	v50 =	vor.u32 v50, v52;
	_ =	sdelay $0x1  }
0x796: {  	s3 =	sor.u32 s7, s11;
	s11 =	smov.u32 s13  }
0x797: {  	s3 =	sor.u32 $0x380, s3;
	_ =	sdelay $0x1  }
0x798: {  	[tilespmem:s3+$0x16400] =	vst v51  }
0x799: {  	v48 =	vand.u32 $0x7F, v48;
	v50 =	vld.idx.msk [tilespmem:v50+s24+$0x0], $0xffff  }
0x79a: {  	v48 =	vor.u32 v48, v49;
	_ =	sdelay $0x4  }
0x79b: {  	[tilespmem:s2+$0x16C00] =	vst v50  }
0x79c: {  	v45 =	vand.u32 $0x7F, v45;
	v48 =	vld.idx.msk [tilespmem:v48+s24+$0x0], $0xffff  }
0x79d: {  	v45 =	vor.u32 v45, v46;
	_ =	sdelay $0x4  }
0x79e: {  	[tilespmem:s2+$0x16C80] =	vst v48  }
0x79f: {  	v44 =	vand.u32 $0x7F, v44;
	v45 =	vld.idx.msk [tilespmem:v45+s24+$0x0], $0xffff  }
0x7a0: {  	v44 =	vor.u32 v44, v47;
	_ =	sdelay $0x4  }
0x7a1: {  	[tilespmem:s2+$0x16D00] =	vst v45  }
0x7a2: {  	v41 =	vand.u32 $0x7F, v41;
	v44 =	vld.idx.msk [tilespmem:v44+s24+$0x0], $0xffff  }
0x7a3: {  	v41 =	vor.u32 v41, v43;
	_ =	sdelay $0x4  }
0x7a4: {  	[tilespmem:s2+$0x16D80] =	vst v44  }
0x7a5: {  	v39 =	vand.u32 $0x7F, v39;
	v41 =	vld.idx.msk [tilespmem:v41+s24+$0x0], $0xffff  }
0x7a6: {  	v39 =	vor.u32 v39, v42;
	_ =	sdelay $0x4  }
0x7a7: {  	[tilespmem:s2+$0x16E00] =	vst v41  }
0x7a8: {  	v38 =	vand.u32 $0x7F, v38;
	v39 =	vld.idx.msk [tilespmem:v39+s24+$0x0], $0xffff  }
0x7a9: {  	v38 =	vor.u32 v38, v40;
	_ =	sdelay $0x4  }
0x7aa: {  	[tilespmem:s2+$0x16E80] =	vst v39  }
0x7ab: {  	v36 =	vand.u32 $0x7F, v36;
	v38 =	vld.idx.msk [tilespmem:v38+s24+$0x0], $0xffff  }
0x7ac: {  	v36 =	vor.u32 v36, v37;
	_ =	sdelay $0x4  }
0x7ad: {  	[tilespmem:s2+$0x16F00] =	vst v38  }
0x7ae: {  	v34 =	vand.u32 $0x7F, v34;
	v36 =	vld.idx.msk [tilespmem:v36+s24+$0x0], $0xffff  }
0x7af: {  	v34 =	vor.u32 v34, v35;
	_ =	sdelay $0x4  }
0x7b0: {  	[tilespmem:s2+$0x16F80] =	vst v36  }
0x7b1: {  	v31 =	vand.u32 $0x7F, v31;
	v34 =	vld.idx.msk [tilespmem:v34+s24+$0x0], $0xffff  }
0x7b2: {  	v31 =	vor.u32 v31, v33;
	_ =	sdelay $0x4  }
0x7b3: {  	[tilespmem:s2+$0x17400] =	vst v34  }
0x7b4: {  	v29 =	vand.u32 $0x7F, v29;
	v31 =	vld.idx.msk [tilespmem:v31+s24+$0x0], $0xffff  }
0x7b5: {  	v29 =	vor.u32 v29, v32;
	_ =	sdelay $0x4  }
0x7b6: {  	[tilespmem:s2+$0x17480] =	vst v31  }
0x7b7: {  	v27 =	vand.u32 $0x7F, v27;
	v29 =	vld.idx.msk [tilespmem:v29+s24+$0x0], $0xffff  }
0x7b8: {  	v27 =	vor.u32 v27, v30;
	_ =	sdelay $0x4  }
0x7b9: {  	[tilespmem:s2+$0x17500] =	vst v29  }
0x7ba: {  	v26 =	vand.u32 $0x7F, v26;
	v27 =	vld.idx.msk [tilespmem:v27+s24+$0x0], $0xffff  }
0x7bb: {  	v26 =	vor.u32 v26, v28;
	_ =	sdelay $0x4  }
0x7bc: {  	[tilespmem:s2+$0x17580] =	vst v27  }
0x7bd: {  	v24 =	vand.u32 $0x7F, v24;
	v26 =	vld.idx.msk [tilespmem:v26+s24+$0x0], $0xffff  }
0x7be: {  	v24 =	vor.u32 v24, v25;
	_ =	sdelay $0x4  }
0x7bf: {  	[tilespmem:s2+$0x17600] =	vst v26  }
0x7c0: {  	v21 =	vand.u32 $0x7F, v21;
	v24 =	vld.idx.msk [tilespmem:v24+s24+$0x0], $0xffff  }
0x7c1: {  	v21 =	vor.u32 v21, v23;
	_ =	sdelay $0x4  }
0x7c2: {  	[tilespmem:s2+$0x17680] =	vst v24  }
0x7c3: {  	v19 =	vand.u32 $0x7F, v19;
	v21 =	vld.idx.msk [tilespmem:v21+s24+$0x0], $0xffff  }
0x7c4: {  	v19 =	vor.u32 v19, v22;
	_ =	sdelay $0x4  }
0x7c5: {  	[tilespmem:s2+$0x17700] =	vst v21  }
0x7c6: {  	v18 =	vand.u32 $0x7F, v18;
	v19 =	vld.idx.msk [tilespmem:v19+s24+$0x0], $0xffff  }
0x7c7: {  	v18 =	vor.u32 v18, v20;
	_ =	sdelay $0x4  }
0x7c8: {  	[tilespmem:s2+$0x17780] =	vst v19  }
0x7c9: {  	v14 =	vand.u32 $0x7F, v14;
	v18 =	vld.idx.msk [tilespmem:v18+s24+$0x0], $0xffff  }
0x7ca: {  	v14 =	vor.u32 v14, v17;
	_ =	sdelay $0x4  }
0x7cb: {  	[tilespmem:s2+$0x17C00] =	vst v18  }
0x7cc: {  	v15 =	vand.u32 $0x7F, v15;
	v14 =	vld.idx.msk [tilespmem:v14+s24+$0x0], $0xffff  }
0x7cd: {  	v15 =	vor.u32 v15, v16;
	_ =	sdelay $0x4  }
0x7ce: {  	[tilespmem:s2+$0x17C80] =	vst v14  }
0x7cf: {  	v12 =	vand.u32 $0x7F, v12;
	v14 =	vld.idx.msk [tilespmem:v15+s24+$0x0], $0xffff  }
0x7d0: {  	v12 =	vor.u32 v12, v13;
	_ =	sdelay $0x4  }
0x7d1: {  	[tilespmem:s2+$0x17D00] =	vst v14  }
0x7d2: {  	v9 =	vand.u32 $0x7F, v9;
	v12 =	vld.idx.msk [tilespmem:v12+s24+$0x0], $0xffff  }
0x7d3: {  	v9 =	vor.u32 v9, v11;
	_ =	sdelay $0x4  }
0x7d4: {  	[tilespmem:s2+$0x17D80] =	vst v12  }
0x7d5: {  	v8 =	vand.u32 $0x7F, v8;
	v9 =	vld.idx.msk [tilespmem:v9+s24+$0x0], $0xffff  }
0x7d6: {  	v8 =	vor.u32 v8, v10;
	_ =	sdelay $0x4  }
0x7d7: {  	[tilespmem:s2+$0x17E00] =	vst v9  }
0x7d8: {  	v5 =	vand.u32 $0x7F, v5;
	v8 =	vld.idx.msk [tilespmem:v8+s24+$0x0], $0xffff  }
0x7d9: {  	v5 =	vor.u32 v5, v7;
	_ =	sdelay $0x4  }
0x7da: {  	[tilespmem:s2+$0x17E80] =	vst v8  }
0x7db: {  	v4 =	vand.u32 $0x7F, v4;
	v5 =	vld.idx.msk [tilespmem:v5+s24+$0x0], $0xffff  }
0x7dc: {  	v4 =	vor.u32 v4, v6;
	_ =	sdelay $0x4  }
0x7dd: {  	[tilespmem:s2+$0x17F00] =	vst v5  }
.Ltmp8:
0x7de: {  	v4 =	vld.idx.msk [tilespmem:v4+s24+$0x0], $0xffff;
	(pc) =	sbr.rel @p0 .LBB2_19-.Ltmp8, $4  }
0x7df: {  	_ = 	snop  }
0x7e0: {  	s7 =	sadd.s32 $0x80, s7  }
0x7e1: {  	s3 =	sand.u32 $0x400, s7  }
0x7e2: {  	s6 =	sand.u32 $0x70, s11;
	s8 =	sadd.s32 s3, s1  }
0x7e3: {  	s1 =	sadd.s32 s6, s8;
	[tilespmem:s2+$0x17F80] =	vst v4  }
0x7e4: {  	v4 =	vld [tilespmem:s1+$0x0];
	_ =	sdelay $0x2  }
0x7e5: {  	v5 =	vmov s11  }
0x7e6: {  	v5 =	vshll.u32 v5, $0x7  }
0x7e7: {  	v5 =	vor.u32 v3, v5;
	v6 =	vand.u32 $0xFFFFFF80, v4  }
0x7e8: {  	v7 =	vand.u32 $0x7F, v4;
	v6 =	vadd.s32 v5, v6  }
0x7e9: {  	v6 =	vor.u32 v7, v6;
	_ =	sdelay $0x2  }
0x7ea: {  	v28 =	vadd.s32 $0x1, v4  }
0x7eb: {  	v8 =	vand.u32 $0xFFFFFF80, v28  }
0x7ec: {  	v8 =	vadd.s32 v5, v8;
	v7 =	vand.u32 $0x7F, v28;
	v6 =	vld.idx.msk [tilespmem:v6+s24+$0x0], $0xffff  }
0x7ed: {  	v7 =	vor.u32 v7, v8;
	_ =	sdelay $0x2  }
0x7ee: {  	s8 =	sor.u32 s6, s3;
	v29 =	vadd.s32 $0x2, v4  }
0x7ef: {  	v9 =	vand.u32 $0xFFFFFF80, v29;
	[tilespmem:s8+$0x16400] =	vst v6  }
0x7f0: {  	v30 =	vadd.s32 v5, v9;
	v8 =	vand.u32 $0x7F, v29;
	v7 =	vld.idx.msk [tilespmem:v7+s24+$0x0], $0xffff  }
0x7f1: {  	v6 =	vor.u32 v8, v30;
	_ =	sdelay $0x2  }
0x7f2: {  	s13 =	sadd.s32 $0x16400, s8;
	v31 =	vadd.s32 $0x3, v4  }
0x7f3: {  	v32 =	vand.u32 $0xFFFFFF80, v31;
	[tilespmem:s13+$0x80] =	vst v7  }
0x7f4: {  	v33 =	vadd.s32 v5, v32;
	v8 =	vand.u32 $0x7F, v31;
	v6 =	vld.idx.msk [tilespmem:v6+s24+$0x0], $0xffff  }
0x7f5: {  	v7 =	vor.u32 v8, v33;
	_ =	sdelay $0x2  }
0x7f6: {  	v34 =	vadd.s32 $0x4, v4  }
0x7f7: {  	v35 =	vand.u32 $0xFFFFFF80, v34;
	[tilespmem:s13+$0x100] =	vst v6  }
0x7f8: {  	v36 =	vadd.s32 v5, v35;
	v8 =	vand.u32 $0x7F, v34;
	v7 =	vld.idx.msk [tilespmem:v7+s24+$0x0], $0xffff  }
0x7f9: {  	v6 =	vor.u32 v8, v36;
	_ =	sdelay $0x2  }
0x7fa: {  	v37 =	vadd.s32 $0x5, v4  }
0x7fb: {  	v38 =	vand.u32 $0xFFFFFF80, v37;
	[tilespmem:s13+$0x180] =	vst v7  }
0x7fc: {  	v39 =	vadd.s32 v5, v38;
	v8 =	vand.u32 $0x7F, v37;
	v6 =	vld.idx.msk [tilespmem:v6+s24+$0x0], $0xffff  }
0x7fd: {  	v7 =	vor.u32 v8, v39;
	_ =	sdelay $0x2  }
0x7fe: {  	v40 =	vadd.s32 $0x6, v4  }
0x7ff: {  	v41 =	vand.u32 $0xFFFFFF80, v40;
	[tilespmem:s13+$0x200] =	vst v6  }
0x800: {  	v42 =	vadd.s32 v5, v41;
	v8 =	vand.u32 $0x7F, v40;
	v7 =	vld.idx.msk [tilespmem:v7+s24+$0x0], $0xffff  }
0x801: {  	v6 =	vor.u32 v8, v42;
	_ =	sdelay $0x2  }
0x802: {  	v43 =	vadd.s32 $0x7, v4  }
0x803: {  	v44 =	vand.u32 $0xFFFFFF80, v43;
	[tilespmem:s13+$0x280] =	vst v7  }
0x804: {  	v45 =	vadd.s32 v5, v44;
	v8 =	vand.u32 $0x7F, v43;
	v6 =	vld.idx.msk [tilespmem:v6+s24+$0x0], $0xffff  }
0x805: {  	v7 =	vor.u32 v8, v45;
	_ =	sdelay $0x2  }
0x806: {  	v46 =	vadd.s32 $0x8, v4  }
0x807: {  	v47 =	vand.u32 $0xFFFFFF80, v46;
	[tilespmem:s13+$0x300] =	vst v6  }
0x808: {  	v48 =	vadd.s32 v5, v47;
	v8 =	vand.u32 $0x7F, v46;
	v7 =	vld.idx.msk [tilespmem:v7+s24+$0x0], $0xffff  }
0x809: {  	v6 =	vor.u32 v8, v48;
	_ =	sdelay $0x1  }
0x80a: {  	s15 =	sor.u32 s7, s11  }
0x80b: {  	s2 =	sor.u32 $0x380, s15;
	v49 =	vadd.s32 $0x9, v4  }
0x80c: {  	v50 =	vand.u32 $0xFFFFFF80, v49;
	[tilespmem:s2+$0x16400] =	vst v7  }
0x80d: {  	v51 =	vadd.s32 v5, v50;
	v8 =	vand.u32 $0x7F, v49;
	v6 =	vld.idx.msk [tilespmem:v6+s24+$0x0], $0xffff  }
0x80e: {  	v7 =	vor.u32 v8, v51;
	_ =	sdelay $0x2  }
0x80f: {  	v52 =	vadd.s32 $0xA, v4  }
0x810: {  	v53 =	vand.u32 $0xFFFFFF80, v52;
	[tilespmem:s8+$0x16C00] =	vst v6  }
0x811: {  	v54 =	vadd.s32 v5, v53;
	v8 =	vand.u32 $0x7F, v52;
	v7 =	vld.idx.msk [tilespmem:v7+s24+$0x0], $0xffff  }
0x812: {  	v6 =	vor.u32 v8, v54;
	_ =	sdelay $0x2  }
0x813: {  	v55 =	vadd.s32 $0xB, v4  }
0x814: {  	v56 =	vand.u32 $0xFFFFFF80, v55;
	[tilespmem:s8+$0x16C80] =	vst v7  }
0x815: {  	v57 =	vadd.s32 v5, v56;
	v8 =	vand.u32 $0x7F, v55;
	v6 =	vld.idx.msk [tilespmem:v6+s24+$0x0], $0xffff  }
0x816: {  	v7 =	vor.u32 v8, v57;
	_ =	sdelay $0x2  }
0x817: {  	v58 =	vadd.s32 $0xC, v4  }
0x818: {  	v59 =	vand.u32 $0xFFFFFF80, v58;
	[tilespmem:s8+$0x16D00] =	vst v6  }
0x819: {  	v60 =	vadd.s32 v5, v59;
	v8 =	vand.u32 $0x7F, v58;
	v7 =	vld.idx.msk [tilespmem:v7+s24+$0x0], $0xffff  }
0x81a: {  	v6 =	vor.u32 v8, v60;
	_ =	sdelay $0x2  }
0x81b: {  	v61 =	vadd.s32 $0xD, v4  }
0x81c: {  	v62 =	vand.u32 $0xFFFFFF80, v61;
	[tilespmem:s8+$0x16D80] =	vst v7  }
0x81d: {  	v63 =	vadd.s32 v5, v62;
	v8 =	vand.u32 $0x7F, v61;
	v6 =	vld.idx.msk [tilespmem:v6+s24+$0x0], $0xffff  }
0x81e: {  	v7 =	vor.u32 v8, v63;
	_ =	sdelay $0x2  }
0x81f: {  	v12 =	vadd.s32 $0xE, v4  }
0x820: {  	v13 =	vand.u32 $0xFFFFFF80, v12;
	[tilespmem:s8+$0x16E00] =	vst v6  }
0x821: {  	v14 =	vadd.s32 v5, v13;
	v8 =	vand.u32 $0x7F, v12;
	v7 =	vld.idx.msk [tilespmem:v7+s24+$0x0], $0xffff  }
0x822: {  	v6 =	vor.u32 v8, v14;
	_ =	sdelay $0x2  }
0x823: {  	v15 =	vadd.s32 $0xF, v4  }
0x824: {  	v16 =	vand.u32 $0xFFFFFF80, v15;
	[tilespmem:s8+$0x16E80] =	vst v7  }
0x825: {  	v17 =	vadd.s32 v5, v16;
	v8 =	vand.u32 $0x7F, v15;
	v6 =	vld.idx.msk [tilespmem:v6+s24+$0x0], $0xffff  }
0x826: {  	v7 =	vor.u32 v8, v17;
	_ =	sdelay $0x2  }
0x827: {  	v18 =	vadd.s32 $0x10, v4  }
0x828: {  	v19 =	vand.u32 $0xFFFFFF80, v18;
	[tilespmem:s8+$0x16F00] =	vst v6  }
0x829: {  	v20 =	vadd.s32 v5, v19;
	v8 =	vand.u32 $0x7F, v18;
	v7 =	vld.idx.msk [tilespmem:v7+s24+$0x0], $0xffff  }
0x82a: {  	v6 =	vor.u32 v8, v20;
	_ =	sdelay $0x2  }
0x82b: {  	v21 =	vadd.s32 $0x11, v4  }
0x82c: {  	v22 =	vand.u32 $0xFFFFFF80, v21;
	[tilespmem:s8+$0x16F80] =	vst v7  }
0x82d: {  	v23 =	vadd.s32 v5, v22;
	v8 =	vand.u32 $0x7F, v21;
	v6 =	vld.idx.msk [tilespmem:v6+s24+$0x0], $0xffff  }
0x82e: {  	v7 =	vor.u32 v8, v23;
	_ =	sdelay $0x2  }
0x82f: {  	v24 =	vadd.s32 $0x12, v4  }
0x830: {  	v25 =	vand.u32 $0xFFFFFF80, v24;
	[tilespmem:s8+$0x17400] =	vst v6  }
0x831: {  	v26 =	vadd.s32 v5, v25;
	v8 =	vand.u32 $0x7F, v24;
	v7 =	vld.idx.msk [tilespmem:v7+s24+$0x0], $0xffff  }
0x832: {  	v6 =	vor.u32 v8, v26;
	_ =	sdelay $0x2  }
0x833: {  	v27 =	vadd.s32 $0x13, v4  }
0x834: {  	v28 =	vand.u32 $0xFFFFFF80, v27;
	[tilespmem:s8+$0x17480] =	vst v7  }
0x835: {  	v29 =	vadd.s32 v5, v28;
	v8 =	vand.u32 $0x7F, v27;
	v6 =	vld.idx.msk [tilespmem:v6+s24+$0x0], $0xffff  }
0x836: {  	v7 =	vor.u32 v8, v29;
	_ =	sdelay $0x2  }
0x837: {  	v30 =	vadd.s32 $0x14, v4  }
0x838: {  	v31 =	vand.u32 $0xFFFFFF80, v30;
	[tilespmem:s8+$0x17500] =	vst v6  }
0x839: {  	v32 =	vadd.s32 v5, v31;
	v8 =	vand.u32 $0x7F, v30;
	v7 =	vld.idx.msk [tilespmem:v7+s24+$0x0], $0xffff  }
0x83a: {  	v6 =	vor.u32 v8, v32;
	_ =	sdelay $0x2  }
0x83b: {  	v33 =	vadd.s32 $0x15, v4  }
0x83c: {  	v34 =	vand.u32 $0xFFFFFF80, v33;
	[tilespmem:s8+$0x17580] =	vst v7  }
0x83d: {  	v35 =	vadd.s32 v5, v34;
	v8 =	vand.u32 $0x7F, v33;
	v6 =	vld.idx.msk [tilespmem:v6+s24+$0x0], $0xffff  }
0x83e: {  	v7 =	vor.u32 v8, v35;
	_ =	sdelay $0x2  }
0x83f: {  	v36 =	vadd.s32 $0x16, v4  }
0x840: {  	v37 =	vand.u32 $0xFFFFFF80, v36;
	[tilespmem:s8+$0x17600] =	vst v6  }
0x841: {  	v38 =	vadd.s32 v5, v37;
	v8 =	vand.u32 $0x7F, v36;
	v7 =	vld.idx.msk [tilespmem:v7+s24+$0x0], $0xffff  }
0x842: {  	v6 =	vor.u32 v8, v38;
	_ =	sdelay $0x2  }
0x843: {  	v39 =	vadd.s32 $0x17, v4  }
0x844: {  	v40 =	vand.u32 $0xFFFFFF80, v39;
	[tilespmem:s8+$0x17680] =	vst v7  }
0x845: {  	v41 =	vadd.s32 v5, v40;
	v8 =	vand.u32 $0x7F, v39;
	v6 =	vld.idx.msk [tilespmem:v6+s24+$0x0], $0xffff  }
0x846: {  	v7 =	vor.u32 v8, v41;
	_ =	sdelay $0x2  }
0x847: {  	v42 =	vadd.s32 $0x18, v4  }
0x848: {  	v43 =	vand.u32 $0xFFFFFF80, v42;
	[tilespmem:s8+$0x17700] =	vst v6  }
0x849: {  	v44 =	vadd.s32 v5, v43;
	v8 =	vand.u32 $0x7F, v42;
	v7 =	vld.idx.msk [tilespmem:v7+s24+$0x0], $0xffff  }
0x84a: {  	v6 =	vor.u32 v8, v44;
	_ =	sdelay $0x2  }
0x84b: {  	v45 =	vadd.s32 $0x19, v4  }
0x84c: {  	v46 =	vand.u32 $0xFFFFFF80, v45;
	[tilespmem:s8+$0x17780] =	vst v7  }
0x84d: {  	v47 =	vadd.s32 v5, v46;
	v8 =	vand.u32 $0x7F, v45;
	v6 =	vld.idx.msk [tilespmem:v6+s24+$0x0], $0xffff  }
0x84e: {  	v7 =	vor.u32 v8, v47;
	_ =	sdelay $0x2  }
0x84f: {  	v48 =	vadd.s32 $0x1A, v4  }
0x850: {  	v49 =	vand.u32 $0xFFFFFF80, v48;
	[tilespmem:s8+$0x17C00] =	vst v6  }
0x851: {  	v50 =	vadd.s32 v5, v49;
	v8 =	vand.u32 $0x7F, v48;
	v7 =	vld.idx.msk [tilespmem:v7+s24+$0x0], $0xffff  }
0x852: {  	v6 =	vor.u32 v8, v50;
	_ =	sdelay $0x2  }
0x853: {  	v51 =	vadd.s32 $0x1B, v4  }
0x854: {  	v52 =	vand.u32 $0xFFFFFF80, v51;
	[tilespmem:s8+$0x17C80] =	vst v7  }
0x855: {  	v53 =	vadd.s32 v5, v52;
	v8 =	vand.u32 $0x7F, v51;
	v6 =	vld.idx.msk [tilespmem:v6+s24+$0x0], $0xffff  }
0x856: {  	v7 =	vor.u32 v8, v53;
	_ =	sdelay $0x2  }
0x857: {  	v54 =	vadd.s32 $0x1C, v4  }
0x858: {  	v55 =	vand.u32 $0xFFFFFF80, v54;
	[tilespmem:s8+$0x17D00] =	vst v6  }
0x859: {  	v56 =	vadd.s32 v5, v55;
	v8 =	vand.u32 $0x7F, v54;
	v7 =	vld.idx.msk [tilespmem:v7+s24+$0x0], $0xffff  }
0x85a: {  	v6 =	vor.u32 v8, v56;
	_ =	sdelay $0x2  }
0x85b: {  	v57 =	vadd.s32 $0x1D, v4  }
0x85c: {  	v58 =	vand.u32 $0xFFFFFF80, v57;
	[tilespmem:s8+$0x17D80] =	vst v7  }
0x85d: {  	v59 =	vadd.s32 v5, v58;
	v8 =	vand.u32 $0x7F, v57;
	v6 =	vld.idx.msk [tilespmem:v6+s24+$0x0], $0xffff  }
0x85e: {  	v7 =	vor.u32 v8, v59;
	_ =	sdelay $0x2  }
0x85f: {  	v60 =	vadd.s32 $0x1E, v4  }
0x860: {  	v61 =	vand.u32 $0xFFFFFF80, v60;
	[tilespmem:s8+$0x17E00] =	vst v6  }
0x861: {  	v62 =	vadd.s32 v5, v61;
	v8 =	vand.u32 $0x7F, v60;
	v7 =	vld.idx.msk [tilespmem:v7+s24+$0x0], $0xffff  }
0x862: {  	v6 =	vor.u32 v8, v62;
	_ =	sdelay $0x2  }
0x863: {  	v4 =	vadd.s32 $0x1F, v4  }
0x864: {  	v63 =	vand.u32 $0xFFFFFF80, v4;
	[tilespmem:s8+$0x17E80] =	vst v7  }
0x865: {  	v4 =	vand.u32 $0x7F, v4;
	v5 =	vadd.s32 v5, v63;
	v6 =	vld.idx.msk [tilespmem:v6+s24+$0x0], $0xffff  }
0x866: {  	v4 =	vor.u32 v4, v5;
	_ =	sdelay $0x3  }
0x867: {  	[tilespmem:s8+$0x17F00] =	vst v6  }
0x868: {  	s0 =	sadd.s32 $0x1, s0;
	v4 =	vld.idx.msk [tilespmem:v4+s24+$0x0], $0xffff  }
0x869: {  	p0 =	sne.s32 s0, $0xA  }
.Ltmp9:
0x86a: {  	_ = 	snop;
	(pc) =	sbr.rel @p0 .LBB2_16-.Ltmp9, $4  }
0x86b: {  	s29 =	sadd.s32 s16, s19  }
0x86c: {  	s2 =	sshrl.u32 s29, $0x3  }
0x86d: {  	s30 =	sadd.s32 s9, s2;
	[tilespmem:s8+$0x17F80] =	vst v4  }
0x86e: {  	[hbm4b:s30+s17] =	stream.strided.scatter [tilespmem:s26], [sflag:$0x4], $0x2000, s18, s17, $0x38;
	[tilespmem:$0x1AC00] =	vst v63  }
0x86f: {  	s0 =	simm.s32 $0x3  }
0x870: {  	_ =	swait.ge [sflag:s0], $0x2000  }
0x871: {  	[sflag:s0] =	ssyncset.done $0x0  }
0x872: {  	[sflag:s0] =	ssyncadd.s32 $0xFFFFE000  }
0x873: {  	_ =	swait.ge [sflag:s28], $0x2000  }
0x874: {  	s1 =	sld [smem:$0x7F3]  }
0x875: {  	s31 =	sld [smem:$0x7FC];
	_ =	sdelay $0x1  }
0x876: {  	s1 =	sadd.s32 $0x1, s1  }
0x877: {  	p0 =	sne.s32 s1, s31  }
.Ltmp10:
0x878: {  	_ = 	snop;
	(pc) =	sbr.rel @p0 .LBB2_1-.Ltmp10, $3  }
0x879: {  	_ =	sdelay $0x1  }
0x87a: {  	[sflag:s28] =	ssyncset.done $0x0  }
0x87b: {  	[sflag:s28] =	ssyncadd.s32 $0xFFFFE000  }
0x87c: {  	_ =	sfence.sel $0x180000  }
0x87d: {  	[bflag:$0x0] =	sbarrier.arrive $0xFFFF  }
0x87e: {  	_ =	strace $0x90000047  }
0x87f: {  	s0 =	stileid.u32;
	[bflag:$0x2] =	sbarrier.arrive $0xFFFF  }
0x880: {  	p0 =	sne.s32 s0, $0x0;
	s0 =	rddreg [dreg:$0x4]  }
0x881: {  	s0 =	sadd.s32 @!p0 $0x100000, s0  }
0x882: {  	[sflag:s0] =	ssyncadd.tile.s32 @!p0 $0x1;
	_ =	shalt  }
.Lfunc_end2:
_tile_overlayer_lowered:
.L_overlay_start_2:
0x883: {  	(tag) =	ssettag $0x2  }
0x884: {  	s0 =	rddreg [dreg:$0x0];
	s2 =	stileid.u32  }
0x885: {  	s1 =	rddreg [dreg:$0x1];
	p0 =	sne.s32 s2, $0x0  }
0x886: {  	s3 =	rddreg [dreg:$0x2];
	[bflag:$0x3] =	sbarrier.arrive $0xFFFF;
	s2 =	simm.s32 @!p0 $0x1C05  }
0x887: {  	[timem:s3], [sflag:s2] =	dma.local @!p0 [hbm:s0], s1  }
0x888: {  	s0 =	simm.s32 @!p0 $0x5  }
0x889: {  	_ =	swait.ge @!p0 [sflag:s0], s1  }
0x88a: {  	s1 =	ssub.s32 @!p0 $0x0, s1;
	[sflag:s0] =	ssyncset.done @!p0 $0x0  }
0x88b: {  	[sflag:s0] =	ssyncadd.s32 @!p0 s1  }
0x88c: {  	[bflag:$0x3] =	sbarrier.arrive $0xFFFF  }
0x88d: {  	_ =	shalt  }

</sc_bundles>
